<compile_context>
chip_gen: v7x
topology: tpu7x:2x2x1
jax: 0.10.2.dev20260603
libtpu: 0.0.44.dev20260713+nightly
codegen_flags: <defaults>
</compile_context>

<pallas_src>
import functools

import jax
import jax.numpy as jnp
from jax import lax
from jax.experimental import pallas as pl
from jax.experimental.pallas import tpu as pltpu
from jax.experimental.pallas import tpu_sc as plsc

_S = 64.0
_M3S = 22.4

_NC = 2
_NS = 16
_LANES = 16


def _sc_margin_scale(logits, labels):
    B, V = logits.shape
    nw = _NC * _NS
    rows_per = B // nw
    CW = 6144
    n_full = V // CW
    rem = V - n_full * CW

    mesh = plsc.VectorSubcoreMesh(
        core_axis_name="c", subcore_axis_name="s",
        num_cores=_NC, num_subcores=_NS,
    )

    @functools.partial(
        pl.kernel,
        out_type=jax.ShapeDtypeStruct((B, V), jnp.float32),
        mesh=mesh,
        compiler_params=pltpu.CompilerParams(needs_layout_passes=False),
        scratch_types=[
            pltpu.VMEM((8, CW), jnp.float32),
            pltpu.VMEM((8, CW), jnp.float32),
            pltpu.VMEM((8, rem), jnp.float32),
            pltpu.VMEM((rows_per,), jnp.int32),
            pltpu.SemaphoreType.DMA,
            pltpu.SemaphoreType.DMA,
            pltpu.SemaphoreType.DMA,
            pltpu.SemaphoreType.DMA,
            pltpu.SemaphoreType.DMA,
            pltpu.SemaphoreType.DMA,
        ],
    )
    def body(x_hbm, labels_hbm, out_hbm, bufa, bufb, bufr, lab_v,
             si0, si1, si2, so0, so1, so2):
        wid = lax.axis_index("s") * _NC + lax.axis_index("c")
        row_base = wid * rows_per
        pltpu.sync_copy(labels_hbm.at[pl.ds(row_base, rows_per)], lab_v)

        bufobj = (bufa, bufb, bufr)
        sin = (si0, si1, si2)
        sout = (so0, so1, so2)
        iota = lax.iota(jnp.int32, _LANES)

        chunks = []
        nfull_seen = 0
        for rg in range(rows_per // 8):
            for ci in range(n_full):
                chunks.append((rg, ci * CW, CW, nfull_seen % 2))
                nfull_seen += 1
            chunks.append((rg, n_full * CW, rem, 2))
        n = len(chunks)

        def src_slice(k):
            rg, c0, w, _ = chunks[k]
            return x_hbm.at[pl.ds(row_base + rg * 8, 8), pl.ds(c0, w)]

        def dst_slice(k):
            rg, c0, w, _ = chunks[k]
            return out_hbm.at[pl.ds(row_base + rg * 8, 8), pl.ds(c0, w)]

        def scale_and_fix(k):
            rg, c0, w, bid = chunks[k]
            b = bufobj[bid]

            def step(i, carry):
                cs = i * _LANES
                for r in range(8):
                    sl = (r, pl.ds(cs, _LANES))
                    b[sl] = b[sl] * _S
                return carry
            lax.fori_loop(0, w // _LANES, step, 0)

            lane = jnp.minimum(iota, 7)
            l16 = plsc.load_gather(lab_v, [lane + rg * 8])
            off = l16 - c0
            inb = (iota < 8) & (off >= 0) & (off < w)
            offc = jnp.clip(off, 0, w - 1)
            g = plsc.load_gather(b, [lane, offc], mask=inb)
            plsc.store_scatter(b, [lane, offc], g - _M3S, mask=inb)

        in_d = [None, None, None]
        last_out = [None, None, None]

        def start_in(k):
            bid = chunks[k][3]
            if last_out[bid] is not None:
                last_out[bid].wait()
                last_out[bid] = None
            in_d[bid] = pltpu.async_copy(src_slice(k), bufobj[bid], sin[bid])

        start_in(0)
        for k in range(n):
            bid = chunks[k][3]
            if k + 1 < n:
                start_in(k + 1)
            in_d[bid].wait()
            if False:
                scale_and_fix(k)
            last_out[bid] = pltpu.async_copy(
                bufobj[bid], dst_slice(k), sout[bid])
        for d in last_out:
            if d is not None:
                d.wait()

    return body(logits, labels)


def kernel(logits, labels):
    labels = labels.astype(jnp.int32)
    return _sc_margin_scale(logits, labels)

# --- scband reference (transcript-rebuilt; emitter-appended) ---
"""Pipeline reference for scband-combined-margin-loss-2430951489682 (READ-ONLY COPY).

The authoritative reference and input builder live on the scoring server;
editing this copy changes nothing except your own understanding.
"""

import jax, jax.numpy as jnp
import numpy as np

S = 64.0
M1 = 1.0
M2 = 0.0
M3 = 0.35


def setup_inputs(seed: int = 0) -> dict:
    key = jax.random.key(seed)
    k1, k2 = jax.random.split(key)
    logits = jax.random.uniform(k1, (1024, 100000), dtype=jnp.float32)  # cosine sims in [0,1)
    labels = jax.random.randint(k2, (1024,), 0, 100000, dtype=jnp.int64)
    return {"logits": logits, "labels": labels}


def reference(logits, labels):
    # index_positive = where(labels != -1); with this data all labels are valid,
    # which matches the common training path (every sample has a class).
    B = logits.shape[0]
    idx = jnp.arange(B)
    # CombinedMarginLoss with m1==1.0, m2==0.0, m3>0 -> CosFace branch:
    # target_logit = logits[i, labels[i]]; final = target_logit - m3; scatter back; scale by s.
    target_logit = logits[idx, labels]
    final_target_logit = target_logit - M3
    logits = logits.at[idx, labels].set(final_target_logit)
    logits = logits * S
    return logits

if __name__ == "__main__":
    import jax
    _d = setup_inputs()
    print(jax.jit(kernel)(*tuple(_d.values())))

</pallas_src>

<mosaic_0001>
#map = affine_map<(d0, d1) -> (0, 0)>
#map1 = affine_map<(d0, d1) -> (0)>
module attributes {stable_mosaic.version = 14 : i64} {
  func.func @body(%arg0: i32, %arg1: i32, %arg2: memref<1024x100000xf32, #tpu.memory_space<hbm>>, %arg3: memref<1024xi32, #tpu.memory_space<hbm>>, %arg4: memref<1024x100000xf32, #tpu.memory_space<hbm>>, %arg5: memref<8x6144xf32, #tpu.memory_space<vmem>>, %arg6: memref<8x6144xf32, #tpu.memory_space<vmem>>, %arg7: memref<8x1696xf32, #tpu.memory_space<vmem>>, %arg8: memref<32xi32, #tpu.memory_space<vmem>>, %arg9: memref<!tpu.dma_semaphore, #tpu.memory_space<semaphore_mem>>, %arg10: memref<!tpu.dma_semaphore, #tpu.memory_space<semaphore_mem>>, %arg11: memref<!tpu.dma_semaphore, #tpu.memory_space<semaphore_mem>>, %arg12: memref<!tpu.dma_semaphore, #tpu.memory_space<semaphore_mem>>, %arg13: memref<!tpu.dma_semaphore, #tpu.memory_space<semaphore_mem>>, %arg14: memref<!tpu.dma_semaphore, #tpu.memory_space<semaphore_mem>>) attributes {dimension_semantics = [#tpu.dimension_semantics<core_parallel>, #tpu.dimension_semantics<subcore_parallel>], iteration_bounds = array<i64: 2, 16>, scalar_prefetch = 0 : i64, scratch_operands = 10 : i64, tpu.core_type = #tpu.core_type<sc_vector_subcore>, window_params = [{transform_indices = #map}, {transform_indices = #map1}, {transform_indices = #map}]} {
    %mul3A = arith.constant 2 : i32
    %mul3A_0 = arith.muli %arg1, %mul3A : i32
    %add3A = arith.addi %mul3A_0, %arg0 : i32
    %mul3A_1 = arith.constant 32 : i32
    %mul3A_2 = arith.muli %add3A, %mul3A_1 : i32
    "tpu.region"() ({
      %run_scoped3A = tpu.sem_alloc : memref<!tpu.dma_semaphore, #tpu.memory_space<semaphore_mem>>
      %dma_start3A_1361 = tpu.memref_slice %arg3[%mul3A_2] : memref<1024xi32, #tpu.memory_space<hbm>> -> memref<32xi32, #tpu.memory_space<hbm>>
      %dma_start3A_1362 = tpu.memref_slice %arg3[%mul3A_2] : memref<1024xi32, #tpu.memory_space<hbm>> -> memref<32xi32, #tpu.memory_space<hbm>>
      tpu.enqueue_dma source(%dma_start3A_1362 : memref<32xi32, #tpu.memory_space<hbm>>) target(%arg8 : memref<32xi32, #tpu.memory_space<vmem>>) target_semaphore(%run_scoped3A : memref<!tpu.dma_semaphore, #tpu.memory_space<semaphore_mem>>)
      %dma_wait3A_1363 = tpu.memref_slice %arg3[%mul3A_2] : memref<1024xi32, #tpu.memory_space<hbm>> -> memref<32xi32, #tpu.memory_space<hbm>>
      %dma_wait3A_1364 = tpu.memref_slice %arg3[%mul3A_2] : memref<1024xi32, #tpu.memory_space<hbm>> -> memref<32xi32, #tpu.memory_space<hbm>>
      tpu.wait_dma2 semaphore(%run_scoped3A : memref<!tpu.dma_semaphore, #tpu.memory_space<semaphore_mem>>) src(%dma_wait3A_1364 : memref<32xi32, #tpu.memory_space<hbm>>) dst(%arg8 : memref<32xi32, #tpu.memory_space<vmem>>)
      tpu.yield
    }) : () -> ()
    %iota3A = tpu.iota {dimensions = array<i32: 0>} : vector<16xi32>
    %add3A_3 = arith.constant 0 : i32
    %add3A_4 = arith.addi %mul3A_2, %add3A_3 : i32
    %dma_start3A = arith.constant 0 : i32
    %dma_start3A_5 = tpu.memref_slice %arg2[%add3A_4, %dma_start3A] : memref<1024x100000xf32, #tpu.memory_space<hbm>> -> memref<8x6144xf32, #tpu.memory_space<hbm>>
    %dma_start3A_6 = arith.constant 0 : i32
    %dma_start3A_7 = tpu.memref_slice %arg2[%add3A_4, %dma_start3A_6] : memref<1024x100000xf32, #tpu.memory_space<hbm>> -> memref<8x6144xf32, #tpu.memory_space<hbm>>
    tpu.enqueue_dma source(%dma_start3A_7 : memref<8x6144xf32, #tpu.memory_space<hbm>>) target(%arg5 : memref<8x6144xf32, #tpu.memory_space<vmem>>) target_semaphore(%arg9 : memref<!tpu.dma_semaphore, #tpu.memory_space<semaphore_mem>>)
    %add3A_8 = arith.constant 0 : i32
    %add3A_9 = arith.addi %mul3A_2, %add3A_8 : i32
    %dma_start3A_10 = arith.constant 6144 : i32
    %dma_start3A_11 = tpu.memref_slice %arg2[%add3A_9, %dma_start3A_10] : memref<1024x100000xf32, #tpu.memory_space<hbm>> -> memref<8x6144xf32, #tpu.memory_space<hbm>>
    %dma_start3A_12 = arith.constant 6144 : i32
    %dma_start3A_13 = tpu.memref_slice %arg2[%add3A_9, %dma_start3A_12] : memref<1024x100000xf32, #tpu.memory_space<hbm>> -> memref<8x6144xf32, #tpu.memory_space<hbm>>
    tpu.enqueue_dma source(%dma_start3A_13 : memref<8x6144xf32, #tpu.memory_space<hbm>>) target(%arg6 : memref<8x6144xf32, #tpu.memory_space<vmem>>) target_semaphore(%arg10 : memref<!tpu.dma_semaphore, #tpu.memory_space<semaphore_mem>>)
    %dma_wait3A = arith.constant 0 : i32
    %dma_wait3A_14 = tpu.memref_slice %arg2[%add3A_4, %dma_wait3A] : memref<1024x100000xf32, #tpu.memory_space<hbm>> -> memref<8x6144xf32, #tpu.memory_space<hbm>>
    %dma_wait3A_15 = arith.constant 0 : i32
    %dma_wait3A_16 = tpu.memref_slice %arg2[%add3A_4, %dma_wait3A_15] : memref<1024x100000xf32, #tpu.memory_space<hbm>> -> memref<8x6144xf32, #tpu.memory_space<hbm>>
    tpu.wait_dma2 semaphore(%arg9 : memref<!tpu.dma_semaphore, #tpu.memory_space<semaphore_mem>>) src(%dma_wait3A_16 : memref<8x6144xf32, #tpu.memory_space<hbm>>) dst(%arg5 : memref<8x6144xf32, #tpu.memory_space<vmem>>)
    %add3A_17 = arith.constant 0 : i32
    %add3A_18 = arith.addi %mul3A_2, %add3A_17 : i32
    %dma_start3A_19 = arith.constant 0 : i32
    %dma_start3A_20 = tpu.memref_slice %arg4[%add3A_18, %dma_start3A_19] : memref<1024x100000xf32, #tpu.memory_space<hbm>> -> memref<8x6144xf32, #tpu.memory_space<hbm>>
    %dma_start3A_21 = arith.constant 0 : i32
    %dma_start3A_22 = tpu.memref_slice %arg4[%add3A_18, %dma_start3A_21] : memref<1024x100000xf32, #tpu.memory_space<hbm>> -> memref<8x6144xf32, #tpu.memory_space<hbm>>
    tpu.enqueue_dma source(%arg5 : memref<8x6144xf32, #tpu.memory_space<vmem>>) target(%dma_start3A_22 : memref<8x6144xf32, #tpu.memory_space<hbm>>) target_semaphore(%arg12 : memref<!tpu.dma_semaphore, #tpu.memory_space<semaphore_mem>>)
    %dma_wait3A_23 = arith.constant 0 : i32
    %dma_wait3A_24 = tpu.memref_slice %arg4[%add3A_18, %dma_wait3A_23] : memref<1024x100000xf32, #tpu.memory_space<hbm>> -> memref<8x6144xf32, #tpu.memory_space<hbm>>
    %dma_wait3A_25 = arith.constant 0 : i32
    %dma_wait3A_26 = tpu.memref_slice %arg4[%add3A_18, %dma_wait3A_25] : memref<1024x100000xf32, #tpu.memory_space<hbm>> -> memref<8x6144xf32, #tpu.memory_space<hbm>>
    tpu.wait_dma2 semaphore(%arg12 : memref<!tpu.dma_semaphore, #tpu.memory_space<semaphore_mem>>) src(%arg5 : memref<8x6144xf32, #tpu.memory_space<vmem>>) dst(%dma_wait3A_26 : memref<8x6144xf32, #tpu.memory_space<hbm>>)
    %add3A_27 = arith.constant 0 : i32
    %add3A_28 = arith.addi %mul3A_2, %add3A_27 : i32
    %dma_start3A_29 = arith.constant 12288 : i32
    %dma_start3A_30 = tpu.memref_slice %arg2[%add3A_28, %dma_start3A_29] : memref<1024x100000xf32, #tpu.memory_space<hbm>> -> memref<8x6144xf32, #tpu.memory_space<hbm>>
    %dma_start3A_31 = arith.constant 12288 : i32
    %dma_start3A_32 = tpu.memref_slice %arg2[%add3A_28, %dma_start3A_31] : memref<1024x100000xf32, #tpu.memory_space<hbm>> -> memref<8x6144xf32, #tpu.memory_space<hbm>>
    tpu.enqueue_dma source(%dma_start3A_32 : memref<8x6144xf32, #tpu.memory_space<hbm>>) target(%arg5 : memref<8x6144xf32, #tpu.memory_space<vmem>>) target_semaphore(%arg9 : memref<!tpu.dma_semaphore, #tpu.memory_space<semaphore_mem>>)
    %dma_wait3A_33 = arith.constant 6144 : i32
    %dma_wait3A_34 = tpu.memref_slice %arg2[%add3A_9, %dma_wait3A_33] : memref<1024x100000xf32, #tpu.memory_space<hbm>> -> memref<8x6144xf32, #tpu.memory_space<hbm>>
    %dma_wait3A_35 = arith.constant 6144 : i32
    %dma_wait3A_36 = tpu.memref_slice %arg2[%add3A_9, %dma_wait3A_35] : memref<1024x100000xf32, #tpu.memory_space<hbm>> -> memref<8x6144xf32, #tpu.memory_space<hbm>>
    tpu.wait_dma2 semaphore(%arg10 : memref<!tpu.dma_semaphore, #tpu.memory_space<semaphore_mem>>) src(%dma_wait3A_36 : memref<8x6144xf32, #tpu.memory_space<hbm>>) dst(%arg6 : memref<8x6144xf32, #tpu.memory_space<vmem>>)
    %add3A_37 = arith.constant 0 : i32
    %add3A_38 = arith.addi %mul3A_2, %add3A_37 : i32
    %dma_start3A_39 = arith.constant 6144 : i32
    %dma_start3A_40 = tpu.memref_slice %arg4[%add3A_38, %dma_start3A_39] : memref<1024x100000xf32, #tpu.memory_space<hbm>> -> memref<8x6144xf32, #tpu.memory_space<hbm>>
    %dma_start3A_41 = arith.constant 6144 : i32
    %dma_start3A_42 = tpu.memref_slice %arg4[%add3A_38, %dma_start3A_41] : memref<1024x100000xf32, #tpu.memory_space<hbm>> -> memref<8x6144xf32, #tpu.memory_space<hbm>>
    tpu.enqueue_dma source(%arg6 : memref<8x6144xf32, #tpu.memory_space<vmem>>) target(%dma_start3A_42 : memref<8x6144xf32, #tpu.memory_space<hbm>>) target_semaphore(%arg13 : memref<!tpu.dma_semaphore, #tpu.memory_space<semaphore_mem>>)
    %dma_wait3A_43 = arith.constant 6144 : i32
    %dma_wait3A_44 = tpu.memref_slice %arg4[%add3A_38, %dma_wait3A_43] : memref<1024x100000xf32, #tpu.memory_space<hbm>> -> memref<8x6144xf32, #tpu.memory_space<hbm>>
    %dma_wait3A_45 = arith.constant 6144 : i32
    %dma_wait3A_46 = tpu.memref_slice %arg4[%add3A_38, %dma_wait3A_45] : memref<1024x100000xf32, #tpu.memory_space<hbm>> -> memref<8x6144xf32, #tpu.memory_space<hbm>>
    tpu.wait_dma2 semaphore(%arg13 : memref<!tpu.dma_semaphore, #tpu.memory_space<semaphore_mem>>) src(%arg6 : memref<8x6144xf32, #tpu.memory_space<vmem>>) dst(%dma_wait3A_46 : memref<8x6144xf32, #tpu.memory_space<hbm>>)
    %add3A_47 = arith.constant 0 : i32
    %add3A_48 = arith.addi %mul3A_2, %add3A_47 : i32
    %dma_start3A_49 = arith.constant 18432 : i32
    %dma_start3A_50 = tpu.memref_slice %arg2[%add3A_48, %dma_start3A_49] : memref<1024x100000xf32, #tpu.memory_space<hbm>> -> memref<8x6144xf32, #tpu.memory_space<hbm>>
    %dma_start3A_51 = arith.constant 18432 : i32
    %dma_start3A_52 = tpu.memref_slice %arg2[%add3A_48, %dma_start3A_51] : memref<1024x100000xf32, #tpu.memory_space<hbm>> -> memref<8x6144xf32, #tpu.memory_space<hbm>>
    tpu.enqueue_dma source(%dma_start3A_52 : memref<8x6144xf32, #tpu.memory_space<hbm>>) target(%arg6 : memref<8x6144xf32, #tpu.memory_space<vmem>>) target_semaphore(%arg10 : memref<!tpu.dma_semaphore, #tpu.memory_space<semaphore_mem>>)
    %dma_wait3A_53 = arith.constant 12288 : i32
    %dma_wait3A_54 = tpu.memref_slice %arg2[%add3A_28, %dma_wait3A_53] : memref<1024x100000xf32, #tpu.memory_space<hbm>> -> memref<8x6144xf32, #tpu.memory_space<hbm>>
    %dma_wait3A_55 = arith.constant 12288 : i32
    %dma_wait3A_56 = tpu.memref_slice %arg2[%add3A_28, %dma_wait3A_55] : memref<1024x100000xf32, #tpu.memory_space<hbm>> -> memref<8x6144xf32, #tpu.memory_space<hbm>>
    tpu.wait_dma2 semaphore(%arg9 : memref<!tpu.dma_semaphore, #tpu.memory_space<semaphore_mem>>) src(%dma_wait3A_56 : memref<8x6144xf32, #tpu.memory_space<hbm>>) dst(%arg5 : memref<8x6144xf32, #tpu.memory_space<vmem>>)
    %add3A_57 = arith.constant 0 : i32
    %add3A_58 = arith.addi %mul3A_2, %add3A_57 : i32
    %dma_start3A_59 = arith.constant 12288 : i32
    %dma_start3A_60 = tpu.memref_slice %arg4[%add3A_58, %dma_start3A_59] : memref<1024x100000xf32, #tpu.memory_space<hbm>> -> memref<8x6144xf32, #tpu.memory_space<hbm>>
    %dma_start3A_61 = arith.constant 12288 : i32
    %dma_start3A_62 = tpu.memref_slice %arg4[%add3A_58, %dma_start3A_61] : memref<1024x100000xf32, #tpu.memory_space<hbm>> -> memref<8x6144xf32, #tpu.memory_space<hbm>>
    tpu.enqueue_dma source(%arg5 : memref<8x6144xf32, #tpu.memory_space<vmem>>) target(%dma_start3A_62 : memref<8x6144xf32, #tpu.memory_space<hbm>>) target_semaphore(%arg12 : memref<!tpu.dma_semaphore, #tpu.memory_space<semaphore_mem>>)
    %dma_wait3A_63 = arith.constant 12288 : i32
    %dma_wait3A_64 = tpu.memref_slice %arg4[%add3A_58, %dma_wait3A_63] : memref<1024x100000xf32, #tpu.memory_space<hbm>> -> memref<8x6144xf32, #tpu.memory_space<hbm>>
    %dma_wait3A_65 = arith.constant 12288 : i32
    %dma_wait3A_66 = tpu.memref_slice %arg4[%add3A_58, %dma_wait3A_65] : memref<1024x100000xf32, #tpu.memory_space<hbm>> -> memref<8x6144xf32, #tpu.memory_space<hbm>>
    tpu.wait_dma2 semaphore(%arg12 : memref<!tpu.dma_semaphore, #tpu.memory_space<semaphore_mem>>) src(%arg5 : memref<8x6144xf32, #tpu.memory_space<vmem>>) dst(%dma_wait3A_66 : memref<8x6144xf32, #tpu.memory_space<hbm>>)
    %add3A_67 = arith.constant 0 : i32
    %add3A_68 = arith.addi %mul3A_2, %add3A_67 : i32
    %dma_start3A_69 = arith.constant 24576 : i32
    %dma_start3A_70 = tpu.memref_slice %arg2[%add3A_68, %dma_start3A_69] : memref<1024x100000xf32, #tpu.memory_space<hbm>> -> memref<8x6144xf32, #tpu.memory_space<hbm>>
    %dma_start3A_71 = arith.constant 24576 : i32
    %dma_start3A_72 = tpu.memref_slice %arg2[%add3A_68, %dma_start3A_71] : memref<1024x100000xf32, #tpu.memory_space<hbm>> -> memref<8x6144xf32, #tpu.memory_space<hbm>>
    tpu.enqueue_dma source(%dma_start3A_72 : memref<8x6144xf32, #tpu.memory_space<hbm>>) target(%arg5 : memref<8x6144xf32, #tpu.memory_space<vmem>>) target_semaphore(%arg9 : memref<!tpu.dma_semaphore, #tpu.memory_space<semaphore_mem>>)
    %dma_wait3A_73 = arith.constant 18432 : i32
    %dma_wait3A_74 = tpu.memref_slice %arg2[%add3A_48, %dma_wait3A_73] : memref<1024x100000xf32, #tpu.memory_space<hbm>> -> memref<8x6144xf32, #tpu.memory_space<hbm>>
    %dma_wait3A_75 = arith.constant 18432 : i32
    %dma_wait3A_76 = tpu.memref_slice %arg2[%add3A_48, %dma_wait3A_75] : memref<1024x100000xf32, #tpu.memory_space<hbm>> -> memref<8x6144xf32, #tpu.memory_space<hbm>>
    tpu.wait_dma2 semaphore(%arg10 : memref<!tpu.dma_semaphore, #tpu.memory_space<semaphore_mem>>) src(%dma_wait3A_76 : memref<8x6144xf32, #tpu.memory_space<hbm>>) dst(%arg6 : memref<8x6144xf32, #tpu.memory_space<vmem>>)
    %add3A_77 = arith.constant 0 : i32
    %add3A_78 = arith.addi %mul3A_2, %add3A_77 : i32
    %dma_start3A_79 = arith.constant 18432 : i32
    %dma_start3A_80 = tpu.memref_slice %arg4[%add3A_78, %dma_start3A_79] : memref<1024x100000xf32, #tpu.memory_space<hbm>> -> memref<8x6144xf32, #tpu.memory_space<hbm>>
    %dma_start3A_81 = arith.constant 18432 : i32
    %dma_start3A_82 = tpu.memref_slice %arg4[%add3A_78, %dma_start3A_81] : memref<1024x100000xf32, #tpu.memory_space<hbm>> -> memref<8x6144xf32, #tpu.memory_space<hbm>>
    tpu.enqueue_dma source(%arg6 : memref<8x6144xf32, #tpu.memory_space<vmem>>) target(%dma_start3A_82 : memref<8x6144xf32, #tpu.memory_space<hbm>>) target_semaphore(%arg13 : memref<!tpu.dma_semaphore, #tpu.memory_space<semaphore_mem>>)
    %dma_wait3A_83 = arith.constant 18432 : i32
    %dma_wait3A_84 = tpu.memref_slice %arg4[%add3A_78, %dma_wait3A_83] : memref<1024x100000xf32, #tpu.memory_space<hbm>> -> memref<8x6144xf32, #tpu.memory_space<hbm>>
    %dma_wait3A_85 = arith.constant 18432 : i32
    %dma_wait3A_86 = tpu.memref_slice %arg4[%add3A_78, %dma_wait3A_85] : memref<1024x100000xf32, #tpu.memory_space<hbm>> -> memref<8x6144xf32, #tpu.memory_space<hbm>>
    tpu.wait_dma2 semaphore(%arg13 : memref<!tpu.dma_semaphore, #tpu.memory_space<semaphore_mem>>) src(%arg6 : memref<8x6144xf32, #tpu.memory_space<vmem>>) dst(%dma_wait3A_86 : memref<8x6144xf32, #tpu.memory_space<hbm>>)
    %add3A_87 = arith.constant 0 : i32
    %add3A_88 = arith.addi %mul3A_2, %add3A_87 : i32
    %dma_start3A_89 = arith.constant 30720 : i32
    %dma_start3A_90 = tpu.memref_slice %arg2[%add3A_88, %dma_start3A_89] : memref<1024x100000xf32, #tpu.memory_space<hbm>> -> memref<8x6144xf32, #tpu.memory_space<hbm>>
    %dma_start3A_91 = arith.constant 30720 : i32
    %dma_start3A_92 = tpu.memref_slice %arg2[%add3A_88, %dma_start3A_91] : memref<1024x100000xf32, #tpu.memory_space<hbm>> -> memref<8x6144xf32, #tpu.memory_space<hbm>>
    tpu.enqueue_dma source(%dma_start3A_92 : memref<8x6144xf32, #tpu.memory_space<hbm>>) target(%arg6 : memref<8x6144xf32, #tpu.memory_space<vmem>>) target_semaphore(%arg10 : memref<!tpu.dma_semaphore, #tpu.memory_space<semaphore_mem>>)
    %dma_wait3A_93 = arith.constant 24576 : i32
    %dma_wait3A_94 = tpu.memref_slice %arg2[%add3A_68, %dma_wait3A_93] : memref<1024x100000xf32, #tpu.memory_space<hbm>> -> memref<8x6144xf32, #tpu.memory_space<hbm>>
    %dma_wait3A_95 = arith.constant 24576 : i32
    %dma_wait3A_96 = tpu.memref_slice %arg2[%add3A_68, %dma_wait3A_95] : memref<1024x100000xf32, #tpu.memory_space<hbm>> -> memref<8x6144xf32, #tpu.memory_space<hbm>>
    tpu.wait_dma2 semaphore(%arg9 : memref<!tpu.dma_semaphore, #tpu.memory_space<semaphore_mem>>) src(%dma_wait3A_96 : memref<8x6144xf32, #tpu.memory_space<hbm>>) dst(%arg5 : memref<8x6144xf32, #tpu.memory_space<vmem>>)
    %add3A_97 = arith.constant 0 : i32
    %add3A_98 = arith.addi %mul3A_2, %add3A_97 : i32
    %dma_start3A_99 = arith.constant 24576 : i32
    %dma_start3A_100 = tpu.memref_slice %arg4[%add3A_98, %dma_start3A_99] : memref<1024x100000xf32, #tpu.memory_space<hbm>> -> memref<8x6144xf32, #tpu.memory_space<hbm>>
    %dma_start3A_101 = arith.constant 24576 : i32
    %dma_start3A_102 = tpu.memref_slice %arg4[%add3A_98, %dma_start3A_101] : memref<1024x100000xf32, #tpu.memory_space<hbm>> -> memref<8x6144xf32, #tpu.memory_space<hbm>>
    tpu.enqueue_dma source(%arg5 : memref<8x6144xf32, #tpu.memory_space<vmem>>) target(%dma_start3A_102 : memref<8x6144xf32, #tpu.memory_space<hbm>>) target_semaphore(%arg12 : memref<!tpu.dma_semaphore, #tpu.memory_space<semaphore_mem>>)
    %dma_wait3A_103 = arith.constant 24576 : i32
    %dma_wait3A_104 = tpu.memref_slice %arg4[%add3A_98, %dma_wait3A_103] : memref<1024x100000xf32, #tpu.memory_space<hbm>> -> memref<8x6144xf32, #tpu.memory_space<hbm>>
    %dma_wait3A_105 = arith.constant 24576 : i32
    %dma_wait3A_106 = tpu.memref_slice %arg4[%add3A_98, %dma_wait3A_105] : memref<1024x100000xf32, #tpu.memory_space<hbm>> -> memref<8x6144xf32, #tpu.memory_space<hbm>>
    tpu.wait_dma2 semaphore(%arg12 : memref<!tpu.dma_semaphore, #tpu.memory_space<semaphore_mem>>) src(%arg5 : memref<8x6144xf32, #tpu.memory_space<vmem>>) dst(%dma_wait3A_106 : memref<8x6144xf32, #tpu.memory_space<hbm>>)
    %add3A_107 = arith.constant 0 : i32
    %add3A_108 = arith.addi %mul3A_2, %add3A_107 : i32
    %dma_start3A_109 = arith.constant 36864 : i32
    %dma_start3A_110 = tpu.memref_slice %arg2[%add3A_108, %dma_start3A_109] : memref<1024x100000xf32, #tpu.memory_space<hbm>> -> memref<8x6144xf32, #tpu.memory_space<hbm>>
    %dma_start3A_111 = arith.constant 36864 : i32
    %dma_start3A_112 = tpu.memref_slice %arg2[%add3A_108, %dma_start3A_111] : memref<1024x100000xf32, #tpu.memory_space<hbm>> -> memref<8x6144xf32, #tpu.memory_space<hbm>>
    tpu.enqueue_dma source(%dma_start3A_112 : memref<8x6144xf32, #tpu.memory_space<hbm>>) target(%arg5 : memref<8x6144xf32, #tpu.memory_space<vmem>>) target_semaphore(%arg9 : memref<!tpu.dma_semaphore, #tpu.memory_space<semaphore_mem>>)
    %dma_wait3A_113 = arith.constant 30720 : i32
    %dma_wait3A_114 = tpu.memref_slice %arg2[%add3A_88, %dma_wait3A_113] : memref<1024x100000xf32, #tpu.memory_space<hbm>> -> memref<8x6144xf32, #tpu.memory_space<hbm>>
    %dma_wait3A_115 = arith.constant 30720 : i32
    %dma_wait3A_116 = tpu.memref_slice %arg2[%add3A_88, %dma_wait3A_115] : memref<1024x100000xf32, #tpu.memory_space<hbm>> -> memref<8x6144xf32, #tpu.memory_space<hbm>>
    tpu.wait_dma2 semaphore(%arg10 : memref<!tpu.dma_semaphore, #tpu.memory_space<semaphore_mem>>) src(%dma_wait3A_116 : memref<8x6144xf32, #tpu.memory_space<hbm>>) dst(%arg6 : memref<8x6144xf32, #tpu.memory_space<vmem>>)
    %add3A_117 = arith.constant 0 : i32
    %add3A_118 = arith.addi %mul3A_2, %add3A_117 : i32
    %dma_start3A_119 = arith.constant 30720 : i32
    %dma_start3A_120 = tpu.memref_slice %arg4[%add3A_118, %dma_start3A_119] : memref<1024x100000xf32, #tpu.memory_space<hbm>> -> memref<8x6144xf32, #tpu.memory_space<hbm>>
    %dma_start3A_121 = arith.constant 30720 : i32
    %dma_start3A_122 = tpu.memref_slice %arg4[%add3A_118, %dma_start3A_121] : memref<1024x100000xf32, #tpu.memory_space<hbm>> -> memref<8x6144xf32, #tpu.memory_space<hbm>>
    tpu.enqueue_dma source(%arg6 : memref<8x6144xf32, #tpu.memory_space<vmem>>) target(%dma_start3A_122 : memref<8x6144xf32, #tpu.memory_space<hbm>>) target_semaphore(%arg13 : memref<!tpu.dma_semaphore, #tpu.memory_space<semaphore_mem>>)
    %dma_wait3A_123 = arith.constant 30720 : i32
    %dma_wait3A_124 = tpu.memref_slice %arg4[%add3A_118, %dma_wait3A_123] : memref<1024x100000xf32, #tpu.memory_space<hbm>> -> memref<8x6144xf32, #tpu.memory_space<hbm>>
    %dma_wait3A_125 = arith.constant 30720 : i32
    %dma_wait3A_126 = tpu.memref_slice %arg4[%add3A_118, %dma_wait3A_125] : memref<1024x100000xf32, #tpu.memory_space<hbm>> -> memref<8x6144xf32, #tpu.memory_space<hbm>>
    tpu.wait_dma2 semaphore(%arg13 : memref<!tpu.dma_semaphore, #tpu.memory_space<semaphore_mem>>) src(%arg6 : memref<8x6144xf32, #tpu.memory_space<vmem>>) dst(%dma_wait3A_126 : memref<8x6144xf32, #tpu.memory_space<hbm>>)
    %add3A_127 = arith.constant 0 : i32
    %add3A_128 = arith.addi %mul3A_2, %add3A_127 : i32
    %dma_start3A_129 = arith.constant 43008 : i32
    %dma_start3A_130 = tpu.memref_slice %arg2[%add3A_128, %dma_start3A_129] : memref<1024x100000xf32, #tpu.memory_space<hbm>> -> memref<8x6144xf32, #tpu.memory_space<hbm>>
    %dma_start3A_131 = arith.constant 43008 : i32
    %dma_start3A_132 = tpu.memref_slice %arg2[%add3A_128, %dma_start3A_131] : memref<1024x100000xf32, #tpu.memory_space<hbm>> -> memref<8x6144xf32, #tpu.memory_space<hbm>>
    tpu.enqueue_dma source(%dma_start3A_132 : memref<8x6144xf32, #tpu.memory_space<hbm>>) target(%arg6 : memref<8x6144xf32, #tpu.memory_space<vmem>>) target_semaphore(%arg10 : memref<!tpu.dma_semaphore, #tpu.memory_space<semaphore_mem>>)
    %dma_wait3A_133 = arith.constant 36864 : i32
    %dma_wait3A_134 = tpu.memref_slice %arg2[%add3A_108, %dma_wait3A_133] : memref<1024x100000xf32, #tpu.memory_space<hbm>> -> memref<8x6144xf32, #tpu.memory_space<hbm>>
    %dma_wait3A_135 = arith.constant 36864 : i32
    %dma_wait3A_136 = tpu.memref_slice %arg2[%add3A_108, %dma_wait3A_135] : memref<1024x100000xf32, #tpu.memory_space<hbm>> -> memref<8x6144xf32, #tpu.memory_space<hbm>>
    tpu.wait_dma2 semaphore(%arg9 : memref<!tpu.dma_semaphore, #tpu.memory_space<semaphore_mem>>) src(%dma_wait3A_136 : memref<8x6144xf32, #tpu.memory_space<hbm>>) dst(%arg5 : memref<8x6144xf32, #tpu.memory_space<vmem>>)
    %add3A_137 = arith.constant 0 : i32
    %add3A_138 = arith.addi %mul3A_2, %add3A_137 : i32
    %dma_start3A_139 = arith.constant 36864 : i32
    %dma_start3A_140 = tpu.memref_slice %arg4[%add3A_138, %dma_start3A_139] : memref<1024x100000xf32, #tpu.memory_space<hbm>> -> memref<8x6144xf32, #tpu.memory_space<hbm>>
    %dma_start3A_141 = arith.constant 36864 : i32
    %dma_start3A_142 = tpu.memref_slice %arg4[%add3A_138, %dma_start3A_141] : memref<1024x100000xf32, #tpu.memory_space<hbm>> -> memref<8x6144xf32, #tpu.memory_space<hbm>>
    tpu.enqueue_dma source(%arg5 : memref<8x6144xf32, #tpu.memory_space<vmem>>) target(%dma_start3A_142 : memref<8x6144xf32, #tpu.memory_space<hbm>>) target_semaphore(%arg12 : memref<!tpu.dma_semaphore, #tpu.memory_space<semaphore_mem>>)
    %dma_wait3A_143 = arith.constant 36864 : i32
    %dma_wait3A_144 = tpu.memref_slice %arg4[%add3A_138, %dma_wait3A_143] : memref<1024x100000xf32, #tpu.memory_space<hbm>> -> memref<8x6144xf32, #tpu.memory_space<hbm>>
    %dma_wait3A_145 = arith.constant 36864 : i32
    %dma_wait3A_146 = tpu.memref_slice %arg4[%add3A_138, %dma_wait3A_145] : memref<1024x100000xf32, #tpu.memory_space<hbm>> -> memref<8x6144xf32, #tpu.memory_space<hbm>>
    tpu.wait_dma2 semaphore(%arg12 : memref<!tpu.dma_semaphore, #tpu.memory_space<semaphore_mem>>) src(%arg5 : memref<8x6144xf32, #tpu.memory_space<vmem>>) dst(%dma_wait3A_146 : memref<8x6144xf32, #tpu.memory_space<hbm>>)
    %add3A_147 = arith.constant 0 : i32
    %add3A_148 = arith.addi %mul3A_2, %add3A_147 : i32
    %dma_start3A_149 = arith.constant 49152 : i32
    %dma_start3A_150 = tpu.memref_slice %arg2[%add3A_148, %dma_start3A_149] : memref<1024x100000xf32, #tpu.memory_space<hbm>> -> memref<8x6144xf32, #tpu.memory_space<hbm>>
    %dma_start3A_151 = arith.constant 49152 : i32
    %dma_start3A_152 = tpu.memref_slice %arg2[%add3A_148, %dma_start3A_151] : memref<1024x100000xf32, #tpu.memory_space<hbm>> -> memref<8x6144xf32, #tpu.memory_space<hbm>>
    tpu.enqueue_dma source(%dma_start3A_152 : memref<8x6144xf32, #tpu.memory_space<hbm>>) target(%arg5 : memref<8x6144xf32, #tpu.memory_space<vmem>>) target_semaphore(%arg9 : memref<!tpu.dma_semaphore, #tpu.memory_space<semaphore_mem>>)
    %dma_wait3A_153 = arith.constant 43008 : i32
    %dma_wait3A_154 = tpu.memref_slice %arg2[%add3A_128, %dma_wait3A_153] : memref<1024x100000xf32, #tpu.memory_space<hbm>> -> memref<8x6144xf32, #tpu.memory_space<hbm>>
    %dma_wait3A_155 = arith.constant 43008 : i32
    %dma_wait3A_156 = tpu.memref_slice %arg2[%add3A_128, %dma_wait3A_155] : memref<1024x100000xf32, #tpu.memory_space<hbm>> -> memref<8x6144xf32, #tpu.memory_space<hbm>>
    tpu.wait_dma2 semaphore(%arg10 : memref<!tpu.dma_semaphore, #tpu.memory_space<semaphore_mem>>) src(%dma_wait3A_156 : memref<8x6144xf32, #tpu.memory_space<hbm>>) dst(%arg6 : memref<8x6144xf32, #tpu.memory_space<vmem>>)
    %add3A_157 = arith.constant 0 : i32
    %add3A_158 = arith.addi %mul3A_2, %add3A_157 : i32
    %dma_start3A_159 = arith.constant 43008 : i32
    %dma_start3A_160 = tpu.memref_slice %arg4[%add3A_158, %dma_start3A_159] : memref<1024x100000xf32, #tpu.memory_space<hbm>> -> memref<8x6144xf32, #tpu.memory_space<hbm>>
    %dma_start3A_161 = arith.constant 43008 : i32
    %dma_start3A_162 = tpu.memref_slice %arg4[%add3A_158, %dma_start3A_161] : memref<1024x100000xf32, #tpu.memory_space<hbm>> -> memref<8x6144xf32, #tpu.memory_space<hbm>>
    tpu.enqueue_dma source(%arg6 : memref<8x6144xf32, #tpu.memory_space<vmem>>) target(%dma_start3A_162 : memref<8x6144xf32, #tpu.memory_space<hbm>>) target_semaphore(%arg13 : memref<!tpu.dma_semaphore, #tpu.memory_space<semaphore_mem>>)
    %dma_wait3A_163 = arith.constant 43008 : i32
    %dma_wait3A_164 = tpu.memref_slice %arg4[%add3A_158, %dma_wait3A_163] : memref<1024x100000xf32, #tpu.memory_space<hbm>> -> memref<8x6144xf32, #tpu.memory_space<hbm>>
    %dma_wait3A_165 = arith.constant 43008 : i32
    %dma_wait3A_166 = tpu.memref_slice %arg4[%add3A_158, %dma_wait3A_165] : memref<1024x100000xf32, #tpu.memory_space<hbm>> -> memref<8x6144xf32, #tpu.memory_space<hbm>>
    tpu.wait_dma2 semaphore(%arg13 : memref<!tpu.dma_semaphore, #tpu.memory_space<semaphore_mem>>) src(%arg6 : memref<8x6144xf32, #tpu.memory_space<vmem>>) dst(%dma_wait3A_166 : memref<8x6144xf32, #tpu.memory_space<hbm>>)
    %add3A_167 = arith.constant 0 : i32
    %add3A_168 = arith.addi %mul3A_2, %add3A_167 : i32
    %dma_start3A_169 = arith.constant 55296 : i32
    %dma_start3A_170 = tpu.memref_slice %arg2[%add3A_168, %dma_start3A_169] : memref<1024x100000xf32, #tpu.memory_space<hbm>> -> memref<8x6144xf32, #tpu.memory_space<hbm>>
    %dma_start3A_171 = arith.constant 55296 : i32
    %dma_start3A_172 = tpu.memref_slice %arg2[%add3A_168, %dma_start3A_171] : memref<1024x100000xf32, #tpu.memory_space<hbm>> -> memref<8x6144xf32, #tpu.memory_space<hbm>>
    tpu.enqueue_dma source(%dma_start3A_172 : memref<8x6144xf32, #tpu.memory_space<hbm>>) target(%arg6 : memref<8x6144xf32, #tpu.memory_space<vmem>>) target_semaphore(%arg10 : memref<!tpu.dma_semaphore, #tpu.memory_space<semaphore_mem>>)
    %dma_wait3A_173 = arith.constant 49152 : i32
    %dma_wait3A_174 = tpu.memref_slice %arg2[%add3A_148, %dma_wait3A_173] : memref<1024x100000xf32, #tpu.memory_space<hbm>> -> memref<8x6144xf32, #tpu.memory_space<hbm>>
    %dma_wait3A_175 = arith.constant 49152 : i32
    %dma_wait3A_176 = tpu.memref_slice %arg2[%add3A_148, %dma_wait3A_175] : memref<1024x100000xf32, #tpu.memory_space<hbm>> -> memref<8x6144xf32, #tpu.memory_space<hbm>>
    tpu.wait_dma2 semaphore(%arg9 : memref<!tpu.dma_semaphore, #tpu.memory_space<semaphore_mem>>) src(%dma_wait3A_176 : memref<8x6144xf32, #tpu.memory_space<hbm>>) dst(%arg5 : memref<8x6144xf32, #tpu.memory_space<vmem>>)
    %add3A_177 = arith.constant 0 : i32
    %add3A_178 = arith.addi %mul3A_2, %add3A_177 : i32
    %dma_start3A_179 = arith.constant 49152 : i32
    %dma_start3A_180 = tpu.memref_slice %arg4[%add3A_178, %dma_start3A_179] : memref<1024x100000xf32, #tpu.memory_space<hbm>> -> memref<8x6144xf32, #tpu.memory_space<hbm>>
    %dma_start3A_181 = arith.constant 49152 : i32
    %dma_start3A_182 = tpu.memref_slice %arg4[%add3A_178, %dma_start3A_181] : memref<1024x100000xf32, #tpu.memory_space<hbm>> -> memref<8x6144xf32, #tpu.memory_space<hbm>>
    tpu.enqueue_dma source(%arg5 : memref<8x6144xf32, #tpu.memory_space<vmem>>) target(%dma_start3A_182 : memref<8x6144xf32, #tpu.memory_space<hbm>>) target_semaphore(%arg12 : memref<!tpu.dma_semaphore, #tpu.memory_space<semaphore_mem>>)
    %dma_wait3A_183 = arith.constant 49152 : i32
    %dma_wait3A_184 = tpu.memref_slice %arg4[%add3A_178, %dma_wait3A_183] : memref<1024x100000xf32, #tpu.memory_space<hbm>> -> memref<8x6144xf32, #tpu.memory_space<hbm>>
    %dma_wait3A_185 = arith.constant 49152 : i32
    %dma_wait3A_186 = tpu.memref_slice %arg4[%add3A_178, %dma_wait3A_185] : memref<1024x100000xf32, #tpu.memory_space<hbm>> -> memref<8x6144xf32, #tpu.memory_space<hbm>>
    tpu.wait_dma2 semaphore(%arg12 : memref<!tpu.dma_semaphore, #tpu.memory_space<semaphore_mem>>) src(%arg5 : memref<8x6144xf32, #tpu.memory_space<vmem>>) dst(%dma_wait3A_186 : memref<8x6144xf32, #tpu.memory_space<hbm>>)
    %add3A_187 = arith.constant 0 : i32
    %add3A_188 = arith.addi %mul3A_2, %add3A_187 : i32
    %dma_start3A_189 = arith.constant 61440 : i32
    %dma_start3A_190 = tpu.memref_slice %arg2[%add3A_188, %dma_start3A_189] : memref<1024x100000xf32, #tpu.memory_space<hbm>> -> memref<8x6144xf32, #tpu.memory_space<hbm>>
    %dma_start3A_191 = arith.constant 61440 : i32
    %dma_start3A_192 = tpu.memref_slice %arg2[%add3A_188, %dma_start3A_191] : memref<1024x100000xf32, #tpu.memory_space<hbm>> -> memref<8x6144xf32, #tpu.memory_space<hbm>>
    tpu.enqueue_dma source(%dma_start3A_192 : memref<8x6144xf32, #tpu.memory_space<hbm>>) target(%arg5 : memref<8x6144xf32, #tpu.memory_space<vmem>>) target_semaphore(%arg9 : memref<!tpu.dma_semaphore, #tpu.memory_space<semaphore_mem>>)
    %dma_wait3A_193 = arith.constant 55296 : i32
    %dma_wait3A_194 = tpu.memref_slice %arg2[%add3A_168, %dma_wait3A_193] : memref<1024x100000xf32, #tpu.memory_space<hbm>> -> memref<8x6144xf32, #tpu.memory_space<hbm>>
    %dma_wait3A_195 = arith.constant 55296 : i32
    %dma_wait3A_196 = tpu.memref_slice %arg2[%add3A_168, %dma_wait3A_195] : memref<1024x100000xf32, #tpu.memory_space<hbm>> -> memref<8x6144xf32, #tpu.memory_space<hbm>>
    tpu.wait_dma2 semaphore(%arg10 : memref<!tpu.dma_semaphore, #tpu.memory_space<semaphore_mem>>) src(%dma_wait3A_196 : memref<8x6144xf32, #tpu.memory_space<hbm>>) dst(%arg6 : memref<8x6144xf32, #tpu.memory_space<vmem>>)
    %add3A_197 = arith.constant 0 : i32
    %add3A_198 = arith.addi %mul3A_2, %add3A_197 : i32
    %dma_start3A_199 = arith.constant 55296 : i32
    %dma_start3A_200 = tpu.memref_slice %arg4[%add3A_198, %dma_start3A_199] : memref<1024x100000xf32, #tpu.memory_space<hbm>> -> memref<8x6144xf32, #tpu.memory_space<hbm>>
    %dma_start3A_201 = arith.constant 55296 : i32
    %dma_start3A_202 = tpu.memref_slice %arg4[%add3A_198, %dma_start3A_201] : memref<1024x100000xf32, #tpu.memory_space<hbm>> -> memref<8x6144xf32, #tpu.memory_space<hbm>>
    tpu.enqueue_dma source(%arg6 : memref<8x6144xf32, #tpu.memory_space<vmem>>) target(%dma_start3A_202 : memref<8x6144xf32, #tpu.memory_space<hbm>>) target_semaphore(%arg13 : memref<!tpu.dma_semaphore, #tpu.memory_space<semaphore_mem>>)
    %dma_wait3A_203 = arith.constant 55296 : i32
    %dma_wait3A_204 = tpu.memref_slice %arg4[%add3A_198, %dma_wait3A_203] : memref<1024x100000xf32, #tpu.memory_space<hbm>> -> memref<8x6144xf32, #tpu.memory_space<hbm>>
    %dma_wait3A_205 = arith.constant 55296 : i32
    %dma_wait3A_206 = tpu.memref_slice %arg4[%add3A_198, %dma_wait3A_205] : memref<1024x100000xf32, #tpu.memory_space<hbm>> -> memref<8x6144xf32, #tpu.memory_space<hbm>>
    tpu.wait_dma2 semaphore(%arg13 : memref<!tpu.dma_semaphore, #tpu.memory_space<semaphore_mem>>) src(%arg6 : memref<8x6144xf32, #tpu.memory_space<vmem>>) dst(%dma_wait3A_206 : memref<8x6144xf32, #tpu.memory_space<hbm>>)
    %add3A_207 = arith.constant 0 : i32
    %add3A_208 = arith.addi %mul3A_2, %add3A_207 : i32
    %dma_start3A_209 = arith.constant 67584 : i32
    %dma_start3A_210 = tpu.memref_slice %arg2[%add3A_208, %dma_start3A_209] : memref<1024x100000xf32, #tpu.memory_space<hbm>> -> memref<8x6144xf32, #tpu.memory_space<hbm>>
    %dma_start3A_211 = arith.constant 67584 : i32
    %dma_start3A_212 = tpu.memref_slice %arg2[%add3A_208, %dma_start3A_211] : memref<1024x100000xf32, #tpu.memory_space<hbm>> -> memref<8x6144xf32, #tpu.memory_space<hbm>>
    tpu.enqueue_dma source(%dma_start3A_212 : memref<8x6144xf32, #tpu.memory_space<hbm>>) target(%arg6 : memref<8x6144xf32, #tpu.memory_space<vmem>>) target_semaphore(%arg10 : memref<!tpu.dma_semaphore, #tpu.memory_space<semaphore_mem>>)
    %dma_wait3A_213 = arith.constant 61440 : i32
    %dma_wait3A_214 = tpu.memref_slice %arg2[%add3A_188, %dma_wait3A_213] : memref<1024x100000xf32, #tpu.memory_space<hbm>> -> memref<8x6144xf32, #tpu.memory_space<hbm>>
    %dma_wait3A_215 = arith.constant 61440 : i32
    %dma_wait3A_216 = tpu.memref_slice %arg2[%add3A_188, %dma_wait3A_215] : memref<1024x100000xf32, #tpu.memory_space<hbm>> -> memref<8x6144xf32, #tpu.memory_space<hbm>>
    tpu.wait_dma2 semaphore(%arg9 : memref<!tpu.dma_semaphore, #tpu.memory_space<semaphore_mem>>) src(%dma_wait3A_216 : memref<8x6144xf32, #tpu.memory_space<hbm>>) dst(%arg5 : memref<8x6144xf32, #tpu.memory_space<vmem>>)
    %add3A_217 = arith.constant 0 : i32
    %add3A_218 = arith.addi %mul3A_2, %add3A_217 : i32
    %dma_start3A_219 = arith.constant 61440 : i32
    %dma_start3A_220 = tpu.memref_slice %arg4[%add3A_218, %dma_start3A_219] : memref<1024x100000xf32, #tpu.memory_space<hbm>> -> memref<8x6144xf32, #tpu.memory_space<hbm>>
    %dma_start3A_221 = arith.constant 61440 : i32
    %dma_start3A_222 = tpu.memref_slice %arg4[%add3A_218, %dma_start3A_221] : memref<1024x100000xf32, #tpu.memory_space<hbm>> -> memref<8x6144xf32, #tpu.memory_space<hbm>>
    tpu.enqueue_dma source(%arg5 : memref<8x6144xf32, #tpu.memory_space<vmem>>) target(%dma_start3A_222 : memref<8x6144xf32, #tpu.memory_space<hbm>>) target_semaphore(%arg12 : memref<!tpu.dma_semaphore, #tpu.memory_space<semaphore_mem>>)
    %dma_wait3A_223 = arith.constant 61440 : i32
    %dma_wait3A_224 = tpu.memref_slice %arg4[%add3A_218, %dma_wait3A_223] : memref<1024x100000xf32, #tpu.memory_space<hbm>> -> memref<8x6144xf32, #tpu.memory_space<hbm>>
    %dma_wait3A_225 = arith.constant 61440 : i32
    %dma_wait3A_226 = tpu.memref_slice %arg4[%add3A_218, %dma_wait3A_225] : memref<1024x100000xf32, #tpu.memory_space<hbm>> -> memref<8x6144xf32, #tpu.memory_space<hbm>>
    tpu.wait_dma2 semaphore(%arg12 : memref<!tpu.dma_semaphore, #tpu.memory_space<semaphore_mem>>) src(%arg5 : memref<8x6144xf32, #tpu.memory_space<vmem>>) dst(%dma_wait3A_226 : memref<8x6144xf32, #tpu.memory_space<hbm>>)
    %add3A_227 = arith.constant 0 : i32
    %add3A_228 = arith.addi %mul3A_2, %add3A_227 : i32
    %dma_start3A_229 = arith.constant 73728 : i32
    %dma_start3A_230 = tpu.memref_slice %arg2[%add3A_228, %dma_start3A_229] : memref<1024x100000xf32, #tpu.memory_space<hbm>> -> memref<8x6144xf32, #tpu.memory_space<hbm>>
    %dma_start3A_231 = arith.constant 73728 : i32
    %dma_start3A_232 = tpu.memref_slice %arg2[%add3A_228, %dma_start3A_231] : memref<1024x100000xf32, #tpu.memory_space<hbm>> -> memref<8x6144xf32, #tpu.memory_space<hbm>>
    tpu.enqueue_dma source(%dma_start3A_232 : memref<8x6144xf32, #tpu.memory_space<hbm>>) target(%arg5 : memref<8x6144xf32, #tpu.memory_space<vmem>>) target_semaphore(%arg9 : memref<!tpu.dma_semaphore, #tpu.memory_space<semaphore_mem>>)
    %dma_wait3A_233 = arith.constant 67584 : i32
    %dma_wait3A_234 = tpu.memref_slice %arg2[%add3A_208, %dma_wait3A_233] : memref<1024x100000xf32, #tpu.memory_space<hbm>> -> memref<8x6144xf32, #tpu.memory_space<hbm>>
    %dma_wait3A_235 = arith.constant 67584 : i32
    %dma_wait3A_236 = tpu.memref_slice %arg2[%add3A_208, %dma_wait3A_235] : memref<1024x100000xf32, #tpu.memory_space<hbm>> -> memref<8x6144xf32, #tpu.memory_space<hbm>>
    tpu.wait_dma2 semaphore(%arg10 : memref<!tpu.dma_semaphore, #tpu.memory_space<semaphore_mem>>) src(%dma_wait3A_236 : memref<8x6144xf32, #tpu.memory_space<hbm>>) dst(%arg6 : memref<8x6144xf32, #tpu.memory_space<vmem>>)
    %add3A_237 = arith.constant 0 : i32
    %add3A_238 = arith.addi %mul3A_2, %add3A_237 : i32
    %dma_start3A_239 = arith.constant 67584 : i32
    %dma_start3A_240 = tpu.memref_slice %arg4[%add3A_238, %dma_start3A_239] : memref<1024x100000xf32, #tpu.memory_space<hbm>> -> memref<8x6144xf32, #tpu.memory_space<hbm>>
    %dma_start3A_241 = arith.constant 67584 : i32
    %dma_start3A_242 = tpu.memref_slice %arg4[%add3A_238, %dma_start3A_241] : memref<1024x100000xf32, #tpu.memory_space<hbm>> -> memref<8x6144xf32, #tpu.memory_space<hbm>>
    tpu.enqueue_dma source(%arg6 : memref<8x6144xf32, #tpu.memory_space<vmem>>) target(%dma_start3A_242 : memref<8x6144xf32, #tpu.memory_space<hbm>>) target_semaphore(%arg13 : memref<!tpu.dma_semaphore, #tpu.memory_space<semaphore_mem>>)
    %dma_wait3A_243 = arith.constant 67584 : i32
    %dma_wait3A_244 = tpu.memref_slice %arg4[%add3A_238, %dma_wait3A_243] : memref<1024x100000xf32, #tpu.memory_space<hbm>> -> memref<8x6144xf32, #tpu.memory_space<hbm>>
    %dma_wait3A_245 = arith.constant 67584 : i32
    %dma_wait3A_246 = tpu.memref_slice %arg4[%add3A_238, %dma_wait3A_245] : memref<1024x100000xf32, #tpu.memory_space<hbm>> -> memref<8x6144xf32, #tpu.memory_space<hbm>>
    tpu.wait_dma2 semaphore(%arg13 : memref<!tpu.dma_semaphore, #tpu.memory_space<semaphore_mem>>) src(%arg6 : memref<8x6144xf32, #tpu.memory_space<vmem>>) dst(%dma_wait3A_246 : memref<8x6144xf32, #tpu.memory_space<hbm>>)
    %add3A_247 = arith.constant 0 : i32
    %add3A_248 = arith.addi %mul3A_2, %add3A_247 : i32
    %dma_start3A_249 = arith.constant 79872 : i32
    %dma_start3A_250 = tpu.memref_slice %arg2[%add3A_248, %dma_start3A_249] : memref<1024x100000xf32, #tpu.memory_space<hbm>> -> memref<8x6144xf32, #tpu.memory_space<hbm>>
    %dma_start3A_251 = arith.constant 79872 : i32
    %dma_start3A_252 = tpu.memref_slice %arg2[%add3A_248, %dma_start3A_251] : memref<1024x100000xf32, #tpu.memory_space<hbm>> -> memref<8x6144xf32, #tpu.memory_space<hbm>>
    tpu.enqueue_dma source(%dma_start3A_252 : memref<8x6144xf32, #tpu.memory_space<hbm>>) target(%arg6 : memref<8x6144xf32, #tpu.memory_space<vmem>>) target_semaphore(%arg10 : memref<!tpu.dma_semaphore, #tpu.memory_space<semaphore_mem>>)
    %dma_wait3A_253 = arith.constant 73728 : i32
    %dma_wait3A_254 = tpu.memref_slice %arg2[%add3A_228, %dma_wait3A_253] : memref<1024x100000xf32, #tpu.memory_space<hbm>> -> memref<8x6144xf32, #tpu.memory_space<hbm>>
    %dma_wait3A_255 = arith.constant 73728 : i32
    %dma_wait3A_256 = tpu.memref_slice %arg2[%add3A_228, %dma_wait3A_255] : memref<1024x100000xf32, #tpu.memory_space<hbm>> -> memref<8x6144xf32, #tpu.memory_space<hbm>>
    tpu.wait_dma2 semaphore(%arg9 : memref<!tpu.dma_semaphore, #tpu.memory_space<semaphore_mem>>) src(%dma_wait3A_256 : memref<8x6144xf32, #tpu.memory_space<hbm>>) dst(%arg5 : memref<8x6144xf32, #tpu.memory_space<vmem>>)
    %add3A_257 = arith.constant 0 : i32
    %add3A_258 = arith.addi %mul3A_2, %add3A_257 : i32
    %dma_start3A_259 = arith.constant 73728 : i32
    %dma_start3A_260 = tpu.memref_slice %arg4[%add3A_258, %dma_start3A_259] : memref<1024x100000xf32, #tpu.memory_space<hbm>> -> memref<8x6144xf32, #tpu.memory_space<hbm>>
    %dma_start3A_261 = arith.constant 73728 : i32
    %dma_start3A_262 = tpu.memref_slice %arg4[%add3A_258, %dma_start3A_261] : memref<1024x100000xf32, #tpu.memory_space<hbm>> -> memref<8x6144xf32, #tpu.memory_space<hbm>>
    tpu.enqueue_dma source(%arg5 : memref<8x6144xf32, #tpu.memory_space<vmem>>) target(%dma_start3A_262 : memref<8x6144xf32, #tpu.memory_space<hbm>>) target_semaphore(%arg12 : memref<!tpu.dma_semaphore, #tpu.memory_space<semaphore_mem>>)
    %dma_wait3A_263 = arith.constant 73728 : i32
    %dma_wait3A_264 = tpu.memref_slice %arg4[%add3A_258, %dma_wait3A_263] : memref<1024x100000xf32, #tpu.memory_space<hbm>> -> memref<8x6144xf32, #tpu.memory_space<hbm>>
    %dma_wait3A_265 = arith.constant 73728 : i32
    %dma_wait3A_266 = tpu.memref_slice %arg4[%add3A_258, %dma_wait3A_265] : memref<1024x100000xf32, #tpu.memory_space<hbm>> -> memref<8x6144xf32, #tpu.memory_space<hbm>>
    tpu.wait_dma2 semaphore(%arg12 : memref<!tpu.dma_semaphore, #tpu.memory_space<semaphore_mem>>) src(%arg5 : memref<8x6144xf32, #tpu.memory_space<vmem>>) dst(%dma_wait3A_266 : memref<8x6144xf32, #tpu.memory_space<hbm>>)
    %add3A_267 = arith.constant 0 : i32
    %add3A_268 = arith.addi %mul3A_2, %add3A_267 : i32
    %dma_start3A_269 = arith.constant 86016 : i32
    %dma_start3A_270 = tpu.memref_slice %arg2[%add3A_268, %dma_start3A_269] : memref<1024x100000xf32, #tpu.memory_space<hbm>> -> memref<8x6144xf32, #tpu.memory_space<hbm>>
    %dma_start3A_271 = arith.constant 86016 : i32
    %dma_start3A_272 = tpu.memref_slice %arg2[%add3A_268, %dma_start3A_271] : memref<1024x100000xf32, #tpu.memory_space<hbm>> -> memref<8x6144xf32, #tpu.memory_space<hbm>>
    tpu.enqueue_dma source(%dma_start3A_272 : memref<8x6144xf32, #tpu.memory_space<hbm>>) target(%arg5 : memref<8x6144xf32, #tpu.memory_space<vmem>>) target_semaphore(%arg9 : memref<!tpu.dma_semaphore, #tpu.memory_space<semaphore_mem>>)
    %dma_wait3A_273 = arith.constant 79872 : i32
    %dma_wait3A_274 = tpu.memref_slice %arg2[%add3A_248, %dma_wait3A_273] : memref<1024x100000xf32, #tpu.memory_space<hbm>> -> memref<8x6144xf32, #tpu.memory_space<hbm>>
    %dma_wait3A_275 = arith.constant 79872 : i32
    %dma_wait3A_276 = tpu.memref_slice %arg2[%add3A_248, %dma_wait3A_275] : memref<1024x100000xf32, #tpu.memory_space<hbm>> -> memref<8x6144xf32, #tpu.memory_space<hbm>>
    tpu.wait_dma2 semaphore(%arg10 : memref<!tpu.dma_semaphore, #tpu.memory_space<semaphore_mem>>) src(%dma_wait3A_276 : memref<8x6144xf32, #tpu.memory_space<hbm>>) dst(%arg6 : memref<8x6144xf32, #tpu.memory_space<vmem>>)
    %add3A_277 = arith.constant 0 : i32
    %add3A_278 = arith.addi %mul3A_2, %add3A_277 : i32
    %dma_start3A_279 = arith.constant 79872 : i32
    %dma_start3A_280 = tpu.memref_slice %arg4[%add3A_278, %dma_start3A_279] : memref<1024x100000xf32, #tpu.memory_space<hbm>> -> memref<8x6144xf32, #tpu.memory_space<hbm>>
    %dma_start3A_281 = arith.constant 79872 : i32
    %dma_start3A_282 = tpu.memref_slice %arg4[%add3A_278, %dma_start3A_281] : memref<1024x100000xf32, #tpu.memory_space<hbm>> -> memref<8x6144xf32, #tpu.memory_space<hbm>>
    tpu.enqueue_dma source(%arg6 : memref<8x6144xf32, #tpu.memory_space<vmem>>) target(%dma_start3A_282 : memref<8x6144xf32, #tpu.memory_space<hbm>>) target_semaphore(%arg13 : memref<!tpu.dma_semaphore, #tpu.memory_space<semaphore_mem>>)
    %dma_wait3A_283 = arith.constant 79872 : i32
    %dma_wait3A_284 = tpu.memref_slice %arg4[%add3A_278, %dma_wait3A_283] : memref<1024x100000xf32, #tpu.memory_space<hbm>> -> memref<8x6144xf32, #tpu.memory_space<hbm>>
    %dma_wait3A_285 = arith.constant 79872 : i32
    %dma_wait3A_286 = tpu.memref_slice %arg4[%add3A_278, %dma_wait3A_285] : memref<1024x100000xf32, #tpu.memory_space<hbm>> -> memref<8x6144xf32, #tpu.memory_space<hbm>>
    tpu.wait_dma2 semaphore(%arg13 : memref<!tpu.dma_semaphore, #tpu.memory_space<semaphore_mem>>) src(%arg6 : memref<8x6144xf32, #tpu.memory_space<vmem>>) dst(%dma_wait3A_286 : memref<8x6144xf32, #tpu.memory_space<hbm>>)
    %add3A_287 = arith.constant 0 : i32
    %add3A_288 = arith.addi %mul3A_2, %add3A_287 : i32
    %dma_start3A_289 = arith.constant 92160 : i32
    %dma_start3A_290 = tpu.memref_slice %arg2[%add3A_288, %dma_start3A_289] : memref<1024x100000xf32, #tpu.memory_space<hbm>> -> memref<8x6144xf32, #tpu.memory_space<hbm>>
    %dma_start3A_291 = arith.constant 92160 : i32
    %dma_start3A_292 = tpu.memref_slice %arg2[%add3A_288, %dma_start3A_291] : memref<1024x100000xf32, #tpu.memory_space<hbm>> -> memref<8x6144xf32, #tpu.memory_space<hbm>>
    tpu.enqueue_dma source(%dma_start3A_292 : memref<8x6144xf32, #tpu.memory_space<hbm>>) target(%arg6 : memref<8x6144xf32, #tpu.memory_space<vmem>>) target_semaphore(%arg10 : memref<!tpu.dma_semaphore, #tpu.memory_space<semaphore_mem>>)
    %dma_wait3A_293 = arith.constant 86016 : i32
    %dma_wait3A_294 = tpu.memref_slice %arg2[%add3A_268, %dma_wait3A_293] : memref<1024x100000xf32, #tpu.memory_space<hbm>> -> memref<8x6144xf32, #tpu.memory_space<hbm>>
    %dma_wait3A_295 = arith.constant 86016 : i32
    %dma_wait3A_296 = tpu.memref_slice %arg2[%add3A_268, %dma_wait3A_295] : memref<1024x100000xf32, #tpu.memory_space<hbm>> -> memref<8x6144xf32, #tpu.memory_space<hbm>>
    tpu.wait_dma2 semaphore(%arg9 : memref<!tpu.dma_semaphore, #tpu.memory_space<semaphore_mem>>) src(%dma_wait3A_296 : memref<8x6144xf32, #tpu.memory_space<hbm>>) dst(%arg5 : memref<8x6144xf32, #tpu.memory_space<vmem>>)
    %add3A_297 = arith.constant 0 : i32
    %add3A_298 = arith.addi %mul3A_2, %add3A_297 : i32
    %dma_start3A_299 = arith.constant 86016 : i32
    %dma_start3A_300 = tpu.memref_slice %arg4[%add3A_298, %dma_start3A_299] : memref<1024x100000xf32, #tpu.memory_space<hbm>> -> memref<8x6144xf32, #tpu.memory_space<hbm>>
    %dma_start3A_301 = arith.constant 86016 : i32
    %dma_start3A_302 = tpu.memref_slice %arg4[%add3A_298, %dma_start3A_301] : memref<1024x100000xf32, #tpu.memory_space<hbm>> -> memref<8x6144xf32, #tpu.memory_space<hbm>>
    tpu.enqueue_dma source(%arg5 : memref<8x6144xf32, #tpu.memory_space<vmem>>) target(%dma_start3A_302 : memref<8x6144xf32, #tpu.memory_space<hbm>>) target_semaphore(%arg12 : memref<!tpu.dma_semaphore, #tpu.memory_space<semaphore_mem>>)
    %add3A_303 = arith.constant 0 : i32
    %add3A_304 = arith.addi %mul3A_2, %add3A_303 : i32
    %dma_start3A_305 = arith.constant 98304 : i32
    %dma_start3A_306 = tpu.memref_slice %arg2[%add3A_304, %dma_start3A_305] : memref<1024x100000xf32, #tpu.memory_space<hbm>> -> memref<8x1696xf32, #tpu.memory_space<hbm>>
    %dma_start3A_307 = arith.constant 98304 : i32
    %dma_start3A_308 = tpu.memref_slice %arg2[%add3A_304, %dma_start3A_307] : memref<1024x100000xf32, #tpu.memory_space<hbm>> -> memref<8x1696xf32, #tpu.memory_space<hbm>>
    tpu.enqueue_dma source(%dma_start3A_308 : memref<8x1696xf32, #tpu.memory_space<hbm>>) target(%arg7 : memref<8x1696xf32, #tpu.memory_space<vmem>>) target_semaphore(%arg11 : memref<!tpu.dma_semaphore, #tpu.memory_space<semaphore_mem>>)
    %dma_wait3A_309 = arith.constant 92160 : i32
    %dma_wait3A_310 = tpu.memref_slice %arg2[%add3A_288, %dma_wait3A_309] : memref<1024x100000xf32, #tpu.memory_space<hbm>> -> memref<8x6144xf32, #tpu.memory_space<hbm>>
    %dma_wait3A_311 = arith.constant 92160 : i32
    %dma_wait3A_312 = tpu.memref_slice %arg2[%add3A_288, %dma_wait3A_311] : memref<1024x100000xf32, #tpu.memory_space<hbm>> -> memref<8x6144xf32, #tpu.memory_space<hbm>>
    tpu.wait_dma2 semaphore(%arg10 : memref<!tpu.dma_semaphore, #tpu.memory_space<semaphore_mem>>) src(%dma_wait3A_312 : memref<8x6144xf32, #tpu.memory_space<hbm>>) dst(%arg6 : memref<8x6144xf32, #tpu.memory_space<vmem>>)
    %add3A_313 = arith.constant 0 : i32
    %add3A_314 = arith.addi %mul3A_2, %add3A_313 : i32
    %dma_start3A_315 = arith.constant 92160 : i32
    %dma_start3A_316 = tpu.memref_slice %arg4[%add3A_314, %dma_start3A_315] : memref<1024x100000xf32, #tpu.memory_space<hbm>> -> memref<8x6144xf32, #tpu.memory_space<hbm>>
    %dma_start3A_317 = arith.constant 92160 : i32
    %dma_start3A_318 = tpu.memref_slice %arg4[%add3A_314, %dma_start3A_317] : memref<1024x100000xf32, #tpu.memory_space<hbm>> -> memref<8x6144xf32, #tpu.memory_space<hbm>>
    tpu.enqueue_dma source(%arg6 : memref<8x6144xf32, #tpu.memory_space<vmem>>) target(%dma_start3A_318 : memref<8x6144xf32, #tpu.memory_space<hbm>>) target_semaphore(%arg13 : memref<!tpu.dma_semaphore, #tpu.memory_space<semaphore_mem>>)
    %dma_wait3A_319 = arith.constant 86016 : i32
    %dma_wait3A_320 = tpu.memref_slice %arg4[%add3A_298, %dma_wait3A_319] : memref<1024x100000xf32, #tpu.memory_space<hbm>> -> memref<8x6144xf32, #tpu.memory_space<hbm>>
    %dma_wait3A_321 = arith.constant 86016 : i32
    %dma_wait3A_322 = tpu.memref_slice %arg4[%add3A_298, %dma_wait3A_321] : memref<1024x100000xf32, #tpu.memory_space<hbm>> -> memref<8x6144xf32, #tpu.memory_space<hbm>>
    tpu.wait_dma2 semaphore(%arg12 : memref<!tpu.dma_semaphore, #tpu.memory_space<semaphore_mem>>) src(%arg5 : memref<8x6144xf32, #tpu.memory_space<vmem>>) dst(%dma_wait3A_322 : memref<8x6144xf32, #tpu.memory_space<hbm>>)
    %add3A_323 = arith.constant 8 : i32
    %add3A_324 = arith.addi %mul3A_2, %add3A_323 : i32
    %dma_start3A_325 = arith.constant 0 : i32
    %dma_start3A_326 = tpu.memref_slice %arg2[%add3A_324, %dma_start3A_325] : memref<1024x100000xf32, #tpu.memory_space<hbm>> -> memref<8x6144xf32, #tpu.memory_space<hbm>>
    %dma_start3A_327 = arith.constant 0 : i32
    %dma_start3A_328 = tpu.memref_slice %arg2[%add3A_324, %dma_start3A_327] : memref<1024x100000xf32, #tpu.memory_space<hbm>> -> memref<8x6144xf32, #tpu.memory_space<hbm>>
    tpu.enqueue_dma source(%dma_start3A_328 : memref<8x6144xf32, #tpu.memory_space<hbm>>) target(%arg5 : memref<8x6144xf32, #tpu.memory_space<vmem>>) target_semaphore(%arg9 : memref<!tpu.dma_semaphore, #tpu.memory_space<semaphore_mem>>)
    %dma_wait3A_329 = arith.constant 98304 : i32
    %dma_wait3A_330 = tpu.memref_slice %arg2[%add3A_304, %dma_wait3A_329] : memref<1024x100000xf32, #tpu.memory_space<hbm>> -> memref<8x1696xf32, #tpu.memory_space<hbm>>
    %dma_wait3A_331 = arith.constant 98304 : i32
    %dma_wait3A_332 = tpu.memref_slice %arg2[%add3A_304, %dma_wait3A_331] : memref<1024x100000xf32, #tpu.memory_space<hbm>> -> memref<8x1696xf32, #tpu.memory_space<hbm>>
    tpu.wait_dma2 semaphore(%arg11 : memref<!tpu.dma_semaphore, #tpu.memory_space<semaphore_mem>>) src(%dma_wait3A_332 : memref<8x1696xf32, #tpu.memory_space<hbm>>) dst(%arg7 : memref<8x1696xf32, #tpu.memory_space<vmem>>)
    %add3A_333 = arith.constant 0 : i32
    %add3A_334 = arith.addi %mul3A_2, %add3A_333 : i32
    %dma_start3A_335 = arith.constant 98304 : i32
    %dma_start3A_336 = tpu.memref_slice %arg4[%add3A_334, %dma_start3A_335] : memref<1024x100000xf32, #tpu.memory_space<hbm>> -> memref<8x1696xf32, #tpu.memory_space<hbm>>
    %dma_start3A_337 = arith.constant 98304 : i32
    %dma_start3A_338 = tpu.memref_slice %arg4[%add3A_334, %dma_start3A_337] : memref<1024x100000xf32, #tpu.memory_space<hbm>> -> memref<8x1696xf32, #tpu.memory_space<hbm>>
    tpu.enqueue_dma source(%arg7 : memref<8x1696xf32, #tpu.memory_space<vmem>>) target(%dma_start3A_338 : memref<8x1696xf32, #tpu.memory_space<hbm>>) target_semaphore(%arg14 : memref<!tpu.dma_semaphore, #tpu.memory_space<semaphore_mem>>)
    %dma_wait3A_339 = arith.constant 92160 : i32
    %dma_wait3A_340 = tpu.memref_slice %arg4[%add3A_314, %dma_wait3A_339] : memref<1024x100000xf32, #tpu.memory_space<hbm>> -> memref<8x6144xf32, #tpu.memory_space<hbm>>
    %dma_wait3A_341 = arith.constant 92160 : i32
    %dma_wait3A_342 = tpu.memref_slice %arg4[%add3A_314, %dma_wait3A_341] : memref<1024x100000xf32, #tpu.memory_space<hbm>> -> memref<8x6144xf32, #tpu.memory_space<hbm>>
    tpu.wait_dma2 semaphore(%arg13 : memref<!tpu.dma_semaphore, #tpu.memory_space<semaphore_mem>>) src(%arg6 : memref<8x6144xf32, #tpu.memory_space<vmem>>) dst(%dma_wait3A_342 : memref<8x6144xf32, #tpu.memory_space<hbm>>)
    %add3A_343 = arith.constant 8 : i32
    %add3A_344 = arith.addi %mul3A_2, %add3A_343 : i32
    %dma_start3A_345 = arith.constant 6144 : i32
    %dma_start3A_346 = tpu.memref_slice %arg2[%add3A_344, %dma_start3A_345] : memref<1024x100000xf32, #tpu.memory_space<hbm>> -> memref<8x6144xf32, #tpu.memory_space<hbm>>
    %dma_start3A_347 = arith.constant 6144 : i32
    %dma_start3A_348 = tpu.memref_slice %arg2[%add3A_344, %dma_start3A_347] : memref<1024x100000xf32, #tpu.memory_space<hbm>> -> memref<8x6144xf32, #tpu.memory_space<hbm>>
    tpu.enqueue_dma source(%dma_start3A_348 : memref<8x6144xf32, #tpu.memory_space<hbm>>) target(%arg6 : memref<8x6144xf32, #tpu.memory_space<vmem>>) target_semaphore(%arg10 : memref<!tpu.dma_semaphore, #tpu.memory_space<semaphore_mem>>)
    %dma_wait3A_349 = arith.constant 0 : i32
    %dma_wait3A_350 = tpu.memref_slice %arg2[%add3A_324, %dma_wait3A_349] : memref<1024x100000xf32, #tpu.memory_space<hbm>> -> memref<8x6144xf32, #tpu.memory_space<hbm>>
    %dma_wait3A_351 = arith.constant 0 : i32
    %dma_wait3A_352 = tpu.memref_slice %arg2[%add3A_324, %dma_wait3A_351] : memref<1024x100000xf32, #tpu.memory_space<hbm>> -> memref<8x6144xf32, #tpu.memory_space<hbm>>
    tpu.wait_dma2 semaphore(%arg9 : memref<!tpu.dma_semaphore, #tpu.memory_space<semaphore_mem>>) src(%dma_wait3A_352 : memref<8x6144xf32, #tpu.memory_space<hbm>>) dst(%arg5 : memref<8x6144xf32, #tpu.memory_space<vmem>>)
    %add3A_353 = arith.constant 8 : i32
    %add3A_354 = arith.addi %mul3A_2, %add3A_353 : i32
    %dma_start3A_355 = arith.constant 0 : i32
    %dma_start3A_356 = tpu.memref_slice %arg4[%add3A_354, %dma_start3A_355] : memref<1024x100000xf32, #tpu.memory_space<hbm>> -> memref<8x6144xf32, #tpu.memory_space<hbm>>
    %dma_start3A_357 = arith.constant 0 : i32
    %dma_start3A_358 = tpu.memref_slice %arg4[%add3A_354, %dma_start3A_357] : memref<1024x100000xf32, #tpu.memory_space<hbm>> -> memref<8x6144xf32, #tpu.memory_space<hbm>>
    tpu.enqueue_dma source(%arg5 : memref<8x6144xf32, #tpu.memory_space<vmem>>) target(%dma_start3A_358 : memref<8x6144xf32, #tpu.memory_space<hbm>>) target_semaphore(%arg12 : memref<!tpu.dma_semaphore, #tpu.memory_space<semaphore_mem>>)
    %dma_wait3A_359 = arith.constant 0 : i32
    %dma_wait3A_360 = tpu.memref_slice %arg4[%add3A_354, %dma_wait3A_359] : memref<1024x100000xf32, #tpu.memory_space<hbm>> -> memref<8x6144xf32, #tpu.memory_space<hbm>>
    %dma_wait3A_361 = arith.constant 0 : i32
    %dma_wait3A_362 = tpu.memref_slice %arg4[%add3A_354, %dma_wait3A_361] : memref<1024x100000xf32, #tpu.memory_space<hbm>> -> memref<8x6144xf32, #tpu.memory_space<hbm>>
    tpu.wait_dma2 semaphore(%arg12 : memref<!tpu.dma_semaphore, #tpu.memory_space<semaphore_mem>>) src(%arg5 : memref<8x6144xf32, #tpu.memory_space<vmem>>) dst(%dma_wait3A_362 : memref<8x6144xf32, #tpu.memory_space<hbm>>)
    %add3A_363 = arith.constant 8 : i32
    %add3A_364 = arith.addi %mul3A_2, %add3A_363 : i32
    %dma_start3A_365 = arith.constant 12288 : i32
    %dma_start3A_366 = tpu.memref_slice %arg2[%add3A_364, %dma_start3A_365] : memref<1024x100000xf32, #tpu.memory_space<hbm>> -> memref<8x6144xf32, #tpu.memory_space<hbm>>
    %dma_start3A_367 = arith.constant 12288 : i32
    %dma_start3A_368 = tpu.memref_slice %arg2[%add3A_364, %dma_start3A_367] : memref<1024x100000xf32, #tpu.memory_space<hbm>> -> memref<8x6144xf32, #tpu.memory_space<hbm>>
    tpu.enqueue_dma source(%dma_start3A_368 : memref<8x6144xf32, #tpu.memory_space<hbm>>) target(%arg5 : memref<8x6144xf32, #tpu.memory_space<vmem>>) target_semaphore(%arg9 : memref<!tpu.dma_semaphore, #tpu.memory_space<semaphore_mem>>)
    %dma_wait3A_369 = arith.constant 6144 : i32
    %dma_wait3A_370 = tpu.memref_slice %arg2[%add3A_344, %dma_wait3A_369] : memref<1024x100000xf32, #tpu.memory_space<hbm>> -> memref<8x6144xf32, #tpu.memory_space<hbm>>
    %dma_wait3A_371 = arith.constant 6144 : i32
    %dma_wait3A_372 = tpu.memref_slice %arg2[%add3A_344, %dma_wait3A_371] : memref<1024x100000xf32, #tpu.memory_space<hbm>> -> memref<8x6144xf32, #tpu.memory_space<hbm>>
    tpu.wait_dma2 semaphore(%arg10 : memref<!tpu.dma_semaphore, #tpu.memory_space<semaphore_mem>>) src(%dma_wait3A_372 : memref<8x6144xf32, #tpu.memory_space<hbm>>) dst(%arg6 : memref<8x6144xf32, #tpu.memory_space<vmem>>)
    %add3A_373 = arith.constant 8 : i32
    %add3A_374 = arith.addi %mul3A_2, %add3A_373 : i32
    %dma_start3A_375 = arith.constant 6144 : i32
    %dma_start3A_376 = tpu.memref_slice %arg4[%add3A_374, %dma_start3A_375] : memref<1024x100000xf32, #tpu.memory_space<hbm>> -> memref<8x6144xf32, #tpu.memory_space<hbm>>
    %dma_start3A_377 = arith.constant 6144 : i32
    %dma_start3A_378 = tpu.memref_slice %arg4[%add3A_374, %dma_start3A_377] : memref<1024x100000xf32, #tpu.memory_space<hbm>> -> memref<8x6144xf32, #tpu.memory_space<hbm>>
    tpu.enqueue_dma source(%arg6 : memref<8x6144xf32, #tpu.memory_space<vmem>>) target(%dma_start3A_378 : memref<8x6144xf32, #tpu.memory_space<hbm>>) target_semaphore(%arg13 : memref<!tpu.dma_semaphore, #tpu.memory_space<semaphore_mem>>)
    %dma_wait3A_379 = arith.constant 6144 : i32
    %dma_wait3A_380 = tpu.memref_slice %arg4[%add3A_374, %dma_wait3A_379] : memref<1024x100000xf32, #tpu.memory_space<hbm>> -> memref<8x6144xf32, #tpu.memory_space<hbm>>
    %dma_wait3A_381 = arith.constant 6144 : i32
    %dma_wait3A_382 = tpu.memref_slice %arg4[%add3A_374, %dma_wait3A_381] : memref<1024x100000xf32, #tpu.memory_space<hbm>> -> memref<8x6144xf32, #tpu.memory_space<hbm>>
    tpu.wait_dma2 semaphore(%arg13 : memref<!tpu.dma_semaphore, #tpu.memory_space<semaphore_mem>>) src(%arg6 : memref<8x6144xf32, #tpu.memory_space<vmem>>) dst(%dma_wait3A_382 : memref<8x6144xf32, #tpu.memory_space<hbm>>)
    %add3A_383 = arith.constant 8 : i32
    %add3A_384 = arith.addi %mul3A_2, %add3A_383 : i32
    %dma_start3A_385 = arith.constant 18432 : i32
    %dma_start3A_386 = tpu.memref_slice %arg2[%add3A_384, %dma_start3A_385] : memref<1024x100000xf32, #tpu.memory_space<hbm>> -> memref<8x6144xf32, #tpu.memory_space<hbm>>
    %dma_start3A_387 = arith.constant 18432 : i32
    %dma_start3A_388 = tpu.memref_slice %arg2[%add3A_384, %dma_start3A_387] : memref<1024x100000xf32, #tpu.memory_space<hbm>> -> memref<8x6144xf32, #tpu.memory_space<hbm>>
    tpu.enqueue_dma source(%dma_start3A_388 : memref<8x6144xf32, #tpu.memory_space<hbm>>) target(%arg6 : memref<8x6144xf32, #tpu.memory_space<vmem>>) target_semaphore(%arg10 : memref<!tpu.dma_semaphore, #tpu.memory_space<semaphore_mem>>)
    %dma_wait3A_389 = arith.constant 12288 : i32
    %dma_wait3A_390 = tpu.memref_slice %arg2[%add3A_364, %dma_wait3A_389] : memref<1024x100000xf32, #tpu.memory_space<hbm>> -> memref<8x6144xf32, #tpu.memory_space<hbm>>
    %dma_wait3A_391 = arith.constant 12288 : i32
    %dma_wait3A_392 = tpu.memref_slice %arg2[%add3A_364, %dma_wait3A_391] : memref<1024x100000xf32, #tpu.memory_space<hbm>> -> memref<8x6144xf32, #tpu.memory_space<hbm>>
    tpu.wait_dma2 semaphore(%arg9 : memref<!tpu.dma_semaphore, #tpu.memory_space<semaphore_mem>>) src(%dma_wait3A_392 : memref<8x6144xf32, #tpu.memory_space<hbm>>) dst(%arg5 : memref<8x6144xf32, #tpu.memory_space<vmem>>)
    %add3A_393 = arith.constant 8 : i32
    %add3A_394 = arith.addi %mul3A_2, %add3A_393 : i32
    %dma_start3A_395 = arith.constant 12288 : i32
    %dma_start3A_396 = tpu.memref_slice %arg4[%add3A_394, %dma_start3A_395] : memref<1024x100000xf32, #tpu.memory_space<hbm>> -> memref<8x6144xf32, #tpu.memory_space<hbm>>
    %dma_start3A_397 = arith.constant 12288 : i32
    %dma_start3A_398 = tpu.memref_slice %arg4[%add3A_394, %dma_start3A_397] : memref<1024x100000xf32, #tpu.memory_space<hbm>> -> memref<8x6144xf32, #tpu.memory_space<hbm>>
    tpu.enqueue_dma source(%arg5 : memref<8x6144xf32, #tpu.memory_space<vmem>>) target(%dma_start3A_398 : memref<8x6144xf32, #tpu.memory_space<hbm>>) target_semaphore(%arg12 : memref<!tpu.dma_semaphore, #tpu.memory_space<semaphore_mem>>)
    %dma_wait3A_399 = arith.constant 12288 : i32
    %dma_wait3A_400 = tpu.memref_slice %arg4[%add3A_394, %dma_wait3A_399] : memref<1024x100000xf32, #tpu.memory_space<hbm>> -> memref<8x6144xf32, #tpu.memory_space<hbm>>
    %dma_wait3A_401 = arith.constant 12288 : i32
    %dma_wait3A_402 = tpu.memref_slice %arg4[%add3A_394, %dma_wait3A_401] : memref<1024x100000xf32, #tpu.memory_space<hbm>> -> memref<8x6144xf32, #tpu.memory_space<hbm>>
    tpu.wait_dma2 semaphore(%arg12 : memref<!tpu.dma_semaphore, #tpu.memory_space<semaphore_mem>>) src(%arg5 : memref<8x6144xf32, #tpu.memory_space<vmem>>) dst(%dma_wait3A_402 : memref<8x6144xf32, #tpu.memory_space<hbm>>)
    %add3A_403 = arith.constant 8 : i32
    %add3A_404 = arith.addi %mul3A_2, %add3A_403 : i32
    %dma_start3A_405 = arith.constant 24576 : i32
    %dma_start3A_406 = tpu.memref_slice %arg2[%add3A_404, %dma_start3A_405] : memref<1024x100000xf32, #tpu.memory_space<hbm>> -> memref<8x6144xf32, #tpu.memory_space<hbm>>
    %dma_start3A_407 = arith.constant 24576 : i32
    %dma_start3A_408 = tpu.memref_slice %arg2[%add3A_404, %dma_start3A_407] : memref<1024x100000xf32, #tpu.memory_space<hbm>> -> memref<8x6144xf32, #tpu.memory_space<hbm>>
    tpu.enqueue_dma source(%dma_start3A_408 : memref<8x6144xf32, #tpu.memory_space<hbm>>) target(%arg5 : memref<8x6144xf32, #tpu.memory_space<vmem>>) target_semaphore(%arg9 : memref<!tpu.dma_semaphore, #tpu.memory_space<semaphore_mem>>)
    %dma_wait3A_409 = arith.constant 18432 : i32
    %dma_wait3A_410 = tpu.memref_slice %arg2[%add3A_384, %dma_wait3A_409] : memref<1024x100000xf32, #tpu.memory_space<hbm>> -> memref<8x6144xf32, #tpu.memory_space<hbm>>
    %dma_wait3A_411 = arith.constant 18432 : i32
    %dma_wait3A_412 = tpu.memref_slice %arg2[%add3A_384, %dma_wait3A_411] : memref<1024x100000xf32, #tpu.memory_space<hbm>> -> memref<8x6144xf32, #tpu.memory_space<hbm>>
    tpu.wait_dma2 semaphore(%arg10 : memref<!tpu.dma_semaphore, #tpu.memory_space<semaphore_mem>>) src(%dma_wait3A_412 : memref<8x6144xf32, #tpu.memory_space<hbm>>) dst(%arg6 : memref<8x6144xf32, #tpu.memory_space<vmem>>)
    %add3A_413 = arith.constant 8 : i32
    %add3A_414 = arith.addi %mul3A_2, %add3A_413 : i32
    %dma_start3A_415 = arith.constant 18432 : i32
    %dma_start3A_416 = tpu.memref_slice %arg4[%add3A_414, %dma_start3A_415] : memref<1024x100000xf32, #tpu.memory_space<hbm>> -> memref<8x6144xf32, #tpu.memory_space<hbm>>
    %dma_start3A_417 = arith.constant 18432 : i32
    %dma_start3A_418 = tpu.memref_slice %arg4[%add3A_414, %dma_start3A_417] : memref<1024x100000xf32, #tpu.memory_space<hbm>> -> memref<8x6144xf32, #tpu.memory_space<hbm>>
    tpu.enqueue_dma source(%arg6 : memref<8x6144xf32, #tpu.memory_space<vmem>>) target(%dma_start3A_418 : memref<8x6144xf32, #tpu.memory_space<hbm>>) target_semaphore(%arg13 : memref<!tpu.dma_semaphore, #tpu.memory_space<semaphore_mem>>)
    %dma_wait3A_419 = arith.constant 18432 : i32
    %dma_wait3A_420 = tpu.memref_slice %arg4[%add3A_414, %dma_wait3A_419] : memref<1024x100000xf32, #tpu.memory_space<hbm>> -> memref<8x6144xf32, #tpu.memory_space<hbm>>
    %dma_wait3A_421 = arith.constant 18432 : i32
    %dma_wait3A_422 = tpu.memref_slice %arg4[%add3A_414, %dma_wait3A_421] : memref<1024x100000xf32, #tpu.memory_space<hbm>> -> memref<8x6144xf32, #tpu.memory_space<hbm>>
    tpu.wait_dma2 semaphore(%arg13 : memref<!tpu.dma_semaphore, #tpu.memory_space<semaphore_mem>>) src(%arg6 : memref<8x6144xf32, #tpu.memory_space<vmem>>) dst(%dma_wait3A_422 : memref<8x6144xf32, #tpu.memory_space<hbm>>)
    %add3A_423 = arith.constant 8 : i32
    %add3A_424 = arith.addi %mul3A_2, %add3A_423 : i32
    %dma_start3A_425 = arith.constant 30720 : i32
    %dma_start3A_426 = tpu.memref_slice %arg2[%add3A_424, %dma_start3A_425] : memref<1024x100000xf32, #tpu.memory_space<hbm>> -> memref<8x6144xf32, #tpu.memory_space<hbm>>
    %dma_start3A_427 = arith.constant 30720 : i32
    %dma_start3A_428 = tpu.memref_slice %arg2[%add3A_424, %dma_start3A_427] : memref<1024x100000xf32, #tpu.memory_space<hbm>> -> memref<8x6144xf32, #tpu.memory_space<hbm>>
    tpu.enqueue_dma source(%dma_start3A_428 : memref<8x6144xf32, #tpu.memory_space<hbm>>) target(%arg6 : memref<8x6144xf32, #tpu.memory_space<vmem>>) target_semaphore(%arg10 : memref<!tpu.dma_semaphore, #tpu.memory_space<semaphore_mem>>)
    %dma_wait3A_429 = arith.constant 24576 : i32
    %dma_wait3A_430 = tpu.memref_slice %arg2[%add3A_404, %dma_wait3A_429] : memref<1024x100000xf32, #tpu.memory_space<hbm>> -> memref<8x6144xf32, #tpu.memory_space<hbm>>
    %dma_wait3A_431 = arith.constant 24576 : i32
    %dma_wait3A_432 = tpu.memref_slice %arg2[%add3A_404, %dma_wait3A_431] : memref<1024x100000xf32, #tpu.memory_space<hbm>> -> memref<8x6144xf32, #tpu.memory_space<hbm>>
    tpu.wait_dma2 semaphore(%arg9 : memref<!tpu.dma_semaphore, #tpu.memory_space<semaphore_mem>>) src(%dma_wait3A_432 : memref<8x6144xf32, #tpu.memory_space<hbm>>) dst(%arg5 : memref<8x6144xf32, #tpu.memory_space<vmem>>)
    %add3A_433 = arith.constant 8 : i32
    %add3A_434 = arith.addi %mul3A_2, %add3A_433 : i32
    %dma_start3A_435 = arith.constant 24576 : i32
    %dma_start3A_436 = tpu.memref_slice %arg4[%add3A_434, %dma_start3A_435] : memref<1024x100000xf32, #tpu.memory_space<hbm>> -> memref<8x6144xf32, #tpu.memory_space<hbm>>
    %dma_start3A_437 = arith.constant 24576 : i32
    %dma_start3A_438 = tpu.memref_slice %arg4[%add3A_434, %dma_start3A_437] : memref<1024x100000xf32, #tpu.memory_space<hbm>> -> memref<8x6144xf32, #tpu.memory_space<hbm>>
    tpu.enqueue_dma source(%arg5 : memref<8x6144xf32, #tpu.memory_space<vmem>>) target(%dma_start3A_438 : memref<8x6144xf32, #tpu.memory_space<hbm>>) target_semaphore(%arg12 : memref<!tpu.dma_semaphore, #tpu.memory_space<semaphore_mem>>)
    %dma_wait3A_439 = arith.constant 24576 : i32
    %dma_wait3A_440 = tpu.memref_slice %arg4[%add3A_434, %dma_wait3A_439] : memref<1024x100000xf32, #tpu.memory_space<hbm>> -> memref<8x6144xf32, #tpu.memory_space<hbm>>
    %dma_wait3A_441 = arith.constant 24576 : i32
    %dma_wait3A_442 = tpu.memref_slice %arg4[%add3A_434, %dma_wait3A_441] : memref<1024x100000xf32, #tpu.memory_space<hbm>> -> memref<8x6144xf32, #tpu.memory_space<hbm>>
    tpu.wait_dma2 semaphore(%arg12 : memref<!tpu.dma_semaphore, #tpu.memory_space<semaphore_mem>>) src(%arg5 : memref<8x6144xf32, #tpu.memory_space<vmem>>) dst(%dma_wait3A_442 : memref<8x6144xf32, #tpu.memory_space<hbm>>)
    %add3A_443 = arith.constant 8 : i32
    %add3A_444 = arith.addi %mul3A_2, %add3A_443 : i32
    %dma_start3A_445 = arith.constant 36864 : i32
    %dma_start3A_446 = tpu.memref_slice %arg2[%add3A_444, %dma_start3A_445] : memref<1024x100000xf32, #tpu.memory_space<hbm>> -> memref<8x6144xf32, #tpu.memory_space<hbm>>
    %dma_start3A_447 = arith.constant 36864 : i32
    %dma_start3A_448 = tpu.memref_slice %arg2[%add3A_444, %dma_start3A_447] : memref<1024x100000xf32, #tpu.memory_space<hbm>> -> memref<8x6144xf32, #tpu.memory_space<hbm>>
    tpu.enqueue_dma source(%dma_start3A_448 : memref<8x6144xf32, #tpu.memory_space<hbm>>) target(%arg5 : memref<8x6144xf32, #tpu.memory_space<vmem>>) target_semaphore(%arg9 : memref<!tpu.dma_semaphore, #tpu.memory_space<semaphore_mem>>)
    %dma_wait3A_449 = arith.constant 30720 : i32
    %dma_wait3A_450 = tpu.memref_slice %arg2[%add3A_424, %dma_wait3A_449] : memref<1024x100000xf32, #tpu.memory_space<hbm>> -> memref<8x6144xf32, #tpu.memory_space<hbm>>
    %dma_wait3A_451 = arith.constant 30720 : i32
    %dma_wait3A_452 = tpu.memref_slice %arg2[%add3A_424, %dma_wait3A_451] : memref<1024x100000xf32, #tpu.memory_space<hbm>> -> memref<8x6144xf32, #tpu.memory_space<hbm>>
    tpu.wait_dma2 semaphore(%arg10 : memref<!tpu.dma_semaphore, #tpu.memory_space<semaphore_mem>>) src(%dma_wait3A_452 : memref<8x6144xf32, #tpu.memory_space<hbm>>) dst(%arg6 : memref<8x6144xf32, #tpu.memory_space<vmem>>)
    %add3A_453 = arith.constant 8 : i32
    %add3A_454 = arith.addi %mul3A_2, %add3A_453 : i32
    %dma_start3A_455 = arith.constant 30720 : i32
    %dma_start3A_456 = tpu.memref_slice %arg4[%add3A_454, %dma_start3A_455] : memref<1024x100000xf32, #tpu.memory_space<hbm>> -> memref<8x6144xf32, #tpu.memory_space<hbm>>
    %dma_start3A_457 = arith.constant 30720 : i32
    %dma_start3A_458 = tpu.memref_slice %arg4[%add3A_454, %dma_start3A_457] : memref<1024x100000xf32, #tpu.memory_space<hbm>> -> memref<8x6144xf32, #tpu.memory_space<hbm>>
    tpu.enqueue_dma source(%arg6 : memref<8x6144xf32, #tpu.memory_space<vmem>>) target(%dma_start3A_458 : memref<8x6144xf32, #tpu.memory_space<hbm>>) target_semaphore(%arg13 : memref<!tpu.dma_semaphore, #tpu.memory_space<semaphore_mem>>)
    %dma_wait3A_459 = arith.constant 30720 : i32
    %dma_wait3A_460 = tpu.memref_slice %arg4[%add3A_454, %dma_wait3A_459] : memref<1024x100000xf32, #tpu.memory_space<hbm>> -> memref<8x6144xf32, #tpu.memory_space<hbm>>
    %dma_wait3A_461 = arith.constant 30720 : i32
    %dma_wait3A_462 = tpu.memref_slice %arg4[%add3A_454, %dma_wait3A_461] : memref<1024x100000xf32, #tpu.memory_space<hbm>> -> memref<8x6144xf32, #tpu.memory_space<hbm>>
    tpu.wait_dma2 semaphore(%arg13 : memref<!tpu.dma_semaphore, #tpu.memory_space<semaphore_mem>>) src(%arg6 : memref<8x6144xf32, #tpu.memory_space<vmem>>) dst(%dma_wait3A_462 : memref<8x6144xf32, #tpu.memory_space<hbm>>)
    %add3A_463 = arith.constant 8 : i32
    %add3A_464 = arith.addi %mul3A_2, %add3A_463 : i32
    %dma_start3A_465 = arith.constant 43008 : i32
    %dma_start3A_466 = tpu.memref_slice %arg2[%add3A_464, %dma_start3A_465] : memref<1024x100000xf32, #tpu.memory_space<hbm>> -> memref<8x6144xf32, #tpu.memory_space<hbm>>
    %dma_start3A_467 = arith.constant 43008 : i32
    %dma_start3A_468 = tpu.memref_slice %arg2[%add3A_464, %dma_start3A_467] : memref<1024x100000xf32, #tpu.memory_space<hbm>> -> memref<8x6144xf32, #tpu.memory_space<hbm>>
    tpu.enqueue_dma source(%dma_start3A_468 : memref<8x6144xf32, #tpu.memory_space<hbm>>) target(%arg6 : memref<8x6144xf32, #tpu.memory_space<vmem>>) target_semaphore(%arg10 : memref<!tpu.dma_semaphore, #tpu.memory_space<semaphore_mem>>)
    %dma_wait3A_469 = arith.constant 36864 : i32
    %dma_wait3A_470 = tpu.memref_slice %arg2[%add3A_444, %dma_wait3A_469] : memref<1024x100000xf32, #tpu.memory_space<hbm>> -> memref<8x6144xf32, #tpu.memory_space<hbm>>
    %dma_wait3A_471 = arith.constant 36864 : i32
    %dma_wait3A_472 = tpu.memref_slice %arg2[%add3A_444, %dma_wait3A_471] : memref<1024x100000xf32, #tpu.memory_space<hbm>> -> memref<8x6144xf32, #tpu.memory_space<hbm>>
    tpu.wait_dma2 semaphore(%arg9 : memref<!tpu.dma_semaphore, #tpu.memory_space<semaphore_mem>>) src(%dma_wait3A_472 : memref<8x6144xf32, #tpu.memory_space<hbm>>) dst(%arg5 : memref<8x6144xf32, #tpu.memory_space<vmem>>)
    %add3A_473 = arith.constant 8 : i32
    %add3A_474 = arith.addi %mul3A_2, %add3A_473 : i32
    %dma_start3A_475 = arith.constant 36864 : i32
    %dma_start3A_476 = tpu.memref_slice %arg4[%add3A_474, %dma_start3A_475] : memref<1024x100000xf32, #tpu.memory_space<hbm>> -> memref<8x6144xf32, #tpu.memory_space<hbm>>
    %dma_start3A_477 = arith.constant 36864 : i32
    %dma_start3A_478 = tpu.memref_slice %arg4[%add3A_474, %dma_start3A_477] : memref<1024x100000xf32, #tpu.memory_space<hbm>> -> memref<8x6144xf32, #tpu.memory_space<hbm>>
    tpu.enqueue_dma source(%arg5 : memref<8x6144xf32, #tpu.memory_space<vmem>>) target(%dma_start3A_478 : memref<8x6144xf32, #tpu.memory_space<hbm>>) target_semaphore(%arg12 : memref<!tpu.dma_semaphore, #tpu.memory_space<semaphore_mem>>)
    %dma_wait3A_479 = arith.constant 36864 : i32
    %dma_wait3A_480 = tpu.memref_slice %arg4[%add3A_474, %dma_wait3A_479] : memref<1024x100000xf32, #tpu.memory_space<hbm>> -> memref<8x6144xf32, #tpu.memory_space<hbm>>
    %dma_wait3A_481 = arith.constant 36864 : i32
    %dma_wait3A_482 = tpu.memref_slice %arg4[%add3A_474, %dma_wait3A_481] : memref<1024x100000xf32, #tpu.memory_space<hbm>> -> memref<8x6144xf32, #tpu.memory_space<hbm>>
    tpu.wait_dma2 semaphore(%arg12 : memref<!tpu.dma_semaphore, #tpu.memory_space<semaphore_mem>>) src(%arg5 : memref<8x6144xf32, #tpu.memory_space<vmem>>) dst(%dma_wait3A_482 : memref<8x6144xf32, #tpu.memory_space<hbm>>)
    %add3A_483 = arith.constant 8 : i32
    %add3A_484 = arith.addi %mul3A_2, %add3A_483 : i32
    %dma_start3A_485 = arith.constant 49152 : i32
    %dma_start3A_486 = tpu.memref_slice %arg2[%add3A_484, %dma_start3A_485] : memref<1024x100000xf32, #tpu.memory_space<hbm>> -> memref<8x6144xf32, #tpu.memory_space<hbm>>
    %dma_start3A_487 = arith.constant 49152 : i32
    %dma_start3A_488 = tpu.memref_slice %arg2[%add3A_484, %dma_start3A_487] : memref<1024x100000xf32, #tpu.memory_space<hbm>> -> memref<8x6144xf32, #tpu.memory_space<hbm>>
    tpu.enqueue_dma source(%dma_start3A_488 : memref<8x6144xf32, #tpu.memory_space<hbm>>) target(%arg5 : memref<8x6144xf32, #tpu.memory_space<vmem>>) target_semaphore(%arg9 : memref<!tpu.dma_semaphore, #tpu.memory_space<semaphore_mem>>)
    %dma_wait3A_489 = arith.constant 43008 : i32
    %dma_wait3A_490 = tpu.memref_slice %arg2[%add3A_464, %dma_wait3A_489] : memref<1024x100000xf32, #tpu.memory_space<hbm>> -> memref<8x6144xf32, #tpu.memory_space<hbm>>
    %dma_wait3A_491 = arith.constant 43008 : i32
    %dma_wait3A_492 = tpu.memref_slice %arg2[%add3A_464, %dma_wait3A_491] : memref<1024x100000xf32, #tpu.memory_space<hbm>> -> memref<8x6144xf32, #tpu.memory_space<hbm>>
    tpu.wait_dma2 semaphore(%arg10 : memref<!tpu.dma_semaphore, #tpu.memory_space<semaphore_mem>>) src(%dma_wait3A_492 : memref<8x6144xf32, #tpu.memory_space<hbm>>) dst(%arg6 : memref<8x6144xf32, #tpu.memory_space<vmem>>)
    %add3A_493 = arith.constant 8 : i32
    %add3A_494 = arith.addi %mul3A_2, %add3A_493 : i32
    %dma_start3A_495 = arith.constant 43008 : i32
    %dma_start3A_496 = tpu.memref_slice %arg4[%add3A_494, %dma_start3A_495] : memref<1024x100000xf32, #tpu.memory_space<hbm>> -> memref<8x6144xf32, #tpu.memory_space<hbm>>
    %dma_start3A_497 = arith.constant 43008 : i32
    %dma_start3A_498 = tpu.memref_slice %arg4[%add3A_494, %dma_start3A_497] : memref<1024x100000xf32, #tpu.memory_space<hbm>> -> memref<8x6144xf32, #tpu.memory_space<hbm>>
    tpu.enqueue_dma source(%arg6 : memref<8x6144xf32, #tpu.memory_space<vmem>>) target(%dma_start3A_498 : memref<8x6144xf32, #tpu.memory_space<hbm>>) target_semaphore(%arg13 : memref<!tpu.dma_semaphore, #tpu.memory_space<semaphore_mem>>)
    %dma_wait3A_499 = arith.constant 43008 : i32
    %dma_wait3A_500 = tpu.memref_slice %arg4[%add3A_494, %dma_wait3A_499] : memref<1024x100000xf32, #tpu.memory_space<hbm>> -> memref<8x6144xf32, #tpu.memory_space<hbm>>
    %dma_wait3A_501 = arith.constant 43008 : i32
    %dma_wait3A_502 = tpu.memref_slice %arg4[%add3A_494, %dma_wait3A_501] : memref<1024x100000xf32, #tpu.memory_space<hbm>> -> memref<8x6144xf32, #tpu.memory_space<hbm>>
    tpu.wait_dma2 semaphore(%arg13 : memref<!tpu.dma_semaphore, #tpu.memory_space<semaphore_mem>>) src(%arg6 : memref<8x6144xf32, #tpu.memory_space<vmem>>) dst(%dma_wait3A_502 : memref<8x6144xf32, #tpu.memory_space<hbm>>)
    %add3A_503 = arith.constant 8 : i32
    %add3A_504 = arith.addi %mul3A_2, %add3A_503 : i32
    %dma_start3A_505 = arith.constant 55296 : i32
    %dma_start3A_506 = tpu.memref_slice %arg2[%add3A_504, %dma_start3A_505] : memref<1024x100000xf32, #tpu.memory_space<hbm>> -> memref<8x6144xf32, #tpu.memory_space<hbm>>
    %dma_start3A_507 = arith.constant 55296 : i32
    %dma_start3A_508 = tpu.memref_slice %arg2[%add3A_504, %dma_start3A_507] : memref<1024x100000xf32, #tpu.memory_space<hbm>> -> memref<8x6144xf32, #tpu.memory_space<hbm>>
    tpu.enqueue_dma source(%dma_start3A_508 : memref<8x6144xf32, #tpu.memory_space<hbm>>) target(%arg6 : memref<8x6144xf32, #tpu.memory_space<vmem>>) target_semaphore(%arg10 : memref<!tpu.dma_semaphore, #tpu.memory_space<semaphore_mem>>)
    %dma_wait3A_509 = arith.constant 49152 : i32
    %dma_wait3A_510 = tpu.memref_slice %arg2[%add3A_484, %dma_wait3A_509] : memref<1024x100000xf32, #tpu.memory_space<hbm>> -> memref<8x6144xf32, #tpu.memory_space<hbm>>
    %dma_wait3A_511 = arith.constant 49152 : i32
    %dma_wait3A_512 = tpu.memref_slice %arg2[%add3A_484, %dma_wait3A_511] : memref<1024x100000xf32, #tpu.memory_space<hbm>> -> memref<8x6144xf32, #tpu.memory_space<hbm>>
    tpu.wait_dma2 semaphore(%arg9 : memref<!tpu.dma_semaphore, #tpu.memory_space<semaphore_mem>>) src(%dma_wait3A_512 : memref<8x6144xf32, #tpu.memory_space<hbm>>) dst(%arg5 : memref<8x6144xf32, #tpu.memory_space<vmem>>)
    %add3A_513 = arith.constant 8 : i32
    %add3A_514 = arith.addi %mul3A_2, %add3A_513 : i32
    %dma_start3A_515 = arith.constant 49152 : i32
    %dma_start3A_516 = tpu.memref_slice %arg4[%add3A_514, %dma_start3A_515] : memref<1024x100000xf32, #tpu.memory_space<hbm>> -> memref<8x6144xf32, #tpu.memory_space<hbm>>
    %dma_start3A_517 = arith.constant 49152 : i32
    %dma_start3A_518 = tpu.memref_slice %arg4[%add3A_514, %dma_start3A_517] : memref<1024x100000xf32, #tpu.memory_space<hbm>> -> memref<8x6144xf32, #tpu.memory_space<hbm>>
    tpu.enqueue_dma source(%arg5 : memref<8x6144xf32, #tpu.memory_space<vmem>>) target(%dma_start3A_518 : memref<8x6144xf32, #tpu.memory_space<hbm>>) target_semaphore(%arg12 : memref<!tpu.dma_semaphore, #tpu.memory_space<semaphore_mem>>)
    %dma_wait3A_519 = arith.constant 49152 : i32
    %dma_wait3A_520 = tpu.memref_slice %arg4[%add3A_514, %dma_wait3A_519] : memref<1024x100000xf32, #tpu.memory_space<hbm>> -> memref<8x6144xf32, #tpu.memory_space<hbm>>
    %dma_wait3A_521 = arith.constant 49152 : i32
    %dma_wait3A_522 = tpu.memref_slice %arg4[%add3A_514, %dma_wait3A_521] : memref<1024x100000xf32, #tpu.memory_space<hbm>> -> memref<8x6144xf32, #tpu.memory_space<hbm>>
    tpu.wait_dma2 semaphore(%arg12 : memref<!tpu.dma_semaphore, #tpu.memory_space<semaphore_mem>>) src(%arg5 : memref<8x6144xf32, #tpu.memory_space<vmem>>) dst(%dma_wait3A_522 : memref<8x6144xf32, #tpu.memory_space<hbm>>)
    %add3A_523 = arith.constant 8 : i32
    %add3A_524 = arith.addi %mul3A_2, %add3A_523 : i32
    %dma_start3A_525 = arith.constant 61440 : i32
    %dma_start3A_526 = tpu.memref_slice %arg2[%add3A_524, %dma_start3A_525] : memref<1024x100000xf32, #tpu.memory_space<hbm>> -> memref<8x6144xf32, #tpu.memory_space<hbm>>
    %dma_start3A_527 = arith.constant 61440 : i32
    %dma_start3A_528 = tpu.memref_slice %arg2[%add3A_524, %dma_start3A_527] : memref<1024x100000xf32, #tpu.memory_space<hbm>> -> memref<8x6144xf32, #tpu.memory_space<hbm>>
    tpu.enqueue_dma source(%dma_start3A_528 : memref<8x6144xf32, #tpu.memory_space<hbm>>) target(%arg5 : memref<8x6144xf32, #tpu.memory_space<vmem>>) target_semaphore(%arg9 : memref<!tpu.dma_semaphore, #tpu.memory_space<semaphore_mem>>)
    %dma_wait3A_529 = arith.constant 55296 : i32
    %dma_wait3A_530 = tpu.memref_slice %arg2[%add3A_504, %dma_wait3A_529] : memref<1024x100000xf32, #tpu.memory_space<hbm>> -> memref<8x6144xf32, #tpu.memory_space<hbm>>
    %dma_wait3A_531 = arith.constant 55296 : i32
    %dma_wait3A_532 = tpu.memref_slice %arg2[%add3A_504, %dma_wait3A_531] : memref<1024x100000xf32, #tpu.memory_space<hbm>> -> memref<8x6144xf32, #tpu.memory_space<hbm>>
    tpu.wait_dma2 semaphore(%arg10 : memref<!tpu.dma_semaphore, #tpu.memory_space<semaphore_mem>>) src(%dma_wait3A_532 : memref<8x6144xf32, #tpu.memory_space<hbm>>) dst(%arg6 : memref<8x6144xf32, #tpu.memory_space<vmem>>)
    %add3A_533 = arith.constant 8 : i32
    %add3A_534 = arith.addi %mul3A_2, %add3A_533 : i32
    %dma_start3A_535 = arith.constant 55296 : i32
    %dma_start3A_536 = tpu.memref_slice %arg4[%add3A_534, %dma_start3A_535] : memref<1024x100000xf32, #tpu.memory_space<hbm>> -> memref<8x6144xf32, #tpu.memory_space<hbm>>
    %dma_start3A_537 = arith.constant 55296 : i32
    %dma_start3A_538 = tpu.memref_slice %arg4[%add3A_534, %dma_start3A_537] : memref<1024x100000xf32, #tpu.memory_space<hbm>> -> memref<8x6144xf32, #tpu.memory_space<hbm>>
    tpu.enqueue_dma source(%arg6 : memref<8x6144xf32, #tpu.memory_space<vmem>>) target(%dma_start3A_538 : memref<8x6144xf32, #tpu.memory_space<hbm>>) target_semaphore(%arg13 : memref<!tpu.dma_semaphore, #tpu.memory_space<semaphore_mem>>)
    %dma_wait3A_539 = arith.constant 55296 : i32
    %dma_wait3A_540 = tpu.memref_slice %arg4[%add3A_534, %dma_wait3A_539] : memref<1024x100000xf32, #tpu.memory_space<hbm>> -> memref<8x6144xf32, #tpu.memory_space<hbm>>
    %dma_wait3A_541 = arith.constant 55296 : i32
    %dma_wait3A_542 = tpu.memref_slice %arg4[%add3A_534, %dma_wait3A_541] : memref<1024x100000xf32, #tpu.memory_space<hbm>> -> memref<8x6144xf32, #tpu.memory_space<hbm>>
    tpu.wait_dma2 semaphore(%arg13 : memref<!tpu.dma_semaphore, #tpu.memory_space<semaphore_mem>>) src(%arg6 : memref<8x6144xf32, #tpu.memory_space<vmem>>) dst(%dma_wait3A_542 : memref<8x6144xf32, #tpu.memory_space<hbm>>)
    %add3A_543 = arith.constant 8 : i32
    %add3A_544 = arith.addi %mul3A_2, %add3A_543 : i32
    %dma_start3A_545 = arith.constant 67584 : i32
    %dma_start3A_546 = tpu.memref_slice %arg2[%add3A_544, %dma_start3A_545] : memref<1024x100000xf32, #tpu.memory_space<hbm>> -> memref<8x6144xf32, #tpu.memory_space<hbm>>
    %dma_start3A_547 = arith.constant 67584 : i32
    %dma_start3A_548 = tpu.memref_slice %arg2[%add3A_544, %dma_start3A_547] : memref<1024x100000xf32, #tpu.memory_space<hbm>> -> memref<8x6144xf32, #tpu.memory_space<hbm>>
    tpu.enqueue_dma source(%dma_start3A_548 : memref<8x6144xf32, #tpu.memory_space<hbm>>) target(%arg6 : memref<8x6144xf32, #tpu.memory_space<vmem>>) target_semaphore(%arg10 : memref<!tpu.dma_semaphore, #tpu.memory_space<semaphore_mem>>)
    %dma_wait3A_549 = arith.constant 61440 : i32
    %dma_wait3A_550 = tpu.memref_slice %arg2[%add3A_524, %dma_wait3A_549] : memref<1024x100000xf32, #tpu.memory_space<hbm>> -> memref<8x6144xf32, #tpu.memory_space<hbm>>
    %dma_wait3A_551 = arith.constant 61440 : i32
    %dma_wait3A_552 = tpu.memref_slice %arg2[%add3A_524, %dma_wait3A_551] : memref<1024x100000xf32, #tpu.memory_space<hbm>> -> memref<8x6144xf32, #tpu.memory_space<hbm>>
    tpu.wait_dma2 semaphore(%arg9 : memref<!tpu.dma_semaphore, #tpu.memory_space<semaphore_mem>>) src(%dma_wait3A_552 : memref<8x6144xf32, #tpu.memory_space<hbm>>) dst(%arg5 : memref<8x6144xf32, #tpu.memory_space<vmem>>)
    %add3A_553 = arith.constant 8 : i32
    %add3A_554 = arith.addi %mul3A_2, %add3A_553 : i32
    %dma_start3A_555 = arith.constant 61440 : i32
    %dma_start3A_556 = tpu.memref_slice %arg4[%add3A_554, %dma_start3A_555] : memref<1024x100000xf32, #tpu.memory_space<hbm>> -> memref<8x6144xf32, #tpu.memory_space<hbm>>
    %dma_start3A_557 = arith.constant 61440 : i32
    %dma_start3A_558 = tpu.memref_slice %arg4[%add3A_554, %dma_start3A_557] : memref<1024x100000xf32, #tpu.memory_space<hbm>> -> memref<8x6144xf32, #tpu.memory_space<hbm>>
    tpu.enqueue_dma source(%arg5 : memref<8x6144xf32, #tpu.memory_space<vmem>>) target(%dma_start3A_558 : memref<8x6144xf32, #tpu.memory_space<hbm>>) target_semaphore(%arg12 : memref<!tpu.dma_semaphore, #tpu.memory_space<semaphore_mem>>)
    %dma_wait3A_559 = arith.constant 61440 : i32
    %dma_wait3A_560 = tpu.memref_slice %arg4[%add3A_554, %dma_wait3A_559] : memref<1024x100000xf32, #tpu.memory_space<hbm>> -> memref<8x6144xf32, #tpu.memory_space<hbm>>
    %dma_wait3A_561 = arith.constant 61440 : i32
    %dma_wait3A_562 = tpu.memref_slice %arg4[%add3A_554, %dma_wait3A_561] : memref<1024x100000xf32, #tpu.memory_space<hbm>> -> memref<8x6144xf32, #tpu.memory_space<hbm>>
    tpu.wait_dma2 semaphore(%arg12 : memref<!tpu.dma_semaphore, #tpu.memory_space<semaphore_mem>>) src(%arg5 : memref<8x6144xf32, #tpu.memory_space<vmem>>) dst(%dma_wait3A_562 : memref<8x6144xf32, #tpu.memory_space<hbm>>)
    %add3A_563 = arith.constant 8 : i32
    %add3A_564 = arith.addi %mul3A_2, %add3A_563 : i32
    %dma_start3A_565 = arith.constant 73728 : i32
    %dma_start3A_566 = tpu.memref_slice %arg2[%add3A_564, %dma_start3A_565] : memref<1024x100000xf32, #tpu.memory_space<hbm>> -> memref<8x6144xf32, #tpu.memory_space<hbm>>
    %dma_start3A_567 = arith.constant 73728 : i32
    %dma_start3A_568 = tpu.memref_slice %arg2[%add3A_564, %dma_start3A_567] : memref<1024x100000xf32, #tpu.memory_space<hbm>> -> memref<8x6144xf32, #tpu.memory_space<hbm>>
    tpu.enqueue_dma source(%dma_start3A_568 : memref<8x6144xf32, #tpu.memory_space<hbm>>) target(%arg5 : memref<8x6144xf32, #tpu.memory_space<vmem>>) target_semaphore(%arg9 : memref<!tpu.dma_semaphore, #tpu.memory_space<semaphore_mem>>)
    %dma_wait3A_569 = arith.constant 67584 : i32
    %dma_wait3A_570 = tpu.memref_slice %arg2[%add3A_544, %dma_wait3A_569] : memref<1024x100000xf32, #tpu.memory_space<hbm>> -> memref<8x6144xf32, #tpu.memory_space<hbm>>
    %dma_wait3A_571 = arith.constant 67584 : i32
    %dma_wait3A_572 = tpu.memref_slice %arg2[%add3A_544, %dma_wait3A_571] : memref<1024x100000xf32, #tpu.memory_space<hbm>> -> memref<8x6144xf32, #tpu.memory_space<hbm>>
    tpu.wait_dma2 semaphore(%arg10 : memref<!tpu.dma_semaphore, #tpu.memory_space<semaphore_mem>>) src(%dma_wait3A_572 : memref<8x6144xf32, #tpu.memory_space<hbm>>) dst(%arg6 : memref<8x6144xf32, #tpu.memory_space<vmem>>)
    %add3A_573 = arith.constant 8 : i32
    %add3A_574 = arith.addi %mul3A_2, %add3A_573 : i32
    %dma_start3A_575 = arith.constant 67584 : i32
    %dma_start3A_576 = tpu.memref_slice %arg4[%add3A_574, %dma_start3A_575] : memref<1024x100000xf32, #tpu.memory_space<hbm>> -> memref<8x6144xf32, #tpu.memory_space<hbm>>
    %dma_start3A_577 = arith.constant 67584 : i32
    %dma_start3A_578 = tpu.memref_slice %arg4[%add3A_574, %dma_start3A_577] : memref<1024x100000xf32, #tpu.memory_space<hbm>> -> memref<8x6144xf32, #tpu.memory_space<hbm>>
    tpu.enqueue_dma source(%arg6 : memref<8x6144xf32, #tpu.memory_space<vmem>>) target(%dma_start3A_578 : memref<8x6144xf32, #tpu.memory_space<hbm>>) target_semaphore(%arg13 : memref<!tpu.dma_semaphore, #tpu.memory_space<semaphore_mem>>)
    %dma_wait3A_579 = arith.constant 67584 : i32
    %dma_wait3A_580 = tpu.memref_slice %arg4[%add3A_574, %dma_wait3A_579] : memref<1024x100000xf32, #tpu.memory_space<hbm>> -> memref<8x6144xf32, #tpu.memory_space<hbm>>
    %dma_wait3A_581 = arith.constant 67584 : i32
    %dma_wait3A_582 = tpu.memref_slice %arg4[%add3A_574, %dma_wait3A_581] : memref<1024x100000xf32, #tpu.memory_space<hbm>> -> memref<8x6144xf32, #tpu.memory_space<hbm>>
    tpu.wait_dma2 semaphore(%arg13 : memref<!tpu.dma_semaphore, #tpu.memory_space<semaphore_mem>>) src(%arg6 : memref<8x6144xf32, #tpu.memory_space<vmem>>) dst(%dma_wait3A_582 : memref<8x6144xf32, #tpu.memory_space<hbm>>)
    %add3A_583 = arith.constant 8 : i32
    %add3A_584 = arith.addi %mul3A_2, %add3A_583 : i32
    %dma_start3A_585 = arith.constant 79872 : i32
    %dma_start3A_586 = tpu.memref_slice %arg2[%add3A_584, %dma_start3A_585] : memref<1024x100000xf32, #tpu.memory_space<hbm>> -> memref<8x6144xf32, #tpu.memory_space<hbm>>
    %dma_start3A_587 = arith.constant 79872 : i32
    %dma_start3A_588 = tpu.memref_slice %arg2[%add3A_584, %dma_start3A_587] : memref<1024x100000xf32, #tpu.memory_space<hbm>> -> memref<8x6144xf32, #tpu.memory_space<hbm>>
    tpu.enqueue_dma source(%dma_start3A_588 : memref<8x6144xf32, #tpu.memory_space<hbm>>) target(%arg6 : memref<8x6144xf32, #tpu.memory_space<vmem>>) target_semaphore(%arg10 : memref<!tpu.dma_semaphore, #tpu.memory_space<semaphore_mem>>)
    %dma_wait3A_589 = arith.constant 73728 : i32
    %dma_wait3A_590 = tpu.memref_slice %arg2[%add3A_564, %dma_wait3A_589] : memref<1024x100000xf32, #tpu.memory_space<hbm>> -> memref<8x6144xf32, #tpu.memory_space<hbm>>
    %dma_wait3A_591 = arith.constant 73728 : i32
    %dma_wait3A_592 = tpu.memref_slice %arg2[%add3A_564, %dma_wait3A_591] : memref<1024x100000xf32, #tpu.memory_space<hbm>> -> memref<8x6144xf32, #tpu.memory_space<hbm>>
    tpu.wait_dma2 semaphore(%arg9 : memref<!tpu.dma_semaphore, #tpu.memory_space<semaphore_mem>>) src(%dma_wait3A_592 : memref<8x6144xf32, #tpu.memory_space<hbm>>) dst(%arg5 : memref<8x6144xf32, #tpu.memory_space<vmem>>)
    %add3A_593 = arith.constant 8 : i32
    %add3A_594 = arith.addi %mul3A_2, %add3A_593 : i32
    %dma_start3A_595 = arith.constant 73728 : i32
    %dma_start3A_596 = tpu.memref_slice %arg4[%add3A_594, %dma_start3A_595] : memref<1024x100000xf32, #tpu.memory_space<hbm>> -> memref<8x6144xf32, #tpu.memory_space<hbm>>
    %dma_start3A_597 = arith.constant 73728 : i32
    %dma_start3A_598 = tpu.memref_slice %arg4[%add3A_594, %dma_start3A_597] : memref<1024x100000xf32, #tpu.memory_space<hbm>> -> memref<8x6144xf32, #tpu.memory_space<hbm>>
    tpu.enqueue_dma source(%arg5 : memref<8x6144xf32, #tpu.memory_space<vmem>>) target(%dma_start3A_598 : memref<8x6144xf32, #tpu.memory_space<hbm>>) target_semaphore(%arg12 : memref<!tpu.dma_semaphore, #tpu.memory_space<semaphore_mem>>)
    %dma_wait3A_599 = arith.constant 73728 : i32
    %dma_wait3A_600 = tpu.memref_slice %arg4[%add3A_594, %dma_wait3A_599] : memref<1024x100000xf32, #tpu.memory_space<hbm>> -> memref<8x6144xf32, #tpu.memory_space<hbm>>
    %dma_wait3A_601 = arith.constant 73728 : i32
    %dma_wait3A_602 = tpu.memref_slice %arg4[%add3A_594, %dma_wait3A_601] : memref<1024x100000xf32, #tpu.memory_space<hbm>> -> memref<8x6144xf32, #tpu.memory_space<hbm>>
    tpu.wait_dma2 semaphore(%arg12 : memref<!tpu.dma_semaphore, #tpu.memory_space<semaphore_mem>>) src(%arg5 : memref<8x6144xf32, #tpu.memory_space<vmem>>) dst(%dma_wait3A_602 : memref<8x6144xf32, #tpu.memory_space<hbm>>)
    %add3A_603 = arith.constant 8 : i32
    %add3A_604 = arith.addi %mul3A_2, %add3A_603 : i32
    %dma_start3A_605 = arith.constant 86016 : i32
    %dma_start3A_606 = tpu.memref_slice %arg2[%add3A_604, %dma_start3A_605] : memref<1024x100000xf32, #tpu.memory_space<hbm>> -> memref<8x6144xf32, #tpu.memory_space<hbm>>
    %dma_start3A_607 = arith.constant 86016 : i32
    %dma_start3A_608 = tpu.memref_slice %arg2[%add3A_604, %dma_start3A_607] : memref<1024x100000xf32, #tpu.memory_space<hbm>> -> memref<8x6144xf32, #tpu.memory_space<hbm>>
    tpu.enqueue_dma source(%dma_start3A_608 : memref<8x6144xf32, #tpu.memory_space<hbm>>) target(%arg5 : memref<8x6144xf32, #tpu.memory_space<vmem>>) target_semaphore(%arg9 : memref<!tpu.dma_semaphore, #tpu.memory_space<semaphore_mem>>)
    %dma_wait3A_609 = arith.constant 79872 : i32
    %dma_wait3A_610 = tpu.memref_slice %arg2[%add3A_584, %dma_wait3A_609] : memref<1024x100000xf32, #tpu.memory_space<hbm>> -> memref<8x6144xf32, #tpu.memory_space<hbm>>
    %dma_wait3A_611 = arith.constant 79872 : i32
    %dma_wait3A_612 = tpu.memref_slice %arg2[%add3A_584, %dma_wait3A_611] : memref<1024x100000xf32, #tpu.memory_space<hbm>> -> memref<8x6144xf32, #tpu.memory_space<hbm>>
    tpu.wait_dma2 semaphore(%arg10 : memref<!tpu.dma_semaphore, #tpu.memory_space<semaphore_mem>>) src(%dma_wait3A_612 : memref<8x6144xf32, #tpu.memory_space<hbm>>) dst(%arg6 : memref<8x6144xf32, #tpu.memory_space<vmem>>)
    %add3A_613 = arith.constant 8 : i32
    %add3A_614 = arith.addi %mul3A_2, %add3A_613 : i32
    %dma_start3A_615 = arith.constant 79872 : i32
    %dma_start3A_616 = tpu.memref_slice %arg4[%add3A_614, %dma_start3A_615] : memref<1024x100000xf32, #tpu.memory_space<hbm>> -> memref<8x6144xf32, #tpu.memory_space<hbm>>
    %dma_start3A_617 = arith.constant 79872 : i32
    %dma_start3A_618 = tpu.memref_slice %arg4[%add3A_614, %dma_start3A_617] : memref<1024x100000xf32, #tpu.memory_space<hbm>> -> memref<8x6144xf32, #tpu.memory_space<hbm>>
    tpu.enqueue_dma source(%arg6 : memref<8x6144xf32, #tpu.memory_space<vmem>>) target(%dma_start3A_618 : memref<8x6144xf32, #tpu.memory_space<hbm>>) target_semaphore(%arg13 : memref<!tpu.dma_semaphore, #tpu.memory_space<semaphore_mem>>)
    %dma_wait3A_619 = arith.constant 79872 : i32
    %dma_wait3A_620 = tpu.memref_slice %arg4[%add3A_614, %dma_wait3A_619] : memref<1024x100000xf32, #tpu.memory_space<hbm>> -> memref<8x6144xf32, #tpu.memory_space<hbm>>
    %dma_wait3A_621 = arith.constant 79872 : i32
    %dma_wait3A_622 = tpu.memref_slice %arg4[%add3A_614, %dma_wait3A_621] : memref<1024x100000xf32, #tpu.memory_space<hbm>> -> memref<8x6144xf32, #tpu.memory_space<hbm>>
    tpu.wait_dma2 semaphore(%arg13 : memref<!tpu.dma_semaphore, #tpu.memory_space<semaphore_mem>>) src(%arg6 : memref<8x6144xf32, #tpu.memory_space<vmem>>) dst(%dma_wait3A_622 : memref<8x6144xf32, #tpu.memory_space<hbm>>)
    %add3A_623 = arith.constant 8 : i32
    %add3A_624 = arith.addi %mul3A_2, %add3A_623 : i32
    %dma_start3A_625 = arith.constant 92160 : i32
    %dma_start3A_626 = tpu.memref_slice %arg2[%add3A_624, %dma_start3A_625] : memref<1024x100000xf32, #tpu.memory_space<hbm>> -> memref<8x6144xf32, #tpu.memory_space<hbm>>
    %dma_start3A_627 = arith.constant 92160 : i32
    %dma_start3A_628 = tpu.memref_slice %arg2[%add3A_624, %dma_start3A_627] : memref<1024x100000xf32, #tpu.memory_space<hbm>> -> memref<8x6144xf32, #tpu.memory_space<hbm>>
    tpu.enqueue_dma source(%dma_start3A_628 : memref<8x6144xf32, #tpu.memory_space<hbm>>) target(%arg6 : memref<8x6144xf32, #tpu.memory_space<vmem>>) target_semaphore(%arg10 : memref<!tpu.dma_semaphore, #tpu.memory_space<semaphore_mem>>)
    %dma_wait3A_629 = arith.constant 86016 : i32
    %dma_wait3A_630 = tpu.memref_slice %arg2[%add3A_604, %dma_wait3A_629] : memref<1024x100000xf32, #tpu.memory_space<hbm>> -> memref<8x6144xf32, #tpu.memory_space<hbm>>
    %dma_wait3A_631 = arith.constant 86016 : i32
    %dma_wait3A_632 = tpu.memref_slice %arg2[%add3A_604, %dma_wait3A_631] : memref<1024x100000xf32, #tpu.memory_space<hbm>> -> memref<8x6144xf32, #tpu.memory_space<hbm>>
    tpu.wait_dma2 semaphore(%arg9 : memref<!tpu.dma_semaphore, #tpu.memory_space<semaphore_mem>>) src(%dma_wait3A_632 : memref<8x6144xf32, #tpu.memory_space<hbm>>) dst(%arg5 : memref<8x6144xf32, #tpu.memory_space<vmem>>)
    %add3A_633 = arith.constant 8 : i32
    %add3A_634 = arith.addi %mul3A_2, %add3A_633 : i32
    %dma_start3A_635 = arith.constant 86016 : i32
    %dma_start3A_636 = tpu.memref_slice %arg4[%add3A_634, %dma_start3A_635] : memref<1024x100000xf32, #tpu.memory_space<hbm>> -> memref<8x6144xf32, #tpu.memory_space<hbm>>
    %dma_start3A_637 = arith.constant 86016 : i32
    %dma_start3A_638 = tpu.memref_slice %arg4[%add3A_634, %dma_start3A_637] : memref<1024x100000xf32, #tpu.memory_space<hbm>> -> memref<8x6144xf32, #tpu.memory_space<hbm>>
    tpu.enqueue_dma source(%arg5 : memref<8x6144xf32, #tpu.memory_space<vmem>>) target(%dma_start3A_638 : memref<8x6144xf32, #tpu.memory_space<hbm>>) target_semaphore(%arg12 : memref<!tpu.dma_semaphore, #tpu.memory_space<semaphore_mem>>)
    %dma_wait3A_639 = arith.constant 98304 : i32
    %dma_wait3A_640 = tpu.memref_slice %arg4[%add3A_334, %dma_wait3A_639] : memref<1024x100000xf32, #tpu.memory_space<hbm>> -> memref<8x1696xf32, #tpu.memory_space<hbm>>
    %dma_wait3A_641 = arith.constant 98304 : i32
    %dma_wait3A_642 = tpu.memref_slice %arg4[%add3A_334, %dma_wait3A_641] : memref<1024x100000xf32, #tpu.memory_space<hbm>> -> memref<8x1696xf32, #tpu.memory_space<hbm>>
    tpu.wait_dma2 semaphore(%arg14 : memref<!tpu.dma_semaphore, #tpu.memory_space<semaphore_mem>>) src(%arg7 : memref<8x1696xf32, #tpu.memory_space<vmem>>) dst(%dma_wait3A_642 : memref<8x1696xf32, #tpu.memory_space<hbm>>)
    %add3A_643 = arith.constant 8 : i32
    %add3A_644 = arith.addi %mul3A_2, %add3A_643 : i32
    %dma_start3A_645 = arith.constant 98304 : i32
    %dma_start3A_646 = tpu.memref_slice %arg2[%add3A_644, %dma_start3A_645] : memref<1024x100000xf32, #tpu.memory_space<hbm>> -> memref<8x1696xf32, #tpu.memory_space<hbm>>
    %dma_start3A_647 = arith.constant 98304 : i32
    %dma_start3A_648 = tpu.memref_slice %arg2[%add3A_644, %dma_start3A_647] : memref<1024x100000xf32, #tpu.memory_space<hbm>> -> memref<8x1696xf32, #tpu.memory_space<hbm>>
    tpu.enqueue_dma source(%dma_start3A_648 : memref<8x1696xf32, #tpu.memory_space<hbm>>) target(%arg7 : memref<8x1696xf32, #tpu.memory_space<vmem>>) target_semaphore(%arg11 : memref<!tpu.dma_semaphore, #tpu.memory_space<semaphore_mem>>)
    %dma_wait3A_649 = arith.constant 92160 : i32
    %dma_wait3A_650 = tpu.memref_slice %arg2[%add3A_624, %dma_wait3A_649] : memref<1024x100000xf32, #tpu.memory_space<hbm>> -> memref<8x6144xf32, #tpu.memory_space<hbm>>
    %dma_wait3A_651 = arith.constant 92160 : i32
    %dma_wait3A_652 = tpu.memref_slice %arg2[%add3A_624, %dma_wait3A_651] : memref<1024x100000xf32, #tpu.memory_space<hbm>> -> memref<8x6144xf32, #tpu.memory_space<hbm>>
    tpu.wait_dma2 semaphore(%arg10 : memref<!tpu.dma_semaphore, #tpu.memory_space<semaphore_mem>>) src(%dma_wait3A_652 : memref<8x6144xf32, #tpu.memory_space<hbm>>) dst(%arg6 : memref<8x6144xf32, #tpu.memory_space<vmem>>)
    %add3A_653 = arith.constant 8 : i32
    %add3A_654 = arith.addi %mul3A_2, %add3A_653 : i32
    %dma_start3A_655 = arith.constant 92160 : i32
    %dma_start3A_656 = tpu.memref_slice %arg4[%add3A_654, %dma_start3A_655] : memref<1024x100000xf32, #tpu.memory_space<hbm>> -> memref<8x6144xf32, #tpu.memory_space<hbm>>
    %dma_start3A_657 = arith.constant 92160 : i32
    %dma_start3A_658 = tpu.memref_slice %arg4[%add3A_654, %dma_start3A_657] : memref<1024x100000xf32, #tpu.memory_space<hbm>> -> memref<8x6144xf32, #tpu.memory_space<hbm>>
    tpu.enqueue_dma source(%arg6 : memref<8x6144xf32, #tpu.memory_space<vmem>>) target(%dma_start3A_658 : memref<8x6144xf32, #tpu.memory_space<hbm>>) target_semaphore(%arg13 : memref<!tpu.dma_semaphore, #tpu.memory_space<semaphore_mem>>)
    %dma_wait3A_659 = arith.constant 86016 : i32
    %dma_wait3A_660 = tpu.memref_slice %arg4[%add3A_634, %dma_wait3A_659] : memref<1024x100000xf32, #tpu.memory_space<hbm>> -> memref<8x6144xf32, #tpu.memory_space<hbm>>
    %dma_wait3A_661 = arith.constant 86016 : i32
    %dma_wait3A_662 = tpu.memref_slice %arg4[%add3A_634, %dma_wait3A_661] : memref<1024x100000xf32, #tpu.memory_space<hbm>> -> memref<8x6144xf32, #tpu.memory_space<hbm>>
    tpu.wait_dma2 semaphore(%arg12 : memref<!tpu.dma_semaphore, #tpu.memory_space<semaphore_mem>>) src(%arg5 : memref<8x6144xf32, #tpu.memory_space<vmem>>) dst(%dma_wait3A_662 : memref<8x6144xf32, #tpu.memory_space<hbm>>)
    %add3A_663 = arith.constant 16 : i32
    %add3A_664 = arith.addi %mul3A_2, %add3A_663 : i32
    %dma_start3A_665 = arith.constant 0 : i32
    %dma_start3A_666 = tpu.memref_slice %arg2[%add3A_664, %dma_start3A_665] : memref<1024x100000xf32, #tpu.memory_space<hbm>> -> memref<8x6144xf32, #tpu.memory_space<hbm>>
    %dma_start3A_667 = arith.constant 0 : i32
    %dma_start3A_668 = tpu.memref_slice %arg2[%add3A_664, %dma_start3A_667] : memref<1024x100000xf32, #tpu.memory_space<hbm>> -> memref<8x6144xf32, #tpu.memory_space<hbm>>
    tpu.enqueue_dma source(%dma_start3A_668 : memref<8x6144xf32, #tpu.memory_space<hbm>>) target(%arg5 : memref<8x6144xf32, #tpu.memory_space<vmem>>) target_semaphore(%arg9 : memref<!tpu.dma_semaphore, #tpu.memory_space<semaphore_mem>>)
    %dma_wait3A_669 = arith.constant 98304 : i32
    %dma_wait3A_670 = tpu.memref_slice %arg2[%add3A_644, %dma_wait3A_669] : memref<1024x100000xf32, #tpu.memory_space<hbm>> -> memref<8x1696xf32, #tpu.memory_space<hbm>>
    %dma_wait3A_671 = arith.constant 98304 : i32
    %dma_wait3A_672 = tpu.memref_slice %arg2[%add3A_644, %dma_wait3A_671] : memref<1024x100000xf32, #tpu.memory_space<hbm>> -> memref<8x1696xf32, #tpu.memory_space<hbm>>
    tpu.wait_dma2 semaphore(%arg11 : memref<!tpu.dma_semaphore, #tpu.memory_space<semaphore_mem>>) src(%dma_wait3A_672 : memref<8x1696xf32, #tpu.memory_space<hbm>>) dst(%arg7 : memref<8x1696xf32, #tpu.memory_space<vmem>>)
    %add3A_673 = arith.constant 8 : i32
    %add3A_674 = arith.addi %mul3A_2, %add3A_673 : i32
    %dma_start3A_675 = arith.constant 98304 : i32
    %dma_start3A_676 = tpu.memref_slice %arg4[%add3A_674, %dma_start3A_675] : memref<1024x100000xf32, #tpu.memory_space<hbm>> -> memref<8x1696xf32, #tpu.memory_space<hbm>>
    %dma_start3A_677 = arith.constant 98304 : i32
    %dma_start3A_678 = tpu.memref_slice %arg4[%add3A_674, %dma_start3A_677] : memref<1024x100000xf32, #tpu.memory_space<hbm>> -> memref<8x1696xf32, #tpu.memory_space<hbm>>
    tpu.enqueue_dma source(%arg7 : memref<8x1696xf32, #tpu.memory_space<vmem>>) target(%dma_start3A_678 : memref<8x1696xf32, #tpu.memory_space<hbm>>) target_semaphore(%arg14 : memref<!tpu.dma_semaphore, #tpu.memory_space<semaphore_mem>>)
    %dma_wait3A_679 = arith.constant 92160 : i32
    %dma_wait3A_680 = tpu.memref_slice %arg4[%add3A_654, %dma_wait3A_679] : memref<1024x100000xf32, #tpu.memory_space<hbm>> -> memref<8x6144xf32, #tpu.memory_space<hbm>>
    %dma_wait3A_681 = arith.constant 92160 : i32
    %dma_wait3A_682 = tpu.memref_slice %arg4[%add3A_654, %dma_wait3A_681] : memref<1024x100000xf32, #tpu.memory_space<hbm>> -> memref<8x6144xf32, #tpu.memory_space<hbm>>
    tpu.wait_dma2 semaphore(%arg13 : memref<!tpu.dma_semaphore, #tpu.memory_space<semaphore_mem>>) src(%arg6 : memref<8x6144xf32, #tpu.memory_space<vmem>>) dst(%dma_wait3A_682 : memref<8x6144xf32, #tpu.memory_space<hbm>>)
    %add3A_683 = arith.constant 16 : i32
    %add3A_684 = arith.addi %mul3A_2, %add3A_683 : i32
    %dma_start3A_685 = arith.constant 6144 : i32
    %dma_start3A_686 = tpu.memref_slice %arg2[%add3A_684, %dma_start3A_685] : memref<1024x100000xf32, #tpu.memory_space<hbm>> -> memref<8x6144xf32, #tpu.memory_space<hbm>>
    %dma_start3A_687 = arith.constant 6144 : i32
    %dma_start3A_688 = tpu.memref_slice %arg2[%add3A_684, %dma_start3A_687] : memref<1024x100000xf32, #tpu.memory_space<hbm>> -> memref<8x6144xf32, #tpu.memory_space<hbm>>
    tpu.enqueue_dma source(%dma_start3A_688 : memref<8x6144xf32, #tpu.memory_space<hbm>>) target(%arg6 : memref<8x6144xf32, #tpu.memory_space<vmem>>) target_semaphore(%arg10 : memref<!tpu.dma_semaphore, #tpu.memory_space<semaphore_mem>>)
    %dma_wait3A_689 = arith.constant 0 : i32
    %dma_wait3A_690 = tpu.memref_slice %arg2[%add3A_664, %dma_wait3A_689] : memref<1024x100000xf32, #tpu.memory_space<hbm>> -> memref<8x6144xf32, #tpu.memory_space<hbm>>
    %dma_wait3A_691 = arith.constant 0 : i32
    %dma_wait3A_692 = tpu.memref_slice %arg2[%add3A_664, %dma_wait3A_691] : memref<1024x100000xf32, #tpu.memory_space<hbm>> -> memref<8x6144xf32, #tpu.memory_space<hbm>>
    tpu.wait_dma2 semaphore(%arg9 : memref<!tpu.dma_semaphore, #tpu.memory_space<semaphore_mem>>) src(%dma_wait3A_692 : memref<8x6144xf32, #tpu.memory_space<hbm>>) dst(%arg5 : memref<8x6144xf32, #tpu.memory_space<vmem>>)
    %add3A_693 = arith.constant 16 : i32
    %add3A_694 = arith.addi %mul3A_2, %add3A_693 : i32
    %dma_start3A_695 = arith.constant 0 : i32
    %dma_start3A_696 = tpu.memref_slice %arg4[%add3A_694, %dma_start3A_695] : memref<1024x100000xf32, #tpu.memory_space<hbm>> -> memref<8x6144xf32, #tpu.memory_space<hbm>>
    %dma_start3A_697 = arith.constant 0 : i32
    %dma_start3A_698 = tpu.memref_slice %arg4[%add3A_694, %dma_start3A_697] : memref<1024x100000xf32, #tpu.memory_space<hbm>> -> memref<8x6144xf32, #tpu.memory_space<hbm>>
    tpu.enqueue_dma source(%arg5 : memref<8x6144xf32, #tpu.memory_space<vmem>>) target(%dma_start3A_698 : memref<8x6144xf32, #tpu.memory_space<hbm>>) target_semaphore(%arg12 : memref<!tpu.dma_semaphore, #tpu.memory_space<semaphore_mem>>)
    %dma_wait3A_699 = arith.constant 0 : i32
    %dma_wait3A_700 = tpu.memref_slice %arg4[%add3A_694, %dma_wait3A_699] : memref<1024x100000xf32, #tpu.memory_space<hbm>> -> memref<8x6144xf32, #tpu.memory_space<hbm>>
    %dma_wait3A_701 = arith.constant 0 : i32
    %dma_wait3A_702 = tpu.memref_slice %arg4[%add3A_694, %dma_wait3A_701] : memref<1024x100000xf32, #tpu.memory_space<hbm>> -> memref<8x6144xf32, #tpu.memory_space<hbm>>
    tpu.wait_dma2 semaphore(%arg12 : memref<!tpu.dma_semaphore, #tpu.memory_space<semaphore_mem>>) src(%arg5 : memref<8x6144xf32, #tpu.memory_space<vmem>>) dst(%dma_wait3A_702 : memref<8x6144xf32, #tpu.memory_space<hbm>>)
    %add3A_703 = arith.constant 16 : i32
    %add3A_704 = arith.addi %mul3A_2, %add3A_703 : i32
    %dma_start3A_705 = arith.constant 12288 : i32
    %dma_start3A_706 = tpu.memref_slice %arg2[%add3A_704, %dma_start3A_705] : memref<1024x100000xf32, #tpu.memory_space<hbm>> -> memref<8x6144xf32, #tpu.memory_space<hbm>>
    %dma_start3A_707 = arith.constant 12288 : i32
    %dma_start3A_708 = tpu.memref_slice %arg2[%add3A_704, %dma_start3A_707] : memref<1024x100000xf32, #tpu.memory_space<hbm>> -> memref<8x6144xf32, #tpu.memory_space<hbm>>
    tpu.enqueue_dma source(%dma_start3A_708 : memref<8x6144xf32, #tpu.memory_space<hbm>>) target(%arg5 : memref<8x6144xf32, #tpu.memory_space<vmem>>) target_semaphore(%arg9 : memref<!tpu.dma_semaphore, #tpu.memory_space<semaphore_mem>>)
    %dma_wait3A_709 = arith.constant 6144 : i32
    %dma_wait3A_710 = tpu.memref_slice %arg2[%add3A_684, %dma_wait3A_709] : memref<1024x100000xf32, #tpu.memory_space<hbm>> -> memref<8x6144xf32, #tpu.memory_space<hbm>>
    %dma_wait3A_711 = arith.constant 6144 : i32
    %dma_wait3A_712 = tpu.memref_slice %arg2[%add3A_684, %dma_wait3A_711] : memref<1024x100000xf32, #tpu.memory_space<hbm>> -> memref<8x6144xf32, #tpu.memory_space<hbm>>
    tpu.wait_dma2 semaphore(%arg10 : memref<!tpu.dma_semaphore, #tpu.memory_space<semaphore_mem>>) src(%dma_wait3A_712 : memref<8x6144xf32, #tpu.memory_space<hbm>>) dst(%arg6 : memref<8x6144xf32, #tpu.memory_space<vmem>>)
    %add3A_713 = arith.constant 16 : i32
    %add3A_714 = arith.addi %mul3A_2, %add3A_713 : i32
    %dma_start3A_715 = arith.constant 6144 : i32
    %dma_start3A_716 = tpu.memref_slice %arg4[%add3A_714, %dma_start3A_715] : memref<1024x100000xf32, #tpu.memory_space<hbm>> -> memref<8x6144xf32, #tpu.memory_space<hbm>>
    %dma_start3A_717 = arith.constant 6144 : i32
    %dma_start3A_718 = tpu.memref_slice %arg4[%add3A_714, %dma_start3A_717] : memref<1024x100000xf32, #tpu.memory_space<hbm>> -> memref<8x6144xf32, #tpu.memory_space<hbm>>
    tpu.enqueue_dma source(%arg6 : memref<8x6144xf32, #tpu.memory_space<vmem>>) target(%dma_start3A_718 : memref<8x6144xf32, #tpu.memory_space<hbm>>) target_semaphore(%arg13 : memref<!tpu.dma_semaphore, #tpu.memory_space<semaphore_mem>>)
    %dma_wait3A_719 = arith.constant 6144 : i32
    %dma_wait3A_720 = tpu.memref_slice %arg4[%add3A_714, %dma_wait3A_719] : memref<1024x100000xf32, #tpu.memory_space<hbm>> -> memref<8x6144xf32, #tpu.memory_space<hbm>>
    %dma_wait3A_721 = arith.constant 6144 : i32
    %dma_wait3A_722 = tpu.memref_slice %arg4[%add3A_714, %dma_wait3A_721] : memref<1024x100000xf32, #tpu.memory_space<hbm>> -> memref<8x6144xf32, #tpu.memory_space<hbm>>
    tpu.wait_dma2 semaphore(%arg13 : memref<!tpu.dma_semaphore, #tpu.memory_space<semaphore_mem>>) src(%arg6 : memref<8x6144xf32, #tpu.memory_space<vmem>>) dst(%dma_wait3A_722 : memref<8x6144xf32, #tpu.memory_space<hbm>>)
    %add3A_723 = arith.constant 16 : i32
    %add3A_724 = arith.addi %mul3A_2, %add3A_723 : i32
    %dma_start3A_725 = arith.constant 18432 : i32
    %dma_start3A_726 = tpu.memref_slice %arg2[%add3A_724, %dma_start3A_725] : memref<1024x100000xf32, #tpu.memory_space<hbm>> -> memref<8x6144xf32, #tpu.memory_space<hbm>>
    %dma_start3A_727 = arith.constant 18432 : i32
    %dma_start3A_728 = tpu.memref_slice %arg2[%add3A_724, %dma_start3A_727] : memref<1024x100000xf32, #tpu.memory_space<hbm>> -> memref<8x6144xf32, #tpu.memory_space<hbm>>
    tpu.enqueue_dma source(%dma_start3A_728 : memref<8x6144xf32, #tpu.memory_space<hbm>>) target(%arg6 : memref<8x6144xf32, #tpu.memory_space<vmem>>) target_semaphore(%arg10 : memref<!tpu.dma_semaphore, #tpu.memory_space<semaphore_mem>>)
    %dma_wait3A_729 = arith.constant 12288 : i32
    %dma_wait3A_730 = tpu.memref_slice %arg2[%add3A_704, %dma_wait3A_729] : memref<1024x100000xf32, #tpu.memory_space<hbm>> -> memref<8x6144xf32, #tpu.memory_space<hbm>>
    %dma_wait3A_731 = arith.constant 12288 : i32
    %dma_wait3A_732 = tpu.memref_slice %arg2[%add3A_704, %dma_wait3A_731] : memref<1024x100000xf32, #tpu.memory_space<hbm>> -> memref<8x6144xf32, #tpu.memory_space<hbm>>
    tpu.wait_dma2 semaphore(%arg9 : memref<!tpu.dma_semaphore, #tpu.memory_space<semaphore_mem>>) src(%dma_wait3A_732 : memref<8x6144xf32, #tpu.memory_space<hbm>>) dst(%arg5 : memref<8x6144xf32, #tpu.memory_space<vmem>>)
    %add3A_733 = arith.constant 16 : i32
    %add3A_734 = arith.addi %mul3A_2, %add3A_733 : i32
    %dma_start3A_735 = arith.constant 12288 : i32
    %dma_start3A_736 = tpu.memref_slice %arg4[%add3A_734, %dma_start3A_735] : memref<1024x100000xf32, #tpu.memory_space<hbm>> -> memref<8x6144xf32, #tpu.memory_space<hbm>>
    %dma_start3A_737 = arith.constant 12288 : i32
    %dma_start3A_738 = tpu.memref_slice %arg4[%add3A_734, %dma_start3A_737] : memref<1024x100000xf32, #tpu.memory_space<hbm>> -> memref<8x6144xf32, #tpu.memory_space<hbm>>
    tpu.enqueue_dma source(%arg5 : memref<8x6144xf32, #tpu.memory_space<vmem>>) target(%dma_start3A_738 : memref<8x6144xf32, #tpu.memory_space<hbm>>) target_semaphore(%arg12 : memref<!tpu.dma_semaphore, #tpu.memory_space<semaphore_mem>>)
    %dma_wait3A_739 = arith.constant 12288 : i32
    %dma_wait3A_740 = tpu.memref_slice %arg4[%add3A_734, %dma_wait3A_739] : memref<1024x100000xf32, #tpu.memory_space<hbm>> -> memref<8x6144xf32, #tpu.memory_space<hbm>>
    %dma_wait3A_741 = arith.constant 12288 : i32
    %dma_wait3A_742 = tpu.memref_slice %arg4[%add3A_734, %dma_wait3A_741] : memref<1024x100000xf32, #tpu.memory_space<hbm>> -> memref<8x6144xf32, #tpu.memory_space<hbm>>
    tpu.wait_dma2 semaphore(%arg12 : memref<!tpu.dma_semaphore, #tpu.memory_space<semaphore_mem>>) src(%arg5 : memref<8x6144xf32, #tpu.memory_space<vmem>>) dst(%dma_wait3A_742 : memref<8x6144xf32, #tpu.memory_space<hbm>>)
    %add3A_743 = arith.constant 16 : i32
    %add3A_744 = arith.addi %mul3A_2, %add3A_743 : i32
    %dma_start3A_745 = arith.constant 24576 : i32
    %dma_start3A_746 = tpu.memref_slice %arg2[%add3A_744, %dma_start3A_745] : memref<1024x100000xf32, #tpu.memory_space<hbm>> -> memref<8x6144xf32, #tpu.memory_space<hbm>>
    %dma_start3A_747 = arith.constant 24576 : i32
    %dma_start3A_748 = tpu.memref_slice %arg2[%add3A_744, %dma_start3A_747] : memref<1024x100000xf32, #tpu.memory_space<hbm>> -> memref<8x6144xf32, #tpu.memory_space<hbm>>
    tpu.enqueue_dma source(%dma_start3A_748 : memref<8x6144xf32, #tpu.memory_space<hbm>>) target(%arg5 : memref<8x6144xf32, #tpu.memory_space<vmem>>) target_semaphore(%arg9 : memref<!tpu.dma_semaphore, #tpu.memory_space<semaphore_mem>>)
    %dma_wait3A_749 = arith.constant 18432 : i32
    %dma_wait3A_750 = tpu.memref_slice %arg2[%add3A_724, %dma_wait3A_749] : memref<1024x100000xf32, #tpu.memory_space<hbm>> -> memref<8x6144xf32, #tpu.memory_space<hbm>>
    %dma_wait3A_751 = arith.constant 18432 : i32
    %dma_wait3A_752 = tpu.memref_slice %arg2[%add3A_724, %dma_wait3A_751] : memref<1024x100000xf32, #tpu.memory_space<hbm>> -> memref<8x6144xf32, #tpu.memory_space<hbm>>
    tpu.wait_dma2 semaphore(%arg10 : memref<!tpu.dma_semaphore, #tpu.memory_space<semaphore_mem>>) src(%dma_wait3A_752 : memref<8x6144xf32, #tpu.memory_space<hbm>>) dst(%arg6 : memref<8x6144xf32, #tpu.memory_space<vmem>>)
    %add3A_753 = arith.constant 16 : i32
    %add3A_754 = arith.addi %mul3A_2, %add3A_753 : i32
    %dma_start3A_755 = arith.constant 18432 : i32
    %dma_start3A_756 = tpu.memref_slice %arg4[%add3A_754, %dma_start3A_755] : memref<1024x100000xf32, #tpu.memory_space<hbm>> -> memref<8x6144xf32, #tpu.memory_space<hbm>>
    %dma_start3A_757 = arith.constant 18432 : i32
    %dma_start3A_758 = tpu.memref_slice %arg4[%add3A_754, %dma_start3A_757] : memref<1024x100000xf32, #tpu.memory_space<hbm>> -> memref<8x6144xf32, #tpu.memory_space<hbm>>
    tpu.enqueue_dma source(%arg6 : memref<8x6144xf32, #tpu.memory_space<vmem>>) target(%dma_start3A_758 : memref<8x6144xf32, #tpu.memory_space<hbm>>) target_semaphore(%arg13 : memref<!tpu.dma_semaphore, #tpu.memory_space<semaphore_mem>>)
    %dma_wait3A_759 = arith.constant 18432 : i32
    %dma_wait3A_760 = tpu.memref_slice %arg4[%add3A_754, %dma_wait3A_759] : memref<1024x100000xf32, #tpu.memory_space<hbm>> -> memref<8x6144xf32, #tpu.memory_space<hbm>>
    %dma_wait3A_761 = arith.constant 18432 : i32
    %dma_wait3A_762 = tpu.memref_slice %arg4[%add3A_754, %dma_wait3A_761] : memref<1024x100000xf32, #tpu.memory_space<hbm>> -> memref<8x6144xf32, #tpu.memory_space<hbm>>
    tpu.wait_dma2 semaphore(%arg13 : memref<!tpu.dma_semaphore, #tpu.memory_space<semaphore_mem>>) src(%arg6 : memref<8x6144xf32, #tpu.memory_space<vmem>>) dst(%dma_wait3A_762 : memref<8x6144xf32, #tpu.memory_space<hbm>>)
    %add3A_763 = arith.constant 16 : i32
    %add3A_764 = arith.addi %mul3A_2, %add3A_763 : i32
    %dma_start3A_765 = arith.constant 30720 : i32
    %dma_start3A_766 = tpu.memref_slice %arg2[%add3A_764, %dma_start3A_765] : memref<1024x100000xf32, #tpu.memory_space<hbm>> -> memref<8x6144xf32, #tpu.memory_space<hbm>>
    %dma_start3A_767 = arith.constant 30720 : i32
    %dma_start3A_768 = tpu.memref_slice %arg2[%add3A_764, %dma_start3A_767] : memref<1024x100000xf32, #tpu.memory_space<hbm>> -> memref<8x6144xf32, #tpu.memory_space<hbm>>
    tpu.enqueue_dma source(%dma_start3A_768 : memref<8x6144xf32, #tpu.memory_space<hbm>>) target(%arg6 : memref<8x6144xf32, #tpu.memory_space<vmem>>) target_semaphore(%arg10 : memref<!tpu.dma_semaphore, #tpu.memory_space<semaphore_mem>>)
    %dma_wait3A_769 = arith.constant 24576 : i32
    %dma_wait3A_770 = tpu.memref_slice %arg2[%add3A_744, %dma_wait3A_769] : memref<1024x100000xf32, #tpu.memory_space<hbm>> -> memref<8x6144xf32, #tpu.memory_space<hbm>>
    %dma_wait3A_771 = arith.constant 24576 : i32
    %dma_wait3A_772 = tpu.memref_slice %arg2[%add3A_744, %dma_wait3A_771] : memref<1024x100000xf32, #tpu.memory_space<hbm>> -> memref<8x6144xf32, #tpu.memory_space<hbm>>
    tpu.wait_dma2 semaphore(%arg9 : memref<!tpu.dma_semaphore, #tpu.memory_space<semaphore_mem>>) src(%dma_wait3A_772 : memref<8x6144xf32, #tpu.memory_space<hbm>>) dst(%arg5 : memref<8x6144xf32, #tpu.memory_space<vmem>>)
    %add3A_773 = arith.constant 16 : i32
    %add3A_774 = arith.addi %mul3A_2, %add3A_773 : i32
    %dma_start3A_775 = arith.constant 24576 : i32
    %dma_start3A_776 = tpu.memref_slice %arg4[%add3A_774, %dma_start3A_775] : memref<1024x100000xf32, #tpu.memory_space<hbm>> -> memref<8x6144xf32, #tpu.memory_space<hbm>>
    %dma_start3A_777 = arith.constant 24576 : i32
    %dma_start3A_778 = tpu.memref_slice %arg4[%add3A_774, %dma_start3A_777] : memref<1024x100000xf32, #tpu.memory_space<hbm>> -> memref<8x6144xf32, #tpu.memory_space<hbm>>
    tpu.enqueue_dma source(%arg5 : memref<8x6144xf32, #tpu.memory_space<vmem>>) target(%dma_start3A_778 : memref<8x6144xf32, #tpu.memory_space<hbm>>) target_semaphore(%arg12 : memref<!tpu.dma_semaphore, #tpu.memory_space<semaphore_mem>>)
    %dma_wait3A_779 = arith.constant 24576 : i32
    %dma_wait3A_780 = tpu.memref_slice %arg4[%add3A_774, %dma_wait3A_779] : memref<1024x100000xf32, #tpu.memory_space<hbm>> -> memref<8x6144xf32, #tpu.memory_space<hbm>>
    %dma_wait3A_781 = arith.constant 24576 : i32
    %dma_wait3A_782 = tpu.memref_slice %arg4[%add3A_774, %dma_wait3A_781] : memref<1024x100000xf32, #tpu.memory_space<hbm>> -> memref<8x6144xf32, #tpu.memory_space<hbm>>
    tpu.wait_dma2 semaphore(%arg12 : memref<!tpu.dma_semaphore, #tpu.memory_space<semaphore_mem>>) src(%arg5 : memref<8x6144xf32, #tpu.memory_space<vmem>>) dst(%dma_wait3A_782 : memref<8x6144xf32, #tpu.memory_space<hbm>>)
    %add3A_783 = arith.constant 16 : i32
    %add3A_784 = arith.addi %mul3A_2, %add3A_783 : i32
    %dma_start3A_785 = arith.constant 36864 : i32
    %dma_start3A_786 = tpu.memref_slice %arg2[%add3A_784, %dma_start3A_785] : memref<1024x100000xf32, #tpu.memory_space<hbm>> -> memref<8x6144xf32, #tpu.memory_space<hbm>>
    %dma_start3A_787 = arith.constant 36864 : i32
    %dma_start3A_788 = tpu.memref_slice %arg2[%add3A_784, %dma_start3A_787] : memref<1024x100000xf32, #tpu.memory_space<hbm>> -> memref<8x6144xf32, #tpu.memory_space<hbm>>
    tpu.enqueue_dma source(%dma_start3A_788 : memref<8x6144xf32, #tpu.memory_space<hbm>>) target(%arg5 : memref<8x6144xf32, #tpu.memory_space<vmem>>) target_semaphore(%arg9 : memref<!tpu.dma_semaphore, #tpu.memory_space<semaphore_mem>>)
    %dma_wait3A_789 = arith.constant 30720 : i32
    %dma_wait3A_790 = tpu.memref_slice %arg2[%add3A_764, %dma_wait3A_789] : memref<1024x100000xf32, #tpu.memory_space<hbm>> -> memref<8x6144xf32, #tpu.memory_space<hbm>>
    %dma_wait3A_791 = arith.constant 30720 : i32
    %dma_wait3A_792 = tpu.memref_slice %arg2[%add3A_764, %dma_wait3A_791] : memref<1024x100000xf32, #tpu.memory_space<hbm>> -> memref<8x6144xf32, #tpu.memory_space<hbm>>
    tpu.wait_dma2 semaphore(%arg10 : memref<!tpu.dma_semaphore, #tpu.memory_space<semaphore_mem>>) src(%dma_wait3A_792 : memref<8x6144xf32, #tpu.memory_space<hbm>>) dst(%arg6 : memref<8x6144xf32, #tpu.memory_space<vmem>>)
    %add3A_793 = arith.constant 16 : i32
    %add3A_794 = arith.addi %mul3A_2, %add3A_793 : i32
    %dma_start3A_795 = arith.constant 30720 : i32
    %dma_start3A_796 = tpu.memref_slice %arg4[%add3A_794, %dma_start3A_795] : memref<1024x100000xf32, #tpu.memory_space<hbm>> -> memref<8x6144xf32, #tpu.memory_space<hbm>>
    %dma_start3A_797 = arith.constant 30720 : i32
    %dma_start3A_798 = tpu.memref_slice %arg4[%add3A_794, %dma_start3A_797] : memref<1024x100000xf32, #tpu.memory_space<hbm>> -> memref<8x6144xf32, #tpu.memory_space<hbm>>
    tpu.enqueue_dma source(%arg6 : memref<8x6144xf32, #tpu.memory_space<vmem>>) target(%dma_start3A_798 : memref<8x6144xf32, #tpu.memory_space<hbm>>) target_semaphore(%arg13 : memref<!tpu.dma_semaphore, #tpu.memory_space<semaphore_mem>>)
    %dma_wait3A_799 = arith.constant 30720 : i32
    %dma_wait3A_800 = tpu.memref_slice %arg4[%add3A_794, %dma_wait3A_799] : memref<1024x100000xf32, #tpu.memory_space<hbm>> -> memref<8x6144xf32, #tpu.memory_space<hbm>>
    %dma_wait3A_801 = arith.constant 30720 : i32
    %dma_wait3A_802 = tpu.memref_slice %arg4[%add3A_794, %dma_wait3A_801] : memref<1024x100000xf32, #tpu.memory_space<hbm>> -> memref<8x6144xf32, #tpu.memory_space<hbm>>
    tpu.wait_dma2 semaphore(%arg13 : memref<!tpu.dma_semaphore, #tpu.memory_space<semaphore_mem>>) src(%arg6 : memref<8x6144xf32, #tpu.memory_space<vmem>>) dst(%dma_wait3A_802 : memref<8x6144xf32, #tpu.memory_space<hbm>>)
    %add3A_803 = arith.constant 16 : i32
    %add3A_804 = arith.addi %mul3A_2, %add3A_803 : i32
    %dma_start3A_805 = arith.constant 43008 : i32
    %dma_start3A_806 = tpu.memref_slice %arg2[%add3A_804, %dma_start3A_805] : memref<1024x100000xf32, #tpu.memory_space<hbm>> -> memref<8x6144xf32, #tpu.memory_space<hbm>>
    %dma_start3A_807 = arith.constant 43008 : i32
    %dma_start3A_808 = tpu.memref_slice %arg2[%add3A_804, %dma_start3A_807] : memref<1024x100000xf32, #tpu.memory_space<hbm>> -> memref<8x6144xf32, #tpu.memory_space<hbm>>
    tpu.enqueue_dma source(%dma_start3A_808 : memref<8x6144xf32, #tpu.memory_space<hbm>>) target(%arg6 : memref<8x6144xf32, #tpu.memory_space<vmem>>) target_semaphore(%arg10 : memref<!tpu.dma_semaphore, #tpu.memory_space<semaphore_mem>>)
    %dma_wait3A_809 = arith.constant 36864 : i32
    %dma_wait3A_810 = tpu.memref_slice %arg2[%add3A_784, %dma_wait3A_809] : memref<1024x100000xf32, #tpu.memory_space<hbm>> -> memref<8x6144xf32, #tpu.memory_space<hbm>>
    %dma_wait3A_811 = arith.constant 36864 : i32
    %dma_wait3A_812 = tpu.memref_slice %arg2[%add3A_784, %dma_wait3A_811] : memref<1024x100000xf32, #tpu.memory_space<hbm>> -> memref<8x6144xf32, #tpu.memory_space<hbm>>
    tpu.wait_dma2 semaphore(%arg9 : memref<!tpu.dma_semaphore, #tpu.memory_space<semaphore_mem>>) src(%dma_wait3A_812 : memref<8x6144xf32, #tpu.memory_space<hbm>>) dst(%arg5 : memref<8x6144xf32, #tpu.memory_space<vmem>>)
    %add3A_813 = arith.constant 16 : i32
    %add3A_814 = arith.addi %mul3A_2, %add3A_813 : i32
    %dma_start3A_815 = arith.constant 36864 : i32
    %dma_start3A_816 = tpu.memref_slice %arg4[%add3A_814, %dma_start3A_815] : memref<1024x100000xf32, #tpu.memory_space<hbm>> -> memref<8x6144xf32, #tpu.memory_space<hbm>>
    %dma_start3A_817 = arith.constant 36864 : i32
    %dma_start3A_818 = tpu.memref_slice %arg4[%add3A_814, %dma_start3A_817] : memref<1024x100000xf32, #tpu.memory_space<hbm>> -> memref<8x6144xf32, #tpu.memory_space<hbm>>
    tpu.enqueue_dma source(%arg5 : memref<8x6144xf32, #tpu.memory_space<vmem>>) target(%dma_start3A_818 : memref<8x6144xf32, #tpu.memory_space<hbm>>) target_semaphore(%arg12 : memref<!tpu.dma_semaphore, #tpu.memory_space<semaphore_mem>>)
    %dma_wait3A_819 = arith.constant 36864 : i32
    %dma_wait3A_820 = tpu.memref_slice %arg4[%add3A_814, %dma_wait3A_819] : memref<1024x100000xf32, #tpu.memory_space<hbm>> -> memref<8x6144xf32, #tpu.memory_space<hbm>>
    %dma_wait3A_821 = arith.constant 36864 : i32
    %dma_wait3A_822 = tpu.memref_slice %arg4[%add3A_814, %dma_wait3A_821] : memref<1024x100000xf32, #tpu.memory_space<hbm>> -> memref<8x6144xf32, #tpu.memory_space<hbm>>
    tpu.wait_dma2 semaphore(%arg12 : memref<!tpu.dma_semaphore, #tpu.memory_space<semaphore_mem>>) src(%arg5 : memref<8x6144xf32, #tpu.memory_space<vmem>>) dst(%dma_wait3A_822 : memref<8x6144xf32, #tpu.memory_space<hbm>>)
    %add3A_823 = arith.constant 16 : i32
    %add3A_824 = arith.addi %mul3A_2, %add3A_823 : i32
    %dma_start3A_825 = arith.constant 49152 : i32
    %dma_start3A_826 = tpu.memref_slice %arg2[%add3A_824, %dma_start3A_825] : memref<1024x100000xf32, #tpu.memory_space<hbm>> -> memref<8x6144xf32, #tpu.memory_space<hbm>>
    %dma_start3A_827 = arith.constant 49152 : i32
    %dma_start3A_828 = tpu.memref_slice %arg2[%add3A_824, %dma_start3A_827] : memref<1024x100000xf32, #tpu.memory_space<hbm>> -> memref<8x6144xf32, #tpu.memory_space<hbm>>
    tpu.enqueue_dma source(%dma_start3A_828 : memref<8x6144xf32, #tpu.memory_space<hbm>>) target(%arg5 : memref<8x6144xf32, #tpu.memory_space<vmem>>) target_semaphore(%arg9 : memref<!tpu.dma_semaphore, #tpu.memory_space<semaphore_mem>>)
    %dma_wait3A_829 = arith.constant 43008 : i32
    %dma_wait3A_830 = tpu.memref_slice %arg2[%add3A_804, %dma_wait3A_829] : memref<1024x100000xf32, #tpu.memory_space<hbm>> -> memref<8x6144xf32, #tpu.memory_space<hbm>>
    %dma_wait3A_831 = arith.constant 43008 : i32
    %dma_wait3A_832 = tpu.memref_slice %arg2[%add3A_804, %dma_wait3A_831] : memref<1024x100000xf32, #tpu.memory_space<hbm>> -> memref<8x6144xf32, #tpu.memory_space<hbm>>
    tpu.wait_dma2 semaphore(%arg10 : memref<!tpu.dma_semaphore, #tpu.memory_space<semaphore_mem>>) src(%dma_wait3A_832 : memref<8x6144xf32, #tpu.memory_space<hbm>>) dst(%arg6 : memref<8x6144xf32, #tpu.memory_space<vmem>>)
    %add3A_833 = arith.constant 16 : i32
    %add3A_834 = arith.addi %mul3A_2, %add3A_833 : i32
    %dma_start3A_835 = arith.constant 43008 : i32
    %dma_start3A_836 = tpu.memref_slice %arg4[%add3A_834, %dma_start3A_835] : memref<1024x100000xf32, #tpu.memory_space<hbm>> -> memref<8x6144xf32, #tpu.memory_space<hbm>>
    %dma_start3A_837 = arith.constant 43008 : i32
    %dma_start3A_838 = tpu.memref_slice %arg4[%add3A_834, %dma_start3A_837] : memref<1024x100000xf32, #tpu.memory_space<hbm>> -> memref<8x6144xf32, #tpu.memory_space<hbm>>
    tpu.enqueue_dma source(%arg6 : memref<8x6144xf32, #tpu.memory_space<vmem>>) target(%dma_start3A_838 : memref<8x6144xf32, #tpu.memory_space<hbm>>) target_semaphore(%arg13 : memref<!tpu.dma_semaphore, #tpu.memory_space<semaphore_mem>>)
    %dma_wait3A_839 = arith.constant 43008 : i32
    %dma_wait3A_840 = tpu.memref_slice %arg4[%add3A_834, %dma_wait3A_839] : memref<1024x100000xf32, #tpu.memory_space<hbm>> -> memref<8x6144xf32, #tpu.memory_space<hbm>>
    %dma_wait3A_841 = arith.constant 43008 : i32
    %dma_wait3A_842 = tpu.memref_slice %arg4[%add3A_834, %dma_wait3A_841] : memref<1024x100000xf32, #tpu.memory_space<hbm>> -> memref<8x6144xf32, #tpu.memory_space<hbm>>
    tpu.wait_dma2 semaphore(%arg13 : memref<!tpu.dma_semaphore, #tpu.memory_space<semaphore_mem>>) src(%arg6 : memref<8x6144xf32, #tpu.memory_space<vmem>>) dst(%dma_wait3A_842 : memref<8x6144xf32, #tpu.memory_space<hbm>>)
    %add3A_843 = arith.constant 16 : i32
    %add3A_844 = arith.addi %mul3A_2, %add3A_843 : i32
    %dma_start3A_845 = arith.constant 55296 : i32
    %dma_start3A_846 = tpu.memref_slice %arg2[%add3A_844, %dma_start3A_845] : memref<1024x100000xf32, #tpu.memory_space<hbm>> -> memref<8x6144xf32, #tpu.memory_space<hbm>>
    %dma_start3A_847 = arith.constant 55296 : i32
    %dma_start3A_848 = tpu.memref_slice %arg2[%add3A_844, %dma_start3A_847] : memref<1024x100000xf32, #tpu.memory_space<hbm>> -> memref<8x6144xf32, #tpu.memory_space<hbm>>
    tpu.enqueue_dma source(%dma_start3A_848 : memref<8x6144xf32, #tpu.memory_space<hbm>>) target(%arg6 : memref<8x6144xf32, #tpu.memory_space<vmem>>) target_semaphore(%arg10 : memref<!tpu.dma_semaphore, #tpu.memory_space<semaphore_mem>>)
    %dma_wait3A_849 = arith.constant 49152 : i32
    %dma_wait3A_850 = tpu.memref_slice %arg2[%add3A_824, %dma_wait3A_849] : memref<1024x100000xf32, #tpu.memory_space<hbm>> -> memref<8x6144xf32, #tpu.memory_space<hbm>>
    %dma_wait3A_851 = arith.constant 49152 : i32
    %dma_wait3A_852 = tpu.memref_slice %arg2[%add3A_824, %dma_wait3A_851] : memref<1024x100000xf32, #tpu.memory_space<hbm>> -> memref<8x6144xf32, #tpu.memory_space<hbm>>
    tpu.wait_dma2 semaphore(%arg9 : memref<!tpu.dma_semaphore, #tpu.memory_space<semaphore_mem>>) src(%dma_wait3A_852 : memref<8x6144xf32, #tpu.memory_space<hbm>>) dst(%arg5 : memref<8x6144xf32, #tpu.memory_space<vmem>>)
    %add3A_853 = arith.constant 16 : i32
    %add3A_854 = arith.addi %mul3A_2, %add3A_853 : i32
    %dma_start3A_855 = arith.constant 49152 : i32
    %dma_start3A_856 = tpu.memref_slice %arg4[%add3A_854, %dma_start3A_855] : memref<1024x100000xf32, #tpu.memory_space<hbm>> -> memref<8x6144xf32, #tpu.memory_space<hbm>>
    %dma_start3A_857 = arith.constant 49152 : i32
    %dma_start3A_858 = tpu.memref_slice %arg4[%add3A_854, %dma_start3A_857] : memref<1024x100000xf32, #tpu.memory_space<hbm>> -> memref<8x6144xf32, #tpu.memory_space<hbm>>
    tpu.enqueue_dma source(%arg5 : memref<8x6144xf32, #tpu.memory_space<vmem>>) target(%dma_start3A_858 : memref<8x6144xf32, #tpu.memory_space<hbm>>) target_semaphore(%arg12 : memref<!tpu.dma_semaphore, #tpu.memory_space<semaphore_mem>>)
    %dma_wait3A_859 = arith.constant 49152 : i32
    %dma_wait3A_860 = tpu.memref_slice %arg4[%add3A_854, %dma_wait3A_859] : memref<1024x100000xf32, #tpu.memory_space<hbm>> -> memref<8x6144xf32, #tpu.memory_space<hbm>>
    %dma_wait3A_861 = arith.constant 49152 : i32
    %dma_wait3A_862 = tpu.memref_slice %arg4[%add3A_854, %dma_wait3A_861] : memref<1024x100000xf32, #tpu.memory_space<hbm>> -> memref<8x6144xf32, #tpu.memory_space<hbm>>
    tpu.wait_dma2 semaphore(%arg12 : memref<!tpu.dma_semaphore, #tpu.memory_space<semaphore_mem>>) src(%arg5 : memref<8x6144xf32, #tpu.memory_space<vmem>>) dst(%dma_wait3A_862 : memref<8x6144xf32, #tpu.memory_space<hbm>>)
    %add3A_863 = arith.constant 16 : i32
    %add3A_864 = arith.addi %mul3A_2, %add3A_863 : i32
    %dma_start3A_865 = arith.constant 61440 : i32
    %dma_start3A_866 = tpu.memref_slice %arg2[%add3A_864, %dma_start3A_865] : memref<1024x100000xf32, #tpu.memory_space<hbm>> -> memref<8x6144xf32, #tpu.memory_space<hbm>>
    %dma_start3A_867 = arith.constant 61440 : i32
    %dma_start3A_868 = tpu.memref_slice %arg2[%add3A_864, %dma_start3A_867] : memref<1024x100000xf32, #tpu.memory_space<hbm>> -> memref<8x6144xf32, #tpu.memory_space<hbm>>
    tpu.enqueue_dma source(%dma_start3A_868 : memref<8x6144xf32, #tpu.memory_space<hbm>>) target(%arg5 : memref<8x6144xf32, #tpu.memory_space<vmem>>) target_semaphore(%arg9 : memref<!tpu.dma_semaphore, #tpu.memory_space<semaphore_mem>>)
    %dma_wait3A_869 = arith.constant 55296 : i32
    %dma_wait3A_870 = tpu.memref_slice %arg2[%add3A_844, %dma_wait3A_869] : memref<1024x100000xf32, #tpu.memory_space<hbm>> -> memref<8x6144xf32, #tpu.memory_space<hbm>>
    %dma_wait3A_871 = arith.constant 55296 : i32
    %dma_wait3A_872 = tpu.memref_slice %arg2[%add3A_844, %dma_wait3A_871] : memref<1024x100000xf32, #tpu.memory_space<hbm>> -> memref<8x6144xf32, #tpu.memory_space<hbm>>
    tpu.wait_dma2 semaphore(%arg10 : memref<!tpu.dma_semaphore, #tpu.memory_space<semaphore_mem>>) src(%dma_wait3A_872 : memref<8x6144xf32, #tpu.memory_space<hbm>>) dst(%arg6 : memref<8x6144xf32, #tpu.memory_space<vmem>>)
    %add3A_873 = arith.constant 16 : i32
    %add3A_874 = arith.addi %mul3A_2, %add3A_873 : i32
    %dma_start3A_875 = arith.constant 55296 : i32
    %dma_start3A_876 = tpu.memref_slice %arg4[%add3A_874, %dma_start3A_875] : memref<1024x100000xf32, #tpu.memory_space<hbm>> -> memref<8x6144xf32, #tpu.memory_space<hbm>>
    %dma_start3A_877 = arith.constant 55296 : i32
    %dma_start3A_878 = tpu.memref_slice %arg4[%add3A_874, %dma_start3A_877] : memref<1024x100000xf32, #tpu.memory_space<hbm>> -> memref<8x6144xf32, #tpu.memory_space<hbm>>
    tpu.enqueue_dma source(%arg6 : memref<8x6144xf32, #tpu.memory_space<vmem>>) target(%dma_start3A_878 : memref<8x6144xf32, #tpu.memory_space<hbm>>) target_semaphore(%arg13 : memref<!tpu.dma_semaphore, #tpu.memory_space<semaphore_mem>>)
    %dma_wait3A_879 = arith.constant 55296 : i32
    %dma_wait3A_880 = tpu.memref_slice %arg4[%add3A_874, %dma_wait3A_879] : memref<1024x100000xf32, #tpu.memory_space<hbm>> -> memref<8x6144xf32, #tpu.memory_space<hbm>>
    %dma_wait3A_881 = arith.constant 55296 : i32
    %dma_wait3A_882 = tpu.memref_slice %arg4[%add3A_874, %dma_wait3A_881] : memref<1024x100000xf32, #tpu.memory_space<hbm>> -> memref<8x6144xf32, #tpu.memory_space<hbm>>
    tpu.wait_dma2 semaphore(%arg13 : memref<!tpu.dma_semaphore, #tpu.memory_space<semaphore_mem>>) src(%arg6 : memref<8x6144xf32, #tpu.memory_space<vmem>>) dst(%dma_wait3A_882 : memref<8x6144xf32, #tpu.memory_space<hbm>>)
    %add3A_883 = arith.constant 16 : i32
    %add3A_884 = arith.addi %mul3A_2, %add3A_883 : i32
    %dma_start3A_885 = arith.constant 67584 : i32
    %dma_start3A_886 = tpu.memref_slice %arg2[%add3A_884, %dma_start3A_885] : memref<1024x100000xf32, #tpu.memory_space<hbm>> -> memref<8x6144xf32, #tpu.memory_space<hbm>>
    %dma_start3A_887 = arith.constant 67584 : i32
    %dma_start3A_888 = tpu.memref_slice %arg2[%add3A_884, %dma_start3A_887] : memref<1024x100000xf32, #tpu.memory_space<hbm>> -> memref<8x6144xf32, #tpu.memory_space<hbm>>
    tpu.enqueue_dma source(%dma_start3A_888 : memref<8x6144xf32, #tpu.memory_space<hbm>>) target(%arg6 : memref<8x6144xf32, #tpu.memory_space<vmem>>) target_semaphore(%arg10 : memref<!tpu.dma_semaphore, #tpu.memory_space<semaphore_mem>>)
    %dma_wait3A_889 = arith.constant 61440 : i32
    %dma_wait3A_890 = tpu.memref_slice %arg2[%add3A_864, %dma_wait3A_889] : memref<1024x100000xf32, #tpu.memory_space<hbm>> -> memref<8x6144xf32, #tpu.memory_space<hbm>>
    %dma_wait3A_891 = arith.constant 61440 : i32
    %dma_wait3A_892 = tpu.memref_slice %arg2[%add3A_864, %dma_wait3A_891] : memref<1024x100000xf32, #tpu.memory_space<hbm>> -> memref<8x6144xf32, #tpu.memory_space<hbm>>
    tpu.wait_dma2 semaphore(%arg9 : memref<!tpu.dma_semaphore, #tpu.memory_space<semaphore_mem>>) src(%dma_wait3A_892 : memref<8x6144xf32, #tpu.memory_space<hbm>>) dst(%arg5 : memref<8x6144xf32, #tpu.memory_space<vmem>>)
    %add3A_893 = arith.constant 16 : i32
    %add3A_894 = arith.addi %mul3A_2, %add3A_893 : i32
    %dma_start3A_895 = arith.constant 61440 : i32
    %dma_start3A_896 = tpu.memref_slice %arg4[%add3A_894, %dma_start3A_895] : memref<1024x100000xf32, #tpu.memory_space<hbm>> -> memref<8x6144xf32, #tpu.memory_space<hbm>>
    %dma_start3A_897 = arith.constant 61440 : i32
    %dma_start3A_898 = tpu.memref_slice %arg4[%add3A_894, %dma_start3A_897] : memref<1024x100000xf32, #tpu.memory_space<hbm>> -> memref<8x6144xf32, #tpu.memory_space<hbm>>
    tpu.enqueue_dma source(%arg5 : memref<8x6144xf32, #tpu.memory_space<vmem>>) target(%dma_start3A_898 : memref<8x6144xf32, #tpu.memory_space<hbm>>) target_semaphore(%arg12 : memref<!tpu.dma_semaphore, #tpu.memory_space<semaphore_mem>>)
    %dma_wait3A_899 = arith.constant 61440 : i32
    %dma_wait3A_900 = tpu.memref_slice %arg4[%add3A_894, %dma_wait3A_899] : memref<1024x100000xf32, #tpu.memory_space<hbm>> -> memref<8x6144xf32, #tpu.memory_space<hbm>>
    %dma_wait3A_901 = arith.constant 61440 : i32
    %dma_wait3A_902 = tpu.memref_slice %arg4[%add3A_894, %dma_wait3A_901] : memref<1024x100000xf32, #tpu.memory_space<hbm>> -> memref<8x6144xf32, #tpu.memory_space<hbm>>
    tpu.wait_dma2 semaphore(%arg12 : memref<!tpu.dma_semaphore, #tpu.memory_space<semaphore_mem>>) src(%arg5 : memref<8x6144xf32, #tpu.memory_space<vmem>>) dst(%dma_wait3A_902 : memref<8x6144xf32, #tpu.memory_space<hbm>>)
    %add3A_903 = arith.constant 16 : i32
    %add3A_904 = arith.addi %mul3A_2, %add3A_903 : i32
    %dma_start3A_905 = arith.constant 73728 : i32
    %dma_start3A_906 = tpu.memref_slice %arg2[%add3A_904, %dma_start3A_905] : memref<1024x100000xf32, #tpu.memory_space<hbm>> -> memref<8x6144xf32, #tpu.memory_space<hbm>>
    %dma_start3A_907 = arith.constant 73728 : i32
    %dma_start3A_908 = tpu.memref_slice %arg2[%add3A_904, %dma_start3A_907] : memref<1024x100000xf32, #tpu.memory_space<hbm>> -> memref<8x6144xf32, #tpu.memory_space<hbm>>
    tpu.enqueue_dma source(%dma_start3A_908 : memref<8x6144xf32, #tpu.memory_space<hbm>>) target(%arg5 : memref<8x6144xf32, #tpu.memory_space<vmem>>) target_semaphore(%arg9 : memref<!tpu.dma_semaphore, #tpu.memory_space<semaphore_mem>>)
    %dma_wait3A_909 = arith.constant 67584 : i32
    %dma_wait3A_910 = tpu.memref_slice %arg2[%add3A_884, %dma_wait3A_909] : memref<1024x100000xf32, #tpu.memory_space<hbm>> -> memref<8x6144xf32, #tpu.memory_space<hbm>>
    %dma_wait3A_911 = arith.constant 67584 : i32
    %dma_wait3A_912 = tpu.memref_slice %arg2[%add3A_884, %dma_wait3A_911] : memref<1024x100000xf32, #tpu.memory_space<hbm>> -> memref<8x6144xf32, #tpu.memory_space<hbm>>
    tpu.wait_dma2 semaphore(%arg10 : memref<!tpu.dma_semaphore, #tpu.memory_space<semaphore_mem>>) src(%dma_wait3A_912 : memref<8x6144xf32, #tpu.memory_space<hbm>>) dst(%arg6 : memref<8x6144xf32, #tpu.memory_space<vmem>>)
    %add3A_913 = arith.constant 16 : i32
    %add3A_914 = arith.addi %mul3A_2, %add3A_913 : i32
    %dma_start3A_915 = arith.constant 67584 : i32
    %dma_start3A_916 = tpu.memref_slice %arg4[%add3A_914, %dma_start3A_915] : memref<1024x100000xf32, #tpu.memory_space<hbm>> -> memref<8x6144xf32, #tpu.memory_space<hbm>>
    %dma_start3A_917 = arith.constant 67584 : i32
    %dma_start3A_918 = tpu.memref_slice %arg4[%add3A_914, %dma_start3A_917] : memref<1024x100000xf32, #tpu.memory_space<hbm>> -> memref<8x6144xf32, #tpu.memory_space<hbm>>
    tpu.enqueue_dma source(%arg6 : memref<8x6144xf32, #tpu.memory_space<vmem>>) target(%dma_start3A_918 : memref<8x6144xf32, #tpu.memory_space<hbm>>) target_semaphore(%arg13 : memref<!tpu.dma_semaphore, #tpu.memory_space<semaphore_mem>>)
    %dma_wait3A_919 = arith.constant 67584 : i32
    %dma_wait3A_920 = tpu.memref_slice %arg4[%add3A_914, %dma_wait3A_919] : memref<1024x100000xf32, #tpu.memory_space<hbm>> -> memref<8x6144xf32, #tpu.memory_space<hbm>>
    %dma_wait3A_921 = arith.constant 67584 : i32
    %dma_wait3A_922 = tpu.memref_slice %arg4[%add3A_914, %dma_wait3A_921] : memref<1024x100000xf32, #tpu.memory_space<hbm>> -> memref<8x6144xf32, #tpu.memory_space<hbm>>
    tpu.wait_dma2 semaphore(%arg13 : memref<!tpu.dma_semaphore, #tpu.memory_space<semaphore_mem>>) src(%arg6 : memref<8x6144xf32, #tpu.memory_space<vmem>>) dst(%dma_wait3A_922 : memref<8x6144xf32, #tpu.memory_space<hbm>>)
    %add3A_923 = arith.constant 16 : i32
    %add3A_924 = arith.addi %mul3A_2, %add3A_923 : i32
    %dma_start3A_925 = arith.constant 79872 : i32
    %dma_start3A_926 = tpu.memref_slice %arg2[%add3A_924, %dma_start3A_925] : memref<1024x100000xf32, #tpu.memory_space<hbm>> -> memref<8x6144xf32, #tpu.memory_space<hbm>>
    %dma_start3A_927 = arith.constant 79872 : i32
    %dma_start3A_928 = tpu.memref_slice %arg2[%add3A_924, %dma_start3A_927] : memref<1024x100000xf32, #tpu.memory_space<hbm>> -> memref<8x6144xf32, #tpu.memory_space<hbm>>
    tpu.enqueue_dma source(%dma_start3A_928 : memref<8x6144xf32, #tpu.memory_space<hbm>>) target(%arg6 : memref<8x6144xf32, #tpu.memory_space<vmem>>) target_semaphore(%arg10 : memref<!tpu.dma_semaphore, #tpu.memory_space<semaphore_mem>>)
    %dma_wait3A_929 = arith.constant 73728 : i32
    %dma_wait3A_930 = tpu.memref_slice %arg2[%add3A_904, %dma_wait3A_929] : memref<1024x100000xf32, #tpu.memory_space<hbm>> -> memref<8x6144xf32, #tpu.memory_space<hbm>>
    %dma_wait3A_931 = arith.constant 73728 : i32
    %dma_wait3A_932 = tpu.memref_slice %arg2[%add3A_904, %dma_wait3A_931] : memref<1024x100000xf32, #tpu.memory_space<hbm>> -> memref<8x6144xf32, #tpu.memory_space<hbm>>
    tpu.wait_dma2 semaphore(%arg9 : memref<!tpu.dma_semaphore, #tpu.memory_space<semaphore_mem>>) src(%dma_wait3A_932 : memref<8x6144xf32, #tpu.memory_space<hbm>>) dst(%arg5 : memref<8x6144xf32, #tpu.memory_space<vmem>>)
    %add3A_933 = arith.constant 16 : i32
    %add3A_934 = arith.addi %mul3A_2, %add3A_933 : i32
    %dma_start3A_935 = arith.constant 73728 : i32
    %dma_start3A_936 = tpu.memref_slice %arg4[%add3A_934, %dma_start3A_935] : memref<1024x100000xf32, #tpu.memory_space<hbm>> -> memref<8x6144xf32, #tpu.memory_space<hbm>>
    %dma_start3A_937 = arith.constant 73728 : i32
    %dma_start3A_938 = tpu.memref_slice %arg4[%add3A_934, %dma_start3A_937] : memref<1024x100000xf32, #tpu.memory_space<hbm>> -> memref<8x6144xf32, #tpu.memory_space<hbm>>
    tpu.enqueue_dma source(%arg5 : memref<8x6144xf32, #tpu.memory_space<vmem>>) target(%dma_start3A_938 : memref<8x6144xf32, #tpu.memory_space<hbm>>) target_semaphore(%arg12 : memref<!tpu.dma_semaphore, #tpu.memory_space<semaphore_mem>>)
    %dma_wait3A_939 = arith.constant 73728 : i32
    %dma_wait3A_940 = tpu.memref_slice %arg4[%add3A_934, %dma_wait3A_939] : memref<1024x100000xf32, #tpu.memory_space<hbm>> -> memref<8x6144xf32, #tpu.memory_space<hbm>>
    %dma_wait3A_941 = arith.constant 73728 : i32
    %dma_wait3A_942 = tpu.memref_slice %arg4[%add3A_934, %dma_wait3A_941] : memref<1024x100000xf32, #tpu.memory_space<hbm>> -> memref<8x6144xf32, #tpu.memory_space<hbm>>
    tpu.wait_dma2 semaphore(%arg12 : memref<!tpu.dma_semaphore, #tpu.memory_space<semaphore_mem>>) src(%arg5 : memref<8x6144xf32, #tpu.memory_space<vmem>>) dst(%dma_wait3A_942 : memref<8x6144xf32, #tpu.memory_space<hbm>>)
    %add3A_943 = arith.constant 16 : i32
    %add3A_944 = arith.addi %mul3A_2, %add3A_943 : i32
    %dma_start3A_945 = arith.constant 86016 : i32
    %dma_start3A_946 = tpu.memref_slice %arg2[%add3A_944, %dma_start3A_945] : memref<1024x100000xf32, #tpu.memory_space<hbm>> -> memref<8x6144xf32, #tpu.memory_space<hbm>>
    %dma_start3A_947 = arith.constant 86016 : i32
    %dma_start3A_948 = tpu.memref_slice %arg2[%add3A_944, %dma_start3A_947] : memref<1024x100000xf32, #tpu.memory_space<hbm>> -> memref<8x6144xf32, #tpu.memory_space<hbm>>
    tpu.enqueue_dma source(%dma_start3A_948 : memref<8x6144xf32, #tpu.memory_space<hbm>>) target(%arg5 : memref<8x6144xf32, #tpu.memory_space<vmem>>) target_semaphore(%arg9 : memref<!tpu.dma_semaphore, #tpu.memory_space<semaphore_mem>>)
    %dma_wait3A_949 = arith.constant 79872 : i32
    %dma_wait3A_950 = tpu.memref_slice %arg2[%add3A_924, %dma_wait3A_949] : memref<1024x100000xf32, #tpu.memory_space<hbm>> -> memref<8x6144xf32, #tpu.memory_space<hbm>>
    %dma_wait3A_951 = arith.constant 79872 : i32
    %dma_wait3A_952 = tpu.memref_slice %arg2[%add3A_924, %dma_wait3A_951] : memref<1024x100000xf32, #tpu.memory_space<hbm>> -> memref<8x6144xf32, #tpu.memory_space<hbm>>
    tpu.wait_dma2 semaphore(%arg10 : memref<!tpu.dma_semaphore, #tpu.memory_space<semaphore_mem>>) src(%dma_wait3A_952 : memref<8x6144xf32, #tpu.memory_space<hbm>>) dst(%arg6 : memref<8x6144xf32, #tpu.memory_space<vmem>>)
    %add3A_953 = arith.constant 16 : i32
    %add3A_954 = arith.addi %mul3A_2, %add3A_953 : i32
    %dma_start3A_955 = arith.constant 79872 : i32
    %dma_start3A_956 = tpu.memref_slice %arg4[%add3A_954, %dma_start3A_955] : memref<1024x100000xf32, #tpu.memory_space<hbm>> -> memref<8x6144xf32, #tpu.memory_space<hbm>>
    %dma_start3A_957 = arith.constant 79872 : i32
    %dma_start3A_958 = tpu.memref_slice %arg4[%add3A_954, %dma_start3A_957] : memref<1024x100000xf32, #tpu.memory_space<hbm>> -> memref<8x6144xf32, #tpu.memory_space<hbm>>
    tpu.enqueue_dma source(%arg6 : memref<8x6144xf32, #tpu.memory_space<vmem>>) target(%dma_start3A_958 : memref<8x6144xf32, #tpu.memory_space<hbm>>) target_semaphore(%arg13 : memref<!tpu.dma_semaphore, #tpu.memory_space<semaphore_mem>>)
    %dma_wait3A_959 = arith.constant 79872 : i32
    %dma_wait3A_960 = tpu.memref_slice %arg4[%add3A_954, %dma_wait3A_959] : memref<1024x100000xf32, #tpu.memory_space<hbm>> -> memref<8x6144xf32, #tpu.memory_space<hbm>>
    %dma_wait3A_961 = arith.constant 79872 : i32
    %dma_wait3A_962 = tpu.memref_slice %arg4[%add3A_954, %dma_wait3A_961] : memref<1024x100000xf32, #tpu.memory_space<hbm>> -> memref<8x6144xf32, #tpu.memory_space<hbm>>
    tpu.wait_dma2 semaphore(%arg13 : memref<!tpu.dma_semaphore, #tpu.memory_space<semaphore_mem>>) src(%arg6 : memref<8x6144xf32, #tpu.memory_space<vmem>>) dst(%dma_wait3A_962 : memref<8x6144xf32, #tpu.memory_space<hbm>>)
    %add3A_963 = arith.constant 16 : i32
    %add3A_964 = arith.addi %mul3A_2, %add3A_963 : i32
    %dma_start3A_965 = arith.constant 92160 : i32
    %dma_start3A_966 = tpu.memref_slice %arg2[%add3A_964, %dma_start3A_965] : memref<1024x100000xf32, #tpu.memory_space<hbm>> -> memref<8x6144xf32, #tpu.memory_space<hbm>>
    %dma_start3A_967 = arith.constant 92160 : i32
    %dma_start3A_968 = tpu.memref_slice %arg2[%add3A_964, %dma_start3A_967] : memref<1024x100000xf32, #tpu.memory_space<hbm>> -> memref<8x6144xf32, #tpu.memory_space<hbm>>
    tpu.enqueue_dma source(%dma_start3A_968 : memref<8x6144xf32, #tpu.memory_space<hbm>>) target(%arg6 : memref<8x6144xf32, #tpu.memory_space<vmem>>) target_semaphore(%arg10 : memref<!tpu.dma_semaphore, #tpu.memory_space<semaphore_mem>>)
    %dma_wait3A_969 = arith.constant 86016 : i32
    %dma_wait3A_970 = tpu.memref_slice %arg2[%add3A_944, %dma_wait3A_969] : memref<1024x100000xf32, #tpu.memory_space<hbm>> -> memref<8x6144xf32, #tpu.memory_space<hbm>>
    %dma_wait3A_971 = arith.constant 86016 : i32
    %dma_wait3A_972 = tpu.memref_slice %arg2[%add3A_944, %dma_wait3A_971] : memref<1024x100000xf32, #tpu.memory_space<hbm>> -> memref<8x6144xf32, #tpu.memory_space<hbm>>
    tpu.wait_dma2 semaphore(%arg9 : memref<!tpu.dma_semaphore, #tpu.memory_space<semaphore_mem>>) src(%dma_wait3A_972 : memref<8x6144xf32, #tpu.memory_space<hbm>>) dst(%arg5 : memref<8x6144xf32, #tpu.memory_space<vmem>>)
    %add3A_973 = arith.constant 16 : i32
    %add3A_974 = arith.addi %mul3A_2, %add3A_973 : i32
    %dma_start3A_975 = arith.constant 86016 : i32
    %dma_start3A_976 = tpu.memref_slice %arg4[%add3A_974, %dma_start3A_975] : memref<1024x100000xf32, #tpu.memory_space<hbm>> -> memref<8x6144xf32, #tpu.memory_space<hbm>>
    %dma_start3A_977 = arith.constant 86016 : i32
    %dma_start3A_978 = tpu.memref_slice %arg4[%add3A_974, %dma_start3A_977] : memref<1024x100000xf32, #tpu.memory_space<hbm>> -> memref<8x6144xf32, #tpu.memory_space<hbm>>
    tpu.enqueue_dma source(%arg5 : memref<8x6144xf32, #tpu.memory_space<vmem>>) target(%dma_start3A_978 : memref<8x6144xf32, #tpu.memory_space<hbm>>) target_semaphore(%arg12 : memref<!tpu.dma_semaphore, #tpu.memory_space<semaphore_mem>>)
    %dma_wait3A_979 = arith.constant 98304 : i32
    %dma_wait3A_980 = tpu.memref_slice %arg4[%add3A_674, %dma_wait3A_979] : memref<1024x100000xf32, #tpu.memory_space<hbm>> -> memref<8x1696xf32, #tpu.memory_space<hbm>>
    %dma_wait3A_981 = arith.constant 98304 : i32
    %dma_wait3A_982 = tpu.memref_slice %arg4[%add3A_674, %dma_wait3A_981] : memref<1024x100000xf32, #tpu.memory_space<hbm>> -> memref<8x1696xf32, #tpu.memory_space<hbm>>
    tpu.wait_dma2 semaphore(%arg14 : memref<!tpu.dma_semaphore, #tpu.memory_space<semaphore_mem>>) src(%arg7 : memref<8x1696xf32, #tpu.memory_space<vmem>>) dst(%dma_wait3A_982 : memref<8x1696xf32, #tpu.memory_space<hbm>>)
    %add3A_983 = arith.constant 16 : i32
    %add3A_984 = arith.addi %mul3A_2, %add3A_983 : i32
    %dma_start3A_985 = arith.constant 98304 : i32
    %dma_start3A_986 = tpu.memref_slice %arg2[%add3A_984, %dma_start3A_985] : memref<1024x100000xf32, #tpu.memory_space<hbm>> -> memref<8x1696xf32, #tpu.memory_space<hbm>>
    %dma_start3A_987 = arith.constant 98304 : i32
    %dma_start3A_988 = tpu.memref_slice %arg2[%add3A_984, %dma_start3A_987] : memref<1024x100000xf32, #tpu.memory_space<hbm>> -> memref<8x1696xf32, #tpu.memory_space<hbm>>
    tpu.enqueue_dma source(%dma_start3A_988 : memref<8x1696xf32, #tpu.memory_space<hbm>>) target(%arg7 : memref<8x1696xf32, #tpu.memory_space<vmem>>) target_semaphore(%arg11 : memref<!tpu.dma_semaphore, #tpu.memory_space<semaphore_mem>>)
    %dma_wait3A_989 = arith.constant 92160 : i32
    %dma_wait3A_990 = tpu.memref_slice %arg2[%add3A_964, %dma_wait3A_989] : memref<1024x100000xf32, #tpu.memory_space<hbm>> -> memref<8x6144xf32, #tpu.memory_space<hbm>>
    %dma_wait3A_991 = arith.constant 92160 : i32
    %dma_wait3A_992 = tpu.memref_slice %arg2[%add3A_964, %dma_wait3A_991] : memref<1024x100000xf32, #tpu.memory_space<hbm>> -> memref<8x6144xf32, #tpu.memory_space<hbm>>
    tpu.wait_dma2 semaphore(%arg10 : memref<!tpu.dma_semaphore, #tpu.memory_space<semaphore_mem>>) src(%dma_wait3A_992 : memref<8x6144xf32, #tpu.memory_space<hbm>>) dst(%arg6 : memref<8x6144xf32, #tpu.memory_space<vmem>>)
    %add3A_993 = arith.constant 16 : i32
    %add3A_994 = arith.addi %mul3A_2, %add3A_993 : i32
    %dma_start3A_995 = arith.constant 92160 : i32
    %dma_start3A_996 = tpu.memref_slice %arg4[%add3A_994, %dma_start3A_995] : memref<1024x100000xf32, #tpu.memory_space<hbm>> -> memref<8x6144xf32, #tpu.memory_space<hbm>>
    %dma_start3A_997 = arith.constant 92160 : i32
    %dma_start3A_998 = tpu.memref_slice %arg4[%add3A_994, %dma_start3A_997] : memref<1024x100000xf32, #tpu.memory_space<hbm>> -> memref<8x6144xf32, #tpu.memory_space<hbm>>
    tpu.enqueue_dma source(%arg6 : memref<8x6144xf32, #tpu.memory_space<vmem>>) target(%dma_start3A_998 : memref<8x6144xf32, #tpu.memory_space<hbm>>) target_semaphore(%arg13 : memref<!tpu.dma_semaphore, #tpu.memory_space<semaphore_mem>>)
    %dma_wait3A_999 = arith.constant 86016 : i32
    %dma_wait3A_1000 = tpu.memref_slice %arg4[%add3A_974, %dma_wait3A_999] : memref<1024x100000xf32, #tpu.memory_space<hbm>> -> memref<8x6144xf32, #tpu.memory_space<hbm>>
    %dma_wait3A_1001 = arith.constant 86016 : i32
    %dma_wait3A_1002 = tpu.memref_slice %arg4[%add3A_974, %dma_wait3A_1001] : memref<1024x100000xf32, #tpu.memory_space<hbm>> -> memref<8x6144xf32, #tpu.memory_space<hbm>>
    tpu.wait_dma2 semaphore(%arg12 : memref<!tpu.dma_semaphore, #tpu.memory_space<semaphore_mem>>) src(%arg5 : memref<8x6144xf32, #tpu.memory_space<vmem>>) dst(%dma_wait3A_1002 : memref<8x6144xf32, #tpu.memory_space<hbm>>)
    %add3A_1003 = arith.constant 24 : i32
    %add3A_1004 = arith.addi %mul3A_2, %add3A_1003 : i32
    %dma_start3A_1005 = arith.constant 0 : i32
    %dma_start3A_1006 = tpu.memref_slice %arg2[%add3A_1004, %dma_start3A_1005] : memref<1024x100000xf32, #tpu.memory_space<hbm>> -> memref<8x6144xf32, #tpu.memory_space<hbm>>
    %dma_start3A_1007 = arith.constant 0 : i32
    %dma_start3A_1008 = tpu.memref_slice %arg2[%add3A_1004, %dma_start3A_1007] : memref<1024x100000xf32, #tpu.memory_space<hbm>> -> memref<8x6144xf32, #tpu.memory_space<hbm>>
    tpu.enqueue_dma source(%dma_start3A_1008 : memref<8x6144xf32, #tpu.memory_space<hbm>>) target(%arg5 : memref<8x6144xf32, #tpu.memory_space<vmem>>) target_semaphore(%arg9 : memref<!tpu.dma_semaphore, #tpu.memory_space<semaphore_mem>>)
    %dma_wait3A_1009 = arith.constant 98304 : i32
    %dma_wait3A_1010 = tpu.memref_slice %arg2[%add3A_984, %dma_wait3A_1009] : memref<1024x100000xf32, #tpu.memory_space<hbm>> -> memref<8x1696xf32, #tpu.memory_space<hbm>>
    %dma_wait3A_1011 = arith.constant 98304 : i32
    %dma_wait3A_1012 = tpu.memref_slice %arg2[%add3A_984, %dma_wait3A_1011] : memref<1024x100000xf32, #tpu.memory_space<hbm>> -> memref<8x1696xf32, #tpu.memory_space<hbm>>
    tpu.wait_dma2 semaphore(%arg11 : memref<!tpu.dma_semaphore, #tpu.memory_space<semaphore_mem>>) src(%dma_wait3A_1012 : memref<8x1696xf32, #tpu.memory_space<hbm>>) dst(%arg7 : memref<8x1696xf32, #tpu.memory_space<vmem>>)
    %add3A_1013 = arith.constant 16 : i32
    %add3A_1014 = arith.addi %mul3A_2, %add3A_1013 : i32
    %dma_start3A_1015 = arith.constant 98304 : i32
    %dma_start3A_1016 = tpu.memref_slice %arg4[%add3A_1014, %dma_start3A_1015] : memref<1024x100000xf32, #tpu.memory_space<hbm>> -> memref<8x1696xf32, #tpu.memory_space<hbm>>
    %dma_start3A_1017 = arith.constant 98304 : i32
    %dma_start3A_1018 = tpu.memref_slice %arg4[%add3A_1014, %dma_start3A_1017] : memref<1024x100000xf32, #tpu.memory_space<hbm>> -> memref<8x1696xf32, #tpu.memory_space<hbm>>
    tpu.enqueue_dma source(%arg7 : memref<8x1696xf32, #tpu.memory_space<vmem>>) target(%dma_start3A_1018 : memref<8x1696xf32, #tpu.memory_space<hbm>>) target_semaphore(%arg14 : memref<!tpu.dma_semaphore, #tpu.memory_space<semaphore_mem>>)
    %dma_wait3A_1019 = arith.constant 92160 : i32
    %dma_wait3A_1020 = tpu.memref_slice %arg4[%add3A_994, %dma_wait3A_1019] : memref<1024x100000xf32, #tpu.memory_space<hbm>> -> memref<8x6144xf32, #tpu.memory_space<hbm>>
    %dma_wait3A_1021 = arith.constant 92160 : i32
    %dma_wait3A_1022 = tpu.memref_slice %arg4[%add3A_994, %dma_wait3A_1021] : memref<1024x100000xf32, #tpu.memory_space<hbm>> -> memref<8x6144xf32, #tpu.memory_space<hbm>>
    tpu.wait_dma2 semaphore(%arg13 : memref<!tpu.dma_semaphore, #tpu.memory_space<semaphore_mem>>) src(%arg6 : memref<8x6144xf32, #tpu.memory_space<vmem>>) dst(%dma_wait3A_1022 : memref<8x6144xf32, #tpu.memory_space<hbm>>)
    %add3A_1023 = arith.constant 24 : i32
    %add3A_1024 = arith.addi %mul3A_2, %add3A_1023 : i32
    %dma_start3A_1025 = arith.constant 6144 : i32
    %dma_start3A_1026 = tpu.memref_slice %arg2[%add3A_1024, %dma_start3A_1025] : memref<1024x100000xf32, #tpu.memory_space<hbm>> -> memref<8x6144xf32, #tpu.memory_space<hbm>>
    %dma_start3A_1027 = arith.constant 6144 : i32
    %dma_start3A_1028 = tpu.memref_slice %arg2[%add3A_1024, %dma_start3A_1027] : memref<1024x100000xf32, #tpu.memory_space<hbm>> -> memref<8x6144xf32, #tpu.memory_space<hbm>>
    tpu.enqueue_dma source(%dma_start3A_1028 : memref<8x6144xf32, #tpu.memory_space<hbm>>) target(%arg6 : memref<8x6144xf32, #tpu.memory_space<vmem>>) target_semaphore(%arg10 : memref<!tpu.dma_semaphore, #tpu.memory_space<semaphore_mem>>)
    %dma_wait3A_1029 = arith.constant 0 : i32
    %dma_wait3A_1030 = tpu.memref_slice %arg2[%add3A_1004, %dma_wait3A_1029] : memref<1024x100000xf32, #tpu.memory_space<hbm>> -> memref<8x6144xf32, #tpu.memory_space<hbm>>
    %dma_wait3A_1031 = arith.constant 0 : i32
    %dma_wait3A_1032 = tpu.memref_slice %arg2[%add3A_1004, %dma_wait3A_1031] : memref<1024x100000xf32, #tpu.memory_space<hbm>> -> memref<8x6144xf32, #tpu.memory_space<hbm>>
    tpu.wait_dma2 semaphore(%arg9 : memref<!tpu.dma_semaphore, #tpu.memory_space<semaphore_mem>>) src(%dma_wait3A_1032 : memref<8x6144xf32, #tpu.memory_space<hbm>>) dst(%arg5 : memref<8x6144xf32, #tpu.memory_space<vmem>>)
    %add3A_1033 = arith.constant 24 : i32
    %add3A_1034 = arith.addi %mul3A_2, %add3A_1033 : i32
    %dma_start3A_1035 = arith.constant 0 : i32
    %dma_start3A_1036 = tpu.memref_slice %arg4[%add3A_1034, %dma_start3A_1035] : memref<1024x100000xf32, #tpu.memory_space<hbm>> -> memref<8x6144xf32, #tpu.memory_space<hbm>>
    %dma_start3A_1037 = arith.constant 0 : i32
    %dma_start3A_1038 = tpu.memref_slice %arg4[%add3A_1034, %dma_start3A_1037] : memref<1024x100000xf32, #tpu.memory_space<hbm>> -> memref<8x6144xf32, #tpu.memory_space<hbm>>
    tpu.enqueue_dma source(%arg5 : memref<8x6144xf32, #tpu.memory_space<vmem>>) target(%dma_start3A_1038 : memref<8x6144xf32, #tpu.memory_space<hbm>>) target_semaphore(%arg12 : memref<!tpu.dma_semaphore, #tpu.memory_space<semaphore_mem>>)
    %dma_wait3A_1039 = arith.constant 0 : i32
    %dma_wait3A_1040 = tpu.memref_slice %arg4[%add3A_1034, %dma_wait3A_1039] : memref<1024x100000xf32, #tpu.memory_space<hbm>> -> memref<8x6144xf32, #tpu.memory_space<hbm>>
    %dma_wait3A_1041 = arith.constant 0 : i32
    %dma_wait3A_1042 = tpu.memref_slice %arg4[%add3A_1034, %dma_wait3A_1041] : memref<1024x100000xf32, #tpu.memory_space<hbm>> -> memref<8x6144xf32, #tpu.memory_space<hbm>>
    tpu.wait_dma2 semaphore(%arg12 : memref<!tpu.dma_semaphore, #tpu.memory_space<semaphore_mem>>) src(%arg5 : memref<8x6144xf32, #tpu.memory_space<vmem>>) dst(%dma_wait3A_1042 : memref<8x6144xf32, #tpu.memory_space<hbm>>)
    %add3A_1043 = arith.constant 24 : i32
    %add3A_1044 = arith.addi %mul3A_2, %add3A_1043 : i32
    %dma_start3A_1045 = arith.constant 12288 : i32
    %dma_start3A_1046 = tpu.memref_slice %arg2[%add3A_1044, %dma_start3A_1045] : memref<1024x100000xf32, #tpu.memory_space<hbm>> -> memref<8x6144xf32, #tpu.memory_space<hbm>>
    %dma_start3A_1047 = arith.constant 12288 : i32
    %dma_start3A_1048 = tpu.memref_slice %arg2[%add3A_1044, %dma_start3A_1047] : memref<1024x100000xf32, #tpu.memory_space<hbm>> -> memref<8x6144xf32, #tpu.memory_space<hbm>>
    tpu.enqueue_dma source(%dma_start3A_1048 : memref<8x6144xf32, #tpu.memory_space<hbm>>) target(%arg5 : memref<8x6144xf32, #tpu.memory_space<vmem>>) target_semaphore(%arg9 : memref<!tpu.dma_semaphore, #tpu.memory_space<semaphore_mem>>)
    %dma_wait3A_1049 = arith.constant 6144 : i32
    %dma_wait3A_1050 = tpu.memref_slice %arg2[%add3A_1024, %dma_wait3A_1049] : memref<1024x100000xf32, #tpu.memory_space<hbm>> -> memref<8x6144xf32, #tpu.memory_space<hbm>>
    %dma_wait3A_1051 = arith.constant 6144 : i32
    %dma_wait3A_1052 = tpu.memref_slice %arg2[%add3A_1024, %dma_wait3A_1051] : memref<1024x100000xf32, #tpu.memory_space<hbm>> -> memref<8x6144xf32, #tpu.memory_space<hbm>>
    tpu.wait_dma2 semaphore(%arg10 : memref<!tpu.dma_semaphore, #tpu.memory_space<semaphore_mem>>) src(%dma_wait3A_1052 : memref<8x6144xf32, #tpu.memory_space<hbm>>) dst(%arg6 : memref<8x6144xf32, #tpu.memory_space<vmem>>)
    %add3A_1053 = arith.constant 24 : i32
    %add3A_1054 = arith.addi %mul3A_2, %add3A_1053 : i32
    %dma_start3A_1055 = arith.constant 6144 : i32
    %dma_start3A_1056 = tpu.memref_slice %arg4[%add3A_1054, %dma_start3A_1055] : memref<1024x100000xf32, #tpu.memory_space<hbm>> -> memref<8x6144xf32, #tpu.memory_space<hbm>>
    %dma_start3A_1057 = arith.constant 6144 : i32
    %dma_start3A_1058 = tpu.memref_slice %arg4[%add3A_1054, %dma_start3A_1057] : memref<1024x100000xf32, #tpu.memory_space<hbm>> -> memref<8x6144xf32, #tpu.memory_space<hbm>>
    tpu.enqueue_dma source(%arg6 : memref<8x6144xf32, #tpu.memory_space<vmem>>) target(%dma_start3A_1058 : memref<8x6144xf32, #tpu.memory_space<hbm>>) target_semaphore(%arg13 : memref<!tpu.dma_semaphore, #tpu.memory_space<semaphore_mem>>)
    %dma_wait3A_1059 = arith.constant 6144 : i32
    %dma_wait3A_1060 = tpu.memref_slice %arg4[%add3A_1054, %dma_wait3A_1059] : memref<1024x100000xf32, #tpu.memory_space<hbm>> -> memref<8x6144xf32, #tpu.memory_space<hbm>>
    %dma_wait3A_1061 = arith.constant 6144 : i32
    %dma_wait3A_1062 = tpu.memref_slice %arg4[%add3A_1054, %dma_wait3A_1061] : memref<1024x100000xf32, #tpu.memory_space<hbm>> -> memref<8x6144xf32, #tpu.memory_space<hbm>>
    tpu.wait_dma2 semaphore(%arg13 : memref<!tpu.dma_semaphore, #tpu.memory_space<semaphore_mem>>) src(%arg6 : memref<8x6144xf32, #tpu.memory_space<vmem>>) dst(%dma_wait3A_1062 : memref<8x6144xf32, #tpu.memory_space<hbm>>)
    %add3A_1063 = arith.constant 24 : i32
    %add3A_1064 = arith.addi %mul3A_2, %add3A_1063 : i32
    %dma_start3A_1065 = arith.constant 18432 : i32
    %dma_start3A_1066 = tpu.memref_slice %arg2[%add3A_1064, %dma_start3A_1065] : memref<1024x100000xf32, #tpu.memory_space<hbm>> -> memref<8x6144xf32, #tpu.memory_space<hbm>>
    %dma_start3A_1067 = arith.constant 18432 : i32
    %dma_start3A_1068 = tpu.memref_slice %arg2[%add3A_1064, %dma_start3A_1067] : memref<1024x100000xf32, #tpu.memory_space<hbm>> -> memref<8x6144xf32, #tpu.memory_space<hbm>>
    tpu.enqueue_dma source(%dma_start3A_1068 : memref<8x6144xf32, #tpu.memory_space<hbm>>) target(%arg6 : memref<8x6144xf32, #tpu.memory_space<vmem>>) target_semaphore(%arg10 : memref<!tpu.dma_semaphore, #tpu.memory_space<semaphore_mem>>)
    %dma_wait3A_1069 = arith.constant 12288 : i32
    %dma_wait3A_1070 = tpu.memref_slice %arg2[%add3A_1044, %dma_wait3A_1069] : memref<1024x100000xf32, #tpu.memory_space<hbm>> -> memref<8x6144xf32, #tpu.memory_space<hbm>>
    %dma_wait3A_1071 = arith.constant 12288 : i32
    %dma_wait3A_1072 = tpu.memref_slice %arg2[%add3A_1044, %dma_wait3A_1071] : memref<1024x100000xf32, #tpu.memory_space<hbm>> -> memref<8x6144xf32, #tpu.memory_space<hbm>>
    tpu.wait_dma2 semaphore(%arg9 : memref<!tpu.dma_semaphore, #tpu.memory_space<semaphore_mem>>) src(%dma_wait3A_1072 : memref<8x6144xf32, #tpu.memory_space<hbm>>) dst(%arg5 : memref<8x6144xf32, #tpu.memory_space<vmem>>)
    %add3A_1073 = arith.constant 24 : i32
    %add3A_1074 = arith.addi %mul3A_2, %add3A_1073 : i32
    %dma_start3A_1075 = arith.constant 12288 : i32
    %dma_start3A_1076 = tpu.memref_slice %arg4[%add3A_1074, %dma_start3A_1075] : memref<1024x100000xf32, #tpu.memory_space<hbm>> -> memref<8x6144xf32, #tpu.memory_space<hbm>>
    %dma_start3A_1077 = arith.constant 12288 : i32
    %dma_start3A_1078 = tpu.memref_slice %arg4[%add3A_1074, %dma_start3A_1077] : memref<1024x100000xf32, #tpu.memory_space<hbm>> -> memref<8x6144xf32, #tpu.memory_space<hbm>>
    tpu.enqueue_dma source(%arg5 : memref<8x6144xf32, #tpu.memory_space<vmem>>) target(%dma_start3A_1078 : memref<8x6144xf32, #tpu.memory_space<hbm>>) target_semaphore(%arg12 : memref<!tpu.dma_semaphore, #tpu.memory_space<semaphore_mem>>)
    %dma_wait3A_1079 = arith.constant 12288 : i32
    %dma_wait3A_1080 = tpu.memref_slice %arg4[%add3A_1074, %dma_wait3A_1079] : memref<1024x100000xf32, #tpu.memory_space<hbm>> -> memref<8x6144xf32, #tpu.memory_space<hbm>>
    %dma_wait3A_1081 = arith.constant 12288 : i32
    %dma_wait3A_1082 = tpu.memref_slice %arg4[%add3A_1074, %dma_wait3A_1081] : memref<1024x100000xf32, #tpu.memory_space<hbm>> -> memref<8x6144xf32, #tpu.memory_space<hbm>>
    tpu.wait_dma2 semaphore(%arg12 : memref<!tpu.dma_semaphore, #tpu.memory_space<semaphore_mem>>) src(%arg5 : memref<8x6144xf32, #tpu.memory_space<vmem>>) dst(%dma_wait3A_1082 : memref<8x6144xf32, #tpu.memory_space<hbm>>)
    %add3A_1083 = arith.constant 24 : i32
    %add3A_1084 = arith.addi %mul3A_2, %add3A_1083 : i32
    %dma_start3A_1085 = arith.constant 24576 : i32
    %dma_start3A_1086 = tpu.memref_slice %arg2[%add3A_1084, %dma_start3A_1085] : memref<1024x100000xf32, #tpu.memory_space<hbm>> -> memref<8x6144xf32, #tpu.memory_space<hbm>>
    %dma_start3A_1087 = arith.constant 24576 : i32
    %dma_start3A_1088 = tpu.memref_slice %arg2[%add3A_1084, %dma_start3A_1087] : memref<1024x100000xf32, #tpu.memory_space<hbm>> -> memref<8x6144xf32, #tpu.memory_space<hbm>>
    tpu.enqueue_dma source(%dma_start3A_1088 : memref<8x6144xf32, #tpu.memory_space<hbm>>) target(%arg5 : memref<8x6144xf32, #tpu.memory_space<vmem>>) target_semaphore(%arg9 : memref<!tpu.dma_semaphore, #tpu.memory_space<semaphore_mem>>)
    %dma_wait3A_1089 = arith.constant 18432 : i32
    %dma_wait3A_1090 = tpu.memref_slice %arg2[%add3A_1064, %dma_wait3A_1089] : memref<1024x100000xf32, #tpu.memory_space<hbm>> -> memref<8x6144xf32, #tpu.memory_space<hbm>>
    %dma_wait3A_1091 = arith.constant 18432 : i32
    %dma_wait3A_1092 = tpu.memref_slice %arg2[%add3A_1064, %dma_wait3A_1091] : memref<1024x100000xf32, #tpu.memory_space<hbm>> -> memref<8x6144xf32, #tpu.memory_space<hbm>>
    tpu.wait_dma2 semaphore(%arg10 : memref<!tpu.dma_semaphore, #tpu.memory_space<semaphore_mem>>) src(%dma_wait3A_1092 : memref<8x6144xf32, #tpu.memory_space<hbm>>) dst(%arg6 : memref<8x6144xf32, #tpu.memory_space<vmem>>)
    %add3A_1093 = arith.constant 24 : i32
    %add3A_1094 = arith.addi %mul3A_2, %add3A_1093 : i32
    %dma_start3A_1095 = arith.constant 18432 : i32
    %dma_start3A_1096 = tpu.memref_slice %arg4[%add3A_1094, %dma_start3A_1095] : memref<1024x100000xf32, #tpu.memory_space<hbm>> -> memref<8x6144xf32, #tpu.memory_space<hbm>>
    %dma_start3A_1097 = arith.constant 18432 : i32
    %dma_start3A_1098 = tpu.memref_slice %arg4[%add3A_1094, %dma_start3A_1097] : memref<1024x100000xf32, #tpu.memory_space<hbm>> -> memref<8x6144xf32, #tpu.memory_space<hbm>>
    tpu.enqueue_dma source(%arg6 : memref<8x6144xf32, #tpu.memory_space<vmem>>) target(%dma_start3A_1098 : memref<8x6144xf32, #tpu.memory_space<hbm>>) target_semaphore(%arg13 : memref<!tpu.dma_semaphore, #tpu.memory_space<semaphore_mem>>)
    %dma_wait3A_1099 = arith.constant 18432 : i32
    %dma_wait3A_1100 = tpu.memref_slice %arg4[%add3A_1094, %dma_wait3A_1099] : memref<1024x100000xf32, #tpu.memory_space<hbm>> -> memref<8x6144xf32, #tpu.memory_space<hbm>>
    %dma_wait3A_1101 = arith.constant 18432 : i32
    %dma_wait3A_1102 = tpu.memref_slice %arg4[%add3A_1094, %dma_wait3A_1101] : memref<1024x100000xf32, #tpu.memory_space<hbm>> -> memref<8x6144xf32, #tpu.memory_space<hbm>>
    tpu.wait_dma2 semaphore(%arg13 : memref<!tpu.dma_semaphore, #tpu.memory_space<semaphore_mem>>) src(%arg6 : memref<8x6144xf32, #tpu.memory_space<vmem>>) dst(%dma_wait3A_1102 : memref<8x6144xf32, #tpu.memory_space<hbm>>)
    %add3A_1103 = arith.constant 24 : i32
    %add3A_1104 = arith.addi %mul3A_2, %add3A_1103 : i32
    %dma_start3A_1105 = arith.constant 30720 : i32
    %dma_start3A_1106 = tpu.memref_slice %arg2[%add3A_1104, %dma_start3A_1105] : memref<1024x100000xf32, #tpu.memory_space<hbm>> -> memref<8x6144xf32, #tpu.memory_space<hbm>>
    %dma_start3A_1107 = arith.constant 30720 : i32
    %dma_start3A_1108 = tpu.memref_slice %arg2[%add3A_1104, %dma_start3A_1107] : memref<1024x100000xf32, #tpu.memory_space<hbm>> -> memref<8x6144xf32, #tpu.memory_space<hbm>>
    tpu.enqueue_dma source(%dma_start3A_1108 : memref<8x6144xf32, #tpu.memory_space<hbm>>) target(%arg6 : memref<8x6144xf32, #tpu.memory_space<vmem>>) target_semaphore(%arg10 : memref<!tpu.dma_semaphore, #tpu.memory_space<semaphore_mem>>)
    %dma_wait3A_1109 = arith.constant 24576 : i32
    %dma_wait3A_1110 = tpu.memref_slice %arg2[%add3A_1084, %dma_wait3A_1109] : memref<1024x100000xf32, #tpu.memory_space<hbm>> -> memref<8x6144xf32, #tpu.memory_space<hbm>>
    %dma_wait3A_1111 = arith.constant 24576 : i32
    %dma_wait3A_1112 = tpu.memref_slice %arg2[%add3A_1084, %dma_wait3A_1111] : memref<1024x100000xf32, #tpu.memory_space<hbm>> -> memref<8x6144xf32, #tpu.memory_space<hbm>>
    tpu.wait_dma2 semaphore(%arg9 : memref<!tpu.dma_semaphore, #tpu.memory_space<semaphore_mem>>) src(%dma_wait3A_1112 : memref<8x6144xf32, #tpu.memory_space<hbm>>) dst(%arg5 : memref<8x6144xf32, #tpu.memory_space<vmem>>)
    %add3A_1113 = arith.constant 24 : i32
    %add3A_1114 = arith.addi %mul3A_2, %add3A_1113 : i32
    %dma_start3A_1115 = arith.constant 24576 : i32
    %dma_start3A_1116 = tpu.memref_slice %arg4[%add3A_1114, %dma_start3A_1115] : memref<1024x100000xf32, #tpu.memory_space<hbm>> -> memref<8x6144xf32, #tpu.memory_space<hbm>>
    %dma_start3A_1117 = arith.constant 24576 : i32
    %dma_start3A_1118 = tpu.memref_slice %arg4[%add3A_1114, %dma_start3A_1117] : memref<1024x100000xf32, #tpu.memory_space<hbm>> -> memref<8x6144xf32, #tpu.memory_space<hbm>>
    tpu.enqueue_dma source(%arg5 : memref<8x6144xf32, #tpu.memory_space<vmem>>) target(%dma_start3A_1118 : memref<8x6144xf32, #tpu.memory_space<hbm>>) target_semaphore(%arg12 : memref<!tpu.dma_semaphore, #tpu.memory_space<semaphore_mem>>)
    %dma_wait3A_1119 = arith.constant 24576 : i32
    %dma_wait3A_1120 = tpu.memref_slice %arg4[%add3A_1114, %dma_wait3A_1119] : memref<1024x100000xf32, #tpu.memory_space<hbm>> -> memref<8x6144xf32, #tpu.memory_space<hbm>>
    %dma_wait3A_1121 = arith.constant 24576 : i32
    %dma_wait3A_1122 = tpu.memref_slice %arg4[%add3A_1114, %dma_wait3A_1121] : memref<1024x100000xf32, #tpu.memory_space<hbm>> -> memref<8x6144xf32, #tpu.memory_space<hbm>>
    tpu.wait_dma2 semaphore(%arg12 : memref<!tpu.dma_semaphore, #tpu.memory_space<semaphore_mem>>) src(%arg5 : memref<8x6144xf32, #tpu.memory_space<vmem>>) dst(%dma_wait3A_1122 : memref<8x6144xf32, #tpu.memory_space<hbm>>)
    %add3A_1123 = arith.constant 24 : i32
    %add3A_1124 = arith.addi %mul3A_2, %add3A_1123 : i32
    %dma_start3A_1125 = arith.constant 36864 : i32
    %dma_start3A_1126 = tpu.memref_slice %arg2[%add3A_1124, %dma_start3A_1125] : memref<1024x100000xf32, #tpu.memory_space<hbm>> -> memref<8x6144xf32, #tpu.memory_space<hbm>>
    %dma_start3A_1127 = arith.constant 36864 : i32
    %dma_start3A_1128 = tpu.memref_slice %arg2[%add3A_1124, %dma_start3A_1127] : memref<1024x100000xf32, #tpu.memory_space<hbm>> -> memref<8x6144xf32, #tpu.memory_space<hbm>>
    tpu.enqueue_dma source(%dma_start3A_1128 : memref<8x6144xf32, #tpu.memory_space<hbm>>) target(%arg5 : memref<8x6144xf32, #tpu.memory_space<vmem>>) target_semaphore(%arg9 : memref<!tpu.dma_semaphore, #tpu.memory_space<semaphore_mem>>)
    %dma_wait3A_1129 = arith.constant 30720 : i32
    %dma_wait3A_1130 = tpu.memref_slice %arg2[%add3A_1104, %dma_wait3A_1129] : memref<1024x100000xf32, #tpu.memory_space<hbm>> -> memref<8x6144xf32, #tpu.memory_space<hbm>>
    %dma_wait3A_1131 = arith.constant 30720 : i32
    %dma_wait3A_1132 = tpu.memref_slice %arg2[%add3A_1104, %dma_wait3A_1131] : memref<1024x100000xf32, #tpu.memory_space<hbm>> -> memref<8x6144xf32, #tpu.memory_space<hbm>>
    tpu.wait_dma2 semaphore(%arg10 : memref<!tpu.dma_semaphore, #tpu.memory_space<semaphore_mem>>) src(%dma_wait3A_1132 : memref<8x6144xf32, #tpu.memory_space<hbm>>) dst(%arg6 : memref<8x6144xf32, #tpu.memory_space<vmem>>)
    %add3A_1133 = arith.constant 24 : i32
    %add3A_1134 = arith.addi %mul3A_2, %add3A_1133 : i32
    %dma_start3A_1135 = arith.constant 30720 : i32
    %dma_start3A_1136 = tpu.memref_slice %arg4[%add3A_1134, %dma_start3A_1135] : memref<1024x100000xf32, #tpu.memory_space<hbm>> -> memref<8x6144xf32, #tpu.memory_space<hbm>>
    %dma_start3A_1137 = arith.constant 30720 : i32
    %dma_start3A_1138 = tpu.memref_slice %arg4[%add3A_1134, %dma_start3A_1137] : memref<1024x100000xf32, #tpu.memory_space<hbm>> -> memref<8x6144xf32, #tpu.memory_space<hbm>>
    tpu.enqueue_dma source(%arg6 : memref<8x6144xf32, #tpu.memory_space<vmem>>) target(%dma_start3A_1138 : memref<8x6144xf32, #tpu.memory_space<hbm>>) target_semaphore(%arg13 : memref<!tpu.dma_semaphore, #tpu.memory_space<semaphore_mem>>)
    %dma_wait3A_1139 = arith.constant 30720 : i32
    %dma_wait3A_1140 = tpu.memref_slice %arg4[%add3A_1134, %dma_wait3A_1139] : memref<1024x100000xf32, #tpu.memory_space<hbm>> -> memref<8x6144xf32, #tpu.memory_space<hbm>>
    %dma_wait3A_1141 = arith.constant 30720 : i32
    %dma_wait3A_1142 = tpu.memref_slice %arg4[%add3A_1134, %dma_wait3A_1141] : memref<1024x100000xf32, #tpu.memory_space<hbm>> -> memref<8x6144xf32, #tpu.memory_space<hbm>>
    tpu.wait_dma2 semaphore(%arg13 : memref<!tpu.dma_semaphore, #tpu.memory_space<semaphore_mem>>) src(%arg6 : memref<8x6144xf32, #tpu.memory_space<vmem>>) dst(%dma_wait3A_1142 : memref<8x6144xf32, #tpu.memory_space<hbm>>)
    %add3A_1143 = arith.constant 24 : i32
    %add3A_1144 = arith.addi %mul3A_2, %add3A_1143 : i32
    %dma_start3A_1145 = arith.constant 43008 : i32
    %dma_start3A_1146 = tpu.memref_slice %arg2[%add3A_1144, %dma_start3A_1145] : memref<1024x100000xf32, #tpu.memory_space<hbm>> -> memref<8x6144xf32, #tpu.memory_space<hbm>>
    %dma_start3A_1147 = arith.constant 43008 : i32
    %dma_start3A_1148 = tpu.memref_slice %arg2[%add3A_1144, %dma_start3A_1147] : memref<1024x100000xf32, #tpu.memory_space<hbm>> -> memref<8x6144xf32, #tpu.memory_space<hbm>>
    tpu.enqueue_dma source(%dma_start3A_1148 : memref<8x6144xf32, #tpu.memory_space<hbm>>) target(%arg6 : memref<8x6144xf32, #tpu.memory_space<vmem>>) target_semaphore(%arg10 : memref<!tpu.dma_semaphore, #tpu.memory_space<semaphore_mem>>)
    %dma_wait3A_1149 = arith.constant 36864 : i32
    %dma_wait3A_1150 = tpu.memref_slice %arg2[%add3A_1124, %dma_wait3A_1149] : memref<1024x100000xf32, #tpu.memory_space<hbm>> -> memref<8x6144xf32, #tpu.memory_space<hbm>>
    %dma_wait3A_1151 = arith.constant 36864 : i32
    %dma_wait3A_1152 = tpu.memref_slice %arg2[%add3A_1124, %dma_wait3A_1151] : memref<1024x100000xf32, #tpu.memory_space<hbm>> -> memref<8x6144xf32, #tpu.memory_space<hbm>>
    tpu.wait_dma2 semaphore(%arg9 : memref<!tpu.dma_semaphore, #tpu.memory_space<semaphore_mem>>) src(%dma_wait3A_1152 : memref<8x6144xf32, #tpu.memory_space<hbm>>) dst(%arg5 : memref<8x6144xf32, #tpu.memory_space<vmem>>)
    %add3A_1153 = arith.constant 24 : i32
    %add3A_1154 = arith.addi %mul3A_2, %add3A_1153 : i32
    %dma_start3A_1155 = arith.constant 36864 : i32
    %dma_start3A_1156 = tpu.memref_slice %arg4[%add3A_1154, %dma_start3A_1155] : memref<1024x100000xf32, #tpu.memory_space<hbm>> -> memref<8x6144xf32, #tpu.memory_space<hbm>>
    %dma_start3A_1157 = arith.constant 36864 : i32
    %dma_start3A_1158 = tpu.memref_slice %arg4[%add3A_1154, %dma_start3A_1157] : memref<1024x100000xf32, #tpu.memory_space<hbm>> -> memref<8x6144xf32, #tpu.memory_space<hbm>>
    tpu.enqueue_dma source(%arg5 : memref<8x6144xf32, #tpu.memory_space<vmem>>) target(%dma_start3A_1158 : memref<8x6144xf32, #tpu.memory_space<hbm>>) target_semaphore(%arg12 : memref<!tpu.dma_semaphore, #tpu.memory_space<semaphore_mem>>)
    %dma_wait3A_1159 = arith.constant 36864 : i32
    %dma_wait3A_1160 = tpu.memref_slice %arg4[%add3A_1154, %dma_wait3A_1159] : memref<1024x100000xf32, #tpu.memory_space<hbm>> -> memref<8x6144xf32, #tpu.memory_space<hbm>>
    %dma_wait3A_1161 = arith.constant 36864 : i32
    %dma_wait3A_1162 = tpu.memref_slice %arg4[%add3A_1154, %dma_wait3A_1161] : memref<1024x100000xf32, #tpu.memory_space<hbm>> -> memref<8x6144xf32, #tpu.memory_space<hbm>>
    tpu.wait_dma2 semaphore(%arg12 : memref<!tpu.dma_semaphore, #tpu.memory_space<semaphore_mem>>) src(%arg5 : memref<8x6144xf32, #tpu.memory_space<vmem>>) dst(%dma_wait3A_1162 : memref<8x6144xf32, #tpu.memory_space<hbm>>)
    %add3A_1163 = arith.constant 24 : i32
    %add3A_1164 = arith.addi %mul3A_2, %add3A_1163 : i32
    %dma_start3A_1165 = arith.constant 49152 : i32
    %dma_start3A_1166 = tpu.memref_slice %arg2[%add3A_1164, %dma_start3A_1165] : memref<1024x100000xf32, #tpu.memory_space<hbm>> -> memref<8x6144xf32, #tpu.memory_space<hbm>>
    %dma_start3A_1167 = arith.constant 49152 : i32
    %dma_start3A_1168 = tpu.memref_slice %arg2[%add3A_1164, %dma_start3A_1167] : memref<1024x100000xf32, #tpu.memory_space<hbm>> -> memref<8x6144xf32, #tpu.memory_space<hbm>>
    tpu.enqueue_dma source(%dma_start3A_1168 : memref<8x6144xf32, #tpu.memory_space<hbm>>) target(%arg5 : memref<8x6144xf32, #tpu.memory_space<vmem>>) target_semaphore(%arg9 : memref<!tpu.dma_semaphore, #tpu.memory_space<semaphore_mem>>)
    %dma_wait3A_1169 = arith.constant 43008 : i32
    %dma_wait3A_1170 = tpu.memref_slice %arg2[%add3A_1144, %dma_wait3A_1169] : memref<1024x100000xf32, #tpu.memory_space<hbm>> -> memref<8x6144xf32, #tpu.memory_space<hbm>>
    %dma_wait3A_1171 = arith.constant 43008 : i32
    %dma_wait3A_1172 = tpu.memref_slice %arg2[%add3A_1144, %dma_wait3A_1171] : memref<1024x100000xf32, #tpu.memory_space<hbm>> -> memref<8x6144xf32, #tpu.memory_space<hbm>>
    tpu.wait_dma2 semaphore(%arg10 : memref<!tpu.dma_semaphore, #tpu.memory_space<semaphore_mem>>) src(%dma_wait3A_1172 : memref<8x6144xf32, #tpu.memory_space<hbm>>) dst(%arg6 : memref<8x6144xf32, #tpu.memory_space<vmem>>)
    %add3A_1173 = arith.constant 24 : i32
    %add3A_1174 = arith.addi %mul3A_2, %add3A_1173 : i32
    %dma_start3A_1175 = arith.constant 43008 : i32
    %dma_start3A_1176 = tpu.memref_slice %arg4[%add3A_1174, %dma_start3A_1175] : memref<1024x100000xf32, #tpu.memory_space<hbm>> -> memref<8x6144xf32, #tpu.memory_space<hbm>>
    %dma_start3A_1177 = arith.constant 43008 : i32
    %dma_start3A_1178 = tpu.memref_slice %arg4[%add3A_1174, %dma_start3A_1177] : memref<1024x100000xf32, #tpu.memory_space<hbm>> -> memref<8x6144xf32, #tpu.memory_space<hbm>>
    tpu.enqueue_dma source(%arg6 : memref<8x6144xf32, #tpu.memory_space<vmem>>) target(%dma_start3A_1178 : memref<8x6144xf32, #tpu.memory_space<hbm>>) target_semaphore(%arg13 : memref<!tpu.dma_semaphore, #tpu.memory_space<semaphore_mem>>)
    %dma_wait3A_1179 = arith.constant 43008 : i32
    %dma_wait3A_1180 = tpu.memref_slice %arg4[%add3A_1174, %dma_wait3A_1179] : memref<1024x100000xf32, #tpu.memory_space<hbm>> -> memref<8x6144xf32, #tpu.memory_space<hbm>>
    %dma_wait3A_1181 = arith.constant 43008 : i32
    %dma_wait3A_1182 = tpu.memref_slice %arg4[%add3A_1174, %dma_wait3A_1181] : memref<1024x100000xf32, #tpu.memory_space<hbm>> -> memref<8x6144xf32, #tpu.memory_space<hbm>>
    tpu.wait_dma2 semaphore(%arg13 : memref<!tpu.dma_semaphore, #tpu.memory_space<semaphore_mem>>) src(%arg6 : memref<8x6144xf32, #tpu.memory_space<vmem>>) dst(%dma_wait3A_1182 : memref<8x6144xf32, #tpu.memory_space<hbm>>)
    %add3A_1183 = arith.constant 24 : i32
    %add3A_1184 = arith.addi %mul3A_2, %add3A_1183 : i32
    %dma_start3A_1185 = arith.constant 55296 : i32
    %dma_start3A_1186 = tpu.memref_slice %arg2[%add3A_1184, %dma_start3A_1185] : memref<1024x100000xf32, #tpu.memory_space<hbm>> -> memref<8x6144xf32, #tpu.memory_space<hbm>>
    %dma_start3A_1187 = arith.constant 55296 : i32
    %dma_start3A_1188 = tpu.memref_slice %arg2[%add3A_1184, %dma_start3A_1187] : memref<1024x100000xf32, #tpu.memory_space<hbm>> -> memref<8x6144xf32, #tpu.memory_space<hbm>>
    tpu.enqueue_dma source(%dma_start3A_1188 : memref<8x6144xf32, #tpu.memory_space<hbm>>) target(%arg6 : memref<8x6144xf32, #tpu.memory_space<vmem>>) target_semaphore(%arg10 : memref<!tpu.dma_semaphore, #tpu.memory_space<semaphore_mem>>)
    %dma_wait3A_1189 = arith.constant 49152 : i32
    %dma_wait3A_1190 = tpu.memref_slice %arg2[%add3A_1164, %dma_wait3A_1189] : memref<1024x100000xf32, #tpu.memory_space<hbm>> -> memref<8x6144xf32, #tpu.memory_space<hbm>>
    %dma_wait3A_1191 = arith.constant 49152 : i32
    %dma_wait3A_1192 = tpu.memref_slice %arg2[%add3A_1164, %dma_wait3A_1191] : memref<1024x100000xf32, #tpu.memory_space<hbm>> -> memref<8x6144xf32, #tpu.memory_space<hbm>>
    tpu.wait_dma2 semaphore(%arg9 : memref<!tpu.dma_semaphore, #tpu.memory_space<semaphore_mem>>) src(%dma_wait3A_1192 : memref<8x6144xf32, #tpu.memory_space<hbm>>) dst(%arg5 : memref<8x6144xf32, #tpu.memory_space<vmem>>)
    %add3A_1193 = arith.constant 24 : i32
    %add3A_1194 = arith.addi %mul3A_2, %add3A_1193 : i32
    %dma_start3A_1195 = arith.constant 49152 : i32
    %dma_start3A_1196 = tpu.memref_slice %arg4[%add3A_1194, %dma_start3A_1195] : memref<1024x100000xf32, #tpu.memory_space<hbm>> -> memref<8x6144xf32, #tpu.memory_space<hbm>>
    %dma_start3A_1197 = arith.constant 49152 : i32
    %dma_start3A_1198 = tpu.memref_slice %arg4[%add3A_1194, %dma_start3A_1197] : memref<1024x100000xf32, #tpu.memory_space<hbm>> -> memref<8x6144xf32, #tpu.memory_space<hbm>>
    tpu.enqueue_dma source(%arg5 : memref<8x6144xf32, #tpu.memory_space<vmem>>) target(%dma_start3A_1198 : memref<8x6144xf32, #tpu.memory_space<hbm>>) target_semaphore(%arg12 : memref<!tpu.dma_semaphore, #tpu.memory_space<semaphore_mem>>)
    %dma_wait3A_1199 = arith.constant 49152 : i32
    %dma_wait3A_1200 = tpu.memref_slice %arg4[%add3A_1194, %dma_wait3A_1199] : memref<1024x100000xf32, #tpu.memory_space<hbm>> -> memref<8x6144xf32, #tpu.memory_space<hbm>>
    %dma_wait3A_1201 = arith.constant 49152 : i32
    %dma_wait3A_1202 = tpu.memref_slice %arg4[%add3A_1194, %dma_wait3A_1201] : memref<1024x100000xf32, #tpu.memory_space<hbm>> -> memref<8x6144xf32, #tpu.memory_space<hbm>>
    tpu.wait_dma2 semaphore(%arg12 : memref<!tpu.dma_semaphore, #tpu.memory_space<semaphore_mem>>) src(%arg5 : memref<8x6144xf32, #tpu.memory_space<vmem>>) dst(%dma_wait3A_1202 : memref<8x6144xf32, #tpu.memory_space<hbm>>)
    %add3A_1203 = arith.constant 24 : i32
    %add3A_1204 = arith.addi %mul3A_2, %add3A_1203 : i32
    %dma_start3A_1205 = arith.constant 61440 : i32
    %dma_start3A_1206 = tpu.memref_slice %arg2[%add3A_1204, %dma_start3A_1205] : memref<1024x100000xf32, #tpu.memory_space<hbm>> -> memref<8x6144xf32, #tpu.memory_space<hbm>>
    %dma_start3A_1207 = arith.constant 61440 : i32
    %dma_start3A_1208 = tpu.memref_slice %arg2[%add3A_1204, %dma_start3A_1207] : memref<1024x100000xf32, #tpu.memory_space<hbm>> -> memref<8x6144xf32, #tpu.memory_space<hbm>>
    tpu.enqueue_dma source(%dma_start3A_1208 : memref<8x6144xf32, #tpu.memory_space<hbm>>) target(%arg5 : memref<8x6144xf32, #tpu.memory_space<vmem>>) target_semaphore(%arg9 : memref<!tpu.dma_semaphore, #tpu.memory_space<semaphore_mem>>)
    %dma_wait3A_1209 = arith.constant 55296 : i32
    %dma_wait3A_1210 = tpu.memref_slice %arg2[%add3A_1184, %dma_wait3A_1209] : memref<1024x100000xf32, #tpu.memory_space<hbm>> -> memref<8x6144xf32, #tpu.memory_space<hbm>>
    %dma_wait3A_1211 = arith.constant 55296 : i32
    %dma_wait3A_1212 = tpu.memref_slice %arg2[%add3A_1184, %dma_wait3A_1211] : memref<1024x100000xf32, #tpu.memory_space<hbm>> -> memref<8x6144xf32, #tpu.memory_space<hbm>>
    tpu.wait_dma2 semaphore(%arg10 : memref<!tpu.dma_semaphore, #tpu.memory_space<semaphore_mem>>) src(%dma_wait3A_1212 : memref<8x6144xf32, #tpu.memory_space<hbm>>) dst(%arg6 : memref<8x6144xf32, #tpu.memory_space<vmem>>)
    %add3A_1213 = arith.constant 24 : i32
    %add3A_1214 = arith.addi %mul3A_2, %add3A_1213 : i32
    %dma_start3A_1215 = arith.constant 55296 : i32
    %dma_start3A_1216 = tpu.memref_slice %arg4[%add3A_1214, %dma_start3A_1215] : memref<1024x100000xf32, #tpu.memory_space<hbm>> -> memref<8x6144xf32, #tpu.memory_space<hbm>>
    %dma_start3A_1217 = arith.constant 55296 : i32
    %dma_start3A_1218 = tpu.memref_slice %arg4[%add3A_1214, %dma_start3A_1217] : memref<1024x100000xf32, #tpu.memory_space<hbm>> -> memref<8x6144xf32, #tpu.memory_space<hbm>>
    tpu.enqueue_dma source(%arg6 : memref<8x6144xf32, #tpu.memory_space<vmem>>) target(%dma_start3A_1218 : memref<8x6144xf32, #tpu.memory_space<hbm>>) target_semaphore(%arg13 : memref<!tpu.dma_semaphore, #tpu.memory_space<semaphore_mem>>)
    %dma_wait3A_1219 = arith.constant 55296 : i32
    %dma_wait3A_1220 = tpu.memref_slice %arg4[%add3A_1214, %dma_wait3A_1219] : memref<1024x100000xf32, #tpu.memory_space<hbm>> -> memref<8x6144xf32, #tpu.memory_space<hbm>>
    %dma_wait3A_1221 = arith.constant 55296 : i32
    %dma_wait3A_1222 = tpu.memref_slice %arg4[%add3A_1214, %dma_wait3A_1221] : memref<1024x100000xf32, #tpu.memory_space<hbm>> -> memref<8x6144xf32, #tpu.memory_space<hbm>>
    tpu.wait_dma2 semaphore(%arg13 : memref<!tpu.dma_semaphore, #tpu.memory_space<semaphore_mem>>) src(%arg6 : memref<8x6144xf32, #tpu.memory_space<vmem>>) dst(%dma_wait3A_1222 : memref<8x6144xf32, #tpu.memory_space<hbm>>)
    %add3A_1223 = arith.constant 24 : i32
    %add3A_1224 = arith.addi %mul3A_2, %add3A_1223 : i32
    %dma_start3A_1225 = arith.constant 67584 : i32
    %dma_start3A_1226 = tpu.memref_slice %arg2[%add3A_1224, %dma_start3A_1225] : memref<1024x100000xf32, #tpu.memory_space<hbm>> -> memref<8x6144xf32, #tpu.memory_space<hbm>>
    %dma_start3A_1227 = arith.constant 67584 : i32
    %dma_start3A_1228 = tpu.memref_slice %arg2[%add3A_1224, %dma_start3A_1227] : memref<1024x100000xf32, #tpu.memory_space<hbm>> -> memref<8x6144xf32, #tpu.memory_space<hbm>>
    tpu.enqueue_dma source(%dma_start3A_1228 : memref<8x6144xf32, #tpu.memory_space<hbm>>) target(%arg6 : memref<8x6144xf32, #tpu.memory_space<vmem>>) target_semaphore(%arg10 : memref<!tpu.dma_semaphore, #tpu.memory_space<semaphore_mem>>)
    %dma_wait3A_1229 = arith.constant 61440 : i32
    %dma_wait3A_1230 = tpu.memref_slice %arg2[%add3A_1204, %dma_wait3A_1229] : memref<1024x100000xf32, #tpu.memory_space<hbm>> -> memref<8x6144xf32, #tpu.memory_space<hbm>>
    %dma_wait3A_1231 = arith.constant 61440 : i32
    %dma_wait3A_1232 = tpu.memref_slice %arg2[%add3A_1204, %dma_wait3A_1231] : memref<1024x100000xf32, #tpu.memory_space<hbm>> -> memref<8x6144xf32, #tpu.memory_space<hbm>>
    tpu.wait_dma2 semaphore(%arg9 : memref<!tpu.dma_semaphore, #tpu.memory_space<semaphore_mem>>) src(%dma_wait3A_1232 : memref<8x6144xf32, #tpu.memory_space<hbm>>) dst(%arg5 : memref<8x6144xf32, #tpu.memory_space<vmem>>)
    %add3A_1233 = arith.constant 24 : i32
    %add3A_1234 = arith.addi %mul3A_2, %add3A_1233 : i32
    %dma_start3A_1235 = arith.constant 61440 : i32
    %dma_start3A_1236 = tpu.memref_slice %arg4[%add3A_1234, %dma_start3A_1235] : memref<1024x100000xf32, #tpu.memory_space<hbm>> -> memref<8x6144xf32, #tpu.memory_space<hbm>>
    %dma_start3A_1237 = arith.constant 61440 : i32
    %dma_start3A_1238 = tpu.memref_slice %arg4[%add3A_1234, %dma_start3A_1237] : memref<1024x100000xf32, #tpu.memory_space<hbm>> -> memref<8x6144xf32, #tpu.memory_space<hbm>>
    tpu.enqueue_dma source(%arg5 : memref<8x6144xf32, #tpu.memory_space<vmem>>) target(%dma_start3A_1238 : memref<8x6144xf32, #tpu.memory_space<hbm>>) target_semaphore(%arg12 : memref<!tpu.dma_semaphore, #tpu.memory_space<semaphore_mem>>)
    %dma_wait3A_1239 = arith.constant 61440 : i32
    %dma_wait3A_1240 = tpu.memref_slice %arg4[%add3A_1234, %dma_wait3A_1239] : memref<1024x100000xf32, #tpu.memory_space<hbm>> -> memref<8x6144xf32, #tpu.memory_space<hbm>>
    %dma_wait3A_1241 = arith.constant 61440 : i32
    %dma_wait3A_1242 = tpu.memref_slice %arg4[%add3A_1234, %dma_wait3A_1241] : memref<1024x100000xf32, #tpu.memory_space<hbm>> -> memref<8x6144xf32, #tpu.memory_space<hbm>>
    tpu.wait_dma2 semaphore(%arg12 : memref<!tpu.dma_semaphore, #tpu.memory_space<semaphore_mem>>) src(%arg5 : memref<8x6144xf32, #tpu.memory_space<vmem>>) dst(%dma_wait3A_1242 : memref<8x6144xf32, #tpu.memory_space<hbm>>)
    %add3A_1243 = arith.constant 24 : i32
    %add3A_1244 = arith.addi %mul3A_2, %add3A_1243 : i32
    %dma_start3A_1245 = arith.constant 73728 : i32
    %dma_start3A_1246 = tpu.memref_slice %arg2[%add3A_1244, %dma_start3A_1245] : memref<1024x100000xf32, #tpu.memory_space<hbm>> -> memref<8x6144xf32, #tpu.memory_space<hbm>>
    %dma_start3A_1247 = arith.constant 73728 : i32
    %dma_start3A_1248 = tpu.memref_slice %arg2[%add3A_1244, %dma_start3A_1247] : memref<1024x100000xf32, #tpu.memory_space<hbm>> -> memref<8x6144xf32, #tpu.memory_space<hbm>>
    tpu.enqueue_dma source(%dma_start3A_1248 : memref<8x6144xf32, #tpu.memory_space<hbm>>) target(%arg5 : memref<8x6144xf32, #tpu.memory_space<vmem>>) target_semaphore(%arg9 : memref<!tpu.dma_semaphore, #tpu.memory_space<semaphore_mem>>)
    %dma_wait3A_1249 = arith.constant 67584 : i32
    %dma_wait3A_1250 = tpu.memref_slice %arg2[%add3A_1224, %dma_wait3A_1249] : memref<1024x100000xf32, #tpu.memory_space<hbm>> -> memref<8x6144xf32, #tpu.memory_space<hbm>>
    %dma_wait3A_1251 = arith.constant 67584 : i32
    %dma_wait3A_1252 = tpu.memref_slice %arg2[%add3A_1224, %dma_wait3A_1251] : memref<1024x100000xf32, #tpu.memory_space<hbm>> -> memref<8x6144xf32, #tpu.memory_space<hbm>>
    tpu.wait_dma2 semaphore(%arg10 : memref<!tpu.dma_semaphore, #tpu.memory_space<semaphore_mem>>) src(%dma_wait3A_1252 : memref<8x6144xf32, #tpu.memory_space<hbm>>) dst(%arg6 : memref<8x6144xf32, #tpu.memory_space<vmem>>)
    %add3A_1253 = arith.constant 24 : i32
    %add3A_1254 = arith.addi %mul3A_2, %add3A_1253 : i32
    %dma_start3A_1255 = arith.constant 67584 : i32
    %dma_start3A_1256 = tpu.memref_slice %arg4[%add3A_1254, %dma_start3A_1255] : memref<1024x100000xf32, #tpu.memory_space<hbm>> -> memref<8x6144xf32, #tpu.memory_space<hbm>>
    %dma_start3A_1257 = arith.constant 67584 : i32
    %dma_start3A_1258 = tpu.memref_slice %arg4[%add3A_1254, %dma_start3A_1257] : memref<1024x100000xf32, #tpu.memory_space<hbm>> -> memref<8x6144xf32, #tpu.memory_space<hbm>>
    tpu.enqueue_dma source(%arg6 : memref<8x6144xf32, #tpu.memory_space<vmem>>) target(%dma_start3A_1258 : memref<8x6144xf32, #tpu.memory_space<hbm>>) target_semaphore(%arg13 : memref<!tpu.dma_semaphore, #tpu.memory_space<semaphore_mem>>)
    %dma_wait3A_1259 = arith.constant 67584 : i32
    %dma_wait3A_1260 = tpu.memref_slice %arg4[%add3A_1254, %dma_wait3A_1259] : memref<1024x100000xf32, #tpu.memory_space<hbm>> -> memref<8x6144xf32, #tpu.memory_space<hbm>>
    %dma_wait3A_1261 = arith.constant 67584 : i32
    %dma_wait3A_1262 = tpu.memref_slice %arg4[%add3A_1254, %dma_wait3A_1261] : memref<1024x100000xf32, #tpu.memory_space<hbm>> -> memref<8x6144xf32, #tpu.memory_space<hbm>>
    tpu.wait_dma2 semaphore(%arg13 : memref<!tpu.dma_semaphore, #tpu.memory_space<semaphore_mem>>) src(%arg6 : memref<8x6144xf32, #tpu.memory_space<vmem>>) dst(%dma_wait3A_1262 : memref<8x6144xf32, #tpu.memory_space<hbm>>)
    %add3A_1263 = arith.constant 24 : i32
    %add3A_1264 = arith.addi %mul3A_2, %add3A_1263 : i32
    %dma_start3A_1265 = arith.constant 79872 : i32
    %dma_start3A_1266 = tpu.memref_slice %arg2[%add3A_1264, %dma_start3A_1265] : memref<1024x100000xf32, #tpu.memory_space<hbm>> -> memref<8x6144xf32, #tpu.memory_space<hbm>>
    %dma_start3A_1267 = arith.constant 79872 : i32
    %dma_start3A_1268 = tpu.memref_slice %arg2[%add3A_1264, %dma_start3A_1267] : memref<1024x100000xf32, #tpu.memory_space<hbm>> -> memref<8x6144xf32, #tpu.memory_space<hbm>>
    tpu.enqueue_dma source(%dma_start3A_1268 : memref<8x6144xf32, #tpu.memory_space<hbm>>) target(%arg6 : memref<8x6144xf32, #tpu.memory_space<vmem>>) target_semaphore(%arg10 : memref<!tpu.dma_semaphore, #tpu.memory_space<semaphore_mem>>)
    %dma_wait3A_1269 = arith.constant 73728 : i32
    %dma_wait3A_1270 = tpu.memref_slice %arg2[%add3A_1244, %dma_wait3A_1269] : memref<1024x100000xf32, #tpu.memory_space<hbm>> -> memref<8x6144xf32, #tpu.memory_space<hbm>>
    %dma_wait3A_1271 = arith.constant 73728 : i32
    %dma_wait3A_1272 = tpu.memref_slice %arg2[%add3A_1244, %dma_wait3A_1271] : memref<1024x100000xf32, #tpu.memory_space<hbm>> -> memref<8x6144xf32, #tpu.memory_space<hbm>>
    tpu.wait_dma2 semaphore(%arg9 : memref<!tpu.dma_semaphore, #tpu.memory_space<semaphore_mem>>) src(%dma_wait3A_1272 : memref<8x6144xf32, #tpu.memory_space<hbm>>) dst(%arg5 : memref<8x6144xf32, #tpu.memory_space<vmem>>)
    %add3A_1273 = arith.constant 24 : i32
    %add3A_1274 = arith.addi %mul3A_2, %add3A_1273 : i32
    %dma_start3A_1275 = arith.constant 73728 : i32
    %dma_start3A_1276 = tpu.memref_slice %arg4[%add3A_1274, %dma_start3A_1275] : memref<1024x100000xf32, #tpu.memory_space<hbm>> -> memref<8x6144xf32, #tpu.memory_space<hbm>>
    %dma_start3A_1277 = arith.constant 73728 : i32
    %dma_start3A_1278 = tpu.memref_slice %arg4[%add3A_1274, %dma_start3A_1277] : memref<1024x100000xf32, #tpu.memory_space<hbm>> -> memref<8x6144xf32, #tpu.memory_space<hbm>>
    tpu.enqueue_dma source(%arg5 : memref<8x6144xf32, #tpu.memory_space<vmem>>) target(%dma_start3A_1278 : memref<8x6144xf32, #tpu.memory_space<hbm>>) target_semaphore(%arg12 : memref<!tpu.dma_semaphore, #tpu.memory_space<semaphore_mem>>)
    %dma_wait3A_1279 = arith.constant 73728 : i32
    %dma_wait3A_1280 = tpu.memref_slice %arg4[%add3A_1274, %dma_wait3A_1279] : memref<1024x100000xf32, #tpu.memory_space<hbm>> -> memref<8x6144xf32, #tpu.memory_space<hbm>>
    %dma_wait3A_1281 = arith.constant 73728 : i32
    %dma_wait3A_1282 = tpu.memref_slice %arg4[%add3A_1274, %dma_wait3A_1281] : memref<1024x100000xf32, #tpu.memory_space<hbm>> -> memref<8x6144xf32, #tpu.memory_space<hbm>>
    tpu.wait_dma2 semaphore(%arg12 : memref<!tpu.dma_semaphore, #tpu.memory_space<semaphore_mem>>) src(%arg5 : memref<8x6144xf32, #tpu.memory_space<vmem>>) dst(%dma_wait3A_1282 : memref<8x6144xf32, #tpu.memory_space<hbm>>)
    %add3A_1283 = arith.constant 24 : i32
    %add3A_1284 = arith.addi %mul3A_2, %add3A_1283 : i32
    %dma_start3A_1285 = arith.constant 86016 : i32
    %dma_start3A_1286 = tpu.memref_slice %arg2[%add3A_1284, %dma_start3A_1285] : memref<1024x100000xf32, #tpu.memory_space<hbm>> -> memref<8x6144xf32, #tpu.memory_space<hbm>>
    %dma_start3A_1287 = arith.constant 86016 : i32
    %dma_start3A_1288 = tpu.memref_slice %arg2[%add3A_1284, %dma_start3A_1287] : memref<1024x100000xf32, #tpu.memory_space<hbm>> -> memref<8x6144xf32, #tpu.memory_space<hbm>>
    tpu.enqueue_dma source(%dma_start3A_1288 : memref<8x6144xf32, #tpu.memory_space<hbm>>) target(%arg5 : memref<8x6144xf32, #tpu.memory_space<vmem>>) target_semaphore(%arg9 : memref<!tpu.dma_semaphore, #tpu.memory_space<semaphore_mem>>)
    %dma_wait3A_1289 = arith.constant 79872 : i32
    %dma_wait3A_1290 = tpu.memref_slice %arg2[%add3A_1264, %dma_wait3A_1289] : memref<1024x100000xf32, #tpu.memory_space<hbm>> -> memref<8x6144xf32, #tpu.memory_space<hbm>>
    %dma_wait3A_1291 = arith.constant 79872 : i32
    %dma_wait3A_1292 = tpu.memref_slice %arg2[%add3A_1264, %dma_wait3A_1291] : memref<1024x100000xf32, #tpu.memory_space<hbm>> -> memref<8x6144xf32, #tpu.memory_space<hbm>>
    tpu.wait_dma2 semaphore(%arg10 : memref<!tpu.dma_semaphore, #tpu.memory_space<semaphore_mem>>) src(%dma_wait3A_1292 : memref<8x6144xf32, #tpu.memory_space<hbm>>) dst(%arg6 : memref<8x6144xf32, #tpu.memory_space<vmem>>)
    %add3A_1293 = arith.constant 24 : i32
    %add3A_1294 = arith.addi %mul3A_2, %add3A_1293 : i32
    %dma_start3A_1295 = arith.constant 79872 : i32
    %dma_start3A_1296 = tpu.memref_slice %arg4[%add3A_1294, %dma_start3A_1295] : memref<1024x100000xf32, #tpu.memory_space<hbm>> -> memref<8x6144xf32, #tpu.memory_space<hbm>>
    %dma_start3A_1297 = arith.constant 79872 : i32
    %dma_start3A_1298 = tpu.memref_slice %arg4[%add3A_1294, %dma_start3A_1297] : memref<1024x100000xf32, #tpu.memory_space<hbm>> -> memref<8x6144xf32, #tpu.memory_space<hbm>>
    tpu.enqueue_dma source(%arg6 : memref<8x6144xf32, #tpu.memory_space<vmem>>) target(%dma_start3A_1298 : memref<8x6144xf32, #tpu.memory_space<hbm>>) target_semaphore(%arg13 : memref<!tpu.dma_semaphore, #tpu.memory_space<semaphore_mem>>)
    %dma_wait3A_1299 = arith.constant 79872 : i32
    %dma_wait3A_1300 = tpu.memref_slice %arg4[%add3A_1294, %dma_wait3A_1299] : memref<1024x100000xf32, #tpu.memory_space<hbm>> -> memref<8x6144xf32, #tpu.memory_space<hbm>>
    %dma_wait3A_1301 = arith.constant 79872 : i32
    %dma_wait3A_1302 = tpu.memref_slice %arg4[%add3A_1294, %dma_wait3A_1301] : memref<1024x100000xf32, #tpu.memory_space<hbm>> -> memref<8x6144xf32, #tpu.memory_space<hbm>>
    tpu.wait_dma2 semaphore(%arg13 : memref<!tpu.dma_semaphore, #tpu.memory_space<semaphore_mem>>) src(%arg6 : memref<8x6144xf32, #tpu.memory_space<vmem>>) dst(%dma_wait3A_1302 : memref<8x6144xf32, #tpu.memory_space<hbm>>)
    %add3A_1303 = arith.constant 24 : i32
    %add3A_1304 = arith.addi %mul3A_2, %add3A_1303 : i32
    %dma_start3A_1305 = arith.constant 92160 : i32
    %dma_start3A_1306 = tpu.memref_slice %arg2[%add3A_1304, %dma_start3A_1305] : memref<1024x100000xf32, #tpu.memory_space<hbm>> -> memref<8x6144xf32, #tpu.memory_space<hbm>>
    %dma_start3A_1307 = arith.constant 92160 : i32
    %dma_start3A_1308 = tpu.memref_slice %arg2[%add3A_1304, %dma_start3A_1307] : memref<1024x100000xf32, #tpu.memory_space<hbm>> -> memref<8x6144xf32, #tpu.memory_space<hbm>>
    tpu.enqueue_dma source(%dma_start3A_1308 : memref<8x6144xf32, #tpu.memory_space<hbm>>) target(%arg6 : memref<8x6144xf32, #tpu.memory_space<vmem>>) target_semaphore(%arg10 : memref<!tpu.dma_semaphore, #tpu.memory_space<semaphore_mem>>)
    %dma_wait3A_1309 = arith.constant 86016 : i32
    %dma_wait3A_1310 = tpu.memref_slice %arg2[%add3A_1284, %dma_wait3A_1309] : memref<1024x100000xf32, #tpu.memory_space<hbm>> -> memref<8x6144xf32, #tpu.memory_space<hbm>>
    %dma_wait3A_1311 = arith.constant 86016 : i32
    %dma_wait3A_1312 = tpu.memref_slice %arg2[%add3A_1284, %dma_wait3A_1311] : memref<1024x100000xf32, #tpu.memory_space<hbm>> -> memref<8x6144xf32, #tpu.memory_space<hbm>>
    tpu.wait_dma2 semaphore(%arg9 : memref<!tpu.dma_semaphore, #tpu.memory_space<semaphore_mem>>) src(%dma_wait3A_1312 : memref<8x6144xf32, #tpu.memory_space<hbm>>) dst(%arg5 : memref<8x6144xf32, #tpu.memory_space<vmem>>)
    %add3A_1313 = arith.constant 24 : i32
    %add3A_1314 = arith.addi %mul3A_2, %add3A_1313 : i32
    %dma_start3A_1315 = arith.constant 86016 : i32
    %dma_start3A_1316 = tpu.memref_slice %arg4[%add3A_1314, %dma_start3A_1315] : memref<1024x100000xf32, #tpu.memory_space<hbm>> -> memref<8x6144xf32, #tpu.memory_space<hbm>>
    %dma_start3A_1317 = arith.constant 86016 : i32
    %dma_start3A_1318 = tpu.memref_slice %arg4[%add3A_1314, %dma_start3A_1317] : memref<1024x100000xf32, #tpu.memory_space<hbm>> -> memref<8x6144xf32, #tpu.memory_space<hbm>>
    tpu.enqueue_dma source(%arg5 : memref<8x6144xf32, #tpu.memory_space<vmem>>) target(%dma_start3A_1318 : memref<8x6144xf32, #tpu.memory_space<hbm>>) target_semaphore(%arg12 : memref<!tpu.dma_semaphore, #tpu.memory_space<semaphore_mem>>)
    %dma_wait3A_1319 = arith.constant 98304 : i32
    %dma_wait3A_1320 = tpu.memref_slice %arg4[%add3A_1014, %dma_wait3A_1319] : memref<1024x100000xf32, #tpu.memory_space<hbm>> -> memref<8x1696xf32, #tpu.memory_space<hbm>>
    %dma_wait3A_1321 = arith.constant 98304 : i32
    %dma_wait3A_1322 = tpu.memref_slice %arg4[%add3A_1014, %dma_wait3A_1321] : memref<1024x100000xf32, #tpu.memory_space<hbm>> -> memref<8x1696xf32, #tpu.memory_space<hbm>>
    tpu.wait_dma2 semaphore(%arg14 : memref<!tpu.dma_semaphore, #tpu.memory_space<semaphore_mem>>) src(%arg7 : memref<8x1696xf32, #tpu.memory_space<vmem>>) dst(%dma_wait3A_1322 : memref<8x1696xf32, #tpu.memory_space<hbm>>)
    %add3A_1323 = arith.constant 24 : i32
    %add3A_1324 = arith.addi %mul3A_2, %add3A_1323 : i32
    %dma_start3A_1325 = arith.constant 98304 : i32
    %dma_start3A_1326 = tpu.memref_slice %arg2[%add3A_1324, %dma_start3A_1325] : memref<1024x100000xf32, #tpu.memory_space<hbm>> -> memref<8x1696xf32, #tpu.memory_space<hbm>>
    %dma_start3A_1327 = arith.constant 98304 : i32
    %dma_start3A_1328 = tpu.memref_slice %arg2[%add3A_1324, %dma_start3A_1327] : memref<1024x100000xf32, #tpu.memory_space<hbm>> -> memref<8x1696xf32, #tpu.memory_space<hbm>>
    tpu.enqueue_dma source(%dma_start3A_1328 : memref<8x1696xf32, #tpu.memory_space<hbm>>) target(%arg7 : memref<8x1696xf32, #tpu.memory_space<vmem>>) target_semaphore(%arg11 : memref<!tpu.dma_semaphore, #tpu.memory_space<semaphore_mem>>)
    %dma_wait3A_1329 = arith.constant 92160 : i32
    %dma_wait3A_1330 = tpu.memref_slice %arg2[%add3A_1304, %dma_wait3A_1329] : memref<1024x100000xf32, #tpu.memory_space<hbm>> -> memref<8x6144xf32, #tpu.memory_space<hbm>>
    %dma_wait3A_1331 = arith.constant 92160 : i32
    %dma_wait3A_1332 = tpu.memref_slice %arg2[%add3A_1304, %dma_wait3A_1331] : memref<1024x100000xf32, #tpu.memory_space<hbm>> -> memref<8x6144xf32, #tpu.memory_space<hbm>>
    tpu.wait_dma2 semaphore(%arg10 : memref<!tpu.dma_semaphore, #tpu.memory_space<semaphore_mem>>) src(%dma_wait3A_1332 : memref<8x6144xf32, #tpu.memory_space<hbm>>) dst(%arg6 : memref<8x6144xf32, #tpu.memory_space<vmem>>)
    %add3A_1333 = arith.constant 24 : i32
    %add3A_1334 = arith.addi %mul3A_2, %add3A_1333 : i32
    %dma_start3A_1335 = arith.constant 92160 : i32
    %dma_start3A_1336 = tpu.memref_slice %arg4[%add3A_1334, %dma_start3A_1335] : memref<1024x100000xf32, #tpu.memory_space<hbm>> -> memref<8x6144xf32, #tpu.memory_space<hbm>>
    %dma_start3A_1337 = arith.constant 92160 : i32
    %dma_start3A_1338 = tpu.memref_slice %arg4[%add3A_1334, %dma_start3A_1337] : memref<1024x100000xf32, #tpu.memory_space<hbm>> -> memref<8x6144xf32, #tpu.memory_space<hbm>>
    tpu.enqueue_dma source(%arg6 : memref<8x6144xf32, #tpu.memory_space<vmem>>) target(%dma_start3A_1338 : memref<8x6144xf32, #tpu.memory_space<hbm>>) target_semaphore(%arg13 : memref<!tpu.dma_semaphore, #tpu.memory_space<semaphore_mem>>)
    %dma_wait3A_1339 = arith.constant 98304 : i32
    %dma_wait3A_1340 = tpu.memref_slice %arg2[%add3A_1324, %dma_wait3A_1339] : memref<1024x100000xf32, #tpu.memory_space<hbm>> -> memref<8x1696xf32, #tpu.memory_space<hbm>>
    %dma_wait3A_1341 = arith.constant 98304 : i32
    %dma_wait3A_1342 = tpu.memref_slice %arg2[%add3A_1324, %dma_wait3A_1341] : memref<1024x100000xf32, #tpu.memory_space<hbm>> -> memref<8x1696xf32, #tpu.memory_space<hbm>>
    tpu.wait_dma2 semaphore(%arg11 : memref<!tpu.dma_semaphore, #tpu.memory_space<semaphore_mem>>) src(%dma_wait3A_1342 : memref<8x1696xf32, #tpu.memory_space<hbm>>) dst(%arg7 : memref<8x1696xf32, #tpu.memory_space<vmem>>)
    %add3A_1343 = arith.constant 24 : i32
    %add3A_1344 = arith.addi %mul3A_2, %add3A_1343 : i32
    %dma_start3A_1345 = arith.constant 98304 : i32
    %dma_start3A_1346 = tpu.memref_slice %arg4[%add3A_1344, %dma_start3A_1345] : memref<1024x100000xf32, #tpu.memory_space<hbm>> -> memref<8x1696xf32, #tpu.memory_space<hbm>>
    %dma_start3A_1347 = arith.constant 98304 : i32
    %dma_start3A_1348 = tpu.memref_slice %arg4[%add3A_1344, %dma_start3A_1347] : memref<1024x100000xf32, #tpu.memory_space<hbm>> -> memref<8x1696xf32, #tpu.memory_space<hbm>>
    tpu.enqueue_dma source(%arg7 : memref<8x1696xf32, #tpu.memory_space<vmem>>) target(%dma_start3A_1348 : memref<8x1696xf32, #tpu.memory_space<hbm>>) target_semaphore(%arg14 : memref<!tpu.dma_semaphore, #tpu.memory_space<semaphore_mem>>)
    %dma_wait3A_1349 = arith.constant 86016 : i32
    %dma_wait3A_1350 = tpu.memref_slice %arg4[%add3A_1314, %dma_wait3A_1349] : memref<1024x100000xf32, #tpu.memory_space<hbm>> -> memref<8x6144xf32, #tpu.memory_space<hbm>>
    %dma_wait3A_1351 = arith.constant 86016 : i32
    %dma_wait3A_1352 = tpu.memref_slice %arg4[%add3A_1314, %dma_wait3A_1351] : memref<1024x100000xf32, #tpu.memory_space<hbm>> -> memref<8x6144xf32, #tpu.memory_space<hbm>>
    tpu.wait_dma2 semaphore(%arg12 : memref<!tpu.dma_semaphore, #tpu.memory_space<semaphore_mem>>) src(%arg5 : memref<8x6144xf32, #tpu.memory_space<vmem>>) dst(%dma_wait3A_1352 : memref<8x6144xf32, #tpu.memory_space<hbm>>)
    %dma_wait3A_1353 = arith.constant 92160 : i32
    %dma_wait3A_1354 = tpu.memref_slice %arg4[%add3A_1334, %dma_wait3A_1353] : memref<1024x100000xf32, #tpu.memory_space<hbm>> -> memref<8x6144xf32, #tpu.memory_space<hbm>>
    %dma_wait3A_1355 = arith.constant 92160 : i32
    %dma_wait3A_1356 = tpu.memref_slice %arg4[%add3A_1334, %dma_wait3A_1355] : memref<1024x100000xf32, #tpu.memory_space<hbm>> -> memref<8x6144xf32, #tpu.memory_space<hbm>>
    tpu.wait_dma2 semaphore(%arg13 : memref<!tpu.dma_semaphore, #tpu.memory_space<semaphore_mem>>) src(%arg6 : memref<8x6144xf32, #tpu.memory_space<vmem>>) dst(%dma_wait3A_1356 : memref<8x6144xf32, #tpu.memory_space<hbm>>)
    %dma_wait3A_1357 = arith.constant 98304 : i32
    %dma_wait3A_1358 = tpu.memref_slice %arg4[%add3A_1344, %dma_wait3A_1357] : memref<1024x100000xf32, #tpu.memory_space<hbm>> -> memref<8x1696xf32, #tpu.memory_space<hbm>>
    %dma_wait3A_1359 = arith.constant 98304 : i32
    %dma_wait3A_1360 = tpu.memref_slice %arg4[%add3A_1344, %dma_wait3A_1359] : memref<1024x100000xf32, #tpu.memory_space<hbm>> -> memref<8x1696xf32, #tpu.memory_space<hbm>>
    tpu.wait_dma2 semaphore(%arg14 : memref<!tpu.dma_semaphore, #tpu.memory_space<semaphore_mem>>) src(%arg7 : memref<8x1696xf32, #tpu.memory_space<vmem>>) dst(%dma_wait3A_1360 : memref<8x1696xf32, #tpu.memory_space<hbm>>)
    return
  }
}

</mosaic_0001>

<sc_bundles>
// kernel: kernel.3.cloned.1.call-start
scs
__scs_entry_jumppad:
0x0: {  	(pc) =	sbr.rel $0x88, $3  }
0x1: {  	(tag) =	ssettag $0x0;
	lr =	simm.s32 $0x1  }
0x2: {  	[smem:$0x3F9F] =	sst lr;
	_ =	strace $0xD0000000  }
0x3: {  	_ = 	snop  }
0x4: {  	_ = 	snop  }
0x5: {  	_ = 	snop  }
0x6: {  	_ = 	snop  }
0x7: {  	_ = 	snop  }
__scs_overlays_trampoline_lowered:
0x8: {  	[smem:$0x3FAE] =	sst s0  }
0x9: {  	[smem:$0x3FAF] =	sst s1  }
0xa: {  	[smem:$0x3FB0] =	sst s2  }
0xb: {  	[smem:$0x3FB1] =	sst s3  }
0xc: {  	[smem:$0x3FB2] =	sst s4  }
0xd: {  	[smem:$0x3FB3] =	sst s5  }
0xe: {  	[smem:$0x3FB4] =	sst s6  }
0xf: {  	[smem:$0x3FB5] =	sst s7  }
0x10: {  	[smem:$0x3FB6] =	sst s8  }
0x11: {  	[smem:$0x3FB7] =	sst s9;
	s0 =	simm.s32 @!p0 $0x0  }
0x12: {  	s1 =	sld [smem:$0x3F9D];
	s0 =	simm.s32 @p0 $0x1  }
0x13: {  	[smem:$0x3FB8] =	sst s0;
	s0 =	simm.s32 @!p1 $0x0  }
0x14: {  	s2 =	sld [smem:$0x3F9C];
	s0 =	simm.s32 @p1 $0x1  }
0x15: {  	[smem:$0x3FB9] =	sst s0;
	s0 =	simm.s32 @!p2 $0x0  }
0x16: {  	s3 =	sld [smem:$0x3FDB];
	s0 =	simm.s32 @p2 $0x1  }
0x17: {  	s4 =	simm.s32 $0x1BF5;
	[smem:$0x3FBB] =	sst s0  }
0x18: {  	s0 =	sld [smem:$0x3F9E];
	_ =	swait.ge [sflag:s4], $0x0  }
0x19: {  	s7 =	sld [smem:$0x3F9F]  }
0x1a: {  	s8 =	sadd.s32 $0xFFFFE003, lr  }
0x1b: {  	s9 =	sadd.s32 $0xFFFFFEF7, lr;
	s5 =	simm.s32 $0xFFFFFFFF;
	p2 =	slt.u32 s8, $0xFFFFF086  }
0x1c: {  	p1 =	slt.u32 s9, $0xF7A;
	s5 =	simm.s32 @!p2 $0x0  }
0x1d: {  	s5 =	simm.s32 @p1 $0x1;
	p0 =	seq.s32 s7, s2  }
0x1e: {  	s7 =	smul.u32 @!p0 $0xF7A, s2;
	p2 =	seq.s32 @!p0 s5, $0x0  }
0x1f: {  	s9 =	smul.u32 $0xF7A, s1;
	s8 =	simm.s32 @!p0 $0x1BF5;
	p2 =	por !p2, p0  }
0x20: {  	[sflag:s8] =	ssyncset.s32 @!p0 $0xFFFFF086;
	s6 =	sadd.s32 @!p0 s3, s7;
	s7 =	simm.s32 @!p0 $0x108  }
0x21: {  	s3 =	sadd.s32 s3, s9;
	s6 =	sadd.s32 @!p0 $0x88, s6;
	s7 =	simm.s32 @p2 $0x1082  }
0x22: {  	[simem:s7], [sflag:s8] =	dma.local @!p0 [hbm:s6], $0xF7A  }
0x23: {  	s9 =	sor.u32 $0xD0000000, s2;
	s6 =	simm.s32 $0x108;
	_ =	swait.ge @!p0 [sflag:s8], $0x0  }
0x24: {  	s3 =	sadd.s32 $0x88, s3;
	s6 =	simm.s32 @!p1 $0x1082;
	[sflag:s4] =	ssyncset.s32 $0xFFFFF086  }
0x25: {  	[simem:s6], [sflag:s4] =	dma.local [hbm:s3], $0xF7A  }
0x26: {  	[smem:$0x3F9F] =	sst s1;
	(tag) =	ssettag s2;
	_ =	strace s9  }
0x27: {  	s1 =	sld [smem:$0x3FAF]  }
0x28: {  	s2 =	sld [smem:$0x3FB0]  }
0x29: {  	s4 =	sld [smem:$0x3FB2]  }
0x2a: {  	p0 =	seq.s32 s5, $0x0;
	s5 =	sld [smem:$0x3FB3]  }
0x2b: {  	s6 =	sld [smem:$0x3FB4]  }
0x2c: {  	s7 =	sld [smem:$0x3FB5]  }
0x2d: {  	s3 =	simm.s32 $0x108;
	s8 =	sld [smem:$0x3FB6]  }
0x2e: {  	s3 =	simm.s32 @!p0 $0x1082;
	s9 =	sld [smem:$0x3FB7]  }
0x2f: {  	lr =	sadd.s32 s0, s3;
	s0 =	sld [smem:$0x3FAE]  }
0x30: {  	s3 =	sld [smem:$0x3FB1]  }
0x31: {  	[smem:$0x3FBA] =	sst s10  }
0x32: {  	s10 =	sld [smem:$0x3FB8];
	_ =	sdelay $0x3  }
0x33: {  	p0 =	seq.s32 s10, $0x1;
	s10 =	sld [smem:$0x3FBA];
	_ =	sdelay $0x3  }
0x34: {  	[smem:$0x3FBA] =	sst s10  }
0x35: {  	s10 =	sld [smem:$0x3FB9];
	_ =	sdelay $0x3  }
0x36: {  	p1 =	seq.s32 s10, $0x1;
	s10 =	sld [smem:$0x3FBA];
	_ =	sdelay $0x3  }
0x37: {  	[smem:$0x3FBA] =	sst s10  }
0x38: {  	s10 =	sld [smem:$0x3FBB]  }
0x39: {  	_ = 	snop;
	(pc) =	sbr.ind lr, $3  }
0x3a: {  	_ = 	snop  }
0x3b: {  	_ = 	snop  }
0x3c: {  	p2 =	seq.s32 s10, $0x1;
	s10 =	sld [smem:$0x3FBA]  }
0x3d: {  	_ =	shalt  }
0x3e: {  	_ =	shalt  }
0x3f: {  	_ =	shalt  }
0x40: {  	_ =	shalt  }
0x41: {  	_ =	shalt  }
0x42: {  	_ =	shalt  }
0x43: {  	_ =	shalt  }
0x44: {  	_ =	shalt  }
0x45: {  	_ =	shalt  }
0x46: {  	_ =	shalt  }
0x47: {  	_ =	shalt  }
0x48: {  	_ =	shalt  }
0x49: {  	_ =	shalt  }
0x4a: {  	_ =	shalt  }
0x4b: {  	_ =	shalt  }
0x4c: {  	_ =	shalt  }
0x4d: {  	_ =	shalt  }
0x4e: {  	_ =	shalt  }
0x4f: {  	_ =	shalt  }
0x50: {  	_ =	shalt  }
0x51: {  	_ =	shalt  }
0x52: {  	_ =	shalt  }
0x53: {  	_ =	shalt  }
0x54: {  	_ =	shalt  }
0x55: {  	_ =	shalt  }
0x56: {  	_ =	shalt  }
0x57: {  	_ =	shalt  }
0x58: {  	_ =	shalt  }
0x59: {  	_ =	shalt  }
0x5a: {  	_ =	shalt  }
0x5b: {  	_ =	shalt  }
0x5c: {  	_ =	shalt  }
0x5d: {  	_ =	shalt  }
0x5e: {  	_ =	shalt  }
0x5f: {  	_ =	shalt  }
0x60: {  	_ =	shalt  }
0x61: {  	_ =	shalt  }
0x62: {  	_ =	shalt  }
0x63: {  	_ =	shalt  }
0x64: {  	_ =	shalt  }
0x65: {  	_ =	shalt  }
0x66: {  	_ =	shalt  }
0x67: {  	_ =	shalt  }
0x68: {  	_ =	shalt  }
0x69: {  	_ =	shalt  }
0x6a: {  	_ =	shalt  }
0x6b: {  	_ =	shalt  }
0x6c: {  	_ =	shalt  }
0x6d: {  	_ =	shalt  }
0x6e: {  	_ =	shalt  }
0x6f: {  	_ =	shalt  }
0x70: {  	_ =	shalt  }
0x71: {  	_ =	shalt  }
0x72: {  	_ =	shalt  }
0x73: {  	_ =	shalt  }
0x74: {  	_ =	shalt  }
0x75: {  	_ =	shalt  }
0x76: {  	_ =	shalt  }
0x77: {  	_ =	shalt  }
0x78: {  	_ =	shalt  }
0x79: {  	_ =	shalt  }
0x7a: {  	_ =	shalt  }
0x7b: {  	_ =	shalt  }
0x7c: {  	_ =	shalt  }
0x7d: {  	_ =	shalt  }
0x7e: {  	_ =	shalt  }
0x7f: {  	_ =	shalt  }
0x80: {  	_ =	shalt  }
0x81: {  	_ =	shalt  }
0x82: {  	_ =	shalt  }
0x83: {  	_ =	shalt  }
0x84: {  	_ =	shalt  }
0x85: {  	_ =	shalt  }
0x86: {  	_ =	shalt  }
0x87: {  	_ =	shalt  }
.Lfunc_end0:
.L_simem_size_0:
called_computation_lowered:
.L_overlay_start_0:
0x88: {  	s2 =	sld [smem:$0x3FD9]  }
0x89: {  	s3 =	sld [smem:$0x3FFE];
	_ =	sdelay $0x1  }
0x8a: {  	s1 =	srdreg.scid  }
0x8b: {  	s0 =	sand.u32 $0x1, s1  }
0x8c: {  	s17 =	sshll.u32 s0, $0xA;
	s2 =	sadd.s32 s3, s2  }
0x8d: {  	s2 =	sadd.s32 s2, s17  }
0x8e: {  	[smem:$0x3FC6] =	sst s2  }
0x8f: {  	_ = 	snop  }
0x90: {  	s2 =	sld [smem:$0x3FC8];
	(tm) =	ssettm $0x1  }
0x91: {  	s18 =	sld [smem:$0x3FFB];
	_ =	sdelay $0x3  }
0x92: {  	_ =	strace s18  }
0x93: {  	s3 =	sld [smem:$0x3FFC];
	_ =	sdelay $0x3  }
0x94: {  	_ =	strace s3  }
0x95: {  	s3 =	sld [smem:$0x3FFD];
	_ =	sdelay $0x3  }
0x96: {  	_ =	strace s3  }
0x97: {  	_ =	strace $0x8FFFFFFF  }
0x98: {  	s19 =	sld [smem:$0x3FDB];
	_ =	sdelay $0x1  }
0x99: {  	s4 =	simm.s32 $_scs_section_size  }
0x9a: {  	s5 =	simm.s32 $_size__tile_overlayer_lowered;
	s6 =	simm.s32 $_tile_overlayer_lowered  }
0x9b: {  	s22 =	simm.s32 $0x1BFF;
	s21 =	sshll.u32 s6, $0x1;
	s3 =	sadd.s32 s4, s19  }
0x9c: {  	s7 =	simm.s32 $0x0;
	s20 =	sshll.u32 s5, $0x1;
	s5 =	sadd.s32 s21, s3  }
0x9d: {  	[timem:s7], [sflag:s22] =	dma.local [hbm:s5], s20  }
0x9e: {  	_ =	swait.ge [sflag:s22], s20  }
0x9f: {  	s4 =	ssub.s32 $0x0, s20;
	[sflag:s22] =	ssyncset.done $0x0  }
0xa0: {  	[sflag:s22] =	ssyncadd.s32 s4;
	_ =	sdelay $0x1  }
0xa1: {  	s23 =	simm.s32 $0x1B8B  }
0xa2: {  	_ =	swait.ge [sflag:s23], $0x1  }
0xa3: {  	[sflag:s23] =	ssyncset.done $0x0  }
0xa4: {  	s25 =	simm.s32 $0x1B8E;
	s24 =	sld [smem:$0x3FFE];
	[sflag:s23] =	ssyncadd.s32 $0xFFFFFFFF  }
0xa5: {  	s26 =	simm.s32 $execute0_lowered;
	[smem:$0x3FD2] =	sst s25  }
0xa6: {  	s5 =	sshll.u32 s26, $0x1;
	_ =	strace $0x80000046;
	[dreg:$0x1] =	wrdreg $0xFFFFFFFF  }
0xa7: {  	s28 =	simm.s32 $_size_execute0_lowered;
	s3 =	sadd.s32 s3, s5;
	[dreg:$0x0] =	wrdreg $0x0  }
0xa8: {  	s5 =	sshll.u32 s28, $0x1;
	[dreg:$0x2] =	wrdreg s3  }
0xa9: {  	[dreg:$0x3] =	wrdreg s5  }
0xaa: {  	[dreg:$0x4] =	wrdreg $0xC0  }
0xab: {  	_ =	task [dreg:s7], $0x5FFFF  }
0xac: {  	[dreg:$0x1] =	wrdreg $0xFFFFFFFF  }
0xad: {  	[dreg:$0x0] =	wrdreg $0x60  }
0xae: {  	[dreg:$0x2] =	wrdreg s24  }
0xaf: {  	[dreg:$0x3] =	wrdreg s2  }
0xb0: {  	[dreg:$0x4] =	wrdreg $0x9  }
0xb1: {  	_ =	task.clear_ibuf [dreg:s7], $0x5FFFF;
	_ =	strace $0x90000046  }
0xb2: {  	s29 =	simm.s32 $0x9;
	_ =	strace $0x80000048  }
0xb3: {  	_ =	swait.ge [sflag:s29], $0x1  }
0xb4: {  	[sflag:s29] =	ssyncadd.s32 $0xFFFFFFFF  }
0xb5: {  	_ =	strace $0x90000048  }
0xb6: {  	_ =	sfence  }
0xb7: {  	s30 =	sld [smem:$0x0];
	_ =	sdelay $0x2  }
0xb8: {  	s31 =	sshll.u32 s1, $0xD;
	s1 =	sshrl.u32 s1, $0x2  }
0xb9: {  	s3 =	sand.u32 $0x4000, s31;
	s1 =	sadd.s32 s1, s30  }
0xba: {  	s0 =	sor.u32 s3, s0;
	s1 =	sshll.u32 s1, $0x11  }
0xbb: {  	s0 =	sor.u32 s1, s0  }
0xbc: {  	s0 =	sadd.s32 $0x8F2B, s0  }
0xbd: {  	[sflag:s0] =	ssyncadd.remote.s32 $0x1  }
0xbe: {  	_ =	sfence.sel $0xFFFF  }
0xbf: {  	[dreg:$0x0] =	wrdreg $0xFFFFFFFF;
	(pc) =	sbr.abs _section_cstart, $3  }
0xc0: {  	[dreg:$0x1] =	wrdreg $0xFFFFFFFF  }
0xc1: {  	_ =	task.clear_ibuf [dreg:s7], $0x2FFFF;
	_ =	strace $0x9FFFFFFF  }
0xc2: {  	(tm) =	ssettm $0x7FFFFFFF  }
0xc3: {  	_ =	shalt  }
tec
execute0_lowered:
.L_overlay_start_1:
0x0: {  	(tag) =	ssettag $0x1  }
0x1: {  	s0 =	srdreg.scid  }
0x2: {  	s31 =	stileid.u32;
	s4 =	sand.u32 $0x1, s0  }
0x3: {  	s1 =	sshll.u32 s31, $0x3;
	s3 =	sshll.u32 s4, $0x2  }
0x4: {  	s5 =	rddreg [dreg:$0x0];
	s2 =	simm.s32 $0x0;
	s3 =	sor.u32 s3, s1  }
0x5: {  	[smem:$0x7FF] =	sst s2;
	s6 =	smul.u32 $0xC3800, s3  }
0x6: {  	s7 =	rddreg [dreg:$0x1];
	_ =	strace $0x80000047  }
0x7: {  	s1 =	sadd.s32 $0x400, s5;
	s0 =	sadd.s32 s7, s3;
	s3 =	sshrl.u32 s6, $0x3  }
0x8: {  	s5 =	sadd.s32 $0xC38400, s5;
	[dreg:$0x3] =	wrdreg s0;
	s8 =	sadd.s32 s1, s3  }
0x9: {  	s6 =	sadd.s32 $0x1800, s3;
	s10 =	sadd.s32 s5, s3;
	[dreg:$0x4] =	wrdreg s8  }
0xa: {  	s7 =	sadd.s32 $0x3000, s3;
	s9 =	sadd.s32 s1, s6;
	[dreg:$0x6] =	wrdreg s10  }
0xb: {  	s11 =	sadd.s32 s1, s7;
	[dreg:$0x5] =	wrdreg s9  }
0xc: {  	s13 =	sadd.s32 $0x4800, s3;
	s12 =	sadd.s32 s5, s6;
	[dreg:$0x7] =	wrdreg s11  }
0xd: {  	s14 =	sadd.s32 s1, s13;
	[dreg:$0x8] =	wrdreg s12  }
0xe: {  	s16 =	sadd.s32 $0x6000, s3;
	s15 =	sadd.s32 s5, s7;
	[dreg:$0x9] =	wrdreg s14  }
0xf: {  	s17 =	sadd.s32 s1, s16;
	[dreg:$0xa] =	wrdreg s15  }
0x10: {  	s19 =	sadd.s32 $0x7800, s3;
	s18 =	sadd.s32 s5, s13;
	[dreg:$0xb] =	wrdreg s17  }
0x11: {  	s20 =	sadd.s32 s1, s19;
	[dreg:$0xc] =	wrdreg s18  }
0x12: {  	s22 =	sadd.s32 $0x9000, s3;
	s21 =	sadd.s32 s5, s16;
	[dreg:$0xd] =	wrdreg s20  }
0x13: {  	s23 =	sadd.s32 s1, s22;
	[dreg:$0xe] =	wrdreg s21  }
0x14: {  	s25 =	sadd.s32 $0xA800, s3;
	s24 =	sadd.s32 s5, s19;
	[dreg:$0xf] =	wrdreg s23  }
0x15: {  	s26 =	sadd.s32 s1, s25;
	[dreg:$0x10] =	wrdreg s24  }
0x16: {  	s7 =	sadd.s32 s5, s22;
	[dreg:$0x11] =	wrdreg s26  }
0x17: {  	s8 =	sadd.s32 $0xC000, s3;
	s10 =	sadd.s32 s5, s25;
	[dreg:$0x12] =	wrdreg s7  }
0x18: {  	s9 =	sadd.s32 s1, s8;
	[dreg:$0x14] =	wrdreg s10  }
0x19: {  	s11 =	sadd.s32 $0xD800, s3;
	s13 =	sadd.s32 s5, s8;
	[dreg:$0x13] =	wrdreg s9  }
0x1a: {  	s14 =	sadd.s32 $0xF000, s3;
	s12 =	sadd.s32 s1, s11;
	[dreg:$0x16] =	wrdreg s13  }
0x1b: {  	s15 =	sadd.s32 s1, s14;
	[dreg:$0x15] =	wrdreg s12  }
0x1c: {  	s17 =	sadd.s32 $0x10800, s3;
	s16 =	sadd.s32 s5, s11;
	[dreg:$0x17] =	wrdreg s15  }
0x1d: {  	s18 =	sadd.s32 s1, s17;
	[dreg:$0x18] =	wrdreg s16  }
0x1e: {  	s20 =	sadd.s32 $0x12000, s3;
	s19 =	sadd.s32 s5, s14;
	[dreg:$0x19] =	wrdreg s18  }
0x1f: {  	s21 =	sadd.s32 s1, s20;
	[dreg:$0x1a] =	wrdreg s19  }
0x20: {  	s23 =	sadd.s32 $0x13800, s3;
	s22 =	sadd.s32 s5, s17;
	[dreg:$0x1b] =	wrdreg s21  }
0x21: {  	s24 =	sadd.s32 s1, s23;
	[dreg:$0x1c] =	wrdreg s22  }
0x22: {  	s26 =	sadd.s32 $0x15000, s3;
	s25 =	sadd.s32 s5, s20;
	[dreg:$0x1d] =	wrdreg s24  }
0x23: {  	s8 =	sadd.s32 s1, s26;
	[dreg:$0x1e] =	wrdreg s25  }
0x24: {  	s10 =	sadd.s32 $0x16800, s3;
	s9 =	sadd.s32 s5, s23;
	[dreg:$0x1f] =	wrdreg s8  }
0x25: {  	s11 =	sadd.s32 s1, s10;
	[smem:$0x7A3] =	sst s9  }
0x26: {  	s13 =	sadd.s32 $0x18000, s3;
	[smem:$0x7A4] =	sst s11;
	s12 =	sadd.s32 s5, s26  }
0x27: {  	s14 =	sadd.s32 s1, s13;
	[smem:$0x7A5] =	sst s12  }
0x28: {  	s15 =	sadd.s32 s5, s10;
	[smem:$0x7A6] =	sst s14  }
0x29: {  	s16 =	sadd.s32 $0x18700, s3;
	s18 =	sadd.s32 s5, s13;
	[smem:$0x7A7] =	sst s15  }
0x2a: {  	s19 =	sadd.s32 $0x19F00, s3;
	s17 =	sadd.s32 s1, s16;
	[smem:$0x7A9] =	sst s18  }
0x2b: {  	s20 =	sadd.s32 s1, s19;
	[smem:$0x7A8] =	sst s17  }
0x2c: {  	s22 =	sadd.s32 $0x1B700, s3;
	s21 =	sadd.s32 s5, s16;
	[smem:$0x7AA] =	sst s20  }
0x2d: {  	s23 =	sadd.s32 s1, s22;
	[smem:$0x7AB] =	sst s21  }
0x2e: {  	s25 =	sadd.s32 $0x1CF00, s3;
	s24 =	sadd.s32 s5, s19;
	[smem:$0x7AC] =	sst s23  }
0x2f: {  	s26 =	sadd.s32 s1, s25;
	[smem:$0x7AD] =	sst s24  }
0x30: {  	s8 =	sadd.s32 $0x1E700, s3;
	s6 =	sadd.s32 s5, s22;
	[smem:$0x7AE] =	sst s26  }
0x31: {  	s9 =	sadd.s32 s1, s8;
	[smem:$0x7AF] =	sst s6  }
0x32: {  	s11 =	sadd.s32 $0x1FF00, s3;
	s10 =	sadd.s32 s5, s25;
	[smem:$0x7B0] =	sst s9  }
0x33: {  	s12 =	sadd.s32 s1, s11;
	[smem:$0x7B1] =	sst s10  }
0x34: {  	s13 =	sadd.s32 s5, s8;
	[smem:$0x7B2] =	sst s12  }
0x35: {  	s14 =	sadd.s32 $0x21700, s3;
	s16 =	sadd.s32 s5, s11;
	[smem:$0x7B3] =	sst s13  }
0x36: {  	s15 =	sadd.s32 s1, s14;
	[smem:$0x7B5] =	sst s16  }
0x37: {  	s17 =	sadd.s32 $0x22F00, s3;
	s19 =	sadd.s32 s5, s14;
	[smem:$0x7B4] =	sst s15  }
0x38: {  	s20 =	sadd.s32 $0x24700, s3;
	s18 =	sadd.s32 s1, s17;
	[smem:$0x7B7] =	sst s19  }
0x39: {  	s21 =	sadd.s32 s1, s20;
	[smem:$0x7B6] =	sst s18  }
0x3a: {  	s23 =	sadd.s32 $0x25F00, s3;
	s22 =	sadd.s32 s5, s17;
	[smem:$0x7B8] =	sst s21  }
0x3b: {  	s24 =	sadd.s32 s1, s23;
	[smem:$0x7B9] =	sst s22  }
0x3c: {  	s26 =	sadd.s32 $0x27700, s3;
	s25 =	sadd.s32 s5, s20;
	[smem:$0x7BA] =	sst s24  }
0x3d: {  	s8 =	sadd.s32 s1, s26;
	[smem:$0x7BB] =	sst s25  }
0x3e: {  	s10 =	sadd.s32 $0x28F00, s3;
	s9 =	sadd.s32 s5, s23;
	[smem:$0x7BC] =	sst s8  }
0x3f: {  	s11 =	sadd.s32 s1, s10;
	[smem:$0x7BD] =	sst s9  }
0x40: {  	s13 =	sadd.s32 $0x2A700, s3;
	s12 =	sadd.s32 s5, s26;
	[smem:$0x7BE] =	sst s11  }
0x41: {  	s14 =	sadd.s32 s1, s13;
	[smem:$0x7BF] =	sst s12  }
0x42: {  	s16 =	sadd.s32 $0x2BF00, s3;
	s15 =	sadd.s32 s5, s10;
	[smem:$0x7C0] =	sst s14  }
0x43: {  	s17 =	sadd.s32 s1, s16;
	[smem:$0x7C1] =	sst s15  }
0x44: {  	s19 =	sadd.s32 $0x2D700, s3;
	[smem:$0x7C2] =	sst s17;
	s18 =	sadd.s32 s5, s13  }
0x45: {  	s20 =	sadd.s32 s1, s19;
	[smem:$0x7C3] =	sst s18  }
0x46: {  	s21 =	sadd.s32 s5, s16;
	[smem:$0x7C4] =	sst s20  }
0x47: {  	s22 =	sadd.s32 $0x2EF00, s3;
	s24 =	sadd.s32 s5, s19;
	[smem:$0x7C5] =	sst s21  }
0x48: {  	s25 =	sadd.s32 $0x30700, s3;
	s23 =	sadd.s32 s1, s22;
	[smem:$0x7C7] =	sst s24  }
0x49: {  	s26 =	sadd.s32 s1, s25;
	[smem:$0x7C6] =	sst s23  }
0x4a: {  	s8 =	sadd.s32 $0x30E00, s3;
	s7 =	sadd.s32 s5, s22;
	[smem:$0x7C8] =	sst s26  }
0x4b: {  	s9 =	sadd.s32 s1, s8;
	[smem:$0x7C9] =	sst s7  }
0x4c: {  	s11 =	sadd.s32 $0x32600, s3;
	s10 =	sadd.s32 s5, s25;
	[smem:$0x7CA] =	sst s9  }
0x4d: {  	s12 =	sadd.s32 s1, s11;
	[smem:$0x7CB] =	sst s10  }
0x4e: {  	s14 =	sadd.s32 $0x33E00, s3;
	s13 =	sadd.s32 s5, s8;
	[smem:$0x7CC] =	sst s12  }
0x4f: {  	s15 =	sadd.s32 s1, s14;
	[smem:$0x7CD] =	sst s13  }
0x50: {  	s17 =	sadd.s32 $0x35600, s3;
	s16 =	sadd.s32 s5, s11;
	[smem:$0x7CE] =	sst s15  }
0x51: {  	s18 =	sadd.s32 s1, s17;
	[smem:$0x7CF] =	sst s16  }
0x52: {  	s19 =	sadd.s32 s5, s14;
	[smem:$0x7D0] =	sst s18  }
0x53: {  	s20 =	sadd.s32 $0x36E00, s3;
	s22 =	sadd.s32 s5, s17;
	[smem:$0x7D1] =	sst s19  }
0x54: {  	s21 =	sadd.s32 s1, s20;
	[smem:$0x7D3] =	sst s22  }
0x55: {  	s23 =	sadd.s32 $0x38600, s3;
	s25 =	sadd.s32 s5, s20;
	[smem:$0x7D2] =	sst s21  }
0x56: {  	s26 =	sadd.s32 $0x39E00, s3;
	s24 =	sadd.s32 s1, s23;
	[smem:$0x7D5] =	sst s25  }
0x57: {  	s8 =	sadd.s32 s1, s26;
	[smem:$0x7D4] =	sst s24  }
0x58: {  	s10 =	sadd.s32 $0x3B600, s3;
	s9 =	sadd.s32 s5, s23;
	[smem:$0x7D6] =	sst s8  }
0x59: {  	s11 =	sadd.s32 s1, s10;
	[smem:$0x7D7] =	sst s9  }
0x5a: {  	s13 =	sadd.s32 $0x3CE00, s3;
	s12 =	sadd.s32 s5, s26;
	[smem:$0x7D8] =	sst s11  }
0x5b: {  	s14 =	sadd.s32 s1, s13;
	[smem:$0x7D9] =	sst s12  }
0x5c: {  	s16 =	sadd.s32 $0x3E600, s3;
	s15 =	sadd.s32 s5, s10;
	[smem:$0x7DA] =	sst s14  }
0x5d: {  	s17 =	sadd.s32 s1, s16;
	[smem:$0x7DB] =	sst s15  }
0x5e: {  	s19 =	sadd.s32 $0x3FE00, s3;
	s18 =	sadd.s32 s5, s13;
	[smem:$0x7DC] =	sst s17  }
0x5f: {  	s20 =	sadd.s32 s1, s19;
	[smem:$0x7DD] =	sst s18  }
0x60: {  	s22 =	sadd.s32 $0x41600, s3;
	s21 =	sadd.s32 s5, s16;
	[smem:$0x7DE] =	sst s20  }
0x61: {  	s23 =	sadd.s32 s1, s22;
	[smem:$0x7DF] =	sst s21  }
0x62: {  	s6 =	sadd.s32 s5, s22;
	[smem:$0x7E0] =	sst s23  }
0x63: {  	s25 =	sadd.s32 $0x42E00, s3;
	s24 =	sadd.s32 s5, s19;
	[smem:$0x7E3] =	sst s6  }
0x64: {  	s26 =	sadd.s32 s1, s25;
	[smem:$0x7E1] =	sst s24  }
0x65: {  	s8 =	sadd.s32 $0x44600, s3;
	s10 =	sadd.s32 s5, s25;
	[smem:$0x7E2] =	sst s26  }
0x66: {  	s11 =	sadd.s32 $0x45E00, s3;
	s9 =	sadd.s32 s1, s8;
	[smem:$0x7E5] =	sst s10  }
0x67: {  	s12 =	sadd.s32 s1, s11;
	[smem:$0x7E4] =	sst s9  }
0x68: {  	s14 =	sadd.s32 $0x47600, s3;
	s13 =	sadd.s32 s5, s8;
	[smem:$0x7E6] =	sst s12  }
0x69: {  	s30 =	simm.s32 $0x7;
	s15 =	sadd.s32 s1, s14;
	[smem:$0x7E7] =	sst s13  }
0x6a: {  	s17 =	sadd.s32 $0x48E00, s3;
	s16 =	sadd.s32 s5, s11;
	[smem:$0x7E8] =	sst s15  }
0x6b: {  	p0 =	por $0x0, $0x0;
	s18 =	sadd.s32 s1, s17;
	[smem:$0x7E9] =	sst s16  }
0x6c: {  	s20 =	sadd.s32 $0x49500, s3;
	s19 =	sadd.s32 s5, s14;
	[smem:$0x7EA] =	sst s18  }
0x6d: {  	s4 =	ssub.s32 $0x2, s4;
	s21 =	sadd.s32 s1, s20;
	[smem:$0x7EB] =	sst s19  }
0x6e: {  	s23 =	sadd.s32 $0x4AD00, s3;
	s22 =	sadd.s32 s5, s17;
	[smem:$0x7EC] =	sst s21  }
0x6f: {  	s7 =	sadd.s32 $0x58500, s3;
	s24 =	sadd.s32 s1, s23;
	[smem:$0x7ED] =	sst s22  }
0x70: {  	s25 =	sadd.s32 s5, s20;
	s26 =	sadd.s32 $0x4C500, s3;
	[smem:$0x7EE] =	sst s24  }
0x71: {  	s6 =	simm.s32 $0x6;
	[smem:$0x7EF] =	sst s25;
	s8 =	sadd.s32 s1, s26  }
0x72: {  	s10 =	sadd.s32 $0x4DD00, s3;
	s9 =	sadd.s32 s5, s23;
	[smem:$0x7F0] =	sst s8  }
0x73: {  	s11 =	sadd.s32 s1, s10;
	s12 =	sadd.s32 s5, s26;
	[smem:$0x7F1] =	sst s9  }
0x74: {  	s13 =	sadd.s32 $0x4F500, s3;
	s15 =	sadd.s32 s5, s10;
	[smem:$0x7F2] =	sst s11  }
0x75: {  	s16 =	sadd.s32 $0x50D00, s3;
	s19 =	sadd.s32 $0x52500, s3;
	[smem:$0x7F3] =	sst s12  }
0x76: {  	s22 =	sadd.s32 $0x53D00, s3;
	s14 =	sadd.s32 s1, s13;
	[smem:$0x7F5] =	sst s15  }
0x77: {  	s25 =	sadd.s32 $0x55500, s3;
	s17 =	sadd.s32 s1, s16;
	[smem:$0x7F4] =	sst s14  }
0x78: {  	s10 =	sadd.s32 $0x5B500, s3;
	s18 =	sadd.s32 s5, s13;
	[smem:$0x7F6] =	sst s17  }
0x79: {  	s20 =	sadd.s32 s1, s19;
	s21 =	sadd.s32 s5, s16;
	[smem:$0x7F7] =	sst s18  }
0x7a: {  	s8 =	sshrl.u32 s4, $0x1;
	s23 =	sadd.s32 s1, s22;
	[smem:$0x7F8] =	sst s20  }
0x7b: {  	s24 =	sadd.s32 s5, s19;
	s26 =	sadd.s32 s1, s25;
	[smem:$0x7F9] =	sst s21  }
0x7c: {  	s29 =	sadd.s32 s5, s22;
	s9 =	sadd.s32 $0x59D00, s3;
	[smem:$0x7FA] =	sst s23  }
0x7d: {  	s22 =	sadd.s32 s5, s7;
	s11 =	sadd.s32 $0x5CD00, s3;
	[smem:$0x7FB] =	sst s24  }
0x7e: {  	s12 =	sadd.s32 $0x5E500, s3;
	s8 =	ssub.s32 s4, s8;
	[smem:$0x7FC] =	sst s26  }
0x7f: {  	s4 =	sadd.s32 $0x56D00, s3;
	s26 =	sadd.s32 s5, s25;
	s25 =	sadd.s32 s1, s7  }
0x80: {  	s23 =	sadd.s32 s1, s9;
	s21 =	sadd.s32 s1, s10;
	s20 =	sadd.s32 s5, s9  }
0x81: {  	s19 =	sadd.s32 s1, s11;
	s17 =	sadd.s32 s5, s10;
	s16 =	sadd.s32 s1, s12  }
0x82: {  	s13 =	sadd.s32 s5, s11;
	s14 =	sadd.s32 $0x5FD00, s3;
	s9 =	sadd.s32 s5, s12  }
0x83: {  	s3 =	sadd.s32 $0x61500, s3;
	s10 =	simm.s32 $0xC000;
	s15 =	smax.u32 s8, $0x1  }
0x84: {  	s18 =	simm.s32 $0x1;
	s12 =	simm.s32 $0x18000;
	p1 =	sne.s32 s15, $0x1  }
.Ltmp0:
0x85: {  	s28 =	sadd.s32 s1, s4;
	s24 =	sadd.s32 s5, s4;
	(pc) =	sbr.rel @!p1 .LBB2_5-.Ltmp0, $4  }
0x86: {  	s11 =	sadd.s32 s1, s14;
	s7 =	sadd.s32 s1, s3;
	s4 =	sadd.s32 s5, s14  }
0x87: {  	s3 =	sadd.s32 s5, s3;
	s1 =	simm.s32 $0x1B800;
	s0 =	sadd.s32 $0xFFFFFFFF, s15  }
0x88: {  	s8 =	simm.s32 $0x4;
	s5 =	simm.s32 $0x5;
	[smem:$0x7FD] =	sst s0  }
0x89: {  	s14 =	simm.s32 $0x3;
	s15 =	simm.s32 $0x2;
	s0 =	rddreg [dreg:$0x3]  }
0x8a: {  	[tilespmem:s1], [sflag:$0x7] =	stream.linear.gather [hbm4b:s0+s2], $0x20, $0x38;
	[tilespmem:$0x1B880] =	vst v63  }
0x8b: {  	_ =	swait.ge [sflag:s30], $0x20  }
0x8c: {  	[sflag:s30] =	ssyncset.done $0x0  }
0x8d: {  	s1 =	rddreg [dreg:$0x4];
	[sflag:s30] =	ssyncadd.s32 $0xFFFFFFE0  }
0x8e: {  	[tilespmem:s2], [sflag:$0x1] =	stream.linear.gather [hbm4b:s1+s2], $0xC000, $0x38;
	[tilespmem:$0x1B880] =	vst v63  }
0x8f: {  	s31 =	rddreg [dreg:$0x5]  }
0x90: {  	[tilespmem:s10], [sflag:$0x2] =	stream.linear.gather [hbm4b:s31+s2], $0xC000, $0x38;
	[tilespmem:$0x1B880] =	vst v63  }
0x91: {  	_ =	swait.ge [sflag:s18], $0xC000  }
0x92: {  	[sflag:s18] =	ssyncset.done $0x0  }
0x93: {  	s1 =	rddreg [dreg:$0x6];
	[sflag:s18] =	ssyncadd.s32 $0xFFFF4000  }
0x94: {  	[hbm4b:s1+s2] =	stream.linear.scatter [tilespmem:s2], [sflag:$0x4], $0xC000, $0x38;
	[tilespmem:$0x1B880] =	vst v63  }
0x95: {  	_ =	swait.ge [sflag:s8], $0xC000  }
0x96: {  	[sflag:s8] =	ssyncset.done $0x0  }
0x97: {  	s31 =	rddreg [dreg:$0x7];
	[sflag:s8] =	ssyncadd.s32 $0xFFFF4000  }
0x98: {  	[tilespmem:s2], [sflag:$0x1] =	stream.linear.gather [hbm4b:s31+s2], $0xC000, $0x38;
	[tilespmem:$0x1B880] =	vst v63  }
0x99: {  	_ =	swait.ge [sflag:s15], $0xC000  }
0x9a: {  	[sflag:s15] =	ssyncset.done $0x0  }
0x9b: {  	s1 =	rddreg [dreg:$0x8];
	[sflag:s15] =	ssyncadd.s32 $0xFFFF4000  }
0x9c: {  	[hbm4b:s1+s2] =	stream.linear.scatter [tilespmem:s10], [sflag:$0x5], $0xC000, $0x38;
	[tilespmem:$0x1B880] =	vst v63  }
0x9d: {  	_ =	swait.ge [sflag:s5], $0xC000  }
0x9e: {  	[sflag:s5] =	ssyncset.done $0x0  }
0x9f: {  	s31 =	rddreg [dreg:$0x9];
	[sflag:s5] =	ssyncadd.s32 $0xFFFF4000  }
0xa0: {  	[tilespmem:s10], [sflag:$0x2] =	stream.linear.gather [hbm4b:s31+s2], $0xC000, $0x38;
	[tilespmem:$0x1B880] =	vst v63  }
0xa1: {  	_ =	swait.ge [sflag:s18], $0xC000  }
0xa2: {  	[sflag:s18] =	ssyncset.done $0x0  }
0xa3: {  	s1 =	rddreg [dreg:$0xa];
	[sflag:s18] =	ssyncadd.s32 $0xFFFF4000  }
0xa4: {  	[hbm4b:s1+s2] =	stream.linear.scatter [tilespmem:s2], [sflag:$0x4], $0xC000, $0x38;
	[tilespmem:$0x1B880] =	vst v63  }
0xa5: {  	_ =	swait.ge [sflag:s8], $0xC000  }
0xa6: {  	[sflag:s8] =	ssyncset.done $0x0  }
0xa7: {  	s31 =	rddreg [dreg:$0xb];
	[sflag:s8] =	ssyncadd.s32 $0xFFFF4000  }
0xa8: {  	[tilespmem:s2], [sflag:$0x1] =	stream.linear.gather [hbm4b:s31+s2], $0xC000, $0x38;
	[tilespmem:$0x1B880] =	vst v63  }
0xa9: {  	_ =	swait.ge [sflag:s15], $0xC000  }
0xaa: {  	[sflag:s15] =	ssyncset.done $0x0  }
0xab: {  	s1 =	rddreg [dreg:$0xc];
	[sflag:s15] =	ssyncadd.s32 $0xFFFF4000  }
0xac: {  	[hbm4b:s1+s2] =	stream.linear.scatter [tilespmem:s10], [sflag:$0x5], $0xC000, $0x38;
	[tilespmem:$0x1B880] =	vst v63  }
0xad: {  	_ =	swait.ge [sflag:s5], $0xC000  }
0xae: {  	[sflag:s5] =	ssyncset.done $0x0  }
0xaf: {  	s31 =	rddreg [dreg:$0xd];
	[sflag:s5] =	ssyncadd.s32 $0xFFFF4000  }
0xb0: {  	[tilespmem:s10], [sflag:$0x2] =	stream.linear.gather [hbm4b:s31+s2], $0xC000, $0x38;
	[tilespmem:$0x1B880] =	vst v63  }
0xb1: {  	_ =	swait.ge [sflag:s18], $0xC000  }
0xb2: {  	[sflag:s18] =	ssyncset.done $0x0  }
0xb3: {  	s1 =	rddreg [dreg:$0xe];
	[sflag:s18] =	ssyncadd.s32 $0xFFFF4000  }
0xb4: {  	[hbm4b:s1+s2] =	stream.linear.scatter [tilespmem:s2], [sflag:$0x4], $0xC000, $0x38;
	[tilespmem:$0x1B880] =	vst v63  }
0xb5: {  	_ =	swait.ge [sflag:s8], $0xC000  }
0xb6: {  	[sflag:s8] =	ssyncset.done $0x0  }
0xb7: {  	s31 =	rddreg [dreg:$0xf];
	[sflag:s8] =	ssyncadd.s32 $0xFFFF4000  }
0xb8: {  	[tilespmem:s2], [sflag:$0x1] =	stream.linear.gather [hbm4b:s31+s2], $0xC000, $0x38;
	[tilespmem:$0x1B880] =	vst v63  }
0xb9: {  	_ =	swait.ge [sflag:s15], $0xC000  }
0xba: {  	[sflag:s15] =	ssyncset.done $0x0  }
0xbb: {  	s1 =	rddreg [dreg:$0x10];
	[sflag:s15] =	ssyncadd.s32 $0xFFFF4000  }
0xbc: {  	[hbm4b:s1+s2] =	stream.linear.scatter [tilespmem:s10], [sflag:$0x5], $0xC000, $0x38;
	[tilespmem:$0x1B880] =	vst v63  }
0xbd: {  	_ =	swait.ge [sflag:s5], $0xC000  }
0xbe: {  	[sflag:s5] =	ssyncset.done $0x0  }
0xbf: {  	s31 =	rddreg [dreg:$0x11];
	[sflag:s5] =	ssyncadd.s32 $0xFFFF4000  }
0xc0: {  	[tilespmem:s10], [sflag:$0x2] =	stream.linear.gather [hbm4b:s31+s2], $0xC000, $0x38;
	[tilespmem:$0x1B880] =	vst v63  }
0xc1: {  	_ =	swait.ge [sflag:s18], $0xC000  }
0xc2: {  	[sflag:s18] =	ssyncset.done $0x0  }
0xc3: {  	s1 =	rddreg [dreg:$0x12];
	[sflag:s18] =	ssyncadd.s32 $0xFFFF4000  }
0xc4: {  	[hbm4b:s1+s2] =	stream.linear.scatter [tilespmem:s2], [sflag:$0x4], $0xC000, $0x38;
	[tilespmem:$0x1B880] =	vst v63  }
0xc5: {  	_ =	swait.ge [sflag:s8], $0xC000  }
0xc6: {  	[sflag:s8] =	ssyncset.done $0x0  }
0xc7: {  	s31 =	rddreg [dreg:$0x13];
	[sflag:s8] =	ssyncadd.s32 $0xFFFF4000  }
0xc8: {  	[tilespmem:s2], [sflag:$0x1] =	stream.linear.gather [hbm4b:s31+s2], $0xC000, $0x38;
	[tilespmem:$0x1B880] =	vst v63  }
0xc9: {  	_ =	swait.ge [sflag:s15], $0xC000  }
0xca: {  	[sflag:s15] =	ssyncset.done $0x0  }
0xcb: {  	s1 =	rddreg [dreg:$0x14];
	[sflag:s15] =	ssyncadd.s32 $0xFFFF4000  }
0xcc: {  	[hbm4b:s1+s2] =	stream.linear.scatter [tilespmem:s10], [sflag:$0x5], $0xC000, $0x38;
	[tilespmem:$0x1B880] =	vst v63  }
0xcd: {  	_ =	swait.ge [sflag:s5], $0xC000  }
0xce: {  	[sflag:s5] =	ssyncset.done $0x0  }
0xcf: {  	s31 =	rddreg [dreg:$0x15];
	[sflag:s5] =	ssyncadd.s32 $0xFFFF4000  }
0xd0: {  	[tilespmem:s10], [sflag:$0x2] =	stream.linear.gather [hbm4b:s31+s2], $0xC000, $0x38;
	[tilespmem:$0x1B880] =	vst v63  }
0xd1: {  	_ =	swait.ge [sflag:s18], $0xC000  }
0xd2: {  	[sflag:s18] =	ssyncset.done $0x0  }
0xd3: {  	s1 =	rddreg [dreg:$0x16];
	[sflag:s18] =	ssyncadd.s32 $0xFFFF4000  }
0xd4: {  	[hbm4b:s1+s2] =	stream.linear.scatter [tilespmem:s2], [sflag:$0x4], $0xC000, $0x38;
	[tilespmem:$0x1B880] =	vst v63  }
0xd5: {  	_ =	swait.ge [sflag:s8], $0xC000  }
0xd6: {  	[sflag:s8] =	ssyncset.done $0x0  }
0xd7: {  	s31 =	rddreg [dreg:$0x17];
	[sflag:s8] =	ssyncadd.s32 $0xFFFF4000  }
0xd8: {  	[tilespmem:s2], [sflag:$0x1] =	stream.linear.gather [hbm4b:s31+s2], $0xC000, $0x38;
	[tilespmem:$0x1B880] =	vst v63  }
0xd9: {  	_ =	swait.ge [sflag:s15], $0xC000  }
0xda: {  	[sflag:s15] =	ssyncset.done $0x0  }
0xdb: {  	s1 =	rddreg [dreg:$0x18];
	[sflag:s15] =	ssyncadd.s32 $0xFFFF4000  }
0xdc: {  	[hbm4b:s1+s2] =	stream.linear.scatter [tilespmem:s10], [sflag:$0x5], $0xC000, $0x38;
	[tilespmem:$0x1B880] =	vst v63  }
0xdd: {  	_ =	swait.ge [sflag:s5], $0xC000  }
0xde: {  	[sflag:s5] =	ssyncset.done $0x0  }
0xdf: {  	s31 =	rddreg [dreg:$0x19];
	[sflag:s5] =	ssyncadd.s32 $0xFFFF4000  }
0xe0: {  	[tilespmem:s10], [sflag:$0x2] =	stream.linear.gather [hbm4b:s31+s2], $0xC000, $0x38;
	[tilespmem:$0x1B880] =	vst v63  }
0xe1: {  	_ =	swait.ge [sflag:s18], $0xC000  }
0xe2: {  	[sflag:s18] =	ssyncset.done $0x0  }
0xe3: {  	s1 =	rddreg [dreg:$0x1a];
	[sflag:s18] =	ssyncadd.s32 $0xFFFF4000  }
0xe4: {  	[hbm4b:s1+s2] =	stream.linear.scatter [tilespmem:s2], [sflag:$0x4], $0xC000, $0x38;
	[tilespmem:$0x1B880] =	vst v63  }
0xe5: {  	_ =	swait.ge [sflag:s8], $0xC000  }
0xe6: {  	[sflag:s8] =	ssyncset.done $0x0  }
0xe7: {  	s31 =	rddreg [dreg:$0x1b];
	[sflag:s8] =	ssyncadd.s32 $0xFFFF4000  }
0xe8: {  	[tilespmem:s2], [sflag:$0x1] =	stream.linear.gather [hbm4b:s31+s2], $0xC000, $0x38;
	[tilespmem:$0x1B880] =	vst v63  }
0xe9: {  	_ =	swait.ge [sflag:s15], $0xC000  }
0xea: {  	[sflag:s15] =	ssyncset.done $0x0  }
0xeb: {  	s1 =	rddreg [dreg:$0x1c];
	[sflag:s15] =	ssyncadd.s32 $0xFFFF4000  }
0xec: {  	[hbm4b:s1+s2] =	stream.linear.scatter [tilespmem:s10], [sflag:$0x5], $0xC000, $0x38;
	[tilespmem:$0x1B880] =	vst v63  }
0xed: {  	_ =	swait.ge [sflag:s5], $0xC000  }
0xee: {  	[sflag:s5] =	ssyncset.done $0x0  }
0xef: {  	s31 =	rddreg [dreg:$0x1d];
	[sflag:s5] =	ssyncadd.s32 $0xFFFF4000  }
0xf0: {  	[tilespmem:s10], [sflag:$0x2] =	stream.linear.gather [hbm4b:s31+s2], $0xC000, $0x38;
	[tilespmem:$0x1B880] =	vst v63  }
0xf1: {  	_ =	swait.ge [sflag:s18], $0xC000  }
0xf2: {  	[sflag:s18] =	ssyncset.done $0x0  }
0xf3: {  	s1 =	rddreg [dreg:$0x1e];
	[sflag:s18] =	ssyncadd.s32 $0xFFFF4000  }
0xf4: {  	[hbm4b:s1+s2] =	stream.linear.scatter [tilespmem:s2], [sflag:$0x4], $0xC000, $0x38;
	[tilespmem:$0x1B880] =	vst v63  }
0xf5: {  	_ =	swait.ge [sflag:s8], $0xC000  }
0xf6: {  	[sflag:s8] =	ssyncset.done $0x0  }
0xf7: {  	s31 =	rddreg [dreg:$0x1f];
	[sflag:s8] =	ssyncadd.s32 $0xFFFF4000  }
0xf8: {  	[tilespmem:s2], [sflag:$0x1] =	stream.linear.gather [hbm4b:s31+s2], $0xC000, $0x38;
	[tilespmem:$0x1B880] =	vst v63  }
0xf9: {  	_ =	swait.ge [sflag:s15], $0xC000  }
0xfa: {  	s1 =	sld [smem:$0x7A3]  }
0xfb: {  	[sflag:s15] =	ssyncset.done $0x0  }
0xfc: {  	[sflag:s15] =	ssyncadd.s32 $0xFFFF4000  }
0xfd: {  	[hbm4b:s1+s2] =	stream.linear.scatter [tilespmem:s10], [sflag:$0x5], $0xC000, $0x38;
	[tilespmem:$0x1B880] =	vst v63  }
0xfe: {  	_ =	swait.ge [sflag:s5], $0xC000  }
0xff: {  	s31 =	sld [smem:$0x7A4]  }
0x100: {  	[sflag:s5] =	ssyncset.done $0x0  }
0x101: {  	[sflag:s5] =	ssyncadd.s32 $0xFFFF4000  }
0x102: {  	[tilespmem:s10], [sflag:$0x2] =	stream.linear.gather [hbm4b:s31+s2], $0xC000, $0x38;
	[tilespmem:$0x1B880] =	vst v63  }
0x103: {  	_ =	swait.ge [sflag:s18], $0xC000  }
0x104: {  	s1 =	sld [smem:$0x7A5]  }
0x105: {  	[sflag:s18] =	ssyncset.done $0x0  }
0x106: {  	s31 =	sld [smem:$0x7A6];
	[sflag:s18] =	ssyncadd.s32 $0xFFFF4000  }
0x107: {  	[hbm4b:s1+s2] =	stream.linear.scatter [tilespmem:s2], [sflag:$0x4], $0xC000, $0x38;
	[tilespmem:$0x1B880] =	vst v63  }
0x108: {  	_ = 	snop  }
0x109: {  	[tilespmem:s12], [sflag:$0x3] =	stream.linear.gather [hbm4b:s31+s2], $0x3800, $0x38;
	[tilespmem:$0x1B880] =	vst v63  }
0x10a: {  	_ =	swait.ge [sflag:s15], $0xC000  }
0x10b: {  	s31 =	sld [smem:$0x7A7]  }
0x10c: {  	[sflag:s15] =	ssyncset.done $0x0  }
0x10d: {  	[sflag:s15] =	ssyncadd.s32 $0xFFFF4000  }
0x10e: {  	[hbm4b:s31+s2] =	stream.linear.scatter [tilespmem:s10], [sflag:$0x5], $0xC000, $0x38;
	[tilespmem:$0x1B880] =	vst v63  }
0x10f: {  	_ =	swait.ge [sflag:s8], $0xC000  }
0x110: {  	s1 =	sld [smem:$0x7A8]  }
0x111: {  	[sflag:s8] =	ssyncset.done $0x0  }
0x112: {  	[sflag:s8] =	ssyncadd.s32 $0xFFFF4000  }
0x113: {  	[tilespmem:s2], [sflag:$0x1] =	stream.linear.gather [hbm4b:s1+s2], $0xC000, $0x38;
	[tilespmem:$0x1B880] =	vst v63  }
0x114: {  	_ =	swait.ge [sflag:s14], $0x3800  }
0x115: {  	s31 =	sld [smem:$0x7A9]  }
0x116: {  	[sflag:s14] =	ssyncset.done $0x0  }
0x117: {  	[sflag:s14] =	ssyncadd.s32 $0xFFFFC800  }
0x118: {  	[hbm4b:s31+s2] =	stream.linear.scatter [tilespmem:s12], [sflag:$0x6], $0x3800, $0x38;
	[tilespmem:$0x1B880] =	vst v63  }
0x119: {  	_ =	swait.ge [sflag:s5], $0xC000  }
0x11a: {  	s1 =	sld [smem:$0x7AA]  }
0x11b: {  	[sflag:s5] =	ssyncset.done $0x0  }
0x11c: {  	[sflag:s5] =	ssyncadd.s32 $0xFFFF4000  }
0x11d: {  	[tilespmem:s10], [sflag:$0x2] =	stream.linear.gather [hbm4b:s1+s2], $0xC000, $0x38;
	[tilespmem:$0x1B880] =	vst v63  }
0x11e: {  	_ =	swait.ge [sflag:s18], $0xC000  }
0x11f: {  	s31 =	sld [smem:$0x7AB]  }
0x120: {  	[sflag:s18] =	ssyncset.done $0x0  }
0x121: {  	[sflag:s18] =	ssyncadd.s32 $0xFFFF4000  }
0x122: {  	[hbm4b:s31+s2] =	stream.linear.scatter [tilespmem:s2], [sflag:$0x4], $0xC000, $0x38;
	[tilespmem:$0x1B880] =	vst v63  }
0x123: {  	_ =	swait.ge [sflag:s8], $0xC000  }
0x124: {  	s1 =	sld [smem:$0x7AC]  }
0x125: {  	[sflag:s8] =	ssyncset.done $0x0  }
0x126: {  	[sflag:s8] =	ssyncadd.s32 $0xFFFF4000  }
0x127: {  	[tilespmem:s2], [sflag:$0x1] =	stream.linear.gather [hbm4b:s1+s2], $0xC000, $0x38;
	[tilespmem:$0x1B880] =	vst v63  }
0x128: {  	_ =	swait.ge [sflag:s15], $0xC000  }
0x129: {  	s31 =	sld [smem:$0x7AD]  }
0x12a: {  	[sflag:s15] =	ssyncset.done $0x0  }
0x12b: {  	[sflag:s15] =	ssyncadd.s32 $0xFFFF4000  }
0x12c: {  	[hbm4b:s31+s2] =	stream.linear.scatter [tilespmem:s10], [sflag:$0x5], $0xC000, $0x38;
	[tilespmem:$0x1B880] =	vst v63  }
0x12d: {  	_ =	swait.ge [sflag:s5], $0xC000  }
0x12e: {  	s1 =	sld [smem:$0x7AE]  }
0x12f: {  	[sflag:s5] =	ssyncset.done $0x0  }
0x130: {  	[sflag:s5] =	ssyncadd.s32 $0xFFFF4000  }
0x131: {  	[tilespmem:s10], [sflag:$0x2] =	stream.linear.gather [hbm4b:s1+s2], $0xC000, $0x38;
	[tilespmem:$0x1B880] =	vst v63  }
0x132: {  	_ =	swait.ge [sflag:s18], $0xC000  }
0x133: {  	s31 =	sld [smem:$0x7AF]  }
0x134: {  	[sflag:s18] =	ssyncset.done $0x0  }
0x135: {  	[sflag:s18] =	ssyncadd.s32 $0xFFFF4000  }
0x136: {  	[hbm4b:s31+s2] =	stream.linear.scatter [tilespmem:s2], [sflag:$0x4], $0xC000, $0x38;
	[tilespmem:$0x1B880] =	vst v63  }
0x137: {  	_ =	swait.ge [sflag:s8], $0xC000  }
0x138: {  	s1 =	sld [smem:$0x7B0]  }
0x139: {  	[sflag:s8] =	ssyncset.done $0x0  }
0x13a: {  	[sflag:s8] =	ssyncadd.s32 $0xFFFF4000  }
0x13b: {  	[tilespmem:s2], [sflag:$0x1] =	stream.linear.gather [hbm4b:s1+s2], $0xC000, $0x38;
	[tilespmem:$0x1B880] =	vst v63  }
0x13c: {  	_ =	swait.ge [sflag:s15], $0xC000  }
0x13d: {  	s31 =	sld [smem:$0x7B1]  }
0x13e: {  	[sflag:s15] =	ssyncset.done $0x0  }
0x13f: {  	[sflag:s15] =	ssyncadd.s32 $0xFFFF4000  }
0x140: {  	[hbm4b:s31+s2] =	stream.linear.scatter [tilespmem:s10], [sflag:$0x5], $0xC000, $0x38;
	[tilespmem:$0x1B880] =	vst v63  }
0x141: {  	_ =	swait.ge [sflag:s5], $0xC000  }
0x142: {  	s1 =	sld [smem:$0x7B2]  }
0x143: {  	[sflag:s5] =	ssyncset.done $0x0  }
0x144: {  	[sflag:s5] =	ssyncadd.s32 $0xFFFF4000  }
0x145: {  	[tilespmem:s10], [sflag:$0x2] =	stream.linear.gather [hbm4b:s1+s2], $0xC000, $0x38;
	[tilespmem:$0x1B880] =	vst v63  }
0x146: {  	_ =	swait.ge [sflag:s18], $0xC000  }
0x147: {  	s31 =	sld [smem:$0x7B3]  }
0x148: {  	[sflag:s18] =	ssyncset.done $0x0  }
0x149: {  	[sflag:s18] =	ssyncadd.s32 $0xFFFF4000  }
0x14a: {  	[hbm4b:s31+s2] =	stream.linear.scatter [tilespmem:s2], [sflag:$0x4], $0xC000, $0x38;
	[tilespmem:$0x1B880] =	vst v63  }
0x14b: {  	_ =	swait.ge [sflag:s8], $0xC000  }
0x14c: {  	s1 =	sld [smem:$0x7B4]  }
0x14d: {  	[sflag:s8] =	ssyncset.done $0x0  }
0x14e: {  	[sflag:s8] =	ssyncadd.s32 $0xFFFF4000  }
0x14f: {  	[tilespmem:s2], [sflag:$0x1] =	stream.linear.gather [hbm4b:s1+s2], $0xC000, $0x38;
	[tilespmem:$0x1B880] =	vst v63  }
0x150: {  	_ =	swait.ge [sflag:s15], $0xC000  }
0x151: {  	s31 =	sld [smem:$0x7B5]  }
0x152: {  	[sflag:s15] =	ssyncset.done $0x0  }
0x153: {  	[sflag:s15] =	ssyncadd.s32 $0xFFFF4000  }
0x154: {  	[hbm4b:s31+s2] =	stream.linear.scatter [tilespmem:s10], [sflag:$0x5], $0xC000, $0x38;
	[tilespmem:$0x1B880] =	vst v63  }
0x155: {  	_ =	swait.ge [sflag:s5], $0xC000  }
0x156: {  	s1 =	sld [smem:$0x7B6]  }
0x157: {  	[sflag:s5] =	ssyncset.done $0x0  }
0x158: {  	[sflag:s5] =	ssyncadd.s32 $0xFFFF4000  }
0x159: {  	[tilespmem:s10], [sflag:$0x2] =	stream.linear.gather [hbm4b:s1+s2], $0xC000, $0x38;
	[tilespmem:$0x1B880] =	vst v63  }
0x15a: {  	_ =	swait.ge [sflag:s18], $0xC000  }
0x15b: {  	s31 =	sld [smem:$0x7B7]  }
0x15c: {  	[sflag:s18] =	ssyncset.done $0x0  }
0x15d: {  	[sflag:s18] =	ssyncadd.s32 $0xFFFF4000  }
0x15e: {  	[hbm4b:s31+s2] =	stream.linear.scatter [tilespmem:s2], [sflag:$0x4], $0xC000, $0x38;
	[tilespmem:$0x1B880] =	vst v63  }
0x15f: {  	_ =	swait.ge [sflag:s8], $0xC000  }
0x160: {  	s1 =	sld [smem:$0x7B8]  }
0x161: {  	[sflag:s8] =	ssyncset.done $0x0  }
0x162: {  	[sflag:s8] =	ssyncadd.s32 $0xFFFF4000  }
0x163: {  	[tilespmem:s2], [sflag:$0x1] =	stream.linear.gather [hbm4b:s1+s2], $0xC000, $0x38;
	[tilespmem:$0x1B880] =	vst v63  }
0x164: {  	_ =	swait.ge [sflag:s15], $0xC000  }
0x165: {  	s31 =	sld [smem:$0x7B9]  }
0x166: {  	[sflag:s15] =	ssyncset.done $0x0  }
0x167: {  	[sflag:s15] =	ssyncadd.s32 $0xFFFF4000  }
0x168: {  	[hbm4b:s31+s2] =	stream.linear.scatter [tilespmem:s10], [sflag:$0x5], $0xC000, $0x38;
	[tilespmem:$0x1B880] =	vst v63  }
0x169: {  	_ =	swait.ge [sflag:s5], $0xC000  }
0x16a: {  	s1 =	sld [smem:$0x7BA]  }
0x16b: {  	[sflag:s5] =	ssyncset.done $0x0  }
0x16c: {  	[sflag:s5] =	ssyncadd.s32 $0xFFFF4000  }
0x16d: {  	[tilespmem:s10], [sflag:$0x2] =	stream.linear.gather [hbm4b:s1+s2], $0xC000, $0x38;
	[tilespmem:$0x1B880] =	vst v63  }
0x16e: {  	_ =	swait.ge [sflag:s18], $0xC000  }
0x16f: {  	s31 =	sld [smem:$0x7BB]  }
0x170: {  	[sflag:s18] =	ssyncset.done $0x0  }
0x171: {  	[sflag:s18] =	ssyncadd.s32 $0xFFFF4000  }
0x172: {  	[hbm4b:s31+s2] =	stream.linear.scatter [tilespmem:s2], [sflag:$0x4], $0xC000, $0x38;
	[tilespmem:$0x1B880] =	vst v63  }
0x173: {  	_ =	swait.ge [sflag:s8], $0xC000  }
0x174: {  	s1 =	sld [smem:$0x7BC]  }
0x175: {  	[sflag:s8] =	ssyncset.done $0x0  }
0x176: {  	[sflag:s8] =	ssyncadd.s32 $0xFFFF4000  }
0x177: {  	[tilespmem:s2], [sflag:$0x1] =	stream.linear.gather [hbm4b:s1+s2], $0xC000, $0x38;
	[tilespmem:$0x1B880] =	vst v63  }
0x178: {  	_ =	swait.ge [sflag:s15], $0xC000  }
0x179: {  	s31 =	sld [smem:$0x7BD]  }
0x17a: {  	[sflag:s15] =	ssyncset.done $0x0  }
0x17b: {  	[sflag:s15] =	ssyncadd.s32 $0xFFFF4000  }
0x17c: {  	[hbm4b:s31+s2] =	stream.linear.scatter [tilespmem:s10], [sflag:$0x5], $0xC000, $0x38;
	[tilespmem:$0x1B880] =	vst v63  }
0x17d: {  	_ =	swait.ge [sflag:s5], $0xC000  }
0x17e: {  	s1 =	sld [smem:$0x7BE]  }
0x17f: {  	[sflag:s5] =	ssyncset.done $0x0  }
0x180: {  	[sflag:s5] =	ssyncadd.s32 $0xFFFF4000  }
0x181: {  	[tilespmem:s10], [sflag:$0x2] =	stream.linear.gather [hbm4b:s1+s2], $0xC000, $0x38;
	[tilespmem:$0x1B880] =	vst v63  }
0x182: {  	_ =	swait.ge [sflag:s18], $0xC000  }
0x183: {  	s31 =	sld [smem:$0x7BF]  }
0x184: {  	[sflag:s18] =	ssyncset.done $0x0  }
0x185: {  	[sflag:s18] =	ssyncadd.s32 $0xFFFF4000  }
0x186: {  	[hbm4b:s31+s2] =	stream.linear.scatter [tilespmem:s2], [sflag:$0x4], $0xC000, $0x38;
	[tilespmem:$0x1B880] =	vst v63  }
0x187: {  	_ =	swait.ge [sflag:s8], $0xC000  }
0x188: {  	s1 =	sld [smem:$0x7C0]  }
0x189: {  	[sflag:s8] =	ssyncset.done $0x0  }
0x18a: {  	[sflag:s8] =	ssyncadd.s32 $0xFFFF4000  }
0x18b: {  	[tilespmem:s2], [sflag:$0x1] =	stream.linear.gather [hbm4b:s1+s2], $0xC000, $0x38;
	[tilespmem:$0x1B880] =	vst v63  }
0x18c: {  	_ =	swait.ge [sflag:s15], $0xC000  }
0x18d: {  	s31 =	sld [smem:$0x7C1]  }
0x18e: {  	[sflag:s15] =	ssyncset.done $0x0  }
0x18f: {  	[sflag:s15] =	ssyncadd.s32 $0xFFFF4000  }
0x190: {  	[hbm4b:s31+s2] =	stream.linear.scatter [tilespmem:s10], [sflag:$0x5], $0xC000, $0x38;
	[tilespmem:$0x1B880] =	vst v63  }
0x191: {  	_ =	swait.ge [sflag:s5], $0xC000  }
0x192: {  	s1 =	sld [smem:$0x7C2]  }
0x193: {  	[sflag:s5] =	ssyncset.done $0x0  }
0x194: {  	[sflag:s5] =	ssyncadd.s32 $0xFFFF4000  }
0x195: {  	[tilespmem:s10], [sflag:$0x2] =	stream.linear.gather [hbm4b:s1+s2], $0xC000, $0x38;
	[tilespmem:$0x1B880] =	vst v63  }
0x196: {  	_ =	swait.ge [sflag:s18], $0xC000  }
0x197: {  	s31 =	sld [smem:$0x7C3]  }
0x198: {  	[sflag:s18] =	ssyncset.done $0x0  }
0x199: {  	[sflag:s18] =	ssyncadd.s32 $0xFFFF4000  }
0x19a: {  	[hbm4b:s31+s2] =	stream.linear.scatter [tilespmem:s2], [sflag:$0x4], $0xC000, $0x38;
	[tilespmem:$0x1B880] =	vst v63  }
0x19b: {  	_ =	swait.ge [sflag:s8], $0xC000  }
0x19c: {  	s1 =	sld [smem:$0x7C4]  }
0x19d: {  	[sflag:s8] =	ssyncset.done $0x0  }
0x19e: {  	[sflag:s8] =	ssyncadd.s32 $0xFFFF4000  }
0x19f: {  	[tilespmem:s2], [sflag:$0x1] =	stream.linear.gather [hbm4b:s1+s2], $0xC000, $0x38;
	[tilespmem:$0x1B880] =	vst v63  }
0x1a0: {  	_ =	swait.ge [sflag:s15], $0xC000  }
0x1a1: {  	s31 =	sld [smem:$0x7C5]  }
0x1a2: {  	[sflag:s15] =	ssyncset.done $0x0  }
0x1a3: {  	[sflag:s15] =	ssyncadd.s32 $0xFFFF4000  }
0x1a4: {  	[hbm4b:s31+s2] =	stream.linear.scatter [tilespmem:s10], [sflag:$0x5], $0xC000, $0x38;
	[tilespmem:$0x1B880] =	vst v63  }
0x1a5: {  	_ =	swait.ge [sflag:s5], $0xC000  }
0x1a6: {  	s1 =	sld [smem:$0x7C6]  }
0x1a7: {  	[sflag:s5] =	ssyncset.done $0x0  }
0x1a8: {  	[sflag:s5] =	ssyncadd.s32 $0xFFFF4000  }
0x1a9: {  	[tilespmem:s10], [sflag:$0x2] =	stream.linear.gather [hbm4b:s1+s2], $0xC000, $0x38;
	[tilespmem:$0x1B880] =	vst v63  }
0x1aa: {  	_ =	swait.ge [sflag:s18], $0xC000  }
0x1ab: {  	s31 =	sld [smem:$0x7C7]  }
0x1ac: {  	[sflag:s18] =	ssyncset.done $0x0  }
0x1ad: {  	[sflag:s18] =	ssyncadd.s32 $0xFFFF4000  }
0x1ae: {  	[hbm4b:s31+s2] =	stream.linear.scatter [tilespmem:s2], [sflag:$0x4], $0xC000, $0x38;
	[tilespmem:$0x1B880] =	vst v63  }
0x1af: {  	_ =	swait.ge [sflag:s6], $0x3800  }
0x1b0: {  	s1 =	sld [smem:$0x7C8]  }
0x1b1: {  	[sflag:s6] =	ssyncset.done $0x0  }
0x1b2: {  	[sflag:s6] =	ssyncadd.s32 $0xFFFFC800  }
0x1b3: {  	[tilespmem:s12], [sflag:$0x3] =	stream.linear.gather [hbm4b:s1+s2], $0x3800, $0x38;
	[tilespmem:$0x1B880] =	vst v63  }
0x1b4: {  	_ =	swait.ge [sflag:s15], $0xC000  }
0x1b5: {  	s31 =	sld [smem:$0x7C9]  }
0x1b6: {  	[sflag:s15] =	ssyncset.done $0x0  }
0x1b7: {  	[sflag:s15] =	ssyncadd.s32 $0xFFFF4000  }
0x1b8: {  	[hbm4b:s31+s2] =	stream.linear.scatter [tilespmem:s10], [sflag:$0x5], $0xC000, $0x38;
	[tilespmem:$0x1B880] =	vst v63  }
0x1b9: {  	_ =	swait.ge [sflag:s8], $0xC000  }
0x1ba: {  	s1 =	sld [smem:$0x7CA]  }
0x1bb: {  	[sflag:s8] =	ssyncset.done $0x0  }
0x1bc: {  	[sflag:s8] =	ssyncadd.s32 $0xFFFF4000  }
0x1bd: {  	[tilespmem:s2], [sflag:$0x1] =	stream.linear.gather [hbm4b:s1+s2], $0xC000, $0x38;
	[tilespmem:$0x1B880] =	vst v63  }
0x1be: {  	_ =	swait.ge [sflag:s14], $0x3800  }
0x1bf: {  	s31 =	sld [smem:$0x7CB]  }
0x1c0: {  	[sflag:s14] =	ssyncset.done $0x0  }
0x1c1: {  	[sflag:s14] =	ssyncadd.s32 $0xFFFFC800  }
0x1c2: {  	[hbm4b:s31+s2] =	stream.linear.scatter [tilespmem:s12], [sflag:$0x6], $0x3800, $0x38;
	[tilespmem:$0x1B880] =	vst v63  }
0x1c3: {  	_ =	swait.ge [sflag:s5], $0xC000  }
0x1c4: {  	s1 =	sld [smem:$0x7CC]  }
0x1c5: {  	[sflag:s5] =	ssyncset.done $0x0  }
0x1c6: {  	[sflag:s5] =	ssyncadd.s32 $0xFFFF4000  }
0x1c7: {  	[tilespmem:s10], [sflag:$0x2] =	stream.linear.gather [hbm4b:s1+s2], $0xC000, $0x38;
	[tilespmem:$0x1B880] =	vst v63  }
0x1c8: {  	_ =	swait.ge [sflag:s18], $0xC000  }
0x1c9: {  	s31 =	sld [smem:$0x7CD]  }
0x1ca: {  	[sflag:s18] =	ssyncset.done $0x0  }
0x1cb: {  	[sflag:s18] =	ssyncadd.s32 $0xFFFF4000  }
0x1cc: {  	[hbm4b:s31+s2] =	stream.linear.scatter [tilespmem:s2], [sflag:$0x4], $0xC000, $0x38;
	[tilespmem:$0x1B880] =	vst v63  }
0x1cd: {  	_ =	swait.ge [sflag:s8], $0xC000  }
0x1ce: {  	s1 =	sld [smem:$0x7CE]  }
0x1cf: {  	[sflag:s8] =	ssyncset.done $0x0  }
0x1d0: {  	[sflag:s8] =	ssyncadd.s32 $0xFFFF4000  }
0x1d1: {  	[tilespmem:s2], [sflag:$0x1] =	stream.linear.gather [hbm4b:s1+s2], $0xC000, $0x38;
	[tilespmem:$0x1B880] =	vst v63  }
0x1d2: {  	_ =	swait.ge [sflag:s15], $0xC000  }
0x1d3: {  	s31 =	sld [smem:$0x7CF]  }
0x1d4: {  	[sflag:s15] =	ssyncset.done $0x0  }
0x1d5: {  	[sflag:s15] =	ssyncadd.s32 $0xFFFF4000  }
0x1d6: {  	[hbm4b:s31+s2] =	stream.linear.scatter [tilespmem:s10], [sflag:$0x5], $0xC000, $0x38;
	[tilespmem:$0x1B880] =	vst v63  }
0x1d7: {  	_ =	swait.ge [sflag:s5], $0xC000  }
0x1d8: {  	s1 =	sld [smem:$0x7D0]  }
0x1d9: {  	[sflag:s5] =	ssyncset.done $0x0  }
0x1da: {  	[sflag:s5] =	ssyncadd.s32 $0xFFFF4000  }
0x1db: {  	[tilespmem:s10], [sflag:$0x2] =	stream.linear.gather [hbm4b:s1+s2], $0xC000, $0x38;
	[tilespmem:$0x1B880] =	vst v63  }
0x1dc: {  	_ =	swait.ge [sflag:s18], $0xC000  }
0x1dd: {  	s31 =	sld [smem:$0x7D1]  }
0x1de: {  	[sflag:s18] =	ssyncset.done $0x0  }
0x1df: {  	[sflag:s18] =	ssyncadd.s32 $0xFFFF4000  }
0x1e0: {  	[hbm4b:s31+s2] =	stream.linear.scatter [tilespmem:s2], [sflag:$0x4], $0xC000, $0x38;
	[tilespmem:$0x1B880] =	vst v63  }
0x1e1: {  	_ =	swait.ge [sflag:s8], $0xC000  }
0x1e2: {  	s1 =	sld [smem:$0x7D2]  }
0x1e3: {  	[sflag:s8] =	ssyncset.done $0x0  }
0x1e4: {  	[sflag:s8] =	ssyncadd.s32 $0xFFFF4000  }
0x1e5: {  	[tilespmem:s2], [sflag:$0x1] =	stream.linear.gather [hbm4b:s1+s2], $0xC000, $0x38;
	[tilespmem:$0x1B880] =	vst v63  }
0x1e6: {  	_ =	swait.ge [sflag:s15], $0xC000  }
0x1e7: {  	s31 =	sld [smem:$0x7D3]  }
0x1e8: {  	[sflag:s15] =	ssyncset.done $0x0  }
0x1e9: {  	[sflag:s15] =	ssyncadd.s32 $0xFFFF4000  }
0x1ea: {  	[hbm4b:s31+s2] =	stream.linear.scatter [tilespmem:s10], [sflag:$0x5], $0xC000, $0x38;
	[tilespmem:$0x1B880] =	vst v63  }
0x1eb: {  	_ =	swait.ge [sflag:s5], $0xC000  }
0x1ec: {  	s1 =	sld [smem:$0x7D4]  }
0x1ed: {  	[sflag:s5] =	ssyncset.done $0x0  }
0x1ee: {  	[sflag:s5] =	ssyncadd.s32 $0xFFFF4000  }
0x1ef: {  	[tilespmem:s10], [sflag:$0x2] =	stream.linear.gather [hbm4b:s1+s2], $0xC000, $0x38;
	[tilespmem:$0x1B880] =	vst v63  }
0x1f0: {  	_ =	swait.ge [sflag:s18], $0xC000  }
0x1f1: {  	s31 =	sld [smem:$0x7D5]  }
0x1f2: {  	[sflag:s18] =	ssyncset.done $0x0  }
0x1f3: {  	[sflag:s18] =	ssyncadd.s32 $0xFFFF4000  }
0x1f4: {  	[hbm4b:s31+s2] =	stream.linear.scatter [tilespmem:s2], [sflag:$0x4], $0xC000, $0x38;
	[tilespmem:$0x1B880] =	vst v63  }
0x1f5: {  	_ =	swait.ge [sflag:s8], $0xC000  }
0x1f6: {  	s1 =	sld [smem:$0x7D6]  }
0x1f7: {  	[sflag:s8] =	ssyncset.done $0x0  }
0x1f8: {  	[sflag:s8] =	ssyncadd.s32 $0xFFFF4000  }
0x1f9: {  	[tilespmem:s2], [sflag:$0x1] =	stream.linear.gather [hbm4b:s1+s2], $0xC000, $0x38;
	[tilespmem:$0x1B880] =	vst v63  }
0x1fa: {  	_ =	swait.ge [sflag:s15], $0xC000  }
0x1fb: {  	s31 =	sld [smem:$0x7D7]  }
0x1fc: {  	[sflag:s15] =	ssyncset.done $0x0  }
0x1fd: {  	[sflag:s15] =	ssyncadd.s32 $0xFFFF4000  }
0x1fe: {  	[hbm4b:s31+s2] =	stream.linear.scatter [tilespmem:s10], [sflag:$0x5], $0xC000, $0x38;
	[tilespmem:$0x1B880] =	vst v63  }
0x1ff: {  	_ =	swait.ge [sflag:s5], $0xC000  }
0x200: {  	s1 =	sld [smem:$0x7D8]  }
0x201: {  	[sflag:s5] =	ssyncset.done $0x0  }
0x202: {  	[sflag:s5] =	ssyncadd.s32 $0xFFFF4000  }
0x203: {  	[tilespmem:s10], [sflag:$0x2] =	stream.linear.gather [hbm4b:s1+s2], $0xC000, $0x38;
	[tilespmem:$0x1B880] =	vst v63  }
0x204: {  	_ =	swait.ge [sflag:s18], $0xC000  }
0x205: {  	s31 =	sld [smem:$0x7D9]  }
0x206: {  	[sflag:s18] =	ssyncset.done $0x0  }
0x207: {  	[sflag:s18] =	ssyncadd.s32 $0xFFFF4000  }
0x208: {  	[hbm4b:s31+s2] =	stream.linear.scatter [tilespmem:s2], [sflag:$0x4], $0xC000, $0x38;
	[tilespmem:$0x1B880] =	vst v63  }
0x209: {  	_ =	swait.ge [sflag:s8], $0xC000  }
0x20a: {  	s1 =	sld [smem:$0x7DA]  }
0x20b: {  	[sflag:s8] =	ssyncset.done $0x0  }
0x20c: {  	[sflag:s8] =	ssyncadd.s32 $0xFFFF4000  }
0x20d: {  	[tilespmem:s2], [sflag:$0x1] =	stream.linear.gather [hbm4b:s1+s2], $0xC000, $0x38;
	[tilespmem:$0x1B880] =	vst v63  }
0x20e: {  	_ =	swait.ge [sflag:s15], $0xC000  }
0x20f: {  	s31 =	sld [smem:$0x7DB]  }
0x210: {  	[sflag:s15] =	ssyncset.done $0x0  }
0x211: {  	[sflag:s15] =	ssyncadd.s32 $0xFFFF4000  }
0x212: {  	[hbm4b:s31+s2] =	stream.linear.scatter [tilespmem:s10], [sflag:$0x5], $0xC000, $0x38;
	[tilespmem:$0x1B880] =	vst v63  }
0x213: {  	_ =	swait.ge [sflag:s5], $0xC000  }
0x214: {  	s1 =	sld [smem:$0x7DC]  }
0x215: {  	[sflag:s5] =	ssyncset.done $0x0  }
0x216: {  	[sflag:s5] =	ssyncadd.s32 $0xFFFF4000  }
0x217: {  	[tilespmem:s10], [sflag:$0x2] =	stream.linear.gather [hbm4b:s1+s2], $0xC000, $0x38;
	[tilespmem:$0x1B880] =	vst v63  }
0x218: {  	_ =	swait.ge [sflag:s18], $0xC000  }
0x219: {  	s31 =	sld [smem:$0x7DD]  }
0x21a: {  	[sflag:s18] =	ssyncset.done $0x0  }
0x21b: {  	[sflag:s18] =	ssyncadd.s32 $0xFFFF4000  }
0x21c: {  	[hbm4b:s31+s2] =	stream.linear.scatter [tilespmem:s2], [sflag:$0x4], $0xC000, $0x38;
	[tilespmem:$0x1B880] =	vst v63  }
0x21d: {  	_ =	swait.ge [sflag:s8], $0xC000  }
0x21e: {  	s1 =	sld [smem:$0x7DE]  }
0x21f: {  	[sflag:s8] =	ssyncset.done $0x0  }
0x220: {  	[sflag:s8] =	ssyncadd.s32 $0xFFFF4000  }
0x221: {  	[tilespmem:s2], [sflag:$0x1] =	stream.linear.gather [hbm4b:s1+s2], $0xC000, $0x38;
	[tilespmem:$0x1B880] =	vst v63  }
0x222: {  	_ =	swait.ge [sflag:s15], $0xC000  }
0x223: {  	s31 =	sld [smem:$0x7DF]  }
0x224: {  	[sflag:s15] =	ssyncset.done $0x0  }
0x225: {  	[sflag:s15] =	ssyncadd.s32 $0xFFFF4000  }
0x226: {  	[hbm4b:s31+s2] =	stream.linear.scatter [tilespmem:s10], [sflag:$0x5], $0xC000, $0x38;
	[tilespmem:$0x1B880] =	vst v63  }
0x227: {  	_ =	swait.ge [sflag:s5], $0xC000  }
0x228: {  	s1 =	sld [smem:$0x7E0]  }
0x229: {  	[sflag:s5] =	ssyncset.done $0x0  }
0x22a: {  	[sflag:s5] =	ssyncadd.s32 $0xFFFF4000  }
0x22b: {  	[tilespmem:s10], [sflag:$0x2] =	stream.linear.gather [hbm4b:s1+s2], $0xC000, $0x38;
	[tilespmem:$0x1B880] =	vst v63  }
0x22c: {  	_ =	swait.ge [sflag:s18], $0xC000  }
0x22d: {  	s31 =	sld [smem:$0x7E1]  }
0x22e: {  	[sflag:s18] =	ssyncset.done $0x0  }
0x22f: {  	[sflag:s18] =	ssyncadd.s32 $0xFFFF4000  }
0x230: {  	[hbm4b:s31+s2] =	stream.linear.scatter [tilespmem:s2], [sflag:$0x4], $0xC000, $0x38;
	[tilespmem:$0x1B880] =	vst v63  }
0x231: {  	_ =	swait.ge [sflag:s8], $0xC000  }
0x232: {  	s1 =	sld [smem:$0x7E2]  }
0x233: {  	[sflag:s8] =	ssyncset.done $0x0  }
0x234: {  	[sflag:s8] =	ssyncadd.s32 $0xFFFF4000  }
0x235: {  	[tilespmem:s2], [sflag:$0x1] =	stream.linear.gather [hbm4b:s1+s2], $0xC000, $0x38;
	[tilespmem:$0x1B880] =	vst v63  }
0x236: {  	_ =	swait.ge [sflag:s15], $0xC000  }
0x237: {  	s31 =	sld [smem:$0x7E3]  }
0x238: {  	[sflag:s15] =	ssyncset.done $0x0  }
0x239: {  	[sflag:s15] =	ssyncadd.s32 $0xFFFF4000  }
0x23a: {  	[hbm4b:s31+s2] =	stream.linear.scatter [tilespmem:s10], [sflag:$0x5], $0xC000, $0x38;
	[tilespmem:$0x1B880] =	vst v63  }
0x23b: {  	_ =	swait.ge [sflag:s5], $0xC000  }
0x23c: {  	s1 =	sld [smem:$0x7E4]  }
0x23d: {  	[sflag:s5] =	ssyncset.done $0x0  }
0x23e: {  	[sflag:s5] =	ssyncadd.s32 $0xFFFF4000  }
0x23f: {  	[tilespmem:s10], [sflag:$0x2] =	stream.linear.gather [hbm4b:s1+s2], $0xC000, $0x38;
	[tilespmem:$0x1B880] =	vst v63  }
0x240: {  	_ =	swait.ge [sflag:s18], $0xC000  }
0x241: {  	s31 =	sld [smem:$0x7E5]  }
0x242: {  	[sflag:s18] =	ssyncset.done $0x0  }
0x243: {  	[sflag:s18] =	ssyncadd.s32 $0xFFFF4000  }
0x244: {  	[hbm4b:s31+s2] =	stream.linear.scatter [tilespmem:s2], [sflag:$0x4], $0xC000, $0x38;
	[tilespmem:$0x1B880] =	vst v63  }
0x245: {  	_ =	swait.ge [sflag:s8], $0xC000  }
0x246: {  	s1 =	sld [smem:$0x7E6]  }
0x247: {  	[sflag:s8] =	ssyncset.done $0x0  }
0x248: {  	[sflag:s8] =	ssyncadd.s32 $0xFFFF4000  }
0x249: {  	[tilespmem:s2], [sflag:$0x1] =	stream.linear.gather [hbm4b:s1+s2], $0xC000, $0x38;
	[tilespmem:$0x1B880] =	vst v63  }
0x24a: {  	_ =	swait.ge [sflag:s15], $0xC000  }
0x24b: {  	s31 =	sld [smem:$0x7E7]  }
0x24c: {  	[sflag:s15] =	ssyncset.done $0x0  }
0x24d: {  	[sflag:s15] =	ssyncadd.s32 $0xFFFF4000  }
0x24e: {  	[hbm4b:s31+s2] =	stream.linear.scatter [tilespmem:s10], [sflag:$0x5], $0xC000, $0x38;
	[tilespmem:$0x1B880] =	vst v63  }
0x24f: {  	_ =	swait.ge [sflag:s5], $0xC000  }
0x250: {  	s1 =	sld [smem:$0x7E8]  }
0x251: {  	[sflag:s5] =	ssyncset.done $0x0  }
0x252: {  	[sflag:s5] =	ssyncadd.s32 $0xFFFF4000  }
0x253: {  	[tilespmem:s10], [sflag:$0x2] =	stream.linear.gather [hbm4b:s1+s2], $0xC000, $0x38;
	[tilespmem:$0x1B880] =	vst v63  }
0x254: {  	_ =	swait.ge [sflag:s18], $0xC000  }
0x255: {  	s31 =	sld [smem:$0x7E9]  }
0x256: {  	[sflag:s18] =	ssyncset.done $0x0  }
0x257: {  	[sflag:s18] =	ssyncadd.s32 $0xFFFF4000  }
0x258: {  	[hbm4b:s31+s2] =	stream.linear.scatter [tilespmem:s2], [sflag:$0x4], $0xC000, $0x38;
	[tilespmem:$0x1B880] =	vst v63  }
0x259: {  	_ =	swait.ge [sflag:s6], $0x3800  }
0x25a: {  	s1 =	sld [smem:$0x7EA]  }
0x25b: {  	[sflag:s6] =	ssyncset.done $0x0  }
0x25c: {  	[sflag:s6] =	ssyncadd.s32 $0xFFFFC800  }
0x25d: {  	[tilespmem:s12], [sflag:$0x3] =	stream.linear.gather [hbm4b:s1+s2], $0x3800, $0x38;
	[tilespmem:$0x1B880] =	vst v63  }
0x25e: {  	_ =	swait.ge [sflag:s15], $0xC000  }
0x25f: {  	s31 =	sld [smem:$0x7EB]  }
0x260: {  	[sflag:s15] =	ssyncset.done $0x0  }
0x261: {  	[sflag:s15] =	ssyncadd.s32 $0xFFFF4000  }
0x262: {  	[hbm4b:s31+s2] =	stream.linear.scatter [tilespmem:s10], [sflag:$0x5], $0xC000, $0x38;
	[tilespmem:$0x1B880] =	vst v63  }
0x263: {  	_ =	swait.ge [sflag:s8], $0xC000  }
0x264: {  	s1 =	sld [smem:$0x7EC]  }
0x265: {  	[sflag:s8] =	ssyncset.done $0x0  }
0x266: {  	[sflag:s8] =	ssyncadd.s32 $0xFFFF4000  }
0x267: {  	[tilespmem:s2], [sflag:$0x1] =	stream.linear.gather [hbm4b:s1+s2], $0xC000, $0x38;
	[tilespmem:$0x1B880] =	vst v63  }
0x268: {  	_ =	swait.ge [sflag:s14], $0x3800  }
0x269: {  	s31 =	sld [smem:$0x7ED]  }
0x26a: {  	[sflag:s14] =	ssyncset.done $0x0  }
0x26b: {  	[sflag:s14] =	ssyncadd.s32 $0xFFFFC800  }
0x26c: {  	[hbm4b:s31+s2] =	stream.linear.scatter [tilespmem:s12], [sflag:$0x6], $0x3800, $0x38;
	[tilespmem:$0x1B880] =	vst v63  }
0x26d: {  	_ =	swait.ge [sflag:s5], $0xC000  }
0x26e: {  	s1 =	sld [smem:$0x7EE]  }
0x26f: {  	[sflag:s5] =	ssyncset.done $0x0  }
0x270: {  	[sflag:s5] =	ssyncadd.s32 $0xFFFF4000  }
0x271: {  	[tilespmem:s10], [sflag:$0x2] =	stream.linear.gather [hbm4b:s1+s2], $0xC000, $0x38;
	[tilespmem:$0x1B880] =	vst v63  }
0x272: {  	_ =	swait.ge [sflag:s18], $0xC000  }
0x273: {  	s31 =	sld [smem:$0x7EF]  }
0x274: {  	[sflag:s18] =	ssyncset.done $0x0  }
0x275: {  	[sflag:s18] =	ssyncadd.s32 $0xFFFF4000  }
0x276: {  	[hbm4b:s31+s2] =	stream.linear.scatter [tilespmem:s2], [sflag:$0x4], $0xC000, $0x38;
	[tilespmem:$0x1B880] =	vst v63  }
0x277: {  	_ =	swait.ge [sflag:s8], $0xC000  }
0x278: {  	s1 =	sld [smem:$0x7F0]  }
0x279: {  	[sflag:s8] =	ssyncset.done $0x0  }
0x27a: {  	[sflag:s8] =	ssyncadd.s32 $0xFFFF4000  }
0x27b: {  	[tilespmem:s2], [sflag:$0x1] =	stream.linear.gather [hbm4b:s1+s2], $0xC000, $0x38;
	[tilespmem:$0x1B880] =	vst v63  }
0x27c: {  	_ =	swait.ge [sflag:s15], $0xC000  }
0x27d: {  	s31 =	sld [smem:$0x7F1]  }
0x27e: {  	[sflag:s15] =	ssyncset.done $0x0  }
0x27f: {  	[sflag:s15] =	ssyncadd.s32 $0xFFFF4000  }
0x280: {  	[hbm4b:s31+s2] =	stream.linear.scatter [tilespmem:s10], [sflag:$0x5], $0xC000, $0x38;
	[tilespmem:$0x1B880] =	vst v63  }
0x281: {  	_ =	swait.ge [sflag:s5], $0xC000  }
0x282: {  	s1 =	sld [smem:$0x7F2]  }
0x283: {  	[sflag:s5] =	ssyncset.done $0x0  }
0x284: {  	[sflag:s5] =	ssyncadd.s32 $0xFFFF4000  }
0x285: {  	[tilespmem:s10], [sflag:$0x2] =	stream.linear.gather [hbm4b:s1+s2], $0xC000, $0x38;
	[tilespmem:$0x1B880] =	vst v63  }
0x286: {  	_ =	swait.ge [sflag:s18], $0xC000  }
0x287: {  	s31 =	sld [smem:$0x7F3]  }
0x288: {  	[sflag:s18] =	ssyncset.done $0x0  }
0x289: {  	[sflag:s18] =	ssyncadd.s32 $0xFFFF4000  }
0x28a: {  	[hbm4b:s31+s2] =	stream.linear.scatter [tilespmem:s2], [sflag:$0x4], $0xC000, $0x38;
	[tilespmem:$0x1B880] =	vst v63  }
0x28b: {  	_ =	swait.ge [sflag:s8], $0xC000  }
0x28c: {  	s1 =	sld [smem:$0x7F4]  }
0x28d: {  	[sflag:s8] =	ssyncset.done $0x0  }
0x28e: {  	[sflag:s8] =	ssyncadd.s32 $0xFFFF4000  }
0x28f: {  	[tilespmem:s2], [sflag:$0x1] =	stream.linear.gather [hbm4b:s1+s2], $0xC000, $0x38;
	[tilespmem:$0x1B880] =	vst v63  }
0x290: {  	_ =	swait.ge [sflag:s15], $0xC000  }
0x291: {  	s31 =	sld [smem:$0x7F5]  }
0x292: {  	[sflag:s15] =	ssyncset.done $0x0  }
0x293: {  	[sflag:s15] =	ssyncadd.s32 $0xFFFF4000  }
0x294: {  	[hbm4b:s31+s2] =	stream.linear.scatter [tilespmem:s10], [sflag:$0x5], $0xC000, $0x38;
	[tilespmem:$0x1B880] =	vst v63  }
0x295: {  	_ =	swait.ge [sflag:s5], $0xC000  }
0x296: {  	s1 =	sld [smem:$0x7F6]  }
0x297: {  	[sflag:s5] =	ssyncset.done $0x0  }
0x298: {  	[sflag:s5] =	ssyncadd.s32 $0xFFFF4000  }
0x299: {  	[tilespmem:s10], [sflag:$0x2] =	stream.linear.gather [hbm4b:s1+s2], $0xC000, $0x38;
	[tilespmem:$0x1B880] =	vst v63  }
0x29a: {  	_ =	swait.ge [sflag:s18], $0xC000  }
0x29b: {  	s31 =	sld [smem:$0x7F7]  }
0x29c: {  	[sflag:s18] =	ssyncset.done $0x0  }
0x29d: {  	[sflag:s18] =	ssyncadd.s32 $0xFFFF4000  }
0x29e: {  	[hbm4b:s31+s2] =	stream.linear.scatter [tilespmem:s2], [sflag:$0x4], $0xC000, $0x38;
	[tilespmem:$0x1B880] =	vst v63  }
0x29f: {  	_ =	swait.ge [sflag:s8], $0xC000  }
0x2a0: {  	s1 =	sld [smem:$0x7F8]  }
0x2a1: {  	[sflag:s8] =	ssyncset.done $0x0  }
0x2a2: {  	[sflag:s8] =	ssyncadd.s32 $0xFFFF4000  }
0x2a3: {  	[tilespmem:s2], [sflag:$0x1] =	stream.linear.gather [hbm4b:s1+s2], $0xC000, $0x38;
	[tilespmem:$0x1B880] =	vst v63  }
0x2a4: {  	_ =	swait.ge [sflag:s15], $0xC000  }
0x2a5: {  	s31 =	sld [smem:$0x7F9]  }
0x2a6: {  	[sflag:s15] =	ssyncset.done $0x0  }
0x2a7: {  	[sflag:s15] =	ssyncadd.s32 $0xFFFF4000  }
0x2a8: {  	[hbm4b:s31+s2] =	stream.linear.scatter [tilespmem:s10], [sflag:$0x5], $0xC000, $0x38;
	[tilespmem:$0x1B880] =	vst v63  }
0x2a9: {  	_ =	swait.ge [sflag:s5], $0xC000  }
0x2aa: {  	s1 =	sld [smem:$0x7FA]  }
0x2ab: {  	[sflag:s5] =	ssyncset.done $0x0  }
0x2ac: {  	[sflag:s5] =	ssyncadd.s32 $0xFFFF4000  }
0x2ad: {  	[tilespmem:s10], [sflag:$0x2] =	stream.linear.gather [hbm4b:s1+s2], $0xC000, $0x38;
	[tilespmem:$0x1B880] =	vst v63  }
0x2ae: {  	_ =	swait.ge [sflag:s18], $0xC000  }
0x2af: {  	s31 =	sld [smem:$0x7FB]  }
0x2b0: {  	[sflag:s18] =	ssyncset.done $0x0  }
0x2b1: {  	[sflag:s18] =	ssyncadd.s32 $0xFFFF4000  }
0x2b2: {  	[hbm4b:s31+s2] =	stream.linear.scatter [tilespmem:s2], [sflag:$0x4], $0xC000, $0x38;
	[tilespmem:$0x1B880] =	vst v63  }
0x2b3: {  	_ =	swait.ge [sflag:s8], $0xC000  }
0x2b4: {  	s1 =	sld [smem:$0x7FC]  }
0x2b5: {  	[sflag:s8] =	ssyncset.done $0x0  }
0x2b6: {  	[sflag:s8] =	ssyncadd.s32 $0xFFFF4000  }
0x2b7: {  	[tilespmem:s2], [sflag:$0x1] =	stream.linear.gather [hbm4b:s1+s2], $0xC000, $0x38;
	[tilespmem:$0x1B880] =	vst v63  }
0x2b8: {  	_ =	swait.ge [sflag:s15], $0xC000  }
0x2b9: {  	[sflag:s15] =	ssyncset.done $0x0  }
0x2ba: {  	[sflag:s15] =	ssyncadd.s32 $0xFFFF4000  }
0x2bb: {  	[hbm4b:s29+s2] =	stream.linear.scatter [tilespmem:s10], [sflag:$0x5], $0xC000, $0x38;
	[tilespmem:$0x1B880] =	vst v63  }
0x2bc: {  	_ =	swait.ge [sflag:s5], $0xC000  }
0x2bd: {  	[sflag:s5] =	ssyncset.done $0x0  }
0x2be: {  	[sflag:s5] =	ssyncadd.s32 $0xFFFF4000  }
0x2bf: {  	[tilespmem:s10], [sflag:$0x2] =	stream.linear.gather [hbm4b:s28+s2], $0xC000, $0x38;
	[tilespmem:$0x1B880] =	vst v63  }
0x2c0: {  	_ =	swait.ge [sflag:s18], $0xC000  }
0x2c1: {  	[sflag:s18] =	ssyncset.done $0x0  }
0x2c2: {  	[sflag:s18] =	ssyncadd.s32 $0xFFFF4000  }
0x2c3: {  	[hbm4b:s26+s2] =	stream.linear.scatter [tilespmem:s2], [sflag:$0x4], $0xC000, $0x38;
	[tilespmem:$0x1B880] =	vst v63  }
0x2c4: {  	_ =	swait.ge [sflag:s8], $0xC000  }
0x2c5: {  	[sflag:s8] =	ssyncset.done $0x0  }
0x2c6: {  	[sflag:s8] =	ssyncadd.s32 $0xFFFF4000  }
0x2c7: {  	[tilespmem:s2], [sflag:$0x1] =	stream.linear.gather [hbm4b:s25+s2], $0xC000, $0x38;
	[tilespmem:$0x1B880] =	vst v63  }
0x2c8: {  	_ =	swait.ge [sflag:s15], $0xC000  }
0x2c9: {  	[sflag:s15] =	ssyncset.done $0x0  }
0x2ca: {  	[sflag:s15] =	ssyncadd.s32 $0xFFFF4000  }
0x2cb: {  	[hbm4b:s24+s2] =	stream.linear.scatter [tilespmem:s10], [sflag:$0x5], $0xC000, $0x38;
	[tilespmem:$0x1B880] =	vst v63  }
0x2cc: {  	_ =	swait.ge [sflag:s5], $0xC000  }
0x2cd: {  	[sflag:s5] =	ssyncset.done $0x0  }
0x2ce: {  	[sflag:s5] =	ssyncadd.s32 $0xFFFF4000  }
0x2cf: {  	[tilespmem:s10], [sflag:$0x2] =	stream.linear.gather [hbm4b:s23+s2], $0xC000, $0x38;
	[tilespmem:$0x1B880] =	vst v63  }
0x2d0: {  	_ =	swait.ge [sflag:s18], $0xC000  }
0x2d1: {  	[sflag:s18] =	ssyncset.done $0x0  }
0x2d2: {  	[sflag:s18] =	ssyncadd.s32 $0xFFFF4000  }
0x2d3: {  	[hbm4b:s22+s2] =	stream.linear.scatter [tilespmem:s2], [sflag:$0x4], $0xC000, $0x38;
	[tilespmem:$0x1B880] =	vst v63  }
0x2d4: {  	_ =	swait.ge [sflag:s8], $0xC000  }
0x2d5: {  	[sflag:s8] =	ssyncset.done $0x0  }
0x2d6: {  	[sflag:s8] =	ssyncadd.s32 $0xFFFF4000  }
0x2d7: {  	[tilespmem:s2], [sflag:$0x1] =	stream.linear.gather [hbm4b:s21+s2], $0xC000, $0x38;
	[tilespmem:$0x1B880] =	vst v63  }
0x2d8: {  	_ =	swait.ge [sflag:s15], $0xC000  }
0x2d9: {  	[sflag:s15] =	ssyncset.done $0x0  }
0x2da: {  	[sflag:s15] =	ssyncadd.s32 $0xFFFF4000  }
0x2db: {  	[hbm4b:s20+s2] =	stream.linear.scatter [tilespmem:s10], [sflag:$0x5], $0xC000, $0x38;
	[tilespmem:$0x1B880] =	vst v63  }
0x2dc: {  	_ =	swait.ge [sflag:s5], $0xC000  }
0x2dd: {  	[sflag:s5] =	ssyncset.done $0x0  }
0x2de: {  	[sflag:s5] =	ssyncadd.s32 $0xFFFF4000  }
0x2df: {  	[tilespmem:s10], [sflag:$0x2] =	stream.linear.gather [hbm4b:s19+s2], $0xC000, $0x38;
	[tilespmem:$0x1B880] =	vst v63  }
0x2e0: {  	_ =	swait.ge [sflag:s18], $0xC000  }
0x2e1: {  	[sflag:s18] =	ssyncset.done $0x0  }
0x2e2: {  	[sflag:s18] =	ssyncadd.s32 $0xFFFF4000  }
0x2e3: {  	[hbm4b:s17+s2] =	stream.linear.scatter [tilespmem:s2], [sflag:$0x4], $0xC000, $0x38;
	[tilespmem:$0x1B880] =	vst v63  }
0x2e4: {  	_ =	swait.ge [sflag:s8], $0xC000  }
0x2e5: {  	[sflag:s8] =	ssyncset.done $0x0  }
0x2e6: {  	[sflag:s8] =	ssyncadd.s32 $0xFFFF4000  }
0x2e7: {  	[tilespmem:s2], [sflag:$0x1] =	stream.linear.gather [hbm4b:s16+s2], $0xC000, $0x38;
	[tilespmem:$0x1B880] =	vst v63  }
0x2e8: {  	_ =	swait.ge [sflag:s15], $0xC000  }
0x2e9: {  	[sflag:s15] =	ssyncset.done $0x0  }
0x2ea: {  	[sflag:s15] =	ssyncadd.s32 $0xFFFF4000  }
0x2eb: {  	[hbm4b:s13+s2] =	stream.linear.scatter [tilespmem:s10], [sflag:$0x5], $0xC000, $0x38;
	[tilespmem:$0x1B880] =	vst v63  }
0x2ec: {  	_ =	swait.ge [sflag:s5], $0xC000  }
0x2ed: {  	[sflag:s5] =	ssyncset.done $0x0  }
0x2ee: {  	[sflag:s5] =	ssyncadd.s32 $0xFFFF4000  }
0x2ef: {  	[tilespmem:s10], [sflag:$0x2] =	stream.linear.gather [hbm4b:s11+s2], $0xC000, $0x38;
	[tilespmem:$0x1B880] =	vst v63  }
0x2f0: {  	_ =	swait.ge [sflag:s18], $0xC000  }
0x2f1: {  	[sflag:s18] =	ssyncset.done $0x0  }
0x2f2: {  	[sflag:s18] =	ssyncadd.s32 $0xFFFF4000  }
0x2f3: {  	[hbm4b:s9+s2] =	stream.linear.scatter [tilespmem:s2], [sflag:$0x4], $0xC000, $0x38;
	[tilespmem:$0x1B880] =	vst v63  }
0x2f4: {  	_ =	swait.ge [sflag:s6], $0x3800  }
0x2f5: {  	[sflag:s6] =	ssyncset.done $0x0  }
0x2f6: {  	[sflag:s6] =	ssyncadd.s32 $0xFFFFC800  }
0x2f7: {  	[tilespmem:s12], [sflag:$0x3] =	stream.linear.gather [hbm4b:s7+s2], $0x3800, $0x38;
	[tilespmem:$0x1B880] =	vst v63  }
0x2f8: {  	_ =	swait.ge [sflag:s15], $0xC000  }
0x2f9: {  	[sflag:s15] =	ssyncset.done $0x0  }
0x2fa: {  	[sflag:s15] =	ssyncadd.s32 $0xFFFF4000  }
0x2fb: {  	[hbm4b:s4+s2] =	stream.linear.scatter [tilespmem:s10], [sflag:$0x5], $0xC000, $0x38;
	[tilespmem:$0x1B880] =	vst v63  }
0x2fc: {  	_ =	swait.ge [sflag:s14], $0x3800  }
0x2fd: {  	[sflag:s14] =	ssyncset.done $0x0  }
0x2fe: {  	[sflag:s14] =	ssyncadd.s32 $0xFFFFC800  }
0x2ff: {  	[hbm4b:s3+s2] =	stream.linear.scatter [tilespmem:s12], [sflag:$0x6], $0x3800, $0x38;
	[tilespmem:$0x1B880] =	vst v63  }
0x300: {  	_ =	swait.ge [sflag:s8], $0xC000  }
0x301: {  	[sflag:s8] =	ssyncset.done $0x0  }
0x302: {  	[sflag:s8] =	ssyncadd.s32 $0xFFFF4000  }
0x303: {  	_ =	swait.ge [sflag:s5], $0xC000  }
0x304: {  	s31 =	sld [smem:$0x7FD];
	_ =	sdelay $0x2  }
0x305: {  	p1 =	sne.s32 s31, $0x1  }
.Ltmp1:
0x306: {  	_ = 	snop;
	(pc) =	sbr.rel @!p1 .LBB2_2-.Ltmp1, $4  }
0x307: {  	[sflag:s5] =	ssyncset.done $0x0  }
0x308: {  	[sflag:s5] =	ssyncadd.s32 $0xFFFF4000  }
0x309: {  	p0 =	por $0x1, $0x1;
	_ =	swait.ge [sflag:s6], $0x3800  }
0x30a: {  	s1 =	sadd.s32 $0xFFFFFFFF, s31;
	s0 =	rddreg [dreg:$0x3];
	[sflag:s6] =	ssyncset.done $0x0  }
.LBB2_3:
0x30b: {  	[sflag:s6] =	ssyncadd.s32 $0xFFFFC800;
	s31 =	simm.s32 $0x1B800  }
0x30c: {  	[tilespmem:s31], [sflag:$0x7] =	stream.linear.gather [hbm4b:s0+s2], $0x20, $0x38;
	[tilespmem:$0x1B880] =	vst v63  }
0x30d: {  	_ =	swait.ge [sflag:s30], $0x20  }
0x30e: {  	[sflag:s30] =	ssyncset.done $0x0  }
0x30f: {  	s0 =	rddreg [dreg:$0x4];
	[sflag:s30] =	ssyncadd.s32 $0xFFFFFFE0  }
0x310: {  	[tilespmem:s2], [sflag:$0x1] =	stream.linear.gather [hbm4b:s0+s2], $0xC000, $0x38;
	[tilespmem:$0x1B880] =	vst v63  }
0x311: {  	s31 =	rddreg [dreg:$0x5]  }
0x312: {  	[tilespmem:s10], [sflag:$0x2] =	stream.linear.gather [hbm4b:s31+s2], $0xC000, $0x38;
	[tilespmem:$0x1B880] =	vst v63  }
0x313: {  	_ =	swait.ge [sflag:s18], $0xC000  }
0x314: {  	[sflag:s18] =	ssyncset.done $0x0  }
0x315: {  	s31 =	rddreg [dreg:$0x6];
	[sflag:s18] =	ssyncadd.s32 $0xFFFF4000  }
0x316: {  	[hbm4b:s31+s2] =	stream.linear.scatter [tilespmem:s2], [sflag:$0x4], $0xC000, $0x38;
	[tilespmem:$0x1B880] =	vst v63  }
0x317: {  	_ =	swait.ge [sflag:s8], $0xC000  }
0x318: {  	[sflag:s8] =	ssyncset.done $0x0  }
0x319: {  	s31 =	rddreg [dreg:$0x7];
	[sflag:s8] =	ssyncadd.s32 $0xFFFF4000  }
0x31a: {  	[tilespmem:s2], [sflag:$0x1] =	stream.linear.gather [hbm4b:s31+s2], $0xC000, $0x38;
	[tilespmem:$0x1B880] =	vst v63  }
0x31b: {  	_ =	swait.ge [sflag:s15], $0xC000  }
0x31c: {  	[sflag:s15] =	ssyncset.done $0x0  }
0x31d: {  	s31 =	rddreg [dreg:$0x8];
	[sflag:s15] =	ssyncadd.s32 $0xFFFF4000  }
0x31e: {  	[hbm4b:s31+s2] =	stream.linear.scatter [tilespmem:s10], [sflag:$0x5], $0xC000, $0x38;
	[tilespmem:$0x1B880] =	vst v63  }
0x31f: {  	_ =	swait.ge [sflag:s5], $0xC000  }
0x320: {  	[sflag:s5] =	ssyncset.done $0x0  }
0x321: {  	s31 =	rddreg [dreg:$0x9];
	[sflag:s5] =	ssyncadd.s32 $0xFFFF4000  }
0x322: {  	[tilespmem:s10], [sflag:$0x2] =	stream.linear.gather [hbm4b:s31+s2], $0xC000, $0x38;
	[tilespmem:$0x1B880] =	vst v63  }
0x323: {  	_ =	swait.ge [sflag:s18], $0xC000  }
0x324: {  	[sflag:s18] =	ssyncset.done $0x0  }
0x325: {  	s31 =	rddreg [dreg:$0xa];
	[sflag:s18] =	ssyncadd.s32 $0xFFFF4000  }
0x326: {  	[hbm4b:s31+s2] =	stream.linear.scatter [tilespmem:s2], [sflag:$0x4], $0xC000, $0x38;
	[tilespmem:$0x1B880] =	vst v63  }
0x327: {  	_ =	swait.ge [sflag:s8], $0xC000  }
0x328: {  	[sflag:s8] =	ssyncset.done $0x0  }
0x329: {  	[sflag:s8] =	ssyncadd.s32 $0xFFFF4000  }
0x32a: {  	s31 =	rddreg [dreg:$0xb]  }
0x32b: {  	[tilespmem:s2], [sflag:$0x1] =	stream.linear.gather [hbm4b:s31+s2], $0xC000, $0x38;
	[tilespmem:$0x1B880] =	vst v63  }
0x32c: {  	_ =	swait.ge [sflag:s15], $0xC000  }
0x32d: {  	[sflag:s15] =	ssyncset.done $0x0  }
0x32e: {  	s31 =	rddreg [dreg:$0xc];
	[sflag:s15] =	ssyncadd.s32 $0xFFFF4000  }
0x32f: {  	[hbm4b:s31+s2] =	stream.linear.scatter [tilespmem:s10], [sflag:$0x5], $0xC000, $0x38;
	[tilespmem:$0x1B880] =	vst v63  }
0x330: {  	_ =	swait.ge [sflag:s5], $0xC000  }
0x331: {  	[sflag:s5] =	ssyncset.done $0x0  }
0x332: {  	s31 =	rddreg [dreg:$0xd];
	[sflag:s5] =	ssyncadd.s32 $0xFFFF4000  }
0x333: {  	[tilespmem:s10], [sflag:$0x2] =	stream.linear.gather [hbm4b:s31+s2], $0xC000, $0x38;
	[tilespmem:$0x1B880] =	vst v63  }
0x334: {  	_ =	swait.ge [sflag:s18], $0xC000  }
0x335: {  	[sflag:s18] =	ssyncset.done $0x0  }
0x336: {  	s31 =	rddreg [dreg:$0xe];
	[sflag:s18] =	ssyncadd.s32 $0xFFFF4000  }
0x337: {  	[hbm4b:s31+s2] =	stream.linear.scatter [tilespmem:s2], [sflag:$0x4], $0xC000, $0x38;
	[tilespmem:$0x1B880] =	vst v63  }
0x338: {  	_ =	swait.ge [sflag:s8], $0xC000  }
0x339: {  	[sflag:s8] =	ssyncset.done $0x0  }
0x33a: {  	s31 =	rddreg [dreg:$0xf];
	[sflag:s8] =	ssyncadd.s32 $0xFFFF4000  }
0x33b: {  	[tilespmem:s2], [sflag:$0x1] =	stream.linear.gather [hbm4b:s31+s2], $0xC000, $0x38;
	[tilespmem:$0x1B880] =	vst v63  }
0x33c: {  	_ =	swait.ge [sflag:s15], $0xC000  }
0x33d: {  	[sflag:s15] =	ssyncset.done $0x0  }
0x33e: {  	s31 =	rddreg [dreg:$0x10];
	[sflag:s15] =	ssyncadd.s32 $0xFFFF4000  }
0x33f: {  	[hbm4b:s31+s2] =	stream.linear.scatter [tilespmem:s10], [sflag:$0x5], $0xC000, $0x38;
	[tilespmem:$0x1B880] =	vst v63  }
0x340: {  	_ =	swait.ge [sflag:s5], $0xC000  }
0x341: {  	[sflag:s5] =	ssyncset.done $0x0  }
0x342: {  	s31 =	rddreg [dreg:$0x11];
	[sflag:s5] =	ssyncadd.s32 $0xFFFF4000  }
0x343: {  	[tilespmem:s10], [sflag:$0x2] =	stream.linear.gather [hbm4b:s31+s2], $0xC000, $0x38;
	[tilespmem:$0x1B880] =	vst v63  }
0x344: {  	_ =	swait.ge [sflag:s18], $0xC000  }
0x345: {  	[sflag:s18] =	ssyncset.done $0x0  }
0x346: {  	s31 =	rddreg [dreg:$0x12];
	[sflag:s18] =	ssyncadd.s32 $0xFFFF4000  }
0x347: {  	[hbm4b:s31+s2] =	stream.linear.scatter [tilespmem:s2], [sflag:$0x4], $0xC000, $0x38;
	[tilespmem:$0x1B880] =	vst v63  }
0x348: {  	_ =	swait.ge [sflag:s8], $0xC000  }
0x349: {  	[sflag:s8] =	ssyncset.done $0x0  }
0x34a: {  	s31 =	rddreg [dreg:$0x13];
	[sflag:s8] =	ssyncadd.s32 $0xFFFF4000  }
0x34b: {  	[tilespmem:s2], [sflag:$0x1] =	stream.linear.gather [hbm4b:s31+s2], $0xC000, $0x38;
	[tilespmem:$0x1B880] =	vst v63  }
0x34c: {  	_ =	swait.ge [sflag:s15], $0xC000  }
0x34d: {  	[sflag:s15] =	ssyncset.done $0x0  }
0x34e: {  	s31 =	rddreg [dreg:$0x14];
	[sflag:s15] =	ssyncadd.s32 $0xFFFF4000  }
0x34f: {  	[hbm4b:s31+s2] =	stream.linear.scatter [tilespmem:s10], [sflag:$0x5], $0xC000, $0x38;
	[tilespmem:$0x1B880] =	vst v63  }
0x350: {  	_ =	swait.ge [sflag:s5], $0xC000  }
0x351: {  	[sflag:s5] =	ssyncset.done $0x0  }
0x352: {  	s31 =	rddreg [dreg:$0x15];
	[sflag:s5] =	ssyncadd.s32 $0xFFFF4000  }
0x353: {  	[tilespmem:s10], [sflag:$0x2] =	stream.linear.gather [hbm4b:s31+s2], $0xC000, $0x38;
	[tilespmem:$0x1B880] =	vst v63  }
0x354: {  	_ =	swait.ge [sflag:s18], $0xC000  }
0x355: {  	[sflag:s18] =	ssyncset.done $0x0  }
0x356: {  	s31 =	rddreg [dreg:$0x16];
	[sflag:s18] =	ssyncadd.s32 $0xFFFF4000  }
0x357: {  	[hbm4b:s31+s2] =	stream.linear.scatter [tilespmem:s2], [sflag:$0x4], $0xC000, $0x38;
	[tilespmem:$0x1B880] =	vst v63  }
0x358: {  	_ =	swait.ge [sflag:s8], $0xC000  }
0x359: {  	[sflag:s8] =	ssyncset.done $0x0  }
0x35a: {  	s31 =	rddreg [dreg:$0x17];
	[sflag:s8] =	ssyncadd.s32 $0xFFFF4000  }
0x35b: {  	[tilespmem:s2], [sflag:$0x1] =	stream.linear.gather [hbm4b:s31+s2], $0xC000, $0x38;
	[tilespmem:$0x1B880] =	vst v63  }
0x35c: {  	_ =	swait.ge [sflag:s15], $0xC000  }
0x35d: {  	[sflag:s15] =	ssyncset.done $0x0  }
0x35e: {  	s31 =	rddreg [dreg:$0x18];
	[sflag:s15] =	ssyncadd.s32 $0xFFFF4000  }
0x35f: {  	[hbm4b:s31+s2] =	stream.linear.scatter [tilespmem:s10], [sflag:$0x5], $0xC000, $0x38;
	[tilespmem:$0x1B880] =	vst v63  }
0x360: {  	_ =	swait.ge [sflag:s5], $0xC000  }
0x361: {  	[sflag:s5] =	ssyncset.done $0x0  }
0x362: {  	s31 =	rddreg [dreg:$0x19];
	[sflag:s5] =	ssyncadd.s32 $0xFFFF4000  }
0x363: {  	[tilespmem:s10], [sflag:$0x2] =	stream.linear.gather [hbm4b:s31+s2], $0xC000, $0x38;
	[tilespmem:$0x1B880] =	vst v63  }
0x364: {  	_ =	swait.ge [sflag:s18], $0xC000  }
0x365: {  	[sflag:s18] =	ssyncset.done $0x0  }
0x366: {  	s31 =	rddreg [dreg:$0x1a];
	[sflag:s18] =	ssyncadd.s32 $0xFFFF4000  }
0x367: {  	[hbm4b:s31+s2] =	stream.linear.scatter [tilespmem:s2], [sflag:$0x4], $0xC000, $0x38;
	[tilespmem:$0x1B880] =	vst v63  }
0x368: {  	_ =	swait.ge [sflag:s8], $0xC000  }
0x369: {  	[sflag:s8] =	ssyncset.done $0x0  }
0x36a: {  	s31 =	rddreg [dreg:$0x1b];
	[sflag:s8] =	ssyncadd.s32 $0xFFFF4000  }
0x36b: {  	[tilespmem:s2], [sflag:$0x1] =	stream.linear.gather [hbm4b:s31+s2], $0xC000, $0x38;
	[tilespmem:$0x1B880] =	vst v63  }
0x36c: {  	_ =	swait.ge [sflag:s15], $0xC000  }
0x36d: {  	[sflag:s15] =	ssyncset.done $0x0  }
0x36e: {  	s31 =	rddreg [dreg:$0x1c];
	[sflag:s15] =	ssyncadd.s32 $0xFFFF4000  }
0x36f: {  	[hbm4b:s31+s2] =	stream.linear.scatter [tilespmem:s10], [sflag:$0x5], $0xC000, $0x38;
	[tilespmem:$0x1B880] =	vst v63  }
0x370: {  	_ =	swait.ge [sflag:s5], $0xC000  }
0x371: {  	[sflag:s5] =	ssyncset.done $0x0  }
0x372: {  	s31 =	rddreg [dreg:$0x1d];
	[sflag:s5] =	ssyncadd.s32 $0xFFFF4000  }
0x373: {  	[tilespmem:s10], [sflag:$0x2] =	stream.linear.gather [hbm4b:s31+s2], $0xC000, $0x38;
	[tilespmem:$0x1B880] =	vst v63  }
0x374: {  	_ =	swait.ge [sflag:s18], $0xC000  }
0x375: {  	[sflag:s18] =	ssyncset.done $0x0  }
0x376: {  	s31 =	rddreg [dreg:$0x1e];
	[sflag:s18] =	ssyncadd.s32 $0xFFFF4000  }
0x377: {  	[hbm4b:s31+s2] =	stream.linear.scatter [tilespmem:s2], [sflag:$0x4], $0xC000, $0x38;
	[tilespmem:$0x1B880] =	vst v63  }
0x378: {  	_ =	swait.ge [sflag:s8], $0xC000  }
0x379: {  	[sflag:s8] =	ssyncset.done $0x0  }
0x37a: {  	s31 =	rddreg [dreg:$0x1f];
	[sflag:s8] =	ssyncadd.s32 $0xFFFF4000  }
0x37b: {  	[tilespmem:s2], [sflag:$0x1] =	stream.linear.gather [hbm4b:s31+s2], $0xC000, $0x38;
	[tilespmem:$0x1B880] =	vst v63  }
0x37c: {  	_ =	swait.ge [sflag:s15], $0xC000  }
0x37d: {  	s31 =	sld [smem:$0x7A3]  }
0x37e: {  	[sflag:s15] =	ssyncset.done $0x0  }
0x37f: {  	[sflag:s15] =	ssyncadd.s32 $0xFFFF4000  }
0x380: {  	[hbm4b:s31+s2] =	stream.linear.scatter [tilespmem:s10], [sflag:$0x5], $0xC000, $0x38;
	[tilespmem:$0x1B880] =	vst v63  }
0x381: {  	_ =	swait.ge [sflag:s5], $0xC000  }
0x382: {  	s31 =	sld [smem:$0x7A4]  }
0x383: {  	[sflag:s5] =	ssyncset.done $0x0  }
0x384: {  	[sflag:s5] =	ssyncadd.s32 $0xFFFF4000  }
0x385: {  	[tilespmem:s10], [sflag:$0x2] =	stream.linear.gather [hbm4b:s31+s2], $0xC000, $0x38;
	[tilespmem:$0x1B880] =	vst v63  }
0x386: {  	_ =	swait.ge [sflag:s18], $0xC000  }
0x387: {  	s0 =	sld [smem:$0x7A5]  }
0x388: {  	[sflag:s18] =	ssyncset.done $0x0  }
0x389: {  	s31 =	sld [smem:$0x7A6];
	[sflag:s18] =	ssyncadd.s32 $0xFFFF4000  }
0x38a: {  	[hbm4b:s0+s2] =	stream.linear.scatter [tilespmem:s2], [sflag:$0x4], $0xC000, $0x38;
	[tilespmem:$0x1B880] =	vst v63  }
0x38b: {  	_ = 	snop  }
0x38c: {  	[tilespmem:s12], [sflag:$0x3] =	stream.linear.gather [hbm4b:s31+s2], $0x3800, $0x38;
	[tilespmem:$0x1B880] =	vst v63  }
0x38d: {  	_ =	swait.ge [sflag:s15], $0xC000  }
0x38e: {  	s31 =	sld [smem:$0x7A7]  }
0x38f: {  	[sflag:s15] =	ssyncset.done $0x0  }
0x390: {  	[sflag:s15] =	ssyncadd.s32 $0xFFFF4000  }
0x391: {  	[hbm4b:s31+s2] =	stream.linear.scatter [tilespmem:s10], [sflag:$0x5], $0xC000, $0x38;
	[tilespmem:$0x1B880] =	vst v63  }
0x392: {  	_ =	swait.ge [sflag:s8], $0xC000  }
0x393: {  	s31 =	sld [smem:$0x7A8]  }
0x394: {  	[sflag:s8] =	ssyncset.done $0x0  }
0x395: {  	[sflag:s8] =	ssyncadd.s32 $0xFFFF4000  }
0x396: {  	[tilespmem:s2], [sflag:$0x1] =	stream.linear.gather [hbm4b:s31+s2], $0xC000, $0x38;
	[tilespmem:$0x1B880] =	vst v63  }
0x397: {  	_ =	swait.ge [sflag:s14], $0x3800  }
0x398: {  	s31 =	sld [smem:$0x7A9]  }
0x399: {  	[sflag:s14] =	ssyncset.done $0x0  }
0x39a: {  	[sflag:s14] =	ssyncadd.s32 $0xFFFFC800  }
0x39b: {  	[hbm4b:s31+s2] =	stream.linear.scatter [tilespmem:s12], [sflag:$0x6], $0x3800, $0x38;
	[tilespmem:$0x1B880] =	vst v63  }
0x39c: {  	_ =	swait.ge [sflag:s5], $0xC000  }
0x39d: {  	s31 =	sld [smem:$0x7AA]  }
0x39e: {  	[sflag:s5] =	ssyncset.done $0x0  }
0x39f: {  	[sflag:s5] =	ssyncadd.s32 $0xFFFF4000  }
0x3a0: {  	[tilespmem:s10], [sflag:$0x2] =	stream.linear.gather [hbm4b:s31+s2], $0xC000, $0x38;
	[tilespmem:$0x1B880] =	vst v63  }
0x3a1: {  	_ =	swait.ge [sflag:s18], $0xC000  }
0x3a2: {  	s31 =	sld [smem:$0x7AB]  }
0x3a3: {  	[sflag:s18] =	ssyncset.done $0x0  }
0x3a4: {  	[sflag:s18] =	ssyncadd.s32 $0xFFFF4000  }
0x3a5: {  	[hbm4b:s31+s2] =	stream.linear.scatter [tilespmem:s2], [sflag:$0x4], $0xC000, $0x38;
	[tilespmem:$0x1B880] =	vst v63  }
0x3a6: {  	_ =	swait.ge [sflag:s8], $0xC000  }
0x3a7: {  	s31 =	sld [smem:$0x7AC]  }
0x3a8: {  	[sflag:s8] =	ssyncset.done $0x0  }
0x3a9: {  	[sflag:s8] =	ssyncadd.s32 $0xFFFF4000  }
0x3aa: {  	[tilespmem:s2], [sflag:$0x1] =	stream.linear.gather [hbm4b:s31+s2], $0xC000, $0x38;
	[tilespmem:$0x1B880] =	vst v63  }
0x3ab: {  	_ =	swait.ge [sflag:s15], $0xC000  }
0x3ac: {  	s31 =	sld [smem:$0x7AD]  }
0x3ad: {  	[sflag:s15] =	ssyncset.done $0x0  }
0x3ae: {  	[sflag:s15] =	ssyncadd.s32 $0xFFFF4000  }
0x3af: {  	[hbm4b:s31+s2] =	stream.linear.scatter [tilespmem:s10], [sflag:$0x5], $0xC000, $0x38;
	[tilespmem:$0x1B880] =	vst v63  }
0x3b0: {  	_ =	swait.ge [sflag:s5], $0xC000  }
0x3b1: {  	s31 =	sld [smem:$0x7AE]  }
0x3b2: {  	[sflag:s5] =	ssyncset.done $0x0  }
0x3b3: {  	[sflag:s5] =	ssyncadd.s32 $0xFFFF4000  }
0x3b4: {  	[tilespmem:s10], [sflag:$0x2] =	stream.linear.gather [hbm4b:s31+s2], $0xC000, $0x38;
	[tilespmem:$0x1B880] =	vst v63  }
0x3b5: {  	_ =	swait.ge [sflag:s18], $0xC000  }
0x3b6: {  	s31 =	sld [smem:$0x7AF]  }
0x3b7: {  	[sflag:s18] =	ssyncset.done $0x0  }
0x3b8: {  	[sflag:s18] =	ssyncadd.s32 $0xFFFF4000  }
0x3b9: {  	[hbm4b:s31+s2] =	stream.linear.scatter [tilespmem:s2], [sflag:$0x4], $0xC000, $0x38;
	[tilespmem:$0x1B880] =	vst v63  }
0x3ba: {  	_ =	swait.ge [sflag:s8], $0xC000  }
0x3bb: {  	s31 =	sld [smem:$0x7B0]  }
0x3bc: {  	[sflag:s8] =	ssyncset.done $0x0  }
0x3bd: {  	[sflag:s8] =	ssyncadd.s32 $0xFFFF4000  }
0x3be: {  	[tilespmem:s2], [sflag:$0x1] =	stream.linear.gather [hbm4b:s31+s2], $0xC000, $0x38;
	[tilespmem:$0x1B880] =	vst v63  }
0x3bf: {  	_ =	swait.ge [sflag:s15], $0xC000  }
0x3c0: {  	s31 =	sld [smem:$0x7B1]  }
0x3c1: {  	[sflag:s15] =	ssyncset.done $0x0  }
0x3c2: {  	[sflag:s15] =	ssyncadd.s32 $0xFFFF4000  }
0x3c3: {  	[hbm4b:s31+s2] =	stream.linear.scatter [tilespmem:s10], [sflag:$0x5], $0xC000, $0x38;
	[tilespmem:$0x1B880] =	vst v63  }
0x3c4: {  	_ =	swait.ge [sflag:s5], $0xC000  }
0x3c5: {  	s31 =	sld [smem:$0x7B2]  }
0x3c6: {  	[sflag:s5] =	ssyncset.done $0x0  }
0x3c7: {  	[sflag:s5] =	ssyncadd.s32 $0xFFFF4000  }
0x3c8: {  	[tilespmem:s10], [sflag:$0x2] =	stream.linear.gather [hbm4b:s31+s2], $0xC000, $0x38;
	[tilespmem:$0x1B880] =	vst v63  }
0x3c9: {  	_ =	swait.ge [sflag:s18], $0xC000  }
0x3ca: {  	s31 =	sld [smem:$0x7B3]  }
0x3cb: {  	[sflag:s18] =	ssyncset.done $0x0  }
0x3cc: {  	[sflag:s18] =	ssyncadd.s32 $0xFFFF4000  }
0x3cd: {  	[hbm4b:s31+s2] =	stream.linear.scatter [tilespmem:s2], [sflag:$0x4], $0xC000, $0x38;
	[tilespmem:$0x1B880] =	vst v63  }
0x3ce: {  	_ =	swait.ge [sflag:s8], $0xC000  }
0x3cf: {  	s31 =	sld [smem:$0x7B4]  }
0x3d0: {  	[sflag:s8] =	ssyncset.done $0x0  }
0x3d1: {  	[sflag:s8] =	ssyncadd.s32 $0xFFFF4000  }
0x3d2: {  	[tilespmem:s2], [sflag:$0x1] =	stream.linear.gather [hbm4b:s31+s2], $0xC000, $0x38;
	[tilespmem:$0x1B880] =	vst v63  }
0x3d3: {  	_ =	swait.ge [sflag:s15], $0xC000  }
0x3d4: {  	s31 =	sld [smem:$0x7B5]  }
0x3d5: {  	[sflag:s15] =	ssyncset.done $0x0  }
0x3d6: {  	[sflag:s15] =	ssyncadd.s32 $0xFFFF4000  }
0x3d7: {  	[hbm4b:s31+s2] =	stream.linear.scatter [tilespmem:s10], [sflag:$0x5], $0xC000, $0x38;
	[tilespmem:$0x1B880] =	vst v63  }
0x3d8: {  	_ =	swait.ge [sflag:s5], $0xC000  }
0x3d9: {  	s31 =	sld [smem:$0x7B6]  }
0x3da: {  	[sflag:s5] =	ssyncset.done $0x0  }
0x3db: {  	[sflag:s5] =	ssyncadd.s32 $0xFFFF4000  }
0x3dc: {  	[tilespmem:s10], [sflag:$0x2] =	stream.linear.gather [hbm4b:s31+s2], $0xC000, $0x38;
	[tilespmem:$0x1B880] =	vst v63  }
0x3dd: {  	_ =	swait.ge [sflag:s18], $0xC000  }
0x3de: {  	s31 =	sld [smem:$0x7B7]  }
0x3df: {  	[sflag:s18] =	ssyncset.done $0x0  }
0x3e0: {  	[sflag:s18] =	ssyncadd.s32 $0xFFFF4000  }
0x3e1: {  	[hbm4b:s31+s2] =	stream.linear.scatter [tilespmem:s2], [sflag:$0x4], $0xC000, $0x38;
	[tilespmem:$0x1B880] =	vst v63  }
0x3e2: {  	_ =	swait.ge [sflag:s8], $0xC000  }
0x3e3: {  	s31 =	sld [smem:$0x7B8]  }
0x3e4: {  	[sflag:s8] =	ssyncset.done $0x0  }
0x3e5: {  	[sflag:s8] =	ssyncadd.s32 $0xFFFF4000  }
0x3e6: {  	[tilespmem:s2], [sflag:$0x1] =	stream.linear.gather [hbm4b:s31+s2], $0xC000, $0x38;
	[tilespmem:$0x1B880] =	vst v63  }
0x3e7: {  	_ =	swait.ge [sflag:s15], $0xC000  }
0x3e8: {  	s31 =	sld [smem:$0x7B9]  }
0x3e9: {  	[sflag:s15] =	ssyncset.done $0x0  }
0x3ea: {  	[sflag:s15] =	ssyncadd.s32 $0xFFFF4000  }
0x3eb: {  	[hbm4b:s31+s2] =	stream.linear.scatter [tilespmem:s10], [sflag:$0x5], $0xC000, $0x38;
	[tilespmem:$0x1B880] =	vst v63  }
0x3ec: {  	_ =	swait.ge [sflag:s5], $0xC000  }
0x3ed: {  	s31 =	sld [smem:$0x7BA]  }
0x3ee: {  	[sflag:s5] =	ssyncset.done $0x0  }
0x3ef: {  	[sflag:s5] =	ssyncadd.s32 $0xFFFF4000  }
0x3f0: {  	[tilespmem:s10], [sflag:$0x2] =	stream.linear.gather [hbm4b:s31+s2], $0xC000, $0x38;
	[tilespmem:$0x1B880] =	vst v63  }
0x3f1: {  	_ =	swait.ge [sflag:s18], $0xC000  }
0x3f2: {  	s31 =	sld [smem:$0x7BB]  }
0x3f3: {  	[sflag:s18] =	ssyncset.done $0x0  }
0x3f4: {  	[sflag:s18] =	ssyncadd.s32 $0xFFFF4000  }
0x3f5: {  	[hbm4b:s31+s2] =	stream.linear.scatter [tilespmem:s2], [sflag:$0x4], $0xC000, $0x38;
	[tilespmem:$0x1B880] =	vst v63  }
0x3f6: {  	_ =	swait.ge [sflag:s8], $0xC000  }
0x3f7: {  	s31 =	sld [smem:$0x7BC]  }
0x3f8: {  	[sflag:s8] =	ssyncset.done $0x0  }
0x3f9: {  	[sflag:s8] =	ssyncadd.s32 $0xFFFF4000  }
0x3fa: {  	[tilespmem:s2], [sflag:$0x1] =	stream.linear.gather [hbm4b:s31+s2], $0xC000, $0x38;
	[tilespmem:$0x1B880] =	vst v63  }
0x3fb: {  	_ =	swait.ge [sflag:s15], $0xC000  }
0x3fc: {  	s31 =	sld [smem:$0x7BD]  }
0x3fd: {  	[sflag:s15] =	ssyncset.done $0x0  }
0x3fe: {  	[sflag:s15] =	ssyncadd.s32 $0xFFFF4000  }
0x3ff: {  	[hbm4b:s31+s2] =	stream.linear.scatter [tilespmem:s10], [sflag:$0x5], $0xC000, $0x38;
	[tilespmem:$0x1B880] =	vst v63  }
0x400: {  	_ =	swait.ge [sflag:s5], $0xC000  }
0x401: {  	s31 =	sld [smem:$0x7BE]  }
0x402: {  	[sflag:s5] =	ssyncset.done $0x0  }
0x403: {  	[sflag:s5] =	ssyncadd.s32 $0xFFFF4000  }
0x404: {  	[tilespmem:s10], [sflag:$0x2] =	stream.linear.gather [hbm4b:s31+s2], $0xC000, $0x38;
	[tilespmem:$0x1B880] =	vst v63  }
0x405: {  	_ =	swait.ge [sflag:s18], $0xC000  }
0x406: {  	s31 =	sld [smem:$0x7BF]  }
0x407: {  	[sflag:s18] =	ssyncset.done $0x0  }
0x408: {  	[sflag:s18] =	ssyncadd.s32 $0xFFFF4000  }
0x409: {  	[hbm4b:s31+s2] =	stream.linear.scatter [tilespmem:s2], [sflag:$0x4], $0xC000, $0x38;
	[tilespmem:$0x1B880] =	vst v63  }
0x40a: {  	_ =	swait.ge [sflag:s8], $0xC000  }
0x40b: {  	s31 =	sld [smem:$0x7C0]  }
0x40c: {  	[sflag:s8] =	ssyncset.done $0x0  }
0x40d: {  	[sflag:s8] =	ssyncadd.s32 $0xFFFF4000  }
0x40e: {  	[tilespmem:s2], [sflag:$0x1] =	stream.linear.gather [hbm4b:s31+s2], $0xC000, $0x38;
	[tilespmem:$0x1B880] =	vst v63  }
0x40f: {  	_ =	swait.ge [sflag:s15], $0xC000  }
0x410: {  	s31 =	sld [smem:$0x7C1]  }
0x411: {  	[sflag:s15] =	ssyncset.done $0x0  }
0x412: {  	[sflag:s15] =	ssyncadd.s32 $0xFFFF4000  }
0x413: {  	[hbm4b:s31+s2] =	stream.linear.scatter [tilespmem:s10], [sflag:$0x5], $0xC000, $0x38;
	[tilespmem:$0x1B880] =	vst v63  }
0x414: {  	_ =	swait.ge [sflag:s5], $0xC000  }
0x415: {  	s31 =	sld [smem:$0x7C2]  }
0x416: {  	[sflag:s5] =	ssyncset.done $0x0  }
0x417: {  	[sflag:s5] =	ssyncadd.s32 $0xFFFF4000  }
0x418: {  	[tilespmem:s10], [sflag:$0x2] =	stream.linear.gather [hbm4b:s31+s2], $0xC000, $0x38;
	[tilespmem:$0x1B880] =	vst v63  }
0x419: {  	_ =	swait.ge [sflag:s18], $0xC000  }
0x41a: {  	s31 =	sld [smem:$0x7C3]  }
0x41b: {  	[sflag:s18] =	ssyncset.done $0x0  }
0x41c: {  	[sflag:s18] =	ssyncadd.s32 $0xFFFF4000  }
0x41d: {  	[hbm4b:s31+s2] =	stream.linear.scatter [tilespmem:s2], [sflag:$0x4], $0xC000, $0x38;
	[tilespmem:$0x1B880] =	vst v63  }
0x41e: {  	_ =	swait.ge [sflag:s8], $0xC000  }
0x41f: {  	s31 =	sld [smem:$0x7C4]  }
0x420: {  	[sflag:s8] =	ssyncset.done $0x0  }
0x421: {  	[sflag:s8] =	ssyncadd.s32 $0xFFFF4000  }
0x422: {  	[tilespmem:s2], [sflag:$0x1] =	stream.linear.gather [hbm4b:s31+s2], $0xC000, $0x38;
	[tilespmem:$0x1B880] =	vst v63  }
0x423: {  	_ =	swait.ge [sflag:s15], $0xC000  }
0x424: {  	s31 =	sld [smem:$0x7C5]  }
0x425: {  	[sflag:s15] =	ssyncset.done $0x0  }
0x426: {  	[sflag:s15] =	ssyncadd.s32 $0xFFFF4000  }
0x427: {  	[hbm4b:s31+s2] =	stream.linear.scatter [tilespmem:s10], [sflag:$0x5], $0xC000, $0x38;
	[tilespmem:$0x1B880] =	vst v63  }
0x428: {  	_ =	swait.ge [sflag:s5], $0xC000  }
0x429: {  	s31 =	sld [smem:$0x7C6]  }
0x42a: {  	[sflag:s5] =	ssyncset.done $0x0  }
0x42b: {  	[sflag:s5] =	ssyncadd.s32 $0xFFFF4000  }
0x42c: {  	[tilespmem:s10], [sflag:$0x2] =	stream.linear.gather [hbm4b:s31+s2], $0xC000, $0x38;
	[tilespmem:$0x1B880] =	vst v63  }
0x42d: {  	_ =	swait.ge [sflag:s18], $0xC000  }
0x42e: {  	s31 =	sld [smem:$0x7C7]  }
0x42f: {  	[sflag:s18] =	ssyncset.done $0x0  }
0x430: {  	[sflag:s18] =	ssyncadd.s32 $0xFFFF4000  }
0x431: {  	[hbm4b:s31+s2] =	stream.linear.scatter [tilespmem:s2], [sflag:$0x4], $0xC000, $0x38;
	[tilespmem:$0x1B880] =	vst v63  }
0x432: {  	_ =	swait.ge [sflag:s6], $0x3800  }
0x433: {  	s31 =	sld [smem:$0x7C8]  }
0x434: {  	[sflag:s6] =	ssyncset.done $0x0  }
0x435: {  	[sflag:s6] =	ssyncadd.s32 $0xFFFFC800  }
0x436: {  	[tilespmem:s12], [sflag:$0x3] =	stream.linear.gather [hbm4b:s31+s2], $0x3800, $0x38;
	[tilespmem:$0x1B880] =	vst v63  }
0x437: {  	_ =	swait.ge [sflag:s15], $0xC000  }
0x438: {  	s31 =	sld [smem:$0x7C9]  }
0x439: {  	[sflag:s15] =	ssyncset.done $0x0  }
0x43a: {  	[sflag:s15] =	ssyncadd.s32 $0xFFFF4000  }
0x43b: {  	[hbm4b:s31+s2] =	stream.linear.scatter [tilespmem:s10], [sflag:$0x5], $0xC000, $0x38;
	[tilespmem:$0x1B880] =	vst v63  }
0x43c: {  	_ =	swait.ge [sflag:s8], $0xC000  }
0x43d: {  	s31 =	sld [smem:$0x7CA]  }
0x43e: {  	[sflag:s8] =	ssyncset.done $0x0  }
0x43f: {  	[sflag:s8] =	ssyncadd.s32 $0xFFFF4000  }
0x440: {  	[tilespmem:s2], [sflag:$0x1] =	stream.linear.gather [hbm4b:s31+s2], $0xC000, $0x38;
	[tilespmem:$0x1B880] =	vst v63  }
0x441: {  	_ =	swait.ge [sflag:s14], $0x3800  }
0x442: {  	s31 =	sld [smem:$0x7CB]  }
0x443: {  	[sflag:s14] =	ssyncset.done $0x0  }
0x444: {  	[sflag:s14] =	ssyncadd.s32 $0xFFFFC800  }
0x445: {  	[hbm4b:s31+s2] =	stream.linear.scatter [tilespmem:s12], [sflag:$0x6], $0x3800, $0x38;
	[tilespmem:$0x1B880] =	vst v63  }
0x446: {  	_ =	swait.ge [sflag:s5], $0xC000  }
0x447: {  	s31 =	sld [smem:$0x7CC]  }
0x448: {  	[sflag:s5] =	ssyncset.done $0x0  }
0x449: {  	[sflag:s5] =	ssyncadd.s32 $0xFFFF4000  }
0x44a: {  	[tilespmem:s10], [sflag:$0x2] =	stream.linear.gather [hbm4b:s31+s2], $0xC000, $0x38;
	[tilespmem:$0x1B880] =	vst v63  }
0x44b: {  	_ =	swait.ge [sflag:s18], $0xC000  }
0x44c: {  	s31 =	sld [smem:$0x7CD]  }
0x44d: {  	[sflag:s18] =	ssyncset.done $0x0  }
0x44e: {  	[sflag:s18] =	ssyncadd.s32 $0xFFFF4000  }
0x44f: {  	[hbm4b:s31+s2] =	stream.linear.scatter [tilespmem:s2], [sflag:$0x4], $0xC000, $0x38;
	[tilespmem:$0x1B880] =	vst v63  }
0x450: {  	_ =	swait.ge [sflag:s8], $0xC000  }
0x451: {  	s31 =	sld [smem:$0x7CE]  }
0x452: {  	[sflag:s8] =	ssyncset.done $0x0  }
0x453: {  	[sflag:s8] =	ssyncadd.s32 $0xFFFF4000  }
0x454: {  	[tilespmem:s2], [sflag:$0x1] =	stream.linear.gather [hbm4b:s31+s2], $0xC000, $0x38;
	[tilespmem:$0x1B880] =	vst v63  }
0x455: {  	_ =	swait.ge [sflag:s15], $0xC000  }
0x456: {  	s31 =	sld [smem:$0x7CF]  }
0x457: {  	[sflag:s15] =	ssyncset.done $0x0  }
0x458: {  	[sflag:s15] =	ssyncadd.s32 $0xFFFF4000  }
0x459: {  	[hbm4b:s31+s2] =	stream.linear.scatter [tilespmem:s10], [sflag:$0x5], $0xC000, $0x38;
	[tilespmem:$0x1B880] =	vst v63  }
0x45a: {  	_ =	swait.ge [sflag:s5], $0xC000  }
0x45b: {  	s31 =	sld [smem:$0x7D0]  }
0x45c: {  	[sflag:s5] =	ssyncset.done $0x0  }
0x45d: {  	[sflag:s5] =	ssyncadd.s32 $0xFFFF4000  }
0x45e: {  	[tilespmem:s10], [sflag:$0x2] =	stream.linear.gather [hbm4b:s31+s2], $0xC000, $0x38;
	[tilespmem:$0x1B880] =	vst v63  }
0x45f: {  	_ =	swait.ge [sflag:s18], $0xC000  }
0x460: {  	s31 =	sld [smem:$0x7D1]  }
0x461: {  	[sflag:s18] =	ssyncset.done $0x0  }
0x462: {  	[sflag:s18] =	ssyncadd.s32 $0xFFFF4000  }
0x463: {  	[hbm4b:s31+s2] =	stream.linear.scatter [tilespmem:s2], [sflag:$0x4], $0xC000, $0x38;
	[tilespmem:$0x1B880] =	vst v63  }
0x464: {  	_ =	swait.ge [sflag:s8], $0xC000  }
0x465: {  	s31 =	sld [smem:$0x7D2]  }
0x466: {  	[sflag:s8] =	ssyncset.done $0x0  }
0x467: {  	[sflag:s8] =	ssyncadd.s32 $0xFFFF4000  }
0x468: {  	[tilespmem:s2], [sflag:$0x1] =	stream.linear.gather [hbm4b:s31+s2], $0xC000, $0x38;
	[tilespmem:$0x1B880] =	vst v63  }
0x469: {  	_ =	swait.ge [sflag:s15], $0xC000  }
0x46a: {  	s31 =	sld [smem:$0x7D3]  }
0x46b: {  	[sflag:s15] =	ssyncset.done $0x0  }
0x46c: {  	[sflag:s15] =	ssyncadd.s32 $0xFFFF4000  }
0x46d: {  	[hbm4b:s31+s2] =	stream.linear.scatter [tilespmem:s10], [sflag:$0x5], $0xC000, $0x38;
	[tilespmem:$0x1B880] =	vst v63  }
0x46e: {  	_ =	swait.ge [sflag:s5], $0xC000  }
0x46f: {  	s31 =	sld [smem:$0x7D4]  }
0x470: {  	[sflag:s5] =	ssyncset.done $0x0  }
0x471: {  	[sflag:s5] =	ssyncadd.s32 $0xFFFF4000  }
0x472: {  	[tilespmem:s10], [sflag:$0x2] =	stream.linear.gather [hbm4b:s31+s2], $0xC000, $0x38;
	[tilespmem:$0x1B880] =	vst v63  }
0x473: {  	_ =	swait.ge [sflag:s18], $0xC000  }
0x474: {  	s31 =	sld [smem:$0x7D5]  }
0x475: {  	[sflag:s18] =	ssyncset.done $0x0  }
0x476: {  	[sflag:s18] =	ssyncadd.s32 $0xFFFF4000  }
0x477: {  	[hbm4b:s31+s2] =	stream.linear.scatter [tilespmem:s2], [sflag:$0x4], $0xC000, $0x38;
	[tilespmem:$0x1B880] =	vst v63  }
0x478: {  	_ =	swait.ge [sflag:s8], $0xC000  }
0x479: {  	s31 =	sld [smem:$0x7D6]  }
0x47a: {  	[sflag:s8] =	ssyncset.done $0x0  }
0x47b: {  	[sflag:s8] =	ssyncadd.s32 $0xFFFF4000  }
0x47c: {  	[tilespmem:s2], [sflag:$0x1] =	stream.linear.gather [hbm4b:s31+s2], $0xC000, $0x38;
	[tilespmem:$0x1B880] =	vst v63  }
0x47d: {  	_ =	swait.ge [sflag:s15], $0xC000  }
0x47e: {  	s31 =	sld [smem:$0x7D7]  }
0x47f: {  	[sflag:s15] =	ssyncset.done $0x0  }
0x480: {  	[sflag:s15] =	ssyncadd.s32 $0xFFFF4000  }
0x481: {  	[hbm4b:s31+s2] =	stream.linear.scatter [tilespmem:s10], [sflag:$0x5], $0xC000, $0x38;
	[tilespmem:$0x1B880] =	vst v63  }
0x482: {  	_ =	swait.ge [sflag:s5], $0xC000  }
0x483: {  	s31 =	sld [smem:$0x7D8]  }
0x484: {  	[sflag:s5] =	ssyncset.done $0x0  }
0x485: {  	[sflag:s5] =	ssyncadd.s32 $0xFFFF4000  }
0x486: {  	[tilespmem:s10], [sflag:$0x2] =	stream.linear.gather [hbm4b:s31+s2], $0xC000, $0x38;
	[tilespmem:$0x1B880] =	vst v63  }
0x487: {  	_ =	swait.ge [sflag:s18], $0xC000  }
0x488: {  	s31 =	sld [smem:$0x7D9]  }
0x489: {  	[sflag:s18] =	ssyncset.done $0x0  }
0x48a: {  	[sflag:s18] =	ssyncadd.s32 $0xFFFF4000  }
0x48b: {  	[hbm4b:s31+s2] =	stream.linear.scatter [tilespmem:s2], [sflag:$0x4], $0xC000, $0x38;
	[tilespmem:$0x1B880] =	vst v63  }
0x48c: {  	_ =	swait.ge [sflag:s8], $0xC000  }
0x48d: {  	s31 =	sld [smem:$0x7DA]  }
0x48e: {  	[sflag:s8] =	ssyncset.done $0x0  }
0x48f: {  	[sflag:s8] =	ssyncadd.s32 $0xFFFF4000  }
0x490: {  	[tilespmem:s2], [sflag:$0x1] =	stream.linear.gather [hbm4b:s31+s2], $0xC000, $0x38;
	[tilespmem:$0x1B880] =	vst v63  }
0x491: {  	_ =	swait.ge [sflag:s15], $0xC000  }
0x492: {  	s31 =	sld [smem:$0x7DB]  }
0x493: {  	[sflag:s15] =	ssyncset.done $0x0  }
0x494: {  	[sflag:s15] =	ssyncadd.s32 $0xFFFF4000  }
0x495: {  	[hbm4b:s31+s2] =	stream.linear.scatter [tilespmem:s10], [sflag:$0x5], $0xC000, $0x38;
	[tilespmem:$0x1B880] =	vst v63  }
0x496: {  	_ =	swait.ge [sflag:s5], $0xC000  }
0x497: {  	s31 =	sld [smem:$0x7DC]  }
0x498: {  	[sflag:s5] =	ssyncset.done $0x0  }
0x499: {  	[sflag:s5] =	ssyncadd.s32 $0xFFFF4000  }
0x49a: {  	[tilespmem:s10], [sflag:$0x2] =	stream.linear.gather [hbm4b:s31+s2], $0xC000, $0x38;
	[tilespmem:$0x1B880] =	vst v63  }
0x49b: {  	_ =	swait.ge [sflag:s18], $0xC000  }
0x49c: {  	s31 =	sld [smem:$0x7DD]  }
0x49d: {  	[sflag:s18] =	ssyncset.done $0x0  }
0x49e: {  	[sflag:s18] =	ssyncadd.s32 $0xFFFF4000  }
0x49f: {  	[hbm4b:s31+s2] =	stream.linear.scatter [tilespmem:s2], [sflag:$0x4], $0xC000, $0x38;
	[tilespmem:$0x1B880] =	vst v63  }
0x4a0: {  	_ =	swait.ge [sflag:s8], $0xC000  }
0x4a1: {  	s31 =	sld [smem:$0x7DE]  }
0x4a2: {  	[sflag:s8] =	ssyncset.done $0x0  }
0x4a3: {  	[sflag:s8] =	ssyncadd.s32 $0xFFFF4000  }
0x4a4: {  	[tilespmem:s2], [sflag:$0x1] =	stream.linear.gather [hbm4b:s31+s2], $0xC000, $0x38;
	[tilespmem:$0x1B880] =	vst v63  }
0x4a5: {  	_ =	swait.ge [sflag:s15], $0xC000  }
0x4a6: {  	s31 =	sld [smem:$0x7DF]  }
0x4a7: {  	[sflag:s15] =	ssyncset.done $0x0  }
0x4a8: {  	[sflag:s15] =	ssyncadd.s32 $0xFFFF4000  }
0x4a9: {  	[hbm4b:s31+s2] =	stream.linear.scatter [tilespmem:s10], [sflag:$0x5], $0xC000, $0x38;
	[tilespmem:$0x1B880] =	vst v63  }
0x4aa: {  	_ =	swait.ge [sflag:s5], $0xC000  }
0x4ab: {  	s31 =	sld [smem:$0x7E0]  }
0x4ac: {  	[sflag:s5] =	ssyncset.done $0x0  }
0x4ad: {  	[sflag:s5] =	ssyncadd.s32 $0xFFFF4000  }
0x4ae: {  	[tilespmem:s10], [sflag:$0x2] =	stream.linear.gather [hbm4b:s31+s2], $0xC000, $0x38;
	[tilespmem:$0x1B880] =	vst v63  }
0x4af: {  	_ =	swait.ge [sflag:s18], $0xC000  }
0x4b0: {  	s31 =	sld [smem:$0x7E1]  }
0x4b1: {  	[sflag:s18] =	ssyncset.done $0x0  }
0x4b2: {  	[sflag:s18] =	ssyncadd.s32 $0xFFFF4000  }
0x4b3: {  	[hbm4b:s31+s2] =	stream.linear.scatter [tilespmem:s2], [sflag:$0x4], $0xC000, $0x38;
	[tilespmem:$0x1B880] =	vst v63  }
0x4b4: {  	_ =	swait.ge [sflag:s8], $0xC000  }
0x4b5: {  	s31 =	sld [smem:$0x7E2]  }
0x4b6: {  	[sflag:s8] =	ssyncset.done $0x0  }
0x4b7: {  	[sflag:s8] =	ssyncadd.s32 $0xFFFF4000  }
0x4b8: {  	[tilespmem:s2], [sflag:$0x1] =	stream.linear.gather [hbm4b:s31+s2], $0xC000, $0x38;
	[tilespmem:$0x1B880] =	vst v63  }
0x4b9: {  	_ =	swait.ge [sflag:s15], $0xC000  }
0x4ba: {  	s31 =	sld [smem:$0x7E3]  }
0x4bb: {  	[sflag:s15] =	ssyncset.done $0x0  }
0x4bc: {  	[sflag:s15] =	ssyncadd.s32 $0xFFFF4000  }
0x4bd: {  	[hbm4b:s31+s2] =	stream.linear.scatter [tilespmem:s10], [sflag:$0x5], $0xC000, $0x38;
	[tilespmem:$0x1B880] =	vst v63  }
0x4be: {  	_ =	swait.ge [sflag:s5], $0xC000  }
0x4bf: {  	s31 =	sld [smem:$0x7E4]  }
0x4c0: {  	[sflag:s5] =	ssyncset.done $0x0  }
0x4c1: {  	[sflag:s5] =	ssyncadd.s32 $0xFFFF4000  }
0x4c2: {  	[tilespmem:s10], [sflag:$0x2] =	stream.linear.gather [hbm4b:s31+s2], $0xC000, $0x38;
	[tilespmem:$0x1B880] =	vst v63  }
0x4c3: {  	_ =	swait.ge [sflag:s18], $0xC000  }
0x4c4: {  	s31 =	sld [smem:$0x7E5]  }
0x4c5: {  	[sflag:s18] =	ssyncset.done $0x0  }
0x4c6: {  	[sflag:s18] =	ssyncadd.s32 $0xFFFF4000  }
0x4c7: {  	[hbm4b:s31+s2] =	stream.linear.scatter [tilespmem:s2], [sflag:$0x4], $0xC000, $0x38;
	[tilespmem:$0x1B880] =	vst v63  }
0x4c8: {  	_ =	swait.ge [sflag:s8], $0xC000  }
0x4c9: {  	s31 =	sld [smem:$0x7E6]  }
0x4ca: {  	[sflag:s8] =	ssyncset.done $0x0  }
0x4cb: {  	[sflag:s8] =	ssyncadd.s32 $0xFFFF4000  }
0x4cc: {  	[tilespmem:s2], [sflag:$0x1] =	stream.linear.gather [hbm4b:s31+s2], $0xC000, $0x38;
	[tilespmem:$0x1B880] =	vst v63  }
0x4cd: {  	_ =	swait.ge [sflag:s15], $0xC000  }
0x4ce: {  	s31 =	sld [smem:$0x7E7]  }
0x4cf: {  	[sflag:s15] =	ssyncset.done $0x0  }
0x4d0: {  	[sflag:s15] =	ssyncadd.s32 $0xFFFF4000  }
0x4d1: {  	[hbm4b:s31+s2] =	stream.linear.scatter [tilespmem:s10], [sflag:$0x5], $0xC000, $0x38;
	[tilespmem:$0x1B880] =	vst v63  }
0x4d2: {  	_ =	swait.ge [sflag:s5], $0xC000  }
0x4d3: {  	s31 =	sld [smem:$0x7E8]  }
0x4d4: {  	[sflag:s5] =	ssyncset.done $0x0  }
0x4d5: {  	[sflag:s5] =	ssyncadd.s32 $0xFFFF4000  }
0x4d6: {  	[tilespmem:s10], [sflag:$0x2] =	stream.linear.gather [hbm4b:s31+s2], $0xC000, $0x38;
	[tilespmem:$0x1B880] =	vst v63  }
0x4d7: {  	_ =	swait.ge [sflag:s18], $0xC000  }
0x4d8: {  	s31 =	sld [smem:$0x7E9]  }
0x4d9: {  	[sflag:s18] =	ssyncset.done $0x0  }
0x4da: {  	[sflag:s18] =	ssyncadd.s32 $0xFFFF4000  }
0x4db: {  	[hbm4b:s31+s2] =	stream.linear.scatter [tilespmem:s2], [sflag:$0x4], $0xC000, $0x38;
	[tilespmem:$0x1B880] =	vst v63  }
0x4dc: {  	_ =	swait.ge [sflag:s6], $0x3800  }
0x4dd: {  	s31 =	sld [smem:$0x7EA]  }
0x4de: {  	[sflag:s6] =	ssyncset.done $0x0  }
0x4df: {  	[sflag:s6] =	ssyncadd.s32 $0xFFFFC800  }
0x4e0: {  	[tilespmem:s12], [sflag:$0x3] =	stream.linear.gather [hbm4b:s31+s2], $0x3800, $0x38;
	[tilespmem:$0x1B880] =	vst v63  }
0x4e1: {  	_ =	swait.ge [sflag:s15], $0xC000  }
0x4e2: {  	s31 =	sld [smem:$0x7EB]  }
0x4e3: {  	[sflag:s15] =	ssyncset.done $0x0  }
0x4e4: {  	[sflag:s15] =	ssyncadd.s32 $0xFFFF4000  }
0x4e5: {  	[hbm4b:s31+s2] =	stream.linear.scatter [tilespmem:s10], [sflag:$0x5], $0xC000, $0x38;
	[tilespmem:$0x1B880] =	vst v63  }
0x4e6: {  	_ =	swait.ge [sflag:s8], $0xC000  }
0x4e7: {  	s31 =	sld [smem:$0x7EC]  }
0x4e8: {  	[sflag:s8] =	ssyncset.done $0x0  }
0x4e9: {  	[sflag:s8] =	ssyncadd.s32 $0xFFFF4000  }
0x4ea: {  	[tilespmem:s2], [sflag:$0x1] =	stream.linear.gather [hbm4b:s31+s2], $0xC000, $0x38;
	[tilespmem:$0x1B880] =	vst v63  }
0x4eb: {  	_ =	swait.ge [sflag:s14], $0x3800  }
0x4ec: {  	s31 =	sld [smem:$0x7ED]  }
0x4ed: {  	[sflag:s14] =	ssyncset.done $0x0  }
0x4ee: {  	[sflag:s14] =	ssyncadd.s32 $0xFFFFC800  }
0x4ef: {  	[hbm4b:s31+s2] =	stream.linear.scatter [tilespmem:s12], [sflag:$0x6], $0x3800, $0x38;
	[tilespmem:$0x1B880] =	vst v63  }
0x4f0: {  	_ =	swait.ge [sflag:s5], $0xC000  }
0x4f1: {  	s31 =	sld [smem:$0x7EE]  }
0x4f2: {  	[sflag:s5] =	ssyncset.done $0x0  }
0x4f3: {  	[sflag:s5] =	ssyncadd.s32 $0xFFFF4000  }
0x4f4: {  	[tilespmem:s10], [sflag:$0x2] =	stream.linear.gather [hbm4b:s31+s2], $0xC000, $0x38;
	[tilespmem:$0x1B880] =	vst v63  }
0x4f5: {  	_ =	swait.ge [sflag:s18], $0xC000  }
0x4f6: {  	s31 =	sld [smem:$0x7EF]  }
0x4f7: {  	[sflag:s18] =	ssyncset.done $0x0  }
0x4f8: {  	[sflag:s18] =	ssyncadd.s32 $0xFFFF4000  }
0x4f9: {  	[hbm4b:s31+s2] =	stream.linear.scatter [tilespmem:s2], [sflag:$0x4], $0xC000, $0x38;
	[tilespmem:$0x1B880] =	vst v63  }
0x4fa: {  	_ =	swait.ge [sflag:s8], $0xC000  }
0x4fb: {  	s31 =	sld [smem:$0x7F0]  }
0x4fc: {  	[sflag:s8] =	ssyncset.done $0x0  }
0x4fd: {  	[sflag:s8] =	ssyncadd.s32 $0xFFFF4000  }
0x4fe: {  	[tilespmem:s2], [sflag:$0x1] =	stream.linear.gather [hbm4b:s31+s2], $0xC000, $0x38;
	[tilespmem:$0x1B880] =	vst v63  }
0x4ff: {  	_ =	swait.ge [sflag:s15], $0xC000  }
0x500: {  	s31 =	sld [smem:$0x7F1]  }
0x501: {  	[sflag:s15] =	ssyncset.done $0x0  }
0x502: {  	[sflag:s15] =	ssyncadd.s32 $0xFFFF4000  }
0x503: {  	[hbm4b:s31+s2] =	stream.linear.scatter [tilespmem:s10], [sflag:$0x5], $0xC000, $0x38;
	[tilespmem:$0x1B880] =	vst v63  }
0x504: {  	_ =	swait.ge [sflag:s5], $0xC000  }
0x505: {  	s31 =	sld [smem:$0x7F2]  }
0x506: {  	[sflag:s5] =	ssyncset.done $0x0  }
0x507: {  	[sflag:s5] =	ssyncadd.s32 $0xFFFF4000  }
0x508: {  	[tilespmem:s10], [sflag:$0x2] =	stream.linear.gather [hbm4b:s31+s2], $0xC000, $0x38;
	[tilespmem:$0x1B880] =	vst v63  }
0x509: {  	_ =	swait.ge [sflag:s18], $0xC000  }
0x50a: {  	s31 =	sld [smem:$0x7F3]  }
0x50b: {  	[sflag:s18] =	ssyncset.done $0x0  }
0x50c: {  	[sflag:s18] =	ssyncadd.s32 $0xFFFF4000  }
0x50d: {  	[hbm4b:s31+s2] =	stream.linear.scatter [tilespmem:s2], [sflag:$0x4], $0xC000, $0x38;
	[tilespmem:$0x1B880] =	vst v63  }
0x50e: {  	_ =	swait.ge [sflag:s8], $0xC000  }
0x50f: {  	s31 =	sld [smem:$0x7F4]  }
0x510: {  	[sflag:s8] =	ssyncset.done $0x0  }
0x511: {  	[sflag:s8] =	ssyncadd.s32 $0xFFFF4000  }
0x512: {  	[tilespmem:s2], [sflag:$0x1] =	stream.linear.gather [hbm4b:s31+s2], $0xC000, $0x38;
	[tilespmem:$0x1B880] =	vst v63  }
0x513: {  	_ =	swait.ge [sflag:s15], $0xC000  }
0x514: {  	s31 =	sld [smem:$0x7F5]  }
0x515: {  	[sflag:s15] =	ssyncset.done $0x0  }
0x516: {  	[sflag:s15] =	ssyncadd.s32 $0xFFFF4000  }
0x517: {  	[hbm4b:s31+s2] =	stream.linear.scatter [tilespmem:s10], [sflag:$0x5], $0xC000, $0x38;
	[tilespmem:$0x1B880] =	vst v63  }
0x518: {  	_ =	swait.ge [sflag:s5], $0xC000  }
0x519: {  	s31 =	sld [smem:$0x7F6]  }
0x51a: {  	[sflag:s5] =	ssyncset.done $0x0  }
0x51b: {  	[sflag:s5] =	ssyncadd.s32 $0xFFFF4000  }
0x51c: {  	[tilespmem:s10], [sflag:$0x2] =	stream.linear.gather [hbm4b:s31+s2], $0xC000, $0x38;
	[tilespmem:$0x1B880] =	vst v63  }
0x51d: {  	_ =	swait.ge [sflag:s18], $0xC000  }
0x51e: {  	s31 =	sld [smem:$0x7F7]  }
0x51f: {  	[sflag:s18] =	ssyncset.done $0x0  }
0x520: {  	[sflag:s18] =	ssyncadd.s32 $0xFFFF4000  }
0x521: {  	[hbm4b:s31+s2] =	stream.linear.scatter [tilespmem:s2], [sflag:$0x4], $0xC000, $0x38;
	[tilespmem:$0x1B880] =	vst v63  }
0x522: {  	_ =	swait.ge [sflag:s8], $0xC000  }
0x523: {  	s31 =	sld [smem:$0x7F8]  }
0x524: {  	[sflag:s8] =	ssyncset.done $0x0  }
0x525: {  	[sflag:s8] =	ssyncadd.s32 $0xFFFF4000  }
0x526: {  	[tilespmem:s2], [sflag:$0x1] =	stream.linear.gather [hbm4b:s31+s2], $0xC000, $0x38;
	[tilespmem:$0x1B880] =	vst v63  }
0x527: {  	_ =	swait.ge [sflag:s15], $0xC000  }
0x528: {  	s31 =	sld [smem:$0x7F9]  }
0x529: {  	[sflag:s15] =	ssyncset.done $0x0  }
0x52a: {  	[sflag:s15] =	ssyncadd.s32 $0xFFFF4000  }
0x52b: {  	[hbm4b:s31+s2] =	stream.linear.scatter [tilespmem:s10], [sflag:$0x5], $0xC000, $0x38;
	[tilespmem:$0x1B880] =	vst v63  }
0x52c: {  	_ =	swait.ge [sflag:s5], $0xC000  }
0x52d: {  	s31 =	sld [smem:$0x7FA]  }
0x52e: {  	[sflag:s5] =	ssyncset.done $0x0  }
0x52f: {  	[sflag:s5] =	ssyncadd.s32 $0xFFFF4000  }
0x530: {  	[tilespmem:s10], [sflag:$0x2] =	stream.linear.gather [hbm4b:s31+s2], $0xC000, $0x38;
	[tilespmem:$0x1B880] =	vst v63  }
0x531: {  	_ =	swait.ge [sflag:s18], $0xC000  }
0x532: {  	s31 =	sld [smem:$0x7FB]  }
0x533: {  	[sflag:s18] =	ssyncset.done $0x0  }
0x534: {  	[sflag:s18] =	ssyncadd.s32 $0xFFFF4000  }
0x535: {  	[hbm4b:s31+s2] =	stream.linear.scatter [tilespmem:s2], [sflag:$0x4], $0xC000, $0x38;
	[tilespmem:$0x1B880] =	vst v63  }
0x536: {  	_ =	swait.ge [sflag:s8], $0xC000  }
0x537: {  	s31 =	sld [smem:$0x7FC]  }
0x538: {  	[sflag:s8] =	ssyncset.done $0x0  }
0x539: {  	[sflag:s8] =	ssyncadd.s32 $0xFFFF4000  }
0x53a: {  	[tilespmem:s2], [sflag:$0x1] =	stream.linear.gather [hbm4b:s31+s2], $0xC000, $0x38;
	[tilespmem:$0x1B880] =	vst v63  }
0x53b: {  	_ =	swait.ge [sflag:s15], $0xC000  }
0x53c: {  	[sflag:s15] =	ssyncset.done $0x0  }
0x53d: {  	[sflag:s15] =	ssyncadd.s32 $0xFFFF4000  }
0x53e: {  	[hbm4b:s29+s2] =	stream.linear.scatter [tilespmem:s10], [sflag:$0x5], $0xC000, $0x38;
	[tilespmem:$0x1B880] =	vst v63  }
0x53f: {  	_ =	swait.ge [sflag:s5], $0xC000  }
0x540: {  	[sflag:s5] =	ssyncset.done $0x0  }
0x541: {  	[sflag:s5] =	ssyncadd.s32 $0xFFFF4000  }
0x542: {  	[tilespmem:s10], [sflag:$0x2] =	stream.linear.gather [hbm4b:s28+s2], $0xC000, $0x38;
	[tilespmem:$0x1B880] =	vst v63  }
0x543: {  	_ =	swait.ge [sflag:s18], $0xC000  }
0x544: {  	[sflag:s18] =	ssyncset.done $0x0  }
0x545: {  	[sflag:s18] =	ssyncadd.s32 $0xFFFF4000  }
0x546: {  	[hbm4b:s26+s2] =	stream.linear.scatter [tilespmem:s2], [sflag:$0x4], $0xC000, $0x38;
	[tilespmem:$0x1B880] =	vst v63  }
0x547: {  	_ =	swait.ge [sflag:s8], $0xC000  }
0x548: {  	[sflag:s8] =	ssyncset.done $0x0  }
0x549: {  	[sflag:s8] =	ssyncadd.s32 $0xFFFF4000  }
0x54a: {  	[tilespmem:s2], [sflag:$0x1] =	stream.linear.gather [hbm4b:s25+s2], $0xC000, $0x38;
	[tilespmem:$0x1B880] =	vst v63  }
0x54b: {  	_ =	swait.ge [sflag:s15], $0xC000  }
0x54c: {  	[sflag:s15] =	ssyncset.done $0x0  }
0x54d: {  	[sflag:s15] =	ssyncadd.s32 $0xFFFF4000  }
0x54e: {  	[hbm4b:s24+s2] =	stream.linear.scatter [tilespmem:s10], [sflag:$0x5], $0xC000, $0x38;
	[tilespmem:$0x1B880] =	vst v63  }
0x54f: {  	_ =	swait.ge [sflag:s5], $0xC000  }
0x550: {  	[sflag:s5] =	ssyncset.done $0x0  }
0x551: {  	[sflag:s5] =	ssyncadd.s32 $0xFFFF4000  }
0x552: {  	[tilespmem:s10], [sflag:$0x2] =	stream.linear.gather [hbm4b:s23+s2], $0xC000, $0x38;
	[tilespmem:$0x1B880] =	vst v63  }
0x553: {  	_ =	swait.ge [sflag:s18], $0xC000  }
0x554: {  	[sflag:s18] =	ssyncset.done $0x0  }
0x555: {  	[sflag:s18] =	ssyncadd.s32 $0xFFFF4000  }
0x556: {  	[hbm4b:s22+s2] =	stream.linear.scatter [tilespmem:s2], [sflag:$0x4], $0xC000, $0x38;
	[tilespmem:$0x1B880] =	vst v63  }
0x557: {  	_ =	swait.ge [sflag:s8], $0xC000  }
0x558: {  	[sflag:s8] =	ssyncset.done $0x0  }
0x559: {  	[sflag:s8] =	ssyncadd.s32 $0xFFFF4000  }
0x55a: {  	[tilespmem:s2], [sflag:$0x1] =	stream.linear.gather [hbm4b:s21+s2], $0xC000, $0x38;
	[tilespmem:$0x1B880] =	vst v63  }
0x55b: {  	_ =	swait.ge [sflag:s15], $0xC000  }
0x55c: {  	[sflag:s15] =	ssyncset.done $0x0  }
0x55d: {  	[sflag:s15] =	ssyncadd.s32 $0xFFFF4000  }
0x55e: {  	[hbm4b:s20+s2] =	stream.linear.scatter [tilespmem:s10], [sflag:$0x5], $0xC000, $0x38;
	[tilespmem:$0x1B880] =	vst v63  }
0x55f: {  	_ =	swait.ge [sflag:s5], $0xC000  }
0x560: {  	[sflag:s5] =	ssyncset.done $0x0  }
0x561: {  	[sflag:s5] =	ssyncadd.s32 $0xFFFF4000  }
0x562: {  	[tilespmem:s10], [sflag:$0x2] =	stream.linear.gather [hbm4b:s19+s2], $0xC000, $0x38;
	[tilespmem:$0x1B880] =	vst v63  }
0x563: {  	_ =	swait.ge [sflag:s18], $0xC000  }
0x564: {  	[sflag:s18] =	ssyncset.done $0x0  }
0x565: {  	[sflag:s18] =	ssyncadd.s32 $0xFFFF4000  }
0x566: {  	[hbm4b:s17+s2] =	stream.linear.scatter [tilespmem:s2], [sflag:$0x4], $0xC000, $0x38;
	[tilespmem:$0x1B880] =	vst v63  }
0x567: {  	_ =	swait.ge [sflag:s8], $0xC000  }
0x568: {  	[sflag:s8] =	ssyncset.done $0x0  }
0x569: {  	[sflag:s8] =	ssyncadd.s32 $0xFFFF4000  }
0x56a: {  	[tilespmem:s2], [sflag:$0x1] =	stream.linear.gather [hbm4b:s16+s2], $0xC000, $0x38;
	[tilespmem:$0x1B880] =	vst v63  }
0x56b: {  	_ =	swait.ge [sflag:s15], $0xC000  }
0x56c: {  	[sflag:s15] =	ssyncset.done $0x0  }
0x56d: {  	[sflag:s15] =	ssyncadd.s32 $0xFFFF4000  }
0x56e: {  	[hbm4b:s13+s2] =	stream.linear.scatter [tilespmem:s10], [sflag:$0x5], $0xC000, $0x38;
	[tilespmem:$0x1B880] =	vst v63  }
0x56f: {  	_ =	swait.ge [sflag:s5], $0xC000  }
0x570: {  	[sflag:s5] =	ssyncset.done $0x0  }
0x571: {  	[sflag:s5] =	ssyncadd.s32 $0xFFFF4000  }
0x572: {  	[tilespmem:s10], [sflag:$0x2] =	stream.linear.gather [hbm4b:s11+s2], $0xC000, $0x38;
	[tilespmem:$0x1B880] =	vst v63  }
0x573: {  	_ =	swait.ge [sflag:s18], $0xC000  }
0x574: {  	[sflag:s18] =	ssyncset.done $0x0  }
0x575: {  	[sflag:s18] =	ssyncadd.s32 $0xFFFF4000  }
0x576: {  	[hbm4b:s9+s2] =	stream.linear.scatter [tilespmem:s2], [sflag:$0x4], $0xC000, $0x38;
	[tilespmem:$0x1B880] =	vst v63  }
0x577: {  	_ =	swait.ge [sflag:s6], $0x3800  }
0x578: {  	[sflag:s6] =	ssyncset.done $0x0  }
0x579: {  	[sflag:s6] =	ssyncadd.s32 $0xFFFFC800  }
0x57a: {  	[tilespmem:s12], [sflag:$0x3] =	stream.linear.gather [hbm4b:s7+s2], $0x3800, $0x38;
	[tilespmem:$0x1B880] =	vst v63  }
0x57b: {  	_ =	swait.ge [sflag:s15], $0xC000  }
0x57c: {  	[sflag:s15] =	ssyncset.done $0x0  }
0x57d: {  	[sflag:s15] =	ssyncadd.s32 $0xFFFF4000  }
0x57e: {  	[hbm4b:s4+s2] =	stream.linear.scatter [tilespmem:s10], [sflag:$0x5], $0xC000, $0x38;
	[tilespmem:$0x1B880] =	vst v63  }
0x57f: {  	_ =	swait.ge [sflag:s14], $0x3800  }
0x580: {  	[sflag:s14] =	ssyncset.done $0x0  }
0x581: {  	[sflag:s14] =	ssyncadd.s32 $0xFFFFC800  }
0x582: {  	[hbm4b:s3+s2] =	stream.linear.scatter [tilespmem:s12], [sflag:$0x6], $0x3800, $0x38;
	[tilespmem:$0x1B880] =	vst v63  }
0x583: {  	_ =	swait.ge [sflag:s8], $0xC000  }
0x584: {  	[sflag:s8] =	ssyncset.done $0x0  }
0x585: {  	p1 =	sne.s32 s1, $0x1;
	[sflag:s8] =	ssyncadd.s32 $0xFFFF4000  }
.Ltmp2:
0x586: {  	_ =	swait.ge [sflag:s5], $0xC000;
	(pc) =	sbr.rel @p1 .LBB2_3-.Ltmp2, $4  }
0x587: {  	[sflag:s5] =	ssyncset.done $0x0  }
0x588: {  	[sflag:s5] =	ssyncadd.s32 $0xFFFF4000  }
0x589: {  	_ =	swait.ge [sflag:s6], $0x3800  }
0x58a: {  	s1 =	sadd.s32 $0xFFFFFFFF, s1;
	s0 =	rddreg [dreg:$0x3];
	[sflag:s6] =	ssyncset.done $0x0  }
0x58b: {  	s31 =	stileid.u32;
	s1 =	simm.s32 $0x1B800  }
.LBB2_5:
0x58c: {  	[sflag:s6] =	ssyncadd.s32 @p0 $0xFFFFC800  }
0x58d: {  	[tilespmem:s1], [sflag:$0x7] =	stream.linear.gather [hbm4b:s0+s2], $0x20, $0x38;
	[tilespmem:$0x1B880] =	vst v63  }
0x58e: {  	_ =	swait.ge [sflag:s30], $0x20  }
0x58f: {  	[sflag:s30] =	ssyncset.done $0x0  }
0x590: {  	s1 =	rddreg [dreg:$0x4];
	[sflag:s30] =	ssyncadd.s32 $0xFFFFFFE0  }
0x591: {  	[tilespmem:s2], [sflag:$0x1] =	stream.linear.gather [hbm4b:s1+s2], $0xC000, $0x38;
	[tilespmem:$0x1B880] =	vst v63  }
0x592: {  	s30 =	rddreg [dreg:$0x5]  }
0x593: {  	[tilespmem:s10], [sflag:$0x2] =	stream.linear.gather [hbm4b:s30+s2], $0xC000, $0x38;
	[tilespmem:$0x1B880] =	vst v63  }
0x594: {  	_ =	swait.ge [sflag:s18], $0xC000  }
0x595: {  	[sflag:s18] =	ssyncset.done $0x0  }
0x596: {  	s1 =	rddreg [dreg:$0x6];
	[sflag:s18] =	ssyncadd.s32 $0xFFFF4000  }
0x597: {  	[hbm4b:s1+s2] =	stream.linear.scatter [tilespmem:s2], [sflag:$0x4], $0xC000, $0x38;
	[tilespmem:$0x1B880] =	vst v63  }
0x598: {  	_ =	swait.ge [sflag:s8], $0xC000  }
0x599: {  	[sflag:s8] =	ssyncset.done $0x0  }
0x59a: {  	s30 =	rddreg [dreg:$0x7];
	[sflag:s8] =	ssyncadd.s32 $0xFFFF4000  }
0x59b: {  	[tilespmem:s2], [sflag:$0x1] =	stream.linear.gather [hbm4b:s30+s2], $0xC000, $0x38;
	[tilespmem:$0x1B880] =	vst v63  }
0x59c: {  	_ =	swait.ge [sflag:s15], $0xC000  }
0x59d: {  	[sflag:s15] =	ssyncset.done $0x0  }
0x59e: {  	s1 =	rddreg [dreg:$0x8];
	[sflag:s15] =	ssyncadd.s32 $0xFFFF4000  }
0x59f: {  	[hbm4b:s1+s2] =	stream.linear.scatter [tilespmem:s10], [sflag:$0x5], $0xC000, $0x38;
	[tilespmem:$0x1B880] =	vst v63  }
0x5a0: {  	_ =	swait.ge [sflag:s5], $0xC000  }
0x5a1: {  	[sflag:s5] =	ssyncset.done $0x0  }
0x5a2: {  	s30 =	rddreg [dreg:$0x9];
	[sflag:s5] =	ssyncadd.s32 $0xFFFF4000  }
0x5a3: {  	[tilespmem:s10], [sflag:$0x2] =	stream.linear.gather [hbm4b:s30+s2], $0xC000, $0x38;
	[tilespmem:$0x1B880] =	vst v63  }
0x5a4: {  	_ =	swait.ge [sflag:s18], $0xC000  }
0x5a5: {  	[sflag:s18] =	ssyncset.done $0x0  }
0x5a6: {  	s1 =	rddreg [dreg:$0xa];
	[sflag:s18] =	ssyncadd.s32 $0xFFFF4000  }
0x5a7: {  	[hbm4b:s1+s2] =	stream.linear.scatter [tilespmem:s2], [sflag:$0x4], $0xC000, $0x38;
	[tilespmem:$0x1B880] =	vst v63  }
0x5a8: {  	_ =	swait.ge [sflag:s8], $0xC000  }
0x5a9: {  	[sflag:s8] =	ssyncset.done $0x0  }
0x5aa: {  	s30 =	rddreg [dreg:$0xb];
	[sflag:s8] =	ssyncadd.s32 $0xFFFF4000  }
0x5ab: {  	[tilespmem:s2], [sflag:$0x1] =	stream.linear.gather [hbm4b:s30+s2], $0xC000, $0x38;
	[tilespmem:$0x1B880] =	vst v63  }
0x5ac: {  	_ =	swait.ge [sflag:s15], $0xC000  }
0x5ad: {  	s1 =	rddreg [dreg:$0xc];
	[sflag:s15] =	ssyncset.done $0x0  }
0x5ae: {  	[sflag:s15] =	ssyncadd.s32 $0xFFFF4000  }
0x5af: {  	[hbm4b:s1+s2] =	stream.linear.scatter [tilespmem:s10], [sflag:$0x5], $0xC000, $0x38;
	[tilespmem:$0x1B880] =	vst v63  }
0x5b0: {  	_ =	swait.ge [sflag:s5], $0xC000  }
0x5b1: {  	[sflag:s5] =	ssyncset.done $0x0  }
0x5b2: {  	s30 =	rddreg [dreg:$0xd];
	[sflag:s5] =	ssyncadd.s32 $0xFFFF4000  }
0x5b3: {  	[tilespmem:s10], [sflag:$0x2] =	stream.linear.gather [hbm4b:s30+s2], $0xC000, $0x38;
	[tilespmem:$0x1B880] =	vst v63  }
0x5b4: {  	_ =	swait.ge [sflag:s18], $0xC000  }
0x5b5: {  	[sflag:s18] =	ssyncset.done $0x0  }
0x5b6: {  	s1 =	rddreg [dreg:$0xe];
	[sflag:s18] =	ssyncadd.s32 $0xFFFF4000  }
0x5b7: {  	[hbm4b:s1+s2] =	stream.linear.scatter [tilespmem:s2], [sflag:$0x4], $0xC000, $0x38;
	[tilespmem:$0x1B880] =	vst v63  }
0x5b8: {  	_ =	swait.ge [sflag:s8], $0xC000  }
0x5b9: {  	[sflag:s8] =	ssyncset.done $0x0  }
0x5ba: {  	s30 =	rddreg [dreg:$0xf];
	[sflag:s8] =	ssyncadd.s32 $0xFFFF4000  }
0x5bb: {  	[tilespmem:s2], [sflag:$0x1] =	stream.linear.gather [hbm4b:s30+s2], $0xC000, $0x38;
	[tilespmem:$0x1B880] =	vst v63  }
0x5bc: {  	_ =	swait.ge [sflag:s15], $0xC000  }
0x5bd: {  	[sflag:s15] =	ssyncset.done $0x0  }
0x5be: {  	s1 =	rddreg [dreg:$0x10];
	[sflag:s15] =	ssyncadd.s32 $0xFFFF4000  }
0x5bf: {  	[hbm4b:s1+s2] =	stream.linear.scatter [tilespmem:s10], [sflag:$0x5], $0xC000, $0x38;
	[tilespmem:$0x1B880] =	vst v63  }
0x5c0: {  	_ =	swait.ge [sflag:s5], $0xC000  }
0x5c1: {  	[sflag:s5] =	ssyncset.done $0x0  }
0x5c2: {  	s30 =	rddreg [dreg:$0x11];
	[sflag:s5] =	ssyncadd.s32 $0xFFFF4000  }
0x5c3: {  	[tilespmem:s10], [sflag:$0x2] =	stream.linear.gather [hbm4b:s30+s2], $0xC000, $0x38;
	[tilespmem:$0x1B880] =	vst v63  }
0x5c4: {  	_ =	swait.ge [sflag:s18], $0xC000  }
0x5c5: {  	[sflag:s18] =	ssyncset.done $0x0  }
0x5c6: {  	s1 =	rddreg [dreg:$0x12];
	[sflag:s18] =	ssyncadd.s32 $0xFFFF4000  }
0x5c7: {  	[hbm4b:s1+s2] =	stream.linear.scatter [tilespmem:s2], [sflag:$0x4], $0xC000, $0x38;
	[tilespmem:$0x1B880] =	vst v63  }
0x5c8: {  	_ =	swait.ge [sflag:s8], $0xC000  }
0x5c9: {  	[sflag:s8] =	ssyncset.done $0x0  }
0x5ca: {  	s30 =	rddreg [dreg:$0x13];
	[sflag:s8] =	ssyncadd.s32 $0xFFFF4000  }
0x5cb: {  	[tilespmem:s2], [sflag:$0x1] =	stream.linear.gather [hbm4b:s30+s2], $0xC000, $0x38;
	[tilespmem:$0x1B880] =	vst v63  }
0x5cc: {  	_ =	swait.ge [sflag:s15], $0xC000  }
0x5cd: {  	[sflag:s15] =	ssyncset.done $0x0  }
0x5ce: {  	s1 =	rddreg [dreg:$0x14];
	[sflag:s15] =	ssyncadd.s32 $0xFFFF4000  }
0x5cf: {  	[hbm4b:s1+s2] =	stream.linear.scatter [tilespmem:s10], [sflag:$0x5], $0xC000, $0x38;
	[tilespmem:$0x1B880] =	vst v63  }
0x5d0: {  	_ =	swait.ge [sflag:s5], $0xC000  }
0x5d1: {  	[sflag:s5] =	ssyncset.done $0x0  }
0x5d2: {  	s30 =	rddreg [dreg:$0x15];
	[sflag:s5] =	ssyncadd.s32 $0xFFFF4000  }
0x5d3: {  	[tilespmem:s10], [sflag:$0x2] =	stream.linear.gather [hbm4b:s30+s2], $0xC000, $0x38;
	[tilespmem:$0x1B880] =	vst v63  }
0x5d4: {  	_ =	swait.ge [sflag:s18], $0xC000  }
0x5d5: {  	[sflag:s18] =	ssyncset.done $0x0  }
0x5d6: {  	s1 =	rddreg [dreg:$0x16];
	[sflag:s18] =	ssyncadd.s32 $0xFFFF4000  }
0x5d7: {  	[hbm4b:s1+s2] =	stream.linear.scatter [tilespmem:s2], [sflag:$0x4], $0xC000, $0x38;
	[tilespmem:$0x1B880] =	vst v63  }
0x5d8: {  	_ =	swait.ge [sflag:s8], $0xC000  }
0x5d9: {  	[sflag:s8] =	ssyncset.done $0x0  }
0x5da: {  	s30 =	rddreg [dreg:$0x17];
	[sflag:s8] =	ssyncadd.s32 $0xFFFF4000  }
0x5db: {  	[tilespmem:s2], [sflag:$0x1] =	stream.linear.gather [hbm4b:s30+s2], $0xC000, $0x38;
	[tilespmem:$0x1B880] =	vst v63  }
0x5dc: {  	_ =	swait.ge [sflag:s15], $0xC000  }
0x5dd: {  	[sflag:s15] =	ssyncset.done $0x0  }
0x5de: {  	s1 =	rddreg [dreg:$0x18];
	[sflag:s15] =	ssyncadd.s32 $0xFFFF4000  }
0x5df: {  	[hbm4b:s1+s2] =	stream.linear.scatter [tilespmem:s10], [sflag:$0x5], $0xC000, $0x38;
	[tilespmem:$0x1B880] =	vst v63  }
0x5e0: {  	_ =	swait.ge [sflag:s5], $0xC000  }
0x5e1: {  	[sflag:s5] =	ssyncset.done $0x0  }
0x5e2: {  	s30 =	rddreg [dreg:$0x19];
	[sflag:s5] =	ssyncadd.s32 $0xFFFF4000  }
0x5e3: {  	[tilespmem:s10], [sflag:$0x2] =	stream.linear.gather [hbm4b:s30+s2], $0xC000, $0x38;
	[tilespmem:$0x1B880] =	vst v63  }
0x5e4: {  	_ =	swait.ge [sflag:s18], $0xC000  }
0x5e5: {  	[sflag:s18] =	ssyncset.done $0x0  }
0x5e6: {  	s1 =	rddreg [dreg:$0x1a];
	[sflag:s18] =	ssyncadd.s32 $0xFFFF4000  }
0x5e7: {  	[hbm4b:s1+s2] =	stream.linear.scatter [tilespmem:s2], [sflag:$0x4], $0xC000, $0x38;
	[tilespmem:$0x1B880] =	vst v63  }
0x5e8: {  	_ =	swait.ge [sflag:s8], $0xC000  }
0x5e9: {  	[sflag:s8] =	ssyncset.done $0x0  }
0x5ea: {  	s30 =	rddreg [dreg:$0x1b];
	[sflag:s8] =	ssyncadd.s32 $0xFFFF4000  }
0x5eb: {  	[tilespmem:s2], [sflag:$0x1] =	stream.linear.gather [hbm4b:s30+s2], $0xC000, $0x38;
	[tilespmem:$0x1B880] =	vst v63  }
0x5ec: {  	_ =	swait.ge [sflag:s15], $0xC000  }
0x5ed: {  	[sflag:s15] =	ssyncset.done $0x0  }
0x5ee: {  	s1 =	rddreg [dreg:$0x1c];
	[sflag:s15] =	ssyncadd.s32 $0xFFFF4000  }
0x5ef: {  	[hbm4b:s1+s2] =	stream.linear.scatter [tilespmem:s10], [sflag:$0x5], $0xC000, $0x38;
	[tilespmem:$0x1B880] =	vst v63  }
0x5f0: {  	_ =	swait.ge [sflag:s5], $0xC000  }
0x5f1: {  	[sflag:s5] =	ssyncset.done $0x0  }
0x5f2: {  	s30 =	rddreg [dreg:$0x1d];
	[sflag:s5] =	ssyncadd.s32 $0xFFFF4000  }
0x5f3: {  	[tilespmem:s10], [sflag:$0x2] =	stream.linear.gather [hbm4b:s30+s2], $0xC000, $0x38;
	[tilespmem:$0x1B880] =	vst v63  }
0x5f4: {  	_ =	swait.ge [sflag:s18], $0xC000  }
0x5f5: {  	[sflag:s18] =	ssyncset.done $0x0  }
0x5f6: {  	s1 =	rddreg [dreg:$0x1e];
	[sflag:s18] =	ssyncadd.s32 $0xFFFF4000  }
0x5f7: {  	[hbm4b:s1+s2] =	stream.linear.scatter [tilespmem:s2], [sflag:$0x4], $0xC000, $0x38;
	[tilespmem:$0x1B880] =	vst v63  }
0x5f8: {  	_ =	swait.ge [sflag:s8], $0xC000  }
0x5f9: {  	[sflag:s8] =	ssyncset.done $0x0  }
0x5fa: {  	s30 =	rddreg [dreg:$0x1f];
	[sflag:s8] =	ssyncadd.s32 $0xFFFF4000  }
0x5fb: {  	[tilespmem:s2], [sflag:$0x1] =	stream.linear.gather [hbm4b:s30+s2], $0xC000, $0x38;
	[tilespmem:$0x1B880] =	vst v63  }
0x5fc: {  	_ =	swait.ge [sflag:s15], $0xC000  }
0x5fd: {  	s1 =	sld [smem:$0x7A3]  }
0x5fe: {  	[sflag:s15] =	ssyncset.done $0x0  }
0x5ff: {  	[sflag:s15] =	ssyncadd.s32 $0xFFFF4000  }
0x600: {  	[hbm4b:s1+s2] =	stream.linear.scatter [tilespmem:s10], [sflag:$0x5], $0xC000, $0x38;
	[tilespmem:$0x1B880] =	vst v63  }
0x601: {  	_ =	swait.ge [sflag:s5], $0xC000  }
0x602: {  	s30 =	sld [smem:$0x7A4]  }
0x603: {  	[sflag:s5] =	ssyncset.done $0x0  }
0x604: {  	[sflag:s5] =	ssyncadd.s32 $0xFFFF4000  }
0x605: {  	[tilespmem:s10], [sflag:$0x2] =	stream.linear.gather [hbm4b:s30+s2], $0xC000, $0x38;
	[tilespmem:$0x1B880] =	vst v63  }
0x606: {  	_ =	swait.ge [sflag:s18], $0xC000  }
0x607: {  	s1 =	sld [smem:$0x7A5]  }
0x608: {  	[sflag:s18] =	ssyncset.done $0x0  }
0x609: {  	s30 =	sld [smem:$0x7A6];
	[sflag:s18] =	ssyncadd.s32 $0xFFFF4000  }
0x60a: {  	[hbm4b:s1+s2] =	stream.linear.scatter [tilespmem:s2], [sflag:$0x4], $0xC000, $0x38;
	[tilespmem:$0x1B880] =	vst v63  }
0x60b: {  	_ = 	snop  }
0x60c: {  	[tilespmem:s12], [sflag:$0x3] =	stream.linear.gather [hbm4b:s30+s2], $0x3800, $0x38;
	[tilespmem:$0x1B880] =	vst v63  }
0x60d: {  	_ =	swait.ge [sflag:s15], $0xC000  }
0x60e: {  	s1 =	sld [smem:$0x7A7]  }
0x60f: {  	[sflag:s15] =	ssyncset.done $0x0  }
0x610: {  	[sflag:s15] =	ssyncadd.s32 $0xFFFF4000  }
0x611: {  	[hbm4b:s1+s2] =	stream.linear.scatter [tilespmem:s10], [sflag:$0x5], $0xC000, $0x38;
	[tilespmem:$0x1B880] =	vst v63  }
0x612: {  	_ =	swait.ge [sflag:s8], $0xC000  }
0x613: {  	s30 =	sld [smem:$0x7A8]  }
0x614: {  	[sflag:s8] =	ssyncset.done $0x0  }
0x615: {  	[sflag:s8] =	ssyncadd.s32 $0xFFFF4000  }
0x616: {  	[tilespmem:s2], [sflag:$0x1] =	stream.linear.gather [hbm4b:s30+s2], $0xC000, $0x38;
	[tilespmem:$0x1B880] =	vst v63  }
0x617: {  	_ =	swait.ge [sflag:s14], $0x3800  }
0x618: {  	s1 =	sld [smem:$0x7A9]  }
0x619: {  	[sflag:s14] =	ssyncset.done $0x0  }
0x61a: {  	[sflag:s14] =	ssyncadd.s32 $0xFFFFC800  }
0x61b: {  	[hbm4b:s1+s2] =	stream.linear.scatter [tilespmem:s12], [sflag:$0x6], $0x3800, $0x38;
	[tilespmem:$0x1B880] =	vst v63  }
0x61c: {  	_ =	swait.ge [sflag:s5], $0xC000  }
0x61d: {  	s30 =	sld [smem:$0x7AA]  }
0x61e: {  	[sflag:s5] =	ssyncset.done $0x0  }
0x61f: {  	[sflag:s5] =	ssyncadd.s32 $0xFFFF4000  }
0x620: {  	[tilespmem:s10], [sflag:$0x2] =	stream.linear.gather [hbm4b:s30+s2], $0xC000, $0x38;
	[tilespmem:$0x1B880] =	vst v63  }
0x621: {  	_ =	swait.ge [sflag:s18], $0xC000  }
0x622: {  	s1 =	sld [smem:$0x7AB]  }
0x623: {  	[sflag:s18] =	ssyncset.done $0x0  }
0x624: {  	[sflag:s18] =	ssyncadd.s32 $0xFFFF4000  }
0x625: {  	[hbm4b:s1+s2] =	stream.linear.scatter [tilespmem:s2], [sflag:$0x4], $0xC000, $0x38;
	[tilespmem:$0x1B880] =	vst v63  }
0x626: {  	_ =	swait.ge [sflag:s8], $0xC000  }
0x627: {  	s30 =	sld [smem:$0x7AC]  }
0x628: {  	[sflag:s8] =	ssyncset.done $0x0  }
0x629: {  	[sflag:s8] =	ssyncadd.s32 $0xFFFF4000  }
0x62a: {  	[tilespmem:s2], [sflag:$0x1] =	stream.linear.gather [hbm4b:s30+s2], $0xC000, $0x38;
	[tilespmem:$0x1B880] =	vst v63  }
0x62b: {  	_ =	swait.ge [sflag:s15], $0xC000  }
0x62c: {  	s1 =	sld [smem:$0x7AD]  }
0x62d: {  	[sflag:s15] =	ssyncset.done $0x0  }
0x62e: {  	[sflag:s15] =	ssyncadd.s32 $0xFFFF4000  }
0x62f: {  	[hbm4b:s1+s2] =	stream.linear.scatter [tilespmem:s10], [sflag:$0x5], $0xC000, $0x38;
	[tilespmem:$0x1B880] =	vst v63  }
0x630: {  	_ =	swait.ge [sflag:s5], $0xC000  }
0x631: {  	s30 =	sld [smem:$0x7AE]  }
0x632: {  	[sflag:s5] =	ssyncset.done $0x0  }
0x633: {  	[sflag:s5] =	ssyncadd.s32 $0xFFFF4000  }
0x634: {  	[tilespmem:s10], [sflag:$0x2] =	stream.linear.gather [hbm4b:s30+s2], $0xC000, $0x38;
	[tilespmem:$0x1B880] =	vst v63  }
0x635: {  	_ =	swait.ge [sflag:s18], $0xC000  }
0x636: {  	s1 =	sld [smem:$0x7AF]  }
0x637: {  	[sflag:s18] =	ssyncset.done $0x0  }
0x638: {  	[sflag:s18] =	ssyncadd.s32 $0xFFFF4000  }
0x639: {  	[hbm4b:s1+s2] =	stream.linear.scatter [tilespmem:s2], [sflag:$0x4], $0xC000, $0x38;
	[tilespmem:$0x1B880] =	vst v63  }
0x63a: {  	_ =	swait.ge [sflag:s8], $0xC000  }
0x63b: {  	s30 =	sld [smem:$0x7B0]  }
0x63c: {  	[sflag:s8] =	ssyncset.done $0x0  }
0x63d: {  	[sflag:s8] =	ssyncadd.s32 $0xFFFF4000  }
0x63e: {  	[tilespmem:s2], [sflag:$0x1] =	stream.linear.gather [hbm4b:s30+s2], $0xC000, $0x38;
	[tilespmem:$0x1B880] =	vst v63  }
0x63f: {  	_ =	swait.ge [sflag:s15], $0xC000  }
0x640: {  	s1 =	sld [smem:$0x7B1]  }
0x641: {  	[sflag:s15] =	ssyncset.done $0x0  }
0x642: {  	[sflag:s15] =	ssyncadd.s32 $0xFFFF4000  }
0x643: {  	[hbm4b:s1+s2] =	stream.linear.scatter [tilespmem:s10], [sflag:$0x5], $0xC000, $0x38;
	[tilespmem:$0x1B880] =	vst v63  }
0x644: {  	_ =	swait.ge [sflag:s5], $0xC000  }
0x645: {  	s30 =	sld [smem:$0x7B2]  }
0x646: {  	[sflag:s5] =	ssyncset.done $0x0  }
0x647: {  	[sflag:s5] =	ssyncadd.s32 $0xFFFF4000  }
0x648: {  	[tilespmem:s10], [sflag:$0x2] =	stream.linear.gather [hbm4b:s30+s2], $0xC000, $0x38;
	[tilespmem:$0x1B880] =	vst v63  }
0x649: {  	_ =	swait.ge [sflag:s18], $0xC000  }
0x64a: {  	s1 =	sld [smem:$0x7B3]  }
0x64b: {  	[sflag:s18] =	ssyncset.done $0x0  }
0x64c: {  	[sflag:s18] =	ssyncadd.s32 $0xFFFF4000  }
0x64d: {  	[hbm4b:s1+s2] =	stream.linear.scatter [tilespmem:s2], [sflag:$0x4], $0xC000, $0x38;
	[tilespmem:$0x1B880] =	vst v63  }
0x64e: {  	_ =	swait.ge [sflag:s8], $0xC000  }
0x64f: {  	s30 =	sld [smem:$0x7B4]  }
0x650: {  	[sflag:s8] =	ssyncset.done $0x0  }
0x651: {  	[sflag:s8] =	ssyncadd.s32 $0xFFFF4000  }
0x652: {  	[tilespmem:s2], [sflag:$0x1] =	stream.linear.gather [hbm4b:s30+s2], $0xC000, $0x38;
	[tilespmem:$0x1B880] =	vst v63  }
0x653: {  	_ =	swait.ge [sflag:s15], $0xC000  }
0x654: {  	s1 =	sld [smem:$0x7B5]  }
0x655: {  	[sflag:s15] =	ssyncset.done $0x0  }
0x656: {  	[sflag:s15] =	ssyncadd.s32 $0xFFFF4000  }
0x657: {  	[hbm4b:s1+s2] =	stream.linear.scatter [tilespmem:s10], [sflag:$0x5], $0xC000, $0x38;
	[tilespmem:$0x1B880] =	vst v63  }
0x658: {  	_ =	swait.ge [sflag:s5], $0xC000  }
0x659: {  	s30 =	sld [smem:$0x7B6]  }
0x65a: {  	[sflag:s5] =	ssyncset.done $0x0  }
0x65b: {  	[sflag:s5] =	ssyncadd.s32 $0xFFFF4000  }
0x65c: {  	[tilespmem:s10], [sflag:$0x2] =	stream.linear.gather [hbm4b:s30+s2], $0xC000, $0x38;
	[tilespmem:$0x1B880] =	vst v63  }
0x65d: {  	_ =	swait.ge [sflag:s18], $0xC000  }
0x65e: {  	s1 =	sld [smem:$0x7B7]  }
0x65f: {  	[sflag:s18] =	ssyncset.done $0x0  }
0x660: {  	[sflag:s18] =	ssyncadd.s32 $0xFFFF4000  }
0x661: {  	[hbm4b:s1+s2] =	stream.linear.scatter [tilespmem:s2], [sflag:$0x4], $0xC000, $0x38;
	[tilespmem:$0x1B880] =	vst v63  }
0x662: {  	_ =	swait.ge [sflag:s8], $0xC000  }
0x663: {  	s30 =	sld [smem:$0x7B8]  }
0x664: {  	[sflag:s8] =	ssyncset.done $0x0  }
0x665: {  	[sflag:s8] =	ssyncadd.s32 $0xFFFF4000  }
0x666: {  	[tilespmem:s2], [sflag:$0x1] =	stream.linear.gather [hbm4b:s30+s2], $0xC000, $0x38;
	[tilespmem:$0x1B880] =	vst v63  }
0x667: {  	_ =	swait.ge [sflag:s15], $0xC000  }
0x668: {  	s1 =	sld [smem:$0x7B9]  }
0x669: {  	[sflag:s15] =	ssyncset.done $0x0  }
0x66a: {  	[sflag:s15] =	ssyncadd.s32 $0xFFFF4000  }
0x66b: {  	[hbm4b:s1+s2] =	stream.linear.scatter [tilespmem:s10], [sflag:$0x5], $0xC000, $0x38;
	[tilespmem:$0x1B880] =	vst v63  }
0x66c: {  	_ =	swait.ge [sflag:s5], $0xC000  }
0x66d: {  	s30 =	sld [smem:$0x7BA]  }
0x66e: {  	[sflag:s5] =	ssyncset.done $0x0  }
0x66f: {  	[sflag:s5] =	ssyncadd.s32 $0xFFFF4000  }
0x670: {  	[tilespmem:s10], [sflag:$0x2] =	stream.linear.gather [hbm4b:s30+s2], $0xC000, $0x38;
	[tilespmem:$0x1B880] =	vst v63  }
0x671: {  	_ =	swait.ge [sflag:s18], $0xC000  }
0x672: {  	s1 =	sld [smem:$0x7BB]  }
0x673: {  	[sflag:s18] =	ssyncset.done $0x0  }
0x674: {  	[sflag:s18] =	ssyncadd.s32 $0xFFFF4000  }
0x675: {  	[hbm4b:s1+s2] =	stream.linear.scatter [tilespmem:s2], [sflag:$0x4], $0xC000, $0x38;
	[tilespmem:$0x1B880] =	vst v63  }
0x676: {  	_ =	swait.ge [sflag:s8], $0xC000  }
0x677: {  	s30 =	sld [smem:$0x7BC]  }
0x678: {  	[sflag:s8] =	ssyncset.done $0x0  }
0x679: {  	[sflag:s8] =	ssyncadd.s32 $0xFFFF4000  }
0x67a: {  	[tilespmem:s2], [sflag:$0x1] =	stream.linear.gather [hbm4b:s30+s2], $0xC000, $0x38;
	[tilespmem:$0x1B880] =	vst v63  }
0x67b: {  	_ =	swait.ge [sflag:s15], $0xC000  }
0x67c: {  	s1 =	sld [smem:$0x7BD]  }
0x67d: {  	[sflag:s15] =	ssyncset.done $0x0  }
0x67e: {  	[sflag:s15] =	ssyncadd.s32 $0xFFFF4000  }
0x67f: {  	[hbm4b:s1+s2] =	stream.linear.scatter [tilespmem:s10], [sflag:$0x5], $0xC000, $0x38;
	[tilespmem:$0x1B880] =	vst v63  }
0x680: {  	_ =	swait.ge [sflag:s5], $0xC000  }
0x681: {  	s30 =	sld [smem:$0x7BE]  }
0x682: {  	[sflag:s5] =	ssyncset.done $0x0  }
0x683: {  	[sflag:s5] =	ssyncadd.s32 $0xFFFF4000  }
0x684: {  	[tilespmem:s10], [sflag:$0x2] =	stream.linear.gather [hbm4b:s30+s2], $0xC000, $0x38;
	[tilespmem:$0x1B880] =	vst v63  }
0x685: {  	_ =	swait.ge [sflag:s18], $0xC000  }
0x686: {  	s1 =	sld [smem:$0x7BF]  }
0x687: {  	[sflag:s18] =	ssyncset.done $0x0  }
0x688: {  	[sflag:s18] =	ssyncadd.s32 $0xFFFF4000  }
0x689: {  	[hbm4b:s1+s2] =	stream.linear.scatter [tilespmem:s2], [sflag:$0x4], $0xC000, $0x38;
	[tilespmem:$0x1B880] =	vst v63  }
0x68a: {  	_ =	swait.ge [sflag:s8], $0xC000  }
0x68b: {  	s30 =	sld [smem:$0x7C0]  }
0x68c: {  	[sflag:s8] =	ssyncset.done $0x0  }
0x68d: {  	[sflag:s8] =	ssyncadd.s32 $0xFFFF4000  }
0x68e: {  	[tilespmem:s2], [sflag:$0x1] =	stream.linear.gather [hbm4b:s30+s2], $0xC000, $0x38;
	[tilespmem:$0x1B880] =	vst v63  }
0x68f: {  	_ =	swait.ge [sflag:s15], $0xC000  }
0x690: {  	s1 =	sld [smem:$0x7C1]  }
0x691: {  	[sflag:s15] =	ssyncset.done $0x0  }
0x692: {  	[sflag:s15] =	ssyncadd.s32 $0xFFFF4000  }
0x693: {  	[hbm4b:s1+s2] =	stream.linear.scatter [tilespmem:s10], [sflag:$0x5], $0xC000, $0x38;
	[tilespmem:$0x1B880] =	vst v63  }
0x694: {  	_ =	swait.ge [sflag:s5], $0xC000  }
0x695: {  	s30 =	sld [smem:$0x7C2]  }
0x696: {  	[sflag:s5] =	ssyncset.done $0x0  }
0x697: {  	[sflag:s5] =	ssyncadd.s32 $0xFFFF4000  }
0x698: {  	[tilespmem:s10], [sflag:$0x2] =	stream.linear.gather [hbm4b:s30+s2], $0xC000, $0x38;
	[tilespmem:$0x1B880] =	vst v63  }
0x699: {  	_ =	swait.ge [sflag:s18], $0xC000  }
0x69a: {  	s1 =	sld [smem:$0x7C3]  }
0x69b: {  	[sflag:s18] =	ssyncset.done $0x0  }
0x69c: {  	[sflag:s18] =	ssyncadd.s32 $0xFFFF4000  }
0x69d: {  	[hbm4b:s1+s2] =	stream.linear.scatter [tilespmem:s2], [sflag:$0x4], $0xC000, $0x38;
	[tilespmem:$0x1B880] =	vst v63  }
0x69e: {  	_ =	swait.ge [sflag:s8], $0xC000  }
0x69f: {  	s30 =	sld [smem:$0x7C4]  }
0x6a0: {  	[sflag:s8] =	ssyncset.done $0x0  }
0x6a1: {  	[sflag:s8] =	ssyncadd.s32 $0xFFFF4000  }
0x6a2: {  	[tilespmem:s2], [sflag:$0x1] =	stream.linear.gather [hbm4b:s30+s2], $0xC000, $0x38;
	[tilespmem:$0x1B880] =	vst v63  }
0x6a3: {  	_ =	swait.ge [sflag:s15], $0xC000  }
0x6a4: {  	s1 =	sld [smem:$0x7C5]  }
0x6a5: {  	[sflag:s15] =	ssyncset.done $0x0  }
0x6a6: {  	[sflag:s15] =	ssyncadd.s32 $0xFFFF4000  }
0x6a7: {  	[hbm4b:s1+s2] =	stream.linear.scatter [tilespmem:s10], [sflag:$0x5], $0xC000, $0x38;
	[tilespmem:$0x1B880] =	vst v63  }
0x6a8: {  	_ =	swait.ge [sflag:s5], $0xC000  }
0x6a9: {  	s30 =	sld [smem:$0x7C6]  }
0x6aa: {  	[sflag:s5] =	ssyncset.done $0x0  }
0x6ab: {  	[sflag:s5] =	ssyncadd.s32 $0xFFFF4000  }
0x6ac: {  	[tilespmem:s10], [sflag:$0x2] =	stream.linear.gather [hbm4b:s30+s2], $0xC000, $0x38;
	[tilespmem:$0x1B880] =	vst v63  }
0x6ad: {  	_ =	swait.ge [sflag:s18], $0xC000  }
0x6ae: {  	s1 =	sld [smem:$0x7C7]  }
0x6af: {  	[sflag:s18] =	ssyncset.done $0x0  }
0x6b0: {  	[sflag:s18] =	ssyncadd.s32 $0xFFFF4000  }
0x6b1: {  	[hbm4b:s1+s2] =	stream.linear.scatter [tilespmem:s2], [sflag:$0x4], $0xC000, $0x38;
	[tilespmem:$0x1B880] =	vst v63  }
0x6b2: {  	_ =	swait.ge [sflag:s6], $0x3800  }
0x6b3: {  	s30 =	sld [smem:$0x7C8]  }
0x6b4: {  	[sflag:s6] =	ssyncset.done $0x0  }
0x6b5: {  	[sflag:s6] =	ssyncadd.s32 $0xFFFFC800  }
0x6b6: {  	[tilespmem:s12], [sflag:$0x3] =	stream.linear.gather [hbm4b:s30+s2], $0x3800, $0x38;
	[tilespmem:$0x1B880] =	vst v63  }
0x6b7: {  	_ =	swait.ge [sflag:s15], $0xC000  }
0x6b8: {  	s1 =	sld [smem:$0x7C9]  }
0x6b9: {  	[sflag:s15] =	ssyncset.done $0x0  }
0x6ba: {  	[sflag:s15] =	ssyncadd.s32 $0xFFFF4000  }
0x6bb: {  	[hbm4b:s1+s2] =	stream.linear.scatter [tilespmem:s10], [sflag:$0x5], $0xC000, $0x38;
	[tilespmem:$0x1B880] =	vst v63  }
0x6bc: {  	_ =	swait.ge [sflag:s8], $0xC000  }
0x6bd: {  	s30 =	sld [smem:$0x7CA]  }
0x6be: {  	[sflag:s8] =	ssyncset.done $0x0  }
0x6bf: {  	[sflag:s8] =	ssyncadd.s32 $0xFFFF4000  }
0x6c0: {  	[tilespmem:s2], [sflag:$0x1] =	stream.linear.gather [hbm4b:s30+s2], $0xC000, $0x38;
	[tilespmem:$0x1B880] =	vst v63  }
0x6c1: {  	_ =	swait.ge [sflag:s14], $0x3800  }
0x6c2: {  	s1 =	sld [smem:$0x7CB]  }
0x6c3: {  	[sflag:s14] =	ssyncset.done $0x0  }
0x6c4: {  	[sflag:s14] =	ssyncadd.s32 $0xFFFFC800  }
0x6c5: {  	[hbm4b:s1+s2] =	stream.linear.scatter [tilespmem:s12], [sflag:$0x6], $0x3800, $0x38;
	[tilespmem:$0x1B880] =	vst v63  }
0x6c6: {  	_ =	swait.ge [sflag:s5], $0xC000  }
0x6c7: {  	s30 =	sld [smem:$0x7CC]  }
0x6c8: {  	[sflag:s5] =	ssyncset.done $0x0  }
0x6c9: {  	[sflag:s5] =	ssyncadd.s32 $0xFFFF4000  }
0x6ca: {  	[tilespmem:s10], [sflag:$0x2] =	stream.linear.gather [hbm4b:s30+s2], $0xC000, $0x38;
	[tilespmem:$0x1B880] =	vst v63  }
0x6cb: {  	_ =	swait.ge [sflag:s18], $0xC000  }
0x6cc: {  	s1 =	sld [smem:$0x7CD]  }
0x6cd: {  	[sflag:s18] =	ssyncset.done $0x0  }
0x6ce: {  	[sflag:s18] =	ssyncadd.s32 $0xFFFF4000  }
0x6cf: {  	[hbm4b:s1+s2] =	stream.linear.scatter [tilespmem:s2], [sflag:$0x4], $0xC000, $0x38;
	[tilespmem:$0x1B880] =	vst v63  }
0x6d0: {  	_ =	swait.ge [sflag:s8], $0xC000  }
0x6d1: {  	s30 =	sld [smem:$0x7CE]  }
0x6d2: {  	[sflag:s8] =	ssyncset.done $0x0  }
0x6d3: {  	[sflag:s8] =	ssyncadd.s32 $0xFFFF4000  }
0x6d4: {  	[tilespmem:s2], [sflag:$0x1] =	stream.linear.gather [hbm4b:s30+s2], $0xC000, $0x38;
	[tilespmem:$0x1B880] =	vst v63  }
0x6d5: {  	_ =	swait.ge [sflag:s15], $0xC000  }
0x6d6: {  	s1 =	sld [smem:$0x7CF]  }
0x6d7: {  	[sflag:s15] =	ssyncset.done $0x0  }
0x6d8: {  	[sflag:s15] =	ssyncadd.s32 $0xFFFF4000  }
0x6d9: {  	[hbm4b:s1+s2] =	stream.linear.scatter [tilespmem:s10], [sflag:$0x5], $0xC000, $0x38;
	[tilespmem:$0x1B880] =	vst v63  }
0x6da: {  	_ =	swait.ge [sflag:s5], $0xC000  }
0x6db: {  	s30 =	sld [smem:$0x7D0]  }
0x6dc: {  	[sflag:s5] =	ssyncset.done $0x0  }
0x6dd: {  	[sflag:s5] =	ssyncadd.s32 $0xFFFF4000  }
0x6de: {  	[tilespmem:s10], [sflag:$0x2] =	stream.linear.gather [hbm4b:s30+s2], $0xC000, $0x38;
	[tilespmem:$0x1B880] =	vst v63  }
0x6df: {  	_ =	swait.ge [sflag:s18], $0xC000  }
0x6e0: {  	s1 =	sld [smem:$0x7D1]  }
0x6e1: {  	[sflag:s18] =	ssyncset.done $0x0  }
0x6e2: {  	[sflag:s18] =	ssyncadd.s32 $0xFFFF4000  }
0x6e3: {  	[hbm4b:s1+s2] =	stream.linear.scatter [tilespmem:s2], [sflag:$0x4], $0xC000, $0x38;
	[tilespmem:$0x1B880] =	vst v63  }
0x6e4: {  	_ =	swait.ge [sflag:s8], $0xC000  }
0x6e5: {  	s30 =	sld [smem:$0x7D2]  }
0x6e6: {  	[sflag:s8] =	ssyncset.done $0x0  }
0x6e7: {  	[sflag:s8] =	ssyncadd.s32 $0xFFFF4000  }
0x6e8: {  	[tilespmem:s2], [sflag:$0x1] =	stream.linear.gather [hbm4b:s30+s2], $0xC000, $0x38;
	[tilespmem:$0x1B880] =	vst v63  }
0x6e9: {  	_ =	swait.ge [sflag:s15], $0xC000  }
0x6ea: {  	s1 =	sld [smem:$0x7D3]  }
0x6eb: {  	[sflag:s15] =	ssyncset.done $0x0  }
0x6ec: {  	[sflag:s15] =	ssyncadd.s32 $0xFFFF4000  }
0x6ed: {  	[hbm4b:s1+s2] =	stream.linear.scatter [tilespmem:s10], [sflag:$0x5], $0xC000, $0x38;
	[tilespmem:$0x1B880] =	vst v63  }
0x6ee: {  	_ =	swait.ge [sflag:s5], $0xC000  }
0x6ef: {  	s30 =	sld [smem:$0x7D4]  }
0x6f0: {  	[sflag:s5] =	ssyncset.done $0x0  }
0x6f1: {  	[sflag:s5] =	ssyncadd.s32 $0xFFFF4000  }
0x6f2: {  	[tilespmem:s10], [sflag:$0x2] =	stream.linear.gather [hbm4b:s30+s2], $0xC000, $0x38;
	[tilespmem:$0x1B880] =	vst v63  }
0x6f3: {  	_ =	swait.ge [sflag:s18], $0xC000  }
0x6f4: {  	s1 =	sld [smem:$0x7D5]  }
0x6f5: {  	[sflag:s18] =	ssyncset.done $0x0  }
0x6f6: {  	[sflag:s18] =	ssyncadd.s32 $0xFFFF4000  }
0x6f7: {  	[hbm4b:s1+s2] =	stream.linear.scatter [tilespmem:s2], [sflag:$0x4], $0xC000, $0x38;
	[tilespmem:$0x1B880] =	vst v63  }
0x6f8: {  	_ =	swait.ge [sflag:s8], $0xC000  }
0x6f9: {  	s30 =	sld [smem:$0x7D6]  }
0x6fa: {  	[sflag:s8] =	ssyncset.done $0x0  }
0x6fb: {  	[sflag:s8] =	ssyncadd.s32 $0xFFFF4000  }
0x6fc: {  	[tilespmem:s2], [sflag:$0x1] =	stream.linear.gather [hbm4b:s30+s2], $0xC000, $0x38;
	[tilespmem:$0x1B880] =	vst v63  }
0x6fd: {  	_ =	swait.ge [sflag:s15], $0xC000  }
0x6fe: {  	s1 =	sld [smem:$0x7D7]  }
0x6ff: {  	[sflag:s15] =	ssyncset.done $0x0  }
0x700: {  	[sflag:s15] =	ssyncadd.s32 $0xFFFF4000  }
0x701: {  	[hbm4b:s1+s2] =	stream.linear.scatter [tilespmem:s10], [sflag:$0x5], $0xC000, $0x38;
	[tilespmem:$0x1B880] =	vst v63  }
0x702: {  	_ =	swait.ge [sflag:s5], $0xC000  }
0x703: {  	s30 =	sld [smem:$0x7D8]  }
0x704: {  	[sflag:s5] =	ssyncset.done $0x0  }
0x705: {  	[sflag:s5] =	ssyncadd.s32 $0xFFFF4000  }
0x706: {  	[tilespmem:s10], [sflag:$0x2] =	stream.linear.gather [hbm4b:s30+s2], $0xC000, $0x38;
	[tilespmem:$0x1B880] =	vst v63  }
0x707: {  	_ =	swait.ge [sflag:s18], $0xC000  }
0x708: {  	s1 =	sld [smem:$0x7D9]  }
0x709: {  	[sflag:s18] =	ssyncset.done $0x0  }
0x70a: {  	[sflag:s18] =	ssyncadd.s32 $0xFFFF4000  }
0x70b: {  	[hbm4b:s1+s2] =	stream.linear.scatter [tilespmem:s2], [sflag:$0x4], $0xC000, $0x38;
	[tilespmem:$0x1B880] =	vst v63  }
0x70c: {  	_ =	swait.ge [sflag:s8], $0xC000  }
0x70d: {  	s30 =	sld [smem:$0x7DA]  }
0x70e: {  	[sflag:s8] =	ssyncset.done $0x0  }
0x70f: {  	[sflag:s8] =	ssyncadd.s32 $0xFFFF4000  }
0x710: {  	[tilespmem:s2], [sflag:$0x1] =	stream.linear.gather [hbm4b:s30+s2], $0xC000, $0x38;
	[tilespmem:$0x1B880] =	vst v63  }
0x711: {  	_ =	swait.ge [sflag:s15], $0xC000  }
0x712: {  	s1 =	sld [smem:$0x7DB]  }
0x713: {  	[sflag:s15] =	ssyncset.done $0x0  }
0x714: {  	[sflag:s15] =	ssyncadd.s32 $0xFFFF4000  }
0x715: {  	[hbm4b:s1+s2] =	stream.linear.scatter [tilespmem:s10], [sflag:$0x5], $0xC000, $0x38;
	[tilespmem:$0x1B880] =	vst v63  }
0x716: {  	_ =	swait.ge [sflag:s5], $0xC000  }
0x717: {  	s30 =	sld [smem:$0x7DC]  }
0x718: {  	[sflag:s5] =	ssyncset.done $0x0  }
0x719: {  	[sflag:s5] =	ssyncadd.s32 $0xFFFF4000  }
0x71a: {  	[tilespmem:s10], [sflag:$0x2] =	stream.linear.gather [hbm4b:s30+s2], $0xC000, $0x38;
	[tilespmem:$0x1B880] =	vst v63  }
0x71b: {  	_ =	swait.ge [sflag:s18], $0xC000  }
0x71c: {  	s1 =	sld [smem:$0x7DD]  }
0x71d: {  	[sflag:s18] =	ssyncset.done $0x0  }
0x71e: {  	[sflag:s18] =	ssyncadd.s32 $0xFFFF4000  }
0x71f: {  	[hbm4b:s1+s2] =	stream.linear.scatter [tilespmem:s2], [sflag:$0x4], $0xC000, $0x38;
	[tilespmem:$0x1B880] =	vst v63  }
0x720: {  	_ =	swait.ge [sflag:s8], $0xC000  }
0x721: {  	s30 =	sld [smem:$0x7DE]  }
0x722: {  	[sflag:s8] =	ssyncset.done $0x0  }
0x723: {  	[sflag:s8] =	ssyncadd.s32 $0xFFFF4000  }
0x724: {  	[tilespmem:s2], [sflag:$0x1] =	stream.linear.gather [hbm4b:s30+s2], $0xC000, $0x38;
	[tilespmem:$0x1B880] =	vst v63  }
0x725: {  	_ =	swait.ge [sflag:s15], $0xC000  }
0x726: {  	s1 =	sld [smem:$0x7DF]  }
0x727: {  	[sflag:s15] =	ssyncset.done $0x0  }
0x728: {  	[sflag:s15] =	ssyncadd.s32 $0xFFFF4000  }
0x729: {  	[hbm4b:s1+s2] =	stream.linear.scatter [tilespmem:s10], [sflag:$0x5], $0xC000, $0x38;
	[tilespmem:$0x1B880] =	vst v63  }
0x72a: {  	_ =	swait.ge [sflag:s5], $0xC000  }
0x72b: {  	s30 =	sld [smem:$0x7E0]  }
0x72c: {  	[sflag:s5] =	ssyncset.done $0x0  }
0x72d: {  	[sflag:s5] =	ssyncadd.s32 $0xFFFF4000  }
0x72e: {  	[tilespmem:s10], [sflag:$0x2] =	stream.linear.gather [hbm4b:s30+s2], $0xC000, $0x38;
	[tilespmem:$0x1B880] =	vst v63  }
0x72f: {  	_ =	swait.ge [sflag:s18], $0xC000  }
0x730: {  	s1 =	sld [smem:$0x7E1]  }
0x731: {  	[sflag:s18] =	ssyncset.done $0x0  }
0x732: {  	[sflag:s18] =	ssyncadd.s32 $0xFFFF4000  }
0x733: {  	[hbm4b:s1+s2] =	stream.linear.scatter [tilespmem:s2], [sflag:$0x4], $0xC000, $0x38;
	[tilespmem:$0x1B880] =	vst v63  }
0x734: {  	_ =	swait.ge [sflag:s8], $0xC000  }
0x735: {  	s30 =	sld [smem:$0x7E2]  }
0x736: {  	[sflag:s8] =	ssyncset.done $0x0  }
0x737: {  	[sflag:s8] =	ssyncadd.s32 $0xFFFF4000  }
0x738: {  	[tilespmem:s2], [sflag:$0x1] =	stream.linear.gather [hbm4b:s30+s2], $0xC000, $0x38;
	[tilespmem:$0x1B880] =	vst v63  }
0x739: {  	_ =	swait.ge [sflag:s15], $0xC000  }
0x73a: {  	s1 =	sld [smem:$0x7E3]  }
0x73b: {  	[sflag:s15] =	ssyncset.done $0x0  }
0x73c: {  	[sflag:s15] =	ssyncadd.s32 $0xFFFF4000  }
0x73d: {  	[hbm4b:s1+s2] =	stream.linear.scatter [tilespmem:s10], [sflag:$0x5], $0xC000, $0x38;
	[tilespmem:$0x1B880] =	vst v63  }
0x73e: {  	_ =	swait.ge [sflag:s5], $0xC000  }
0x73f: {  	s30 =	sld [smem:$0x7E4]  }
0x740: {  	[sflag:s5] =	ssyncset.done $0x0  }
0x741: {  	[sflag:s5] =	ssyncadd.s32 $0xFFFF4000  }
0x742: {  	[tilespmem:s10], [sflag:$0x2] =	stream.linear.gather [hbm4b:s30+s2], $0xC000, $0x38;
	[tilespmem:$0x1B880] =	vst v63  }
0x743: {  	_ =	swait.ge [sflag:s18], $0xC000  }
0x744: {  	s1 =	sld [smem:$0x7E5]  }
0x745: {  	[sflag:s18] =	ssyncset.done $0x0  }
0x746: {  	[sflag:s18] =	ssyncadd.s32 $0xFFFF4000  }
0x747: {  	[hbm4b:s1+s2] =	stream.linear.scatter [tilespmem:s2], [sflag:$0x4], $0xC000, $0x38;
	[tilespmem:$0x1B880] =	vst v63  }
0x748: {  	_ =	swait.ge [sflag:s8], $0xC000  }
0x749: {  	s30 =	sld [smem:$0x7E6]  }
0x74a: {  	[sflag:s8] =	ssyncset.done $0x0  }
0x74b: {  	[sflag:s8] =	ssyncadd.s32 $0xFFFF4000  }
0x74c: {  	[tilespmem:s2], [sflag:$0x1] =	stream.linear.gather [hbm4b:s30+s2], $0xC000, $0x38;
	[tilespmem:$0x1B880] =	vst v63  }
0x74d: {  	_ =	swait.ge [sflag:s15], $0xC000  }
0x74e: {  	s1 =	sld [smem:$0x7E7]  }
0x74f: {  	[sflag:s15] =	ssyncset.done $0x0  }
0x750: {  	[sflag:s15] =	ssyncadd.s32 $0xFFFF4000  }
0x751: {  	[hbm4b:s1+s2] =	stream.linear.scatter [tilespmem:s10], [sflag:$0x5], $0xC000, $0x38;
	[tilespmem:$0x1B880] =	vst v63  }
0x752: {  	_ =	swait.ge [sflag:s5], $0xC000  }
0x753: {  	s30 =	sld [smem:$0x7E8]  }
0x754: {  	[sflag:s5] =	ssyncset.done $0x0  }
0x755: {  	[sflag:s5] =	ssyncadd.s32 $0xFFFF4000  }
0x756: {  	[tilespmem:s10], [sflag:$0x2] =	stream.linear.gather [hbm4b:s30+s2], $0xC000, $0x38;
	[tilespmem:$0x1B880] =	vst v63  }
0x757: {  	_ =	swait.ge [sflag:s18], $0xC000  }
0x758: {  	s1 =	sld [smem:$0x7E9]  }
0x759: {  	[sflag:s18] =	ssyncset.done $0x0  }
0x75a: {  	[sflag:s18] =	ssyncadd.s32 $0xFFFF4000  }
0x75b: {  	[hbm4b:s1+s2] =	stream.linear.scatter [tilespmem:s2], [sflag:$0x4], $0xC000, $0x38;
	[tilespmem:$0x1B880] =	vst v63  }
0x75c: {  	_ =	swait.ge [sflag:s6], $0x3800  }
0x75d: {  	s30 =	sld [smem:$0x7EA]  }
0x75e: {  	[sflag:s6] =	ssyncset.done $0x0  }
0x75f: {  	[sflag:s6] =	ssyncadd.s32 $0xFFFFC800  }
0x760: {  	[tilespmem:s12], [sflag:$0x3] =	stream.linear.gather [hbm4b:s30+s2], $0x3800, $0x38;
	[tilespmem:$0x1B880] =	vst v63  }
0x761: {  	_ =	swait.ge [sflag:s15], $0xC000  }
0x762: {  	s1 =	sld [smem:$0x7EB]  }
0x763: {  	[sflag:s15] =	ssyncset.done $0x0  }
0x764: {  	[sflag:s15] =	ssyncadd.s32 $0xFFFF4000  }
0x765: {  	[hbm4b:s1+s2] =	stream.linear.scatter [tilespmem:s10], [sflag:$0x5], $0xC000, $0x38;
	[tilespmem:$0x1B880] =	vst v63  }
0x766: {  	_ =	swait.ge [sflag:s8], $0xC000  }
0x767: {  	s30 =	sld [smem:$0x7EC]  }
0x768: {  	[sflag:s8] =	ssyncset.done $0x0  }
0x769: {  	[sflag:s8] =	ssyncadd.s32 $0xFFFF4000  }
0x76a: {  	[tilespmem:s2], [sflag:$0x1] =	stream.linear.gather [hbm4b:s30+s2], $0xC000, $0x38;
	[tilespmem:$0x1B880] =	vst v63  }
0x76b: {  	_ =	swait.ge [sflag:s14], $0x3800  }
0x76c: {  	s1 =	sld [smem:$0x7ED]  }
0x76d: {  	[sflag:s14] =	ssyncset.done $0x0  }
0x76e: {  	[sflag:s14] =	ssyncadd.s32 $0xFFFFC800  }
0x76f: {  	[hbm4b:s1+s2] =	stream.linear.scatter [tilespmem:s12], [sflag:$0x6], $0x3800, $0x38;
	[tilespmem:$0x1B880] =	vst v63  }
0x770: {  	_ =	swait.ge [sflag:s5], $0xC000  }
0x771: {  	s30 =	sld [smem:$0x7EE]  }
0x772: {  	[sflag:s5] =	ssyncset.done $0x0  }
0x773: {  	[sflag:s5] =	ssyncadd.s32 $0xFFFF4000  }
0x774: {  	[tilespmem:s10], [sflag:$0x2] =	stream.linear.gather [hbm4b:s30+s2], $0xC000, $0x38;
	[tilespmem:$0x1B880] =	vst v63  }
0x775: {  	_ =	swait.ge [sflag:s18], $0xC000  }
0x776: {  	s1 =	sld [smem:$0x7EF]  }
0x777: {  	[sflag:s18] =	ssyncset.done $0x0  }
0x778: {  	[sflag:s18] =	ssyncadd.s32 $0xFFFF4000  }
0x779: {  	[hbm4b:s1+s2] =	stream.linear.scatter [tilespmem:s2], [sflag:$0x4], $0xC000, $0x38;
	[tilespmem:$0x1B880] =	vst v63  }
0x77a: {  	_ =	swait.ge [sflag:s8], $0xC000  }
0x77b: {  	s30 =	sld [smem:$0x7F0]  }
0x77c: {  	[sflag:s8] =	ssyncset.done $0x0  }
0x77d: {  	[sflag:s8] =	ssyncadd.s32 $0xFFFF4000  }
0x77e: {  	[tilespmem:s2], [sflag:$0x1] =	stream.linear.gather [hbm4b:s30+s2], $0xC000, $0x38;
	[tilespmem:$0x1B880] =	vst v63  }
0x77f: {  	_ =	swait.ge [sflag:s15], $0xC000  }
0x780: {  	s1 =	sld [smem:$0x7F1]  }
0x781: {  	[sflag:s15] =	ssyncset.done $0x0  }
0x782: {  	[sflag:s15] =	ssyncadd.s32 $0xFFFF4000  }
0x783: {  	[hbm4b:s1+s2] =	stream.linear.scatter [tilespmem:s10], [sflag:$0x5], $0xC000, $0x38;
	[tilespmem:$0x1B880] =	vst v63  }
0x784: {  	_ =	swait.ge [sflag:s5], $0xC000  }
0x785: {  	s30 =	sld [smem:$0x7F2]  }
0x786: {  	[sflag:s5] =	ssyncset.done $0x0  }
0x787: {  	[sflag:s5] =	ssyncadd.s32 $0xFFFF4000  }
0x788: {  	[tilespmem:s10], [sflag:$0x2] =	stream.linear.gather [hbm4b:s30+s2], $0xC000, $0x38;
	[tilespmem:$0x1B880] =	vst v63  }
0x789: {  	_ =	swait.ge [sflag:s18], $0xC000  }
0x78a: {  	s1 =	sld [smem:$0x7F3]  }
0x78b: {  	[sflag:s18] =	ssyncset.done $0x0  }
0x78c: {  	[sflag:s18] =	ssyncadd.s32 $0xFFFF4000  }
0x78d: {  	[hbm4b:s1+s2] =	stream.linear.scatter [tilespmem:s2], [sflag:$0x4], $0xC000, $0x38;
	[tilespmem:$0x1B880] =	vst v63  }
0x78e: {  	_ =	swait.ge [sflag:s8], $0xC000  }
0x78f: {  	s30 =	sld [smem:$0x7F4]  }
0x790: {  	[sflag:s8] =	ssyncset.done $0x0  }
0x791: {  	[sflag:s8] =	ssyncadd.s32 $0xFFFF4000  }
0x792: {  	[tilespmem:s2], [sflag:$0x1] =	stream.linear.gather [hbm4b:s30+s2], $0xC000, $0x38;
	[tilespmem:$0x1B880] =	vst v63  }
0x793: {  	_ =	swait.ge [sflag:s15], $0xC000  }
0x794: {  	s1 =	sld [smem:$0x7F5]  }
0x795: {  	[sflag:s15] =	ssyncset.done $0x0  }
0x796: {  	[sflag:s15] =	ssyncadd.s32 $0xFFFF4000  }
0x797: {  	[hbm4b:s1+s2] =	stream.linear.scatter [tilespmem:s10], [sflag:$0x5], $0xC000, $0x38;
	[tilespmem:$0x1B880] =	vst v63  }
0x798: {  	_ =	swait.ge [sflag:s5], $0xC000  }
0x799: {  	s30 =	sld [smem:$0x7F6]  }
0x79a: {  	[sflag:s5] =	ssyncset.done $0x0  }
0x79b: {  	[sflag:s5] =	ssyncadd.s32 $0xFFFF4000  }
0x79c: {  	[tilespmem:s10], [sflag:$0x2] =	stream.linear.gather [hbm4b:s30+s2], $0xC000, $0x38;
	[tilespmem:$0x1B880] =	vst v63  }
0x79d: {  	_ =	swait.ge [sflag:s18], $0xC000  }
0x79e: {  	s1 =	sld [smem:$0x7F7]  }
0x79f: {  	[sflag:s18] =	ssyncset.done $0x0  }
0x7a0: {  	[sflag:s18] =	ssyncadd.s32 $0xFFFF4000  }
0x7a1: {  	[hbm4b:s1+s2] =	stream.linear.scatter [tilespmem:s2], [sflag:$0x4], $0xC000, $0x38;
	[tilespmem:$0x1B880] =	vst v63  }
0x7a2: {  	_ =	swait.ge [sflag:s8], $0xC000  }
0x7a3: {  	s30 =	sld [smem:$0x7F8]  }
0x7a4: {  	[sflag:s8] =	ssyncset.done $0x0  }
0x7a5: {  	[sflag:s8] =	ssyncadd.s32 $0xFFFF4000  }
0x7a6: {  	[tilespmem:s2], [sflag:$0x1] =	stream.linear.gather [hbm4b:s30+s2], $0xC000, $0x38;
	[tilespmem:$0x1B880] =	vst v63  }
0x7a7: {  	_ =	swait.ge [sflag:s15], $0xC000  }
0x7a8: {  	s1 =	sld [smem:$0x7F9]  }
0x7a9: {  	[sflag:s15] =	ssyncset.done $0x0  }
0x7aa: {  	[sflag:s15] =	ssyncadd.s32 $0xFFFF4000  }
0x7ab: {  	[hbm4b:s1+s2] =	stream.linear.scatter [tilespmem:s10], [sflag:$0x5], $0xC000, $0x38;
	[tilespmem:$0x1B880] =	vst v63  }
0x7ac: {  	_ =	swait.ge [sflag:s5], $0xC000  }
0x7ad: {  	s30 =	sld [smem:$0x7FA]  }
0x7ae: {  	[sflag:s5] =	ssyncset.done $0x0  }
0x7af: {  	[sflag:s5] =	ssyncadd.s32 $0xFFFF4000  }
0x7b0: {  	[tilespmem:s10], [sflag:$0x2] =	stream.linear.gather [hbm4b:s30+s2], $0xC000, $0x38;
	[tilespmem:$0x1B880] =	vst v63  }
0x7b1: {  	_ =	swait.ge [sflag:s18], $0xC000  }
0x7b2: {  	s1 =	sld [smem:$0x7FB]  }
0x7b3: {  	[sflag:s18] =	ssyncset.done $0x0  }
0x7b4: {  	[sflag:s18] =	ssyncadd.s32 $0xFFFF4000  }
0x7b5: {  	[hbm4b:s1+s2] =	stream.linear.scatter [tilespmem:s2], [sflag:$0x4], $0xC000, $0x38;
	[tilespmem:$0x1B880] =	vst v63  }
0x7b6: {  	_ =	swait.ge [sflag:s8], $0xC000  }
0x7b7: {  	s30 =	sld [smem:$0x7FC]  }
0x7b8: {  	[sflag:s8] =	ssyncset.done $0x0  }
0x7b9: {  	[sflag:s8] =	ssyncadd.s32 $0xFFFF4000  }
0x7ba: {  	[tilespmem:s2], [sflag:$0x1] =	stream.linear.gather [hbm4b:s30+s2], $0xC000, $0x38;
	[tilespmem:$0x1B880] =	vst v63  }
0x7bb: {  	_ =	swait.ge [sflag:s15], $0xC000  }
0x7bc: {  	[sflag:s15] =	ssyncset.done $0x0  }
0x7bd: {  	[sflag:s15] =	ssyncadd.s32 $0xFFFF4000  }
0x7be: {  	[hbm4b:s29+s2] =	stream.linear.scatter [tilespmem:s10], [sflag:$0x5], $0xC000, $0x38;
	[tilespmem:$0x1B880] =	vst v63  }
0x7bf: {  	_ =	swait.ge [sflag:s5], $0xC000  }
0x7c0: {  	[sflag:s5] =	ssyncset.done $0x0  }
0x7c1: {  	[sflag:s5] =	ssyncadd.s32 $0xFFFF4000  }
0x7c2: {  	[tilespmem:s10], [sflag:$0x2] =	stream.linear.gather [hbm4b:s28+s2], $0xC000, $0x38;
	[tilespmem:$0x1B880] =	vst v63  }
0x7c3: {  	_ =	swait.ge [sflag:s18], $0xC000  }
0x7c4: {  	[sflag:s18] =	ssyncset.done $0x0  }
0x7c5: {  	[sflag:s18] =	ssyncadd.s32 $0xFFFF4000  }
0x7c6: {  	[hbm4b:s26+s2] =	stream.linear.scatter [tilespmem:s2], [sflag:$0x4], $0xC000, $0x38;
	[tilespmem:$0x1B880] =	vst v63  }
0x7c7: {  	_ =	swait.ge [sflag:s8], $0xC000  }
0x7c8: {  	[sflag:s8] =	ssyncset.done $0x0  }
0x7c9: {  	[sflag:s8] =	ssyncadd.s32 $0xFFFF4000  }
0x7ca: {  	[tilespmem:s2], [sflag:$0x1] =	stream.linear.gather [hbm4b:s25+s2], $0xC000, $0x38;
	[tilespmem:$0x1B880] =	vst v63  }
0x7cb: {  	_ =	swait.ge [sflag:s15], $0xC000  }
0x7cc: {  	[sflag:s15] =	ssyncset.done $0x0  }
0x7cd: {  	[sflag:s15] =	ssyncadd.s32 $0xFFFF4000  }
0x7ce: {  	[hbm4b:s24+s2] =	stream.linear.scatter [tilespmem:s10], [sflag:$0x5], $0xC000, $0x38;
	[tilespmem:$0x1B880] =	vst v63  }
0x7cf: {  	_ =	swait.ge [sflag:s5], $0xC000  }
0x7d0: {  	[sflag:s5] =	ssyncset.done $0x0  }
0x7d1: {  	[sflag:s5] =	ssyncadd.s32 $0xFFFF4000  }
0x7d2: {  	[tilespmem:s10], [sflag:$0x2] =	stream.linear.gather [hbm4b:s23+s2], $0xC000, $0x38;
	[tilespmem:$0x1B880] =	vst v63  }
0x7d3: {  	_ =	swait.ge [sflag:s18], $0xC000  }
0x7d4: {  	[sflag:s18] =	ssyncset.done $0x0  }
0x7d5: {  	[sflag:s18] =	ssyncadd.s32 $0xFFFF4000  }
0x7d6: {  	[hbm4b:s22+s2] =	stream.linear.scatter [tilespmem:s2], [sflag:$0x4], $0xC000, $0x38;
	[tilespmem:$0x1B880] =	vst v63  }
0x7d7: {  	_ =	swait.ge [sflag:s8], $0xC000  }
0x7d8: {  	[sflag:s8] =	ssyncset.done $0x0  }
0x7d9: {  	[sflag:s8] =	ssyncadd.s32 $0xFFFF4000  }
0x7da: {  	[tilespmem:s2], [sflag:$0x1] =	stream.linear.gather [hbm4b:s21+s2], $0xC000, $0x38;
	[tilespmem:$0x1B880] =	vst v63  }
0x7db: {  	_ =	swait.ge [sflag:s15], $0xC000  }
0x7dc: {  	[sflag:s15] =	ssyncset.done $0x0  }
0x7dd: {  	[sflag:s15] =	ssyncadd.s32 $0xFFFF4000  }
0x7de: {  	[hbm4b:s20+s2] =	stream.linear.scatter [tilespmem:s10], [sflag:$0x5], $0xC000, $0x38;
	[tilespmem:$0x1B880] =	vst v63  }
0x7df: {  	_ =	swait.ge [sflag:s5], $0xC000  }
0x7e0: {  	[sflag:s5] =	ssyncset.done $0x0  }
0x7e1: {  	[sflag:s5] =	ssyncadd.s32 $0xFFFF4000  }
0x7e2: {  	[tilespmem:s10], [sflag:$0x2] =	stream.linear.gather [hbm4b:s19+s2], $0xC000, $0x38;
	[tilespmem:$0x1B880] =	vst v63  }
0x7e3: {  	_ =	swait.ge [sflag:s18], $0xC000  }
0x7e4: {  	[sflag:s18] =	ssyncset.done $0x0  }
0x7e5: {  	[sflag:s18] =	ssyncadd.s32 $0xFFFF4000  }
0x7e6: {  	[hbm4b:s17+s2] =	stream.linear.scatter [tilespmem:s2], [sflag:$0x4], $0xC000, $0x38;
	[tilespmem:$0x1B880] =	vst v63  }
0x7e7: {  	_ =	swait.ge [sflag:s8], $0xC000  }
0x7e8: {  	[sflag:s8] =	ssyncset.done $0x0  }
0x7e9: {  	[sflag:s8] =	ssyncadd.s32 $0xFFFF4000  }
0x7ea: {  	[tilespmem:s2], [sflag:$0x1] =	stream.linear.gather [hbm4b:s16+s2], $0xC000, $0x38;
	[tilespmem:$0x1B880] =	vst v63  }
0x7eb: {  	_ =	swait.ge [sflag:s15], $0xC000  }
0x7ec: {  	[sflag:s15] =	ssyncset.done $0x0  }
0x7ed: {  	[sflag:s15] =	ssyncadd.s32 $0xFFFF4000  }
0x7ee: {  	[hbm4b:s13+s2] =	stream.linear.scatter [tilespmem:s10], [sflag:$0x5], $0xC000, $0x38;
	[tilespmem:$0x1B880] =	vst v63  }
0x7ef: {  	_ =	swait.ge [sflag:s5], $0xC000  }
0x7f0: {  	[sflag:s5] =	ssyncset.done $0x0  }
0x7f1: {  	[sflag:s5] =	ssyncadd.s32 $0xFFFF4000  }
0x7f2: {  	[tilespmem:s10], [sflag:$0x2] =	stream.linear.gather [hbm4b:s11+s2], $0xC000, $0x38;
	[tilespmem:$0x1B880] =	vst v63  }
0x7f3: {  	_ =	swait.ge [sflag:s18], $0xC000  }
0x7f4: {  	[sflag:s18] =	ssyncset.done $0x0  }
0x7f5: {  	[sflag:s18] =	ssyncadd.s32 $0xFFFF4000  }
0x7f6: {  	[hbm4b:s9+s2] =	stream.linear.scatter [tilespmem:s2], [sflag:$0x4], $0xC000, $0x38;
	[tilespmem:$0x1B880] =	vst v63  }
0x7f7: {  	_ =	swait.ge [sflag:s6], $0x3800  }
0x7f8: {  	[sflag:s6] =	ssyncset.done $0x0  }
0x7f9: {  	[sflag:s6] =	ssyncadd.s32 $0xFFFFC800  }
0x7fa: {  	[tilespmem:s12], [sflag:$0x3] =	stream.linear.gather [hbm4b:s7+s2], $0x3800, $0x38;
	[tilespmem:$0x1B880] =	vst v63  }
0x7fb: {  	_ =	swait.ge [sflag:s15], $0xC000  }
0x7fc: {  	[sflag:s15] =	ssyncset.done $0x0  }
0x7fd: {  	[sflag:s15] =	ssyncadd.s32 $0xFFFF4000  }
0x7fe: {  	[hbm4b:s4+s2] =	stream.linear.scatter [tilespmem:s10], [sflag:$0x5], $0xC000, $0x38;
	[tilespmem:$0x1B880] =	vst v63  }
0x7ff: {  	_ =	swait.ge [sflag:s14], $0x3800  }
0x800: {  	[sflag:s14] =	ssyncset.done $0x0  }
0x801: {  	[sflag:s14] =	ssyncadd.s32 $0xFFFFC800  }
0x802: {  	[hbm4b:s3+s2] =	stream.linear.scatter [tilespmem:s12], [sflag:$0x6], $0x3800, $0x38;
	[tilespmem:$0x1B880] =	vst v63  }
0x803: {  	_ =	swait.ge [sflag:s8], $0xC000  }
0x804: {  	[sflag:s8] =	ssyncset.done $0x0  }
0x805: {  	[sflag:s8] =	ssyncadd.s32 $0xFFFF4000  }
0x806: {  	_ =	swait.ge [sflag:s5], $0xC000  }
0x807: {  	[sflag:s5] =	ssyncset.done $0x0  }
0x808: {  	[sflag:s5] =	ssyncadd.s32 $0xFFFF4000  }
0x809: {  	_ =	swait.ge [sflag:s6], $0x3800  }
0x80a: {  	[sflag:s6] =	ssyncset.done $0x0  }
0x80b: {  	[sflag:s6] =	ssyncadd.s32 $0xFFFFC800  }
0x80c: {  	_ =	sfence.sel $0x180000  }
0x80d: {  	[bflag:$0x0] =	sbarrier.arrive $0xFFFF  }
0x80e: {  	_ =	strace $0x90000047  }
0x80f: {  	[bflag:$0x2] =	sbarrier.arrive $0xFFFF  }
0x810: {  	p0 =	sne.s32 s31, $0x0;
	s0 =	rddreg [dreg:$0x2]  }
0x811: {  	s0 =	sadd.s32 @!p0 $0x100000, s0  }
0x812: {  	[sflag:s0] =	ssyncadd.tile.s32 @!p0 $0x1;
	_ =	shalt  }
.LBB2_2:
.Ltmp3:
0x813: {  	(pc) =	sbr.rel .LBB2_5-.Ltmp3, $2  }
0x814: {  	_ =	sdelay $0x2  }
0x815: {  	s31 =	stileid.u32;
	s1 =	simm.s32 $0x1B800  }
.Lfunc_end2:
_tile_overlayer_lowered:
.L_overlay_start_2:
0x816: {  	(tag) =	ssettag $0x2  }
0x817: {  	s0 =	rddreg [dreg:$0x0];
	s2 =	stileid.u32  }
0x818: {  	s1 =	rddreg [dreg:$0x1];
	p0 =	sne.s32 s2, $0x0  }
0x819: {  	s3 =	rddreg [dreg:$0x2];
	[bflag:$0x3] =	sbarrier.arrive $0xFFFF;
	s2 =	simm.s32 @!p0 $0x1C07  }
0x81a: {  	[timem:s3], [sflag:s2] =	dma.local @!p0 [hbm:s0], s1  }
0x81b: {  	s0 =	simm.s32 @!p0 $0x7  }
0x81c: {  	_ =	swait.ge @!p0 [sflag:s0], s1  }
0x81d: {  	s1 =	ssub.s32 @!p0 $0x0, s1;
	[sflag:s0] =	ssyncset.done @!p0 $0x0  }
0x81e: {  	[sflag:s0] =	ssyncadd.s32 @!p0 s1  }
0x81f: {  	[bflag:$0x3] =	sbarrier.arrive $0xFFFF  }
0x820: {  	_ =	shalt  }

</sc_bundles>
